<compile_context>
chip_gen: v7x
topology: tpu7x:2x2x1
jax: 0.10.2.dev20260603
libtpu: 0.0.44.dev20260713+nightly
codegen_flags: <defaults>
</compile_context>

<pallas_src>
import functools

import jax
import jax.numpy as jnp
from jax import lax
from jax.experimental import pallas as pl
from jax.experimental.pallas import tpu as pltpu
from jax.experimental.pallas import tpu_sc as plsc

_N = 10000
_E = 320000
_DH = 64
_NW = 32
_RPW = _E // _NW
_CH = 80
_NCH = _RPW // _CH
_GCH = 40
_GNCH = _RPW // _GCH
_NB = 2
_SNB = 2
_NPAD = 10240
_ZR = _NPAD // 16
_WLAST = _N - 15 * _ZR

_NBLK = 1000
_EBLK = 4000

_f32 = jnp.float32


def _ln(x, scale, bias):
    mu = jnp.mean(x, axis=-1, keepdims=True)
    var = jnp.mean((x - mu) * (x - mu), axis=-1, keepdims=True)
    return (x - mu) / jnp.sqrt(var + 1e-6) * scale + bias



_sc_mesh = plsc.VectorSubcoreMesh(core_axis_name="c", subcore_axis_name="s")


@functools.partial(
    pl.kernel,
    mesh=_sc_mesh,
    out_type=[
        jax.ShapeDtypeStruct((_E, 2 * _DH), _f32),
        jax.ShapeDtypeStruct((_E, 2 * _DH), _f32),
    ],
    scratch_types=(
        [pltpu.VMEM((_RPW,), jnp.int32)] * 2
        + [pltpu.VMEM((_GCH, 2 * _DH), _f32)] * (2 * _NB)
        + [pltpu.VMEM_SHARED((_NPAD, 2 * _DH), _f32)]
        + [pltpu.SemaphoreType.DMA] * (4 * _NB)
    ),
)
def _sc_gather(tab_hbm, sidx_hbm, ridx_hbm, gs_hbm, gr_hbm,
               sidx_v, ridx_v, *rest):
    bufs = rest[:_NB]
    bufr = rest[_NB:2 * _NB]
    tab_sp = rest[2 * _NB]
    gsem_s = rest[2 * _NB + 1:3 * _NB + 1]
    gsem_r = rest[3 * _NB + 1:4 * _NB + 1]
    wsem_s = rest[4 * _NB + 1:5 * _NB + 1]
    wsem_r = rest[5 * _NB + 1:6 * _NB + 1]

    c = lax.axis_index("c")
    s = lax.axis_index("s")
    w = c * 16 + s
    base = w * _RPW

    @pl.when(s < 15)
    def _():
        pltpu.sync_copy(tab_hbm.at[pl.ds(s * _ZR, _ZR)],
                        tab_sp.at[pl.ds(s * _ZR, _ZR)])

    @pl.when(s == 15)
    def _():
        pltpu.sync_copy(tab_hbm.at[pl.ds(15 * _ZR, _WLAST)],
                        tab_sp.at[pl.ds(15 * _ZR, _WLAST)])

    pltpu.sync_copy(sidx_hbm.at[w], sidx_v)
    pltpu.sync_copy(ridx_hbm.at[w], ridx_v)
    plsc.subcore_barrier()

    def fire_gather(j, b):
        ds = pl.ds(j * _GCH, _GCH)
        pltpu.async_copy(tab_sp.at[sidx_v.at[ds]], bufs[b], gsem_s[b])
        pltpu.async_copy(tab_sp.at[ridx_v.at[ds]], bufr[b], gsem_r[b])

    def wait_gather(j, b):
        ds = pl.ds(j * _GCH, _GCH)
        pltpu.make_async_copy(tab_sp.at[sidx_v.at[ds]], bufs[b], gsem_s[b]).wait()
        pltpu.make_async_copy(tab_sp.at[ridx_v.at[ds]], bufr[b], gsem_r[b]).wait()

    def fire_write(j, b):
        dst = pl.ds(base + j * _GCH, _GCH)
        pltpu.async_copy(bufs[b], gs_hbm.at[dst], wsem_s[b])
        pltpu.async_copy(bufr[b], gr_hbm.at[dst], wsem_r[b])

    def wait_write(j, b):
        dst = pl.ds(base + j * _GCH, _GCH)
        pltpu.make_async_copy(bufs[b], gs_hbm.at[dst], wsem_s[b]).wait()
        pltpu.make_async_copy(bufr[b], gr_hbm.at[dst], wsem_r[b]).wait()

    for b in range(_NB):
        fire_gather(b, b)

    def outer(g, carry):
        for b in range(_NB):
            j = g * _NB + b
            wait_gather(j, b)
            fire_write(j, b)
        for b in range(_NB):
            j = g * _NB + b
            wait_write(j, b)

            @pl.when(j + _NB < _GNCH)
            def _():
                fire_gather(j + _NB, b)
        return carry

    lax.fori_loop(0, _GNCH // _NB, outer, 0)




@functools.partial(
    pl.kernel,
    mesh=_sc_mesh,
    out_type=jax.ShapeDtypeStruct((2 * _N, 2 * _DH), _f32),
    scratch_types=(
        [pltpu.VMEM((_NCH, _CH), jnp.int32),
         pltpu.VMEM((_CH, 2 * _DH), _f32)]
        + [pltpu.VMEM((_CH, 2 * _DH), _f32)] * _SNB
        + [pltpu.VMEM_SHARED((_NPAD, 2 * _DH), _f32)]
        + [pltpu.SemaphoreType.DMA] * _SNB
    ),
)
def _sc_scatter(e_hbm, ridx_hbm, out_hbm, ridx_v, zbuf, *rest):
    bufs = rest[:_SNB]
    shared = rest[_SNB]
    lsem = rest[_SNB + 1:]

    c = lax.axis_index("c")
    s = lax.axis_index("s")
    w = c * 16 + s
    base = w * _RPW

    pltpu.sync_copy(ridx_hbm.at[w], ridx_v)

    def zrow(i, carry):
        for q in range(8):
            zbuf[i, pl.ds(q * 16, 16)] = jnp.zeros((16,), _f32)
        return carry

    lax.fori_loop(0, _CH, zrow, 0)
    for q in range(_ZR // _CH):
        pltpu.sync_copy(zbuf, shared.at[pl.ds(s * _ZR + q * _CH, _CH)])
    plsc.subcore_barrier()

    def fire_load(j, b):
        pltpu.async_copy(e_hbm.at[pl.ds(base + j * _CH, _CH)], bufs[b], lsem[b])

    def wait_load(j, b):
        pltpu.make_async_copy(
            e_hbm.at[pl.ds(base + j * _CH, _CH)], bufs[b], lsem[b]).wait()

    for b in range(_SNB):
        fire_load(b, b)

    def outer(g, carry):
        for b in range(_SNB):
            j = g * _SNB + b

            @pl.when(j < _NCH)
            def _():
                wait_load(j, b)
                pltpu.sync_copy(bufs[b], shared.at[ridx_v.at[j]], add=True)

            @pl.when(j + _SNB < _NCH)
            def _():
                fire_load(j + _SNB, b)
        return carry

    lax.fori_loop(0, (_NCH + _SNB - 1) // _SNB, outer, 0)

    plsc.subcore_barrier()

    @pl.when(s < 15)
    def _():
        pltpu.sync_copy(shared.at[pl.ds(s * _ZR, _ZR)],
                        out_hbm.at[pl.ds(c * _N + s * _ZR, _ZR)])

    @pl.when(s == 15)
    def _():
        pltpu.sync_copy(shared.at[pl.ds(15 * _ZR, _WLAST)],
                        out_hbm.at[pl.ds(c * _N + 15 * _ZR, _WLAST)])




def _dot(a, b):
    return jnp.dot(a, b, preferred_element_type=_f32)


def _full(shape):
    return pl.BlockSpec(shape, lambda *a: tuple(0 for _ in shape))


def _rows(shape):
    return pl.BlockSpec(shape, lambda i: (i,) + tuple(0 for _ in shape[1:]))


def _encoder_call(nodes, We, be, Wproj):
    def body(n_ref, we_ref, be_ref, wp_ref, x_ref, t_ref):
        x = _dot(n_ref[...], we_ref[...]) + be_ref[...]
        x_ref[...] = x
        t_ref[...] = _dot(x, wp_ref[...])

    return pl.pallas_call(
        body,
        grid=(_N // _NBLK,),
        in_specs=[_rows((_NBLK, 128)), _full((128, _DH)), _full((1, _DH)),
                  _full((_DH, 2 * _DH))],
        out_specs=[_rows((_NBLK, _DH)), _rows((_NBLK, 2 * _DH))],
        out_shape=[jax.ShapeDtypeStruct((_N, _DH), _f32),
                   jax.ShapeDtypeStruct((_N, 2 * _DH), _f32)],
    )(nodes, We, be.reshape(1, _DH), Wproj)


def _edge_call(e, gs, gr, wb, ln, d_store):
    (W1e, b1), (W2, b2), (W3, b3) = wb

    def body(*refs):
        if ln is None:
            (e_ref, gs_ref, gr_ref, w1_ref, b1_ref, w2_ref, b2_ref,
             w3_ref, b3_ref, out_ref) = refs
            ein = e_ref[...]
        else:
            (e_ref, gs_ref, gr_ref, lns_ref, lnb_ref, w1_ref, b1_ref,
             w2_ref, b2_ref, w3_ref, b3_ref, out_ref) = refs
            ein = _ln(e_ref[:, :_DH], lns_ref[...], lnb_ref[...])
        g = gs_ref[:, :_DH] + gr_ref[:, _DH:]
        h = _dot(ein, w1_ref[...]) + g + b1_ref[...]
        h = jax.nn.gelu(h)
        h = jax.nn.gelu(_dot(h, w2_ref[...]) + b2_ref[...])
        h = _dot(h, w3_ref[...]) + b3_ref[...]
        out_ref[...] = jnp.concatenate([h, jnp.zeros_like(h)], axis=-1)

    d_in = W1e.shape[0]
    ins = [e, gs, gr]
    in_specs = [_rows((_EBLK, d_store)),
                _rows((_EBLK, 2 * _DH)), _rows((_EBLK, 2 * _DH))]
    if ln is not None:
        ins += [ln[0].reshape(1, _DH), ln[1].reshape(1, _DH)]
        in_specs += [_full((1, _DH))] * 2
    ins += [W1e, b1.reshape(1, _DH), W2, b2.reshape(1, _DH),
            W3, b3.reshape(1, _DH)]
    in_specs += [_full((d_in, _DH)), _full((1, _DH)), _full((_DH, _DH)),
                 _full((1, _DH)), _full((_DH, _DH)), _full((1, _DH))]
    return pl.pallas_call(
        body,
        grid=(_E // _EBLK,),
        in_specs=in_specs,
        out_specs=_rows((_EBLK, 2 * _DH)),
        out_shape=jax.ShapeDtypeStruct((_E, 2 * _DH), _f32),
    )(*ins)


def _node_call(x, parts, wb, lnn, proj):
    (W1, b1), (W2, b2), (W3, b3) = wb
    W1x, W1r = W1[:_DH], W1[_DH:]

    def body(*refs):
        if proj is None:
            (x_ref, p0_ref, p1_ref, w1x_ref, w1r_ref, b1_ref, w2_ref, b2_ref,
             w3_ref, b3_ref, lns_ref, lnb_ref, xo_ref) = refs
        else:
            (x_ref, p0_ref, p1_ref, w1x_ref, w1r_ref, b1_ref, w2_ref, b2_ref,
             w3_ref, b3_ref, lns_ref, lnb_ref, wp_ref,
             xo_ref, t_ref) = refs
        recv = p0_ref[:, :_DH] + p1_ref[:, :_DH]
        h = jax.nn.gelu(_dot(x_ref[...], w1x_ref[...])
                        + _dot(recv, w1r_ref[...]) + b1_ref[...])
        h = jax.nn.gelu(_dot(h, w2_ref[...]) + b2_ref[...])
        xn = _dot(h, w3_ref[...]) + b3_ref[...]
        xo = _ln(xn, lns_ref[...], lnb_ref[...])
        xo_ref[...] = xo
        if proj is not None:
            t_ref[...] = _dot(xo, wp_ref[...])

    nb = _N // _NBLK
    ins = [x, parts, parts, W1x, W1r, b1.reshape(1, _DH),
           W2, b2.reshape(1, _DH), W3, b3.reshape(1, _DH),
           lnn[0].reshape(1, _DH), lnn[1].reshape(1, _DH)]
    in_specs = ([_rows((_NBLK, _DH)),
                 pl.BlockSpec((_NBLK, 2 * _DH), lambda i: (i, 0)),
                 pl.BlockSpec((_NBLK, 2 * _DH), lambda i: (i + nb, 0))]
                + [_full((_DH, _DH)), _full((_DH, _DH)), _full((1, _DH)),
                   _full((_DH, _DH)), _full((1, _DH)), _full((_DH, _DH)),
                   _full((1, _DH)), _full((1, _DH)), _full((1, _DH))])
    o = jax.ShapeDtypeStruct((_N, _DH), _f32)
    if proj is None:
        out_specs, out_shape = _rows((_NBLK, _DH)), o
    else:
        ins += [proj]
        in_specs += [_full((_DH, 2 * _DH))]
        out_specs = [_rows((_NBLK, _DH)), _rows((_NBLK, 2 * _DH))]
        out_shape = [o, jax.ShapeDtypeStruct((_N, 2 * _DH), _f32)]
    return pl.pallas_call(
        body,
        grid=(_N // _NBLK,),
        in_specs=in_specs,
        out_specs=out_specs,
        out_shape=out_shape,
    )(*ins)


def _readout_call(x, ps):
    (W1, b1), (W2, b2), (W3, b3), (W4, b4) = ps

    def body(x_ref, w1_ref, b1_ref, w2_ref, b2_ref, w3_ref, b3_ref,
             w4t_ref, b4_ref, out_ref):
        agg = jnp.mean(x_ref[...], axis=0, keepdims=True)
        h = jax.nn.gelu(_dot(agg, w1_ref[...]) + b1_ref[...])
        h = jax.nn.gelu(_dot(h, w2_ref[...]) + b2_ref[...])
        h = jax.nn.gelu(_dot(h, w3_ref[...]) + b3_ref[...])
        y = jnp.sum(h * w4t_ref[...]) + b4_ref[0, 0]
        out_ref[...] = jnp.full((1, 128), y, _f32)

    out = pl.pallas_call(
        body,
        in_specs=[_full((_N, _DH)), _full((_DH, 4 * _DH)), _full((1, 4 * _DH)),
                  _full((4 * _DH, 2 * _DH)), _full((1, 2 * _DH)),
                  _full((2 * _DH, 2 * _DH)), _full((1, 2 * _DH)),
                  _full((1, 2 * _DH)), _full((1, 1))],
        out_specs=_full((1, 128)),
        out_shape=jax.ShapeDtypeStruct((1, 128), _f32),
    )(x, W1, b1.reshape(1, -1), W2, b2.reshape(1, -1), W3, b3.reshape(1, -1),
      W4.reshape(1, -1), b4.reshape(1, 1))
    return out[0, :1]




def kernel(nodes, edge_attr, params, edge_index):
    senders = edge_index[0].reshape(_NW, _RPW)
    receivers = edge_index[1].reshape(_NW, _RPW)
    recv_sc = edge_index[1].reshape(_NW, _NCH, _CH)
    steps = params['steps']

    def _proj_w(W1, d_e):
        return jnp.concatenate([W1[d_e:d_e + _DH], W1[d_e + _DH:]], axis=1)

    w1_0 = steps[0]['edge'][0][0]
    x, tab = _encoder_call(nodes, params['enc'][0], params['enc'][1],
                           _proj_w(w1_0, 16))

    e = edge_attr
    for s in range(len(steps)):
        stp = steps[s]
        d_e = 16 if s == 0 else _DH
        d_store = 16 if s == 0 else 2 * _DH
        (W1, b1), l2, l3 = stp['edge']
        wb = ((W1[:d_e], b1), l2, l3)
        ln = None if s == 0 else (steps[s - 1]['ln_e'][0], steps[s - 1]['ln_e'][1])

        gs, gr = _sc_gather(tab, senders, receivers)
        e = _edge_call(e, gs, gr, wb, ln, d_store)
        parts = _sc_scatter(e, recv_sc)
        if s + 1 < len(steps):
            proj = _proj_w(steps[s + 1]['edge'][0][0], _DH)
            x, tab = _node_call(x, parts, stp['node'], stp['ln_n'], proj)
        else:
            x = _node_call(x, parts, stp['node'], stp['ln_n'], None)

    return _readout_call(x, params['readout'])

# --- scband reference (transcript-rebuilt; emitter-appended) ---
"""Pipeline reference for scband-gnn-47107201302528 (READ-ONLY COPY).

The authoritative reference and input builder live on the scoring server;
editing this copy changes nothing except your own understanding.
"""

import jax, jax.numpy as jnp
import numpy as np

N = 10000
E = 320000
D_FEAT = 128
D_EDGE = 16
D_HID = 64
N_STEPS = 3
N_MLP_LAYERS = 3


def _dense_params(key, fan_in, fan_out):
    kw, kb = jax.random.split(key)
    W = jax.random.normal(kw, (fan_in, fan_out), dtype=jnp.float32) / np.sqrt(fan_in)
    b = jnp.zeros((fan_out,), dtype=jnp.float32)
    return (W, b)


def _mlp_params(key, d_in, widths):
    ps = []
    dims = [d_in] + list(widths)
    keys = jax.random.split(key, len(widths))
    for i in range(len(widths)):
        ps.append(_dense_params(keys[i], dims[i], dims[i + 1]))
    return ps


def setup_inputs(seed: int = 0):
    key = jax.random.key(seed)
    ks = jax.random.split(key, 16)
    nodes = jax.random.normal(ks[0], (N, D_FEAT), dtype=jnp.float32)
    edge_attr = jax.random.normal(ks[1], (E, D_EDGE), dtype=jnp.float32)
    edge_index = jax.random.randint(ks[2], (2, E), 0, N, dtype=jnp.int32)
    params = {}
    params['enc'] = _dense_params(ks[3], D_FEAT, D_HID)
    steps = []
    for s in range(N_STEPS):
        k1, k2 = jax.random.split(ks[4 + s])
        e_in = (D_EDGE if s == 0 else D_HID) + 2 * D_HID
        step = {
            'edge': _mlp_params(k1, e_in, [D_HID] * N_MLP_LAYERS),
            'node': _mlp_params(k2, 2 * D_HID, [D_HID] * N_MLP_LAYERS),
            'ln_n': (jnp.ones((D_HID,), dtype=jnp.float32), jnp.zeros((D_HID,), dtype=jnp.float32)),
            'ln_e': (jnp.ones((D_HID,), dtype=jnp.float32), jnp.zeros((D_HID,), dtype=jnp.float32)),
        }
        steps.append(step)
    params['steps'] = steps
    # readout MLP widths: [4*d_agg, 2*d_hidden, 2*d_hidden, n_outputs]
    params['readout'] = _mlp_params(ks[8], D_HID, [4 * D_HID, 2 * D_HID, 2 * D_HID, 1])
    return {'nodes': nodes, 'edge_attr': edge_attr, 'params': params, 'edge_index': edge_index}


def _mlp_apply(ps, x):
    for i, (W, b) in enumerate(ps):
        x = x @ W + b
        if i < len(ps) - 1:
            x = jax.nn.gelu(x)
    return x


def _layer_norm(x, scale, bias):
    mu = jnp.mean(x, axis=-1, keepdims=True)
    var = jnp.var(x, axis=-1, keepdims=True)
    return (x - mu) / jnp.sqrt(var + 1e-6) * scale + bias


def _forward(nodes, edge_attr, params, senders, receivers):
    # encoder Dense
    x = nodes @ params['enc'][0] + params['enc'][1]
    e = edge_attr
    for s in range(N_STEPS):
        p = params['steps'][s]
        # edge update: concat(edges, sender node feats, receiver node feats) -> MLP
        m = jnp.concatenate([e, x[senders], x[receivers]], axis=-1)
        e_new = _mlp_apply(p['edge'], m)
        # aggregate edges for nodes (segment_sum on receivers)
        recv = jax.ops.segment_sum(e_new, receivers, num_segments=N)
        # node update: concat(nodes, received agg) -> MLP
        x_new = _mlp_apply(p['node'], jnp.concatenate([x, recv], axis=-1))
        # LayerNorm on nodes and edges (residual=False)
        x = _layer_norm(x_new, p['ln_n'][0], p['ln_n'][1])
        e = _layer_norm(e_new, p['ln_e'][0], p['ln_e'][1])
    # graph readout: mean over nodes, globals is None
    agg = jnp.mean(x, axis=0)
    out = _mlp_apply(params['readout'], agg)
    return out


def reference(nodes, edge_attr, params, edge_index):
    senders = edge_index[0]
    receivers = edge_index[1]
    return _forward(nodes, edge_attr, params, senders, receivers)


if False:  # reference __main__ guard neutralized (emitter)
    inp = setup_inputs()
    out = reference(**inp)
    print(out.shape, out.dtype)

if __name__ == "__main__":
    import jax
    _d = setup_inputs()
    print(jax.jit(kernel)(*tuple(_d.values())))

</pallas_src>

<mosaic_0001>
#map = affine_map<(d0, d1) -> (0, 0)>
module attributes {stable_mosaic.version = 14 : i64} {
  func.func @_sc_gather(%arg0: i32, %arg1: i32, %arg2: memref<10000x128xf32, #tpu.memory_space<hbm>>, %arg3: memref<32x10000xi32, #tpu.memory_space<hbm>>, %arg4: memref<32x10000xi32, #tpu.memory_space<hbm>>, %arg5: memref<320000x128xf32, #tpu.memory_space<hbm>>, %arg6: memref<320000x128xf32, #tpu.memory_space<hbm>>, %arg7: memref<10000xi32, #tpu.memory_space<vmem>>, %arg8: memref<10000xi32, #tpu.memory_space<vmem>>, %arg9: memref<40x128xf32, #tpu.memory_space<vmem>>, %arg10: memref<40x128xf32, #tpu.memory_space<vmem>>, %arg11: memref<40x128xf32, #tpu.memory_space<vmem>>, %arg12: memref<40x128xf32, #tpu.memory_space<vmem>>, %arg13: memref<10240x128xf32, #tpu.memory_space<vmem_shared>>, %arg14: memref<!tpu.dma_semaphore, #tpu.memory_space<semaphore_mem>>, %arg15: memref<!tpu.dma_semaphore, #tpu.memory_space<semaphore_mem>>, %arg16: memref<!tpu.dma_semaphore, #tpu.memory_space<semaphore_mem>>, %arg17: memref<!tpu.dma_semaphore, #tpu.memory_space<semaphore_mem>>, %arg18: memref<!tpu.dma_semaphore, #tpu.memory_space<semaphore_mem>>, %arg19: memref<!tpu.dma_semaphore, #tpu.memory_space<semaphore_mem>>, %arg20: memref<!tpu.dma_semaphore, #tpu.memory_space<semaphore_mem>>, %arg21: memref<!tpu.dma_semaphore, #tpu.memory_space<semaphore_mem>>) attributes {dimension_semantics = [#tpu.dimension_semantics<core_parallel>, #tpu.dimension_semantics<subcore_parallel>], iteration_bounds = array<i64: 2, 16>, scalar_prefetch = 0 : i64, scratch_operands = 15 : i64, tpu.core_type = #tpu.core_type<sc_vector_subcore>, window_params = [{transform_indices = #map}, {transform_indices = #map}, {transform_indices = #map}, {transform_indices = #map}, {transform_indices = #map}]} {
    %mul3A = arith.constant 16 : i32
    %mul3A_0 = arith.muli %arg0, %mul3A : i32
    %add3A = arith.addi %mul3A_0, %arg1 : i32
    %mul3A_1 = arith.constant 10000 : i32
    %mul3A_2 = arith.muli %add3A, %mul3A_1 : i32
    %lt3A = arith.constant 15 : i32
    %lt3A_3 = arith.cmpi slt, %arg1, %lt3A : i32
    %convert_element_type3A = arith.extui %lt3A_3 : i1 to i32
    %cond3A = arith.constant 0 : i32
    %cond3A_4 = arith.cmpi ne, %convert_element_type3A, %cond3A : i32
    scf.if %cond3A_4 {
      %mul3A_33 = arith.constant 640 : i32
      %mul3A_34 = arith.muli %arg1, %mul3A_33 : i32
      %mul3A_35 = arith.constant 640 : i32
      %mul3A_36 = arith.muli %arg1, %mul3A_35 : i32
      "tpu.region"() ({
        %run_scoped3A = tpu.sem_alloc : memref<!tpu.dma_semaphore, #tpu.memory_space<semaphore_mem>>
        %dma_start3A_37 = arith.constant 0 : i32
        %dma_start3A_38 = tpu.memref_slice %arg13[%mul3A_36, %dma_start3A_37] : memref<10240x128xf32, #tpu.memory_space<vmem_shared>> -> memref<640x128xf32, #tpu.memory_space<vmem_shared>>
        %dma_start3A_39 = arith.constant 0 : i32
        %dma_start3A_40 = tpu.memref_slice %arg2[%mul3A_34, %dma_start3A_39] : memref<10000x128xf32, #tpu.memory_space<hbm>> -> memref<640x128xf32, #tpu.memory_space<hbm>>
        tpu.enqueue_dma source(%dma_start3A_40 : memref<640x128xf32, #tpu.memory_space<hbm>>) target(%dma_start3A_38 : memref<640x128xf32, #tpu.memory_space<vmem_shared>>) target_semaphore(%run_scoped3A : memref<!tpu.dma_semaphore, #tpu.memory_space<semaphore_mem>>)
        %dma_wait3A = arith.constant 0 : i32
        %dma_wait3A_41 = tpu.memref_slice %arg13[%mul3A_36, %dma_wait3A] : memref<10240x128xf32, #tpu.memory_space<vmem_shared>> -> memref<640x128xf32, #tpu.memory_space<vmem_shared>>
        %dma_wait3A_42 = arith.constant 0 : i32
        %dma_wait3A_43 = tpu.memref_slice %arg2[%mul3A_34, %dma_wait3A_42] : memref<10000x128xf32, #tpu.memory_space<hbm>> -> memref<640x128xf32, #tpu.memory_space<hbm>>
        tpu.wait_dma2 semaphore(%run_scoped3A : memref<!tpu.dma_semaphore, #tpu.memory_space<semaphore_mem>>) src(%dma_wait3A_43 : memref<640x128xf32, #tpu.memory_space<hbm>>) dst(%dma_wait3A_41 : memref<640x128xf32, #tpu.memory_space<vmem_shared>>)
        tpu.yield
      }) : () -> ()
    } else {
    }
    %eq3A = arith.constant 15 : i32
    %eq3A_5 = arith.cmpi eq, %arg1, %eq3A : i32
    %convert_element_type3A_6 = arith.extui %eq3A_5 : i1 to i32
    %cond3A_7 = arith.constant 0 : i32
    %cond3A_8 = arith.cmpi ne, %convert_element_type3A_6, %cond3A_7 : i32
    scf.if %cond3A_8 {
      "tpu.region"() ({
        %run_scoped3A = tpu.sem_alloc : memref<!tpu.dma_semaphore, #tpu.memory_space<semaphore_mem>>
        %dma_start3A_33 = arith.constant 9600 : i32
        %dma_start3A_34 = arith.constant 0 : i32
        %dma_start3A_35 = tpu.memref_slice %arg13[%dma_start3A_33, %dma_start3A_34] : memref<10240x128xf32, #tpu.memory_space<vmem_shared>> -> memref<400x128xf32, #tpu.memory_space<vmem_shared>>
        %dma_start3A_36 = arith.constant 9600 : i32
        %dma_start3A_37 = arith.constant 0 : i32
        %dma_start3A_38 = tpu.memref_slice %arg2[%dma_start3A_36, %dma_start3A_37] : memref<10000x128xf32, #tpu.memory_space<hbm>> -> memref<400x128xf32, #tpu.memory_space<hbm>>
        tpu.enqueue_dma source(%dma_start3A_38 : memref<400x128xf32, #tpu.memory_space<hbm>>) target(%dma_start3A_35 : memref<400x128xf32, #tpu.memory_space<vmem_shared>>) target_semaphore(%run_scoped3A : memref<!tpu.dma_semaphore, #tpu.memory_space<semaphore_mem>>)
        %dma_wait3A = arith.constant 9600 : i32
        %dma_wait3A_39 = arith.constant 0 : i32
        %dma_wait3A_40 = tpu.memref_slice %arg13[%dma_wait3A, %dma_wait3A_39] : memref<10240x128xf32, #tpu.memory_space<vmem_shared>> -> memref<400x128xf32, #tpu.memory_space<vmem_shared>>
        %dma_wait3A_41 = arith.constant 9600 : i32
        %dma_wait3A_42 = arith.constant 0 : i32
        %dma_wait3A_43 = tpu.memref_slice %arg2[%dma_wait3A_41, %dma_wait3A_42] : memref<10000x128xf32, #tpu.memory_space<hbm>> -> memref<400x128xf32, #tpu.memory_space<hbm>>
        tpu.wait_dma2 semaphore(%run_scoped3A : memref<!tpu.dma_semaphore, #tpu.memory_space<semaphore_mem>>) src(%dma_wait3A_43 : memref<400x128xf32, #tpu.memory_space<hbm>>) dst(%dma_wait3A_40 : memref<400x128xf32, #tpu.memory_space<vmem_shared>>)
        tpu.yield
      }) : () -> ()
    } else {
    }
    "tpu.region"() ({
      %run_scoped3A = tpu.sem_alloc : memref<!tpu.dma_semaphore, #tpu.memory_space<semaphore_mem>>
      %dma_start3A_33 = arith.constant 0 : i32
      %dma_start3A_34 = tpu.memref_slice %arg3[%add3A, %dma_start3A_33] : memref<32x10000xi32, #tpu.memory_space<hbm>> -> memref<1x10000xi32, #tpu.memory_space<hbm>>
      %dma_start3A_35 = tpu.memref_squeeze %dma_start3A_34 : memref<1x10000xi32, #tpu.memory_space<hbm>> -> memref<10000xi32, #tpu.memory_space<hbm>>
      %dma_start3A_36 = arith.constant 0 : i32
      %dma_start3A_37 = tpu.memref_slice %arg3[%add3A, %dma_start3A_36] : memref<32x10000xi32, #tpu.memory_space<hbm>> -> memref<1x10000xi32, #tpu.memory_space<hbm>>
      %dma_start3A_38 = tpu.memref_squeeze %dma_start3A_37 : memref<1x10000xi32, #tpu.memory_space<hbm>> -> memref<10000xi32, #tpu.memory_space<hbm>>
      tpu.enqueue_dma source(%dma_start3A_38 : memref<10000xi32, #tpu.memory_space<hbm>>) target(%arg7 : memref<10000xi32, #tpu.memory_space<vmem>>) target_semaphore(%run_scoped3A : memref<!tpu.dma_semaphore, #tpu.memory_space<semaphore_mem>>)
      %dma_wait3A = arith.constant 0 : i32
      %dma_wait3A_39 = tpu.memref_slice %arg3[%add3A, %dma_wait3A] : memref<32x10000xi32, #tpu.memory_space<hbm>> -> memref<1x10000xi32, #tpu.memory_space<hbm>>
      %dma_wait3A_40 = tpu.memref_squeeze %dma_wait3A_39 : memref<1x10000xi32, #tpu.memory_space<hbm>> -> memref<10000xi32, #tpu.memory_space<hbm>>
      %dma_wait3A_41 = arith.constant 0 : i32
      %dma_wait3A_42 = tpu.memref_slice %arg3[%add3A, %dma_wait3A_41] : memref<32x10000xi32, #tpu.memory_space<hbm>> -> memref<1x10000xi32, #tpu.memory_space<hbm>>
      %dma_wait3A_43 = tpu.memref_squeeze %dma_wait3A_42 : memref<1x10000xi32, #tpu.memory_space<hbm>> -> memref<10000xi32, #tpu.memory_space<hbm>>
      tpu.wait_dma2 semaphore(%run_scoped3A : memref<!tpu.dma_semaphore, #tpu.memory_space<semaphore_mem>>) src(%dma_wait3A_43 : memref<10000xi32, #tpu.memory_space<hbm>>) dst(%arg7 : memref<10000xi32, #tpu.memory_space<vmem>>)
      tpu.yield
    }) : () -> ()
    "tpu.region"() ({
      %run_scoped3A = tpu.sem_alloc : memref<!tpu.dma_semaphore, #tpu.memory_space<semaphore_mem>>
      %dma_start3A_33 = arith.constant 0 : i32
      %dma_start3A_34 = tpu.memref_slice %arg4[%add3A, %dma_start3A_33] : memref<32x10000xi32, #tpu.memory_space<hbm>> -> memref<1x10000xi32, #tpu.memory_space<hbm>>
      %dma_start3A_35 = tpu.memref_squeeze %dma_start3A_34 : memref<1x10000xi32, #tpu.memory_space<hbm>> -> memref<10000xi32, #tpu.memory_space<hbm>>
      %dma_start3A_36 = arith.constant 0 : i32
      %dma_start3A_37 = tpu.memref_slice %arg4[%add3A, %dma_start3A_36] : memref<32x10000xi32, #tpu.memory_space<hbm>> -> memref<1x10000xi32, #tpu.memory_space<hbm>>
      %dma_start3A_38 = tpu.memref_squeeze %dma_start3A_37 : memref<1x10000xi32, #tpu.memory_space<hbm>> -> memref<10000xi32, #tpu.memory_space<hbm>>
      tpu.enqueue_dma source(%dma_start3A_38 : memref<10000xi32, #tpu.memory_space<hbm>>) target(%arg8 : memref<10000xi32, #tpu.memory_space<vmem>>) target_semaphore(%run_scoped3A : memref<!tpu.dma_semaphore, #tpu.memory_space<semaphore_mem>>)
      %dma_wait3A = arith.constant 0 : i32
      %dma_wait3A_39 = tpu.memref_slice %arg4[%add3A, %dma_wait3A] : memref<32x10000xi32, #tpu.memory_space<hbm>> -> memref<1x10000xi32, #tpu.memory_space<hbm>>
      %dma_wait3A_40 = tpu.memref_squeeze %dma_wait3A_39 : memref<1x10000xi32, #tpu.memory_space<hbm>> -> memref<10000xi32, #tpu.memory_space<hbm>>
      %dma_wait3A_41 = arith.constant 0 : i32
      %dma_wait3A_42 = tpu.memref_slice %arg4[%add3A, %dma_wait3A_41] : memref<32x10000xi32, #tpu.memory_space<hbm>> -> memref<1x10000xi32, #tpu.memory_space<hbm>>
      %dma_wait3A_43 = tpu.memref_squeeze %dma_wait3A_42 : memref<1x10000xi32, #tpu.memory_space<hbm>> -> memref<10000xi32, #tpu.memory_space<hbm>>
      tpu.wait_dma2 semaphore(%run_scoped3A : memref<!tpu.dma_semaphore, #tpu.memory_space<semaphore_mem>>) src(%dma_wait3A_43 : memref<10000xi32, #tpu.memory_space<hbm>>) dst(%arg8 : memref<10000xi32, #tpu.memory_space<vmem>>)
      tpu.yield
    }) : () -> ()
    %barrier3A = arith.constant 0 : index
    tpu.barrier barrier_id(%barrier3A)
    %dma_start3A = arith.constant 0 : i32
    %dma_start3A_9 = tpu.memref_slice %arg7[%dma_start3A] : memref<10000xi32, #tpu.memory_space<vmem>> -> memref<40xi32, #tpu.memory_space<vmem>>
    %dma_start3A_10 = arith.constant 0 : i32
    %dma_start3A_11 = arith.constant 0 : i32
    %dma_start3A_12 = tpu.memref_slice %arg13[%dma_start3A_10, %dma_start3A_11] : memref<10240x128xf32, #tpu.memory_space<vmem_shared>> -> memref<10240x128xf32, #tpu.memory_space<vmem_shared>>
    tpu.enqueue_indirect_dma source(%dma_start3A_12 : memref<10240x128xf32, #tpu.memory_space<vmem_shared>>) target(%arg9 : memref<40x128xf32, #tpu.memory_space<vmem>>) offsets(%dma_start3A_9 : memref<40xi32, #tpu.memory_space<vmem>>) semaphore(%arg14 : memref<!tpu.dma_semaphore, #tpu.memory_space<semaphore_mem>>)
    %dma_start3A_13 = arith.constant 0 : i32
    %dma_start3A_14 = tpu.memref_slice %arg8[%dma_start3A_13] : memref<10000xi32, #tpu.memory_space<vmem>> -> memref<40xi32, #tpu.memory_space<vmem>>
    %dma_start3A_15 = arith.constant 0 : i32
    %dma_start3A_16 = arith.constant 0 : i32
    %dma_start3A_17 = tpu.memref_slice %arg13[%dma_start3A_15, %dma_start3A_16] : memref<10240x128xf32, #tpu.memory_space<vmem_shared>> -> memref<10240x128xf32, #tpu.memory_space<vmem_shared>>
    tpu.enqueue_indirect_dma source(%dma_start3A_17 : memref<10240x128xf32, #tpu.memory_space<vmem_shared>>) target(%arg11 : memref<40x128xf32, #tpu.memory_space<vmem>>) offsets(%dma_start3A_14 : memref<40xi32, #tpu.memory_space<vmem>>) semaphore(%arg16 : memref<!tpu.dma_semaphore, #tpu.memory_space<semaphore_mem>>)
    %dma_start3A_18 = arith.constant 40 : i32
    %dma_start3A_19 = tpu.memref_slice %arg7[%dma_start3A_18] : memref<10000xi32, #tpu.memory_space<vmem>> -> memref<40xi32, #tpu.memory_space<vmem>>
    %dma_start3A_20 = arith.constant 0 : i32
    %dma_start3A_21 = arith.constant 0 : i32
    %dma_start3A_22 = tpu.memref_slice %arg13[%dma_start3A_20, %dma_start3A_21] : memref<10240x128xf32, #tpu.memory_space<vmem_shared>> -> memref<10240x128xf32, #tpu.memory_space<vmem_shared>>
    tpu.enqueue_indirect_dma source(%dma_start3A_22 : memref<10240x128xf32, #tpu.memory_space<vmem_shared>>) target(%arg10 : memref<40x128xf32, #tpu.memory_space<vmem>>) offsets(%dma_start3A_19 : memref<40xi32, #tpu.memory_space<vmem>>) semaphore(%arg15 : memref<!tpu.dma_semaphore, #tpu.memory_space<semaphore_mem>>)
    %dma_start3A_23 = arith.constant 40 : i32
    %dma_start3A_24 = tpu.memref_slice %arg8[%dma_start3A_23] : memref<10000xi32, #tpu.memory_space<vmem>> -> memref<40xi32, #tpu.memory_space<vmem>>
    %dma_start3A_25 = arith.constant 0 : i32
    %dma_start3A_26 = arith.constant 0 : i32
    %dma_start3A_27 = tpu.memref_slice %arg13[%dma_start3A_25, %dma_start3A_26] : memref<10240x128xf32, #tpu.memory_space<vmem_shared>> -> memref<10240x128xf32, #tpu.memory_space<vmem_shared>>
    tpu.enqueue_indirect_dma source(%dma_start3A_27 : memref<10240x128xf32, #tpu.memory_space<vmem_shared>>) target(%arg12 : memref<40x128xf32, #tpu.memory_space<vmem>>) offsets(%dma_start3A_24 : memref<40xi32, #tpu.memory_space<vmem>>) semaphore(%arg17 : memref<!tpu.dma_semaphore, #tpu.memory_space<semaphore_mem>>)
    %scan3A = arith.constant 0 : i32
    %scan3A_28 = arith.constant 0 : i32
    %scan3A_29 = arith.constant 125 : i32
    %scan3A_30 = arith.addi %scan3A_28, %scan3A_29 : i32
    %scan3A_31 = arith.constant 1 : i32
    scf.for %scan3A_33 = %scan3A_28 to %scan3A_30 step %scan3A_31  : i32 {
      %mul3A_34 = arith.constant 2 : i32
      %mul3A_35 = arith.muli %scan3A_33, %mul3A_34 : i32
      %add3A_36 = arith.constant 0 : i32
      %add3A_37 = arith.addi %mul3A_35, %add3A_36 : i32
      %mul3A_38 = arith.constant 40 : i32
      %mul3A_39 = arith.muli %add3A_37, %mul3A_38 : i32
      %dma_wait3A = tpu.memref_slice %arg7[%mul3A_39] : memref<10000xi32, #tpu.memory_space<vmem>> -> memref<40xi32, #tpu.memory_space<vmem>>
      %dma_wait3A_40 = arith.constant 0 : i32
      %dma_wait3A_41 = arith.constant 0 : i32
      %dma_wait3A_42 = tpu.memref_slice %arg13[%dma_wait3A_40, %dma_wait3A_41] : memref<10240x128xf32, #tpu.memory_space<vmem_shared>> -> memref<10240x128xf32, #tpu.memory_space<vmem_shared>>
      tpu.wait_indirect_dma semaphore(%arg14 : memref<!tpu.dma_semaphore, #tpu.memory_space<semaphore_mem>>) src(%dma_wait3A_42 : memref<10240x128xf32, #tpu.memory_space<vmem_shared>>) dst(%arg9 : memref<40x128xf32, #tpu.memory_space<vmem>>)
      %dma_wait3A_43 = tpu.memref_slice %arg8[%mul3A_39] : memref<10000xi32, #tpu.memory_space<vmem>> -> memref<40xi32, #tpu.memory_space<vmem>>
      %dma_wait3A_44 = arith.constant 0 : i32
      %dma_wait3A_45 = arith.constant 0 : i32
      %dma_wait3A_46 = tpu.memref_slice %arg13[%dma_wait3A_44, %dma_wait3A_45] : memref<10240x128xf32, #tpu.memory_space<vmem_shared>> -> memref<10240x128xf32, #tpu.memory_space<vmem_shared>>
      tpu.wait_indirect_dma semaphore(%arg16 : memref<!tpu.dma_semaphore, #tpu.memory_space<semaphore_mem>>) src(%dma_wait3A_46 : memref<10240x128xf32, #tpu.memory_space<vmem_shared>>) dst(%arg11 : memref<40x128xf32, #tpu.memory_space<vmem>>)
      %mul3A_47 = arith.constant 40 : i32
      %mul3A_48 = arith.muli %add3A_37, %mul3A_47 : i32
      %add3A_49 = arith.addi %mul3A_2, %mul3A_48 : i32
      %dma_start3A_50 = arith.constant 0 : i32
      %dma_start3A_51 = tpu.memref_slice %arg5[%add3A_49, %dma_start3A_50] : memref<320000x128xf32, #tpu.memory_space<hbm>> -> memref<40x128xf32, #tpu.memory_space<hbm>>
      %dma_start3A_52 = arith.constant 0 : i32
      %dma_start3A_53 = tpu.memref_slice %arg5[%add3A_49, %dma_start3A_52] : memref<320000x128xf32, #tpu.memory_space<hbm>> -> memref<40x128xf32, #tpu.memory_space<hbm>>
      tpu.enqueue_dma source(%arg9 : memref<40x128xf32, #tpu.memory_space<vmem>>) target(%dma_start3A_53 : memref<40x128xf32, #tpu.memory_space<hbm>>) target_semaphore(%arg18 : memref<!tpu.dma_semaphore, #tpu.memory_space<semaphore_mem>>)
      %dma_start3A_54 = arith.constant 0 : i32
      %dma_start3A_55 = tpu.memref_slice %arg6[%add3A_49, %dma_start3A_54] : memref<320000x128xf32, #tpu.memory_space<hbm>> -> memref<40x128xf32, #tpu.memory_space<hbm>>
      %dma_start3A_56 = arith.constant 0 : i32
      %dma_start3A_57 = tpu.memref_slice %arg6[%add3A_49, %dma_start3A_56] : memref<320000x128xf32, #tpu.memory_space<hbm>> -> memref<40x128xf32, #tpu.memory_space<hbm>>
      tpu.enqueue_dma source(%arg11 : memref<40x128xf32, #tpu.memory_space<vmem>>) target(%dma_start3A_57 : memref<40x128xf32, #tpu.memory_space<hbm>>) target_semaphore(%arg20 : memref<!tpu.dma_semaphore, #tpu.memory_space<semaphore_mem>>)
      %mul3A_58 = arith.constant 2 : i32
      %mul3A_59 = arith.muli %scan3A_33, %mul3A_58 : i32
      %add3A_60 = arith.constant 1 : i32
      %add3A_61 = arith.addi %mul3A_59, %add3A_60 : i32
      %mul3A_62 = arith.constant 40 : i32
      %mul3A_63 = arith.muli %add3A_61, %mul3A_62 : i32
      %dma_wait3A_64 = tpu.memref_slice %arg7[%mul3A_63] : memref<10000xi32, #tpu.memory_space<vmem>> -> memref<40xi32, #tpu.memory_space<vmem>>
      %dma_wait3A_65 = arith.constant 0 : i32
      %dma_wait3A_66 = arith.constant 0 : i32
      %dma_wait3A_67 = tpu.memref_slice %arg13[%dma_wait3A_65, %dma_wait3A_66] : memref<10240x128xf32, #tpu.memory_space<vmem_shared>> -> memref<10240x128xf32, #tpu.memory_space<vmem_shared>>
      tpu.wait_indirect_dma semaphore(%arg15 : memref<!tpu.dma_semaphore, #tpu.memory_space<semaphore_mem>>) src(%dma_wait3A_67 : memref<10240x128xf32, #tpu.memory_space<vmem_shared>>) dst(%arg10 : memref<40x128xf32, #tpu.memory_space<vmem>>)
      %dma_wait3A_68 = tpu.memref_slice %arg8[%mul3A_63] : memref<10000xi32, #tpu.memory_space<vmem>> -> memref<40xi32, #tpu.memory_space<vmem>>
      %dma_wait3A_69 = arith.constant 0 : i32
      %dma_wait3A_70 = arith.constant 0 : i32
      %dma_wait3A_71 = tpu.memref_slice %arg13[%dma_wait3A_69, %dma_wait3A_70] : memref<10240x128xf32, #tpu.memory_space<vmem_shared>> -> memref<10240x128xf32, #tpu.memory_space<vmem_shared>>
      tpu.wait_indirect_dma semaphore(%arg17 : memref<!tpu.dma_semaphore, #tpu.memory_space<semaphore_mem>>) src(%dma_wait3A_71 : memref<10240x128xf32, #tpu.memory_space<vmem_shared>>) dst(%arg12 : memref<40x128xf32, #tpu.memory_space<vmem>>)
      %mul3A_72 = arith.constant 40 : i32
      %mul3A_73 = arith.muli %add3A_61, %mul3A_72 : i32
      %add3A_74 = arith.addi %mul3A_2, %mul3A_73 : i32
      %dma_start3A_75 = arith.constant 0 : i32
      %dma_start3A_76 = tpu.memref_slice %arg5[%add3A_74, %dma_start3A_75] : memref<320000x128xf32, #tpu.memory_space<hbm>> -> memref<40x128xf32, #tpu.memory_space<hbm>>
      %dma_start3A_77 = arith.constant 0 : i32
      %dma_start3A_78 = tpu.memref_slice %arg5[%add3A_74, %dma_start3A_77] : memref<320000x128xf32, #tpu.memory_space<hbm>> -> memref<40x128xf32, #tpu.memory_space<hbm>>
      tpu.enqueue_dma source(%arg10 : memref<40x128xf32, #tpu.memory_space<vmem>>) target(%dma_start3A_78 : memref<40x128xf32, #tpu.memory_space<hbm>>) target_semaphore(%arg19 : memref<!tpu.dma_semaphore, #tpu.memory_space<semaphore_mem>>)
      %dma_start3A_79 = arith.constant 0 : i32
      %dma_start3A_80 = tpu.memref_slice %arg6[%add3A_74, %dma_start3A_79] : memref<320000x128xf32, #tpu.memory_space<hbm>> -> memref<40x128xf32, #tpu.memory_space<hbm>>
      %dma_start3A_81 = arith.constant 0 : i32
      %dma_start3A_82 = tpu.memref_slice %arg6[%add3A_74, %dma_start3A_81] : memref<320000x128xf32, #tpu.memory_space<hbm>> -> memref<40x128xf32, #tpu.memory_space<hbm>>
      tpu.enqueue_dma source(%arg12 : memref<40x128xf32, #tpu.memory_space<vmem>>) target(%dma_start3A_82 : memref<40x128xf32, #tpu.memory_space<hbm>>) target_semaphore(%arg21 : memref<!tpu.dma_semaphore, #tpu.memory_space<semaphore_mem>>)
      %mul3A_83 = arith.constant 2 : i32
      %mul3A_84 = arith.muli %scan3A_33, %mul3A_83 : i32
      %add3A_85 = arith.constant 0 : i32
      %add3A_86 = arith.addi %mul3A_84, %add3A_85 : i32
      %mul3A_87 = arith.constant 40 : i32
      %mul3A_88 = arith.muli %add3A_86, %mul3A_87 : i32
      %add3A_89 = arith.addi %mul3A_2, %mul3A_88 : i32
      %dma_wait3A_90 = arith.constant 0 : i32
      %dma_wait3A_91 = tpu.memref_slice %arg5[%add3A_89, %dma_wait3A_90] : memref<320000x128xf32, #tpu.memory_space<hbm>> -> memref<40x128xf32, #tpu.memory_space<hbm>>
      %dma_wait3A_92 = arith.constant 0 : i32
      %dma_wait3A_93 = tpu.memref_slice %arg5[%add3A_89, %dma_wait3A_92] : memref<320000x128xf32, #tpu.memory_space<hbm>> -> memref<40x128xf32, #tpu.memory_space<hbm>>
      tpu.wait_dma2 semaphore(%arg18 : memref<!tpu.dma_semaphore, #tpu.memory_space<semaphore_mem>>) src(%arg9 : memref<40x128xf32, #tpu.memory_space<vmem>>) dst(%dma_wait3A_93 : memref<40x128xf32, #tpu.memory_space<hbm>>)
      %dma_wait3A_94 = arith.constant 0 : i32
      %dma_wait3A_95 = tpu.memref_slice %arg6[%add3A_89, %dma_wait3A_94] : memref<320000x128xf32, #tpu.memory_space<hbm>> -> memref<40x128xf32, #tpu.memory_space<hbm>>
      %dma_wait3A_96 = arith.constant 0 : i32
      %dma_wait3A_97 = tpu.memref_slice %arg6[%add3A_89, %dma_wait3A_96] : memref<320000x128xf32, #tpu.memory_space<hbm>> -> memref<40x128xf32, #tpu.memory_space<hbm>>
      tpu.wait_dma2 semaphore(%arg20 : memref<!tpu.dma_semaphore, #tpu.memory_space<semaphore_mem>>) src(%arg11 : memref<40x128xf32, #tpu.memory_space<vmem>>) dst(%dma_wait3A_97 : memref<40x128xf32, #tpu.memory_space<hbm>>)
      %add3A_98 = arith.constant 2 : i32
      %add3A_99 = arith.addi %add3A_86, %add3A_98 : i32
      %lt3A_100 = arith.constant 250 : i32
      %lt3A_101 = arith.cmpi slt, %add3A_99, %lt3A_100 : i32
      %convert_element_type3A_102 = arith.extui %lt3A_101 : i1 to i32
      %cond3A_103 = arith.constant 0 : i32
      %cond3A_104 = arith.cmpi ne, %convert_element_type3A_102, %cond3A_103 : i32
      scf.if %cond3A_104 {
        %add3A_127 = arith.constant 2 : i32
        %add3A_128 = arith.addi %add3A_86, %add3A_127 : i32
        %mul3A_129 = arith.constant 40 : i32
        %mul3A_130 = arith.muli %add3A_128, %mul3A_129 : i32
        %dma_start3A_131 = tpu.memref_slice %arg7[%mul3A_130] : memref<10000xi32, #tpu.memory_space<vmem>> -> memref<40xi32, #tpu.memory_space<vmem>>
        %dma_start3A_132 = arith.constant 0 : i32
        %dma_start3A_133 = arith.constant 0 : i32
        %dma_start3A_134 = tpu.memref_slice %arg13[%dma_start3A_132, %dma_start3A_133] : memref<10240x128xf32, #tpu.memory_space<vmem_shared>> -> memref<10240x128xf32, #tpu.memory_space<vmem_shared>>
        tpu.enqueue_indirect_dma source(%dma_start3A_134 : memref<10240x128xf32, #tpu.memory_space<vmem_shared>>) target(%arg9 : memref<40x128xf32, #tpu.memory_space<vmem>>) offsets(%dma_start3A_131 : memref<40xi32, #tpu.memory_space<vmem>>) semaphore(%arg14 : memref<!tpu.dma_semaphore, #tpu.memory_space<semaphore_mem>>)
        %dma_start3A_135 = tpu.memref_slice %arg8[%mul3A_130] : memref<10000xi32, #tpu.memory_space<vmem>> -> memref<40xi32, #tpu.memory_space<vmem>>
        %dma_start3A_136 = arith.constant 0 : i32
        %dma_start3A_137 = arith.constant 0 : i32
        %dma_start3A_138 = tpu.memref_slice %arg13[%dma_start3A_136, %dma_start3A_137] : memref<10240x128xf32, #tpu.memory_space<vmem_shared>> -> memref<10240x128xf32, #tpu.memory_space<vmem_shared>>
        tpu.enqueue_indirect_dma source(%dma_start3A_138 : memref<10240x128xf32, #tpu.memory_space<vmem_shared>>) target(%arg11 : memref<40x128xf32, #tpu.memory_space<vmem>>) offsets(%dma_start3A_135 : memref<40xi32, #tpu.memory_space<vmem>>) semaphore(%arg16 : memref<!tpu.dma_semaphore, #tpu.memory_space<semaphore_mem>>)
      } else {
      }
      %mul3A_105 = arith.constant 2 : i32
      %mul3A_106 = arith.muli %scan3A_33, %mul3A_105 : i32
      %add3A_107 = arith.constant 1 : i32
      %add3A_108 = arith.addi %mul3A_106, %add3A_107 : i32
      %mul3A_109 = arith.constant 40 : i32
      %mul3A_110 = arith.muli %add3A_108, %mul3A_109 : i32
      %add3A_111 = arith.addi %mul3A_2, %mul3A_110 : i32
      %dma_wait3A_112 = arith.constant 0 : i32
      %dma_wait3A_113 = tpu.memref_slice %arg5[%add3A_111, %dma_wait3A_112] : memref<320000x128xf32, #tpu.memory_space<hbm>> -> memref<40x128xf32, #tpu.memory_space<hbm>>
      %dma_wait3A_114 = arith.constant 0 : i32
      %dma_wait3A_115 = tpu.memref_slice %arg5[%add3A_111, %dma_wait3A_114] : memref<320000x128xf32, #tpu.memory_space<hbm>> -> memref<40x128xf32, #tpu.memory_space<hbm>>
      tpu.wait_dma2 semaphore(%arg19 : memref<!tpu.dma_semaphore, #tpu.memory_space<semaphore_mem>>) src(%arg10 : memref<40x128xf32, #tpu.memory_space<vmem>>) dst(%dma_wait3A_115 : memref<40x128xf32, #tpu.memory_space<hbm>>)
      %dma_wait3A_116 = arith.constant 0 : i32
      %dma_wait3A_117 = tpu.memref_slice %arg6[%add3A_111, %dma_wait3A_116] : memref<320000x128xf32, #tpu.memory_space<hbm>> -> memref<40x128xf32, #tpu.memory_space<hbm>>
      %dma_wait3A_118 = arith.constant 0 : i32
      %dma_wait3A_119 = tpu.memref_slice %arg6[%add3A_111, %dma_wait3A_118] : memref<320000x128xf32, #tpu.memory_space<hbm>> -> memref<40x128xf32, #tpu.memory_space<hbm>>
      tpu.wait_dma2 semaphore(%arg21 : memref<!tpu.dma_semaphore, #tpu.memory_space<semaphore_mem>>) src(%arg12 : memref<40x128xf32, #tpu.memory_space<vmem>>) dst(%dma_wait3A_119 : memref<40x128xf32, #tpu.memory_space<hbm>>)
      %add3A_120 = arith.constant 2 : i32
      %add3A_121 = arith.addi %add3A_108, %add3A_120 : i32
      %lt3A_122 = arith.constant 250 : i32
      %lt3A_123 = arith.cmpi slt, %add3A_121, %lt3A_122 : i32
      %convert_element_type3A_124 = arith.extui %lt3A_123 : i1 to i32
      %cond3A_125 = arith.constant 0 : i32
      %cond3A_126 = arith.cmpi ne, %convert_element_type3A_124, %cond3A_125 : i32
      scf.if %cond3A_126 {
        %add3A_127 = arith.constant 2 : i32
        %add3A_128 = arith.addi %add3A_108, %add3A_127 : i32
        %mul3A_129 = arith.constant 40 : i32
        %mul3A_130 = arith.muli %add3A_128, %mul3A_129 : i32
        %dma_start3A_131 = tpu.memref_slice %arg7[%mul3A_130] : memref<10000xi32, #tpu.memory_space<vmem>> -> memref<40xi32, #tpu.memory_space<vmem>>
        %dma_start3A_132 = arith.constant 0 : i32
        %dma_start3A_133 = arith.constant 0 : i32
        %dma_start3A_134 = tpu.memref_slice %arg13[%dma_start3A_132, %dma_start3A_133] : memref<10240x128xf32, #tpu.memory_space<vmem_shared>> -> memref<10240x128xf32, #tpu.memory_space<vmem_shared>>
        tpu.enqueue_indirect_dma source(%dma_start3A_134 : memref<10240x128xf32, #tpu.memory_space<vmem_shared>>) target(%arg10 : memref<40x128xf32, #tpu.memory_space<vmem>>) offsets(%dma_start3A_131 : memref<40xi32, #tpu.memory_space<vmem>>) semaphore(%arg15 : memref<!tpu.dma_semaphore, #tpu.memory_space<semaphore_mem>>)
        %dma_start3A_135 = tpu.memref_slice %arg8[%mul3A_130] : memref<10000xi32, #tpu.memory_space<vmem>> -> memref<40xi32, #tpu.memory_space<vmem>>
        %dma_start3A_136 = arith.constant 0 : i32
        %dma_start3A_137 = arith.constant 0 : i32
        %dma_start3A_138 = tpu.memref_slice %arg13[%dma_start3A_136, %dma_start3A_137] : memref<10240x128xf32, #tpu.memory_space<vmem_shared>> -> memref<10240x128xf32, #tpu.memory_space<vmem_shared>>
        tpu.enqueue_indirect_dma source(%dma_start3A_138 : memref<10240x128xf32, #tpu.memory_space<vmem_shared>>) target(%arg12 : memref<40x128xf32, #tpu.memory_space<vmem>>) offsets(%dma_start3A_135 : memref<40xi32, #tpu.memory_space<vmem>>) semaphore(%arg17 : memref<!tpu.dma_semaphore, #tpu.memory_space<semaphore_mem>>)
      } else {
      }
    }
    %scan3A_32 = arith.constant 125 : i32
    return
  }
}

#map = affine_map<(d0, d1) -> (0, 0)>
module attributes {stable_mosaic.version = 14 : i64} {
  func.func @_sc_gather(%arg0: i32, %arg1: i32, %arg2: memref<10000x128xf32, #tpu.memory_space<hbm>>, %arg3: memref<32x10000xi32, #tpu.memory_space<hbm>>, %arg4: memref<32x10000xi32, #tpu.memory_space<hbm>>, %arg5: memref<320000x128xf32, #tpu.memory_space<hbm>>, %arg6: memref<320000x128xf32, #tpu.memory_space<hbm>>, %arg7: memref<10000xi32, #tpu.memory_space<vmem>>, %arg8: memref<10000xi32, #tpu.memory_space<vmem>>, %arg9: memref<40x128xf32, #tpu.memory_space<vmem>>, %arg10: memref<40x128xf32, #tpu.memory_space<vmem>>, %arg11: memref<40x128xf32, #tpu.memory_space<vmem>>, %arg12: memref<40x128xf32, #tpu.memory_space<vmem>>, %arg13: memref<10240x128xf32, #tpu.memory_space<vmem_shared>>, %arg14: memref<!tpu.dma_semaphore, #tpu.memory_space<semaphore_mem>>, %arg15: memref<!tpu.dma_semaphore, #tpu.memory_space<semaphore_mem>>, %arg16: memref<!tpu.dma_semaphore, #tpu.memory_space<semaphore_mem>>, %arg17: memref<!tpu.dma_semaphore, #tpu.memory_space<semaphore_mem>>, %arg18: memref<!tpu.dma_semaphore, #tpu.memory_space<semaphore_mem>>, %arg19: memref<!tpu.dma_semaphore, #tpu.memory_space<semaphore_mem>>, %arg20: memref<!tpu.dma_semaphore, #tpu.memory_space<semaphore_mem>>, %arg21: memref<!tpu.dma_semaphore, #tpu.memory_space<semaphore_mem>>) attributes {dimension_semantics = [#tpu.dimension_semantics<core_parallel>, #tpu.dimension_semantics<subcore_parallel>], iteration_bounds = array<i64: 2, 16>, scalar_prefetch = 0 : i64, scratch_operands = 15 : i64, tpu.core_type = #tpu.core_type<sc_vector_subcore>, window_params = [{transform_indices = #map}, {transform_indices = #map}, {transform_indices = #map}, {transform_indices = #map}, {transform_indices = #map}]} {
    %mul3A = arith.constant 16 : i32
    %mul3A_0 = arith.muli %arg0, %mul3A : i32
    %add3A = arith.addi %mul3A_0, %arg1 : i32
    %mul3A_1 = arith.constant 10000 : i32
    %mul3A_2 = arith.muli %add3A, %mul3A_1 : i32
    %lt3A = arith.constant 15 : i32
    %lt3A_3 = arith.cmpi slt, %arg1, %lt3A : i32
    %convert_element_type3A = arith.extui %lt3A_3 : i1 to i32
    %cond3A = arith.constant 0 : i32
    %cond3A_4 = arith.cmpi ne, %convert_element_type3A, %cond3A : i32
    scf.if %cond3A_4 {
      %mul3A_33 = arith.constant 640 : i32
      %mul3A_34 = arith.muli %arg1, %mul3A_33 : i32
      %mul3A_35 = arith.constant 640 : i32
      %mul3A_36 = arith.muli %arg1, %mul3A_35 : i32
      "tpu.region"() ({
        %run_scoped3A = tpu.sem_alloc : memref<!tpu.dma_semaphore, #tpu.memory_space<semaphore_mem>>
        %dma_start3A_37 = arith.constant 0 : i32
        %dma_start3A_38 = tpu.memref_slice %arg13[%mul3A_36, %dma_start3A_37] : memref<10240x128xf32, #tpu.memory_space<vmem_shared>> -> memref<640x128xf32, #tpu.memory_space<vmem_shared>>
        %dma_start3A_39 = arith.constant 0 : i32
        %dma_start3A_40 = tpu.memref_slice %arg2[%mul3A_34, %dma_start3A_39] : memref<10000x128xf32, #tpu.memory_space<hbm>> -> memref<640x128xf32, #tpu.memory_space<hbm>>
        tpu.enqueue_dma source(%dma_start3A_40 : memref<640x128xf32, #tpu.memory_space<hbm>>) target(%dma_start3A_38 : memref<640x128xf32, #tpu.memory_space<vmem_shared>>) target_semaphore(%run_scoped3A : memref<!tpu.dma_semaphore, #tpu.memory_space<semaphore_mem>>)
        %dma_wait3A = arith.constant 0 : i32
        %dma_wait3A_41 = tpu.memref_slice %arg13[%mul3A_36, %dma_wait3A] : memref<10240x128xf32, #tpu.memory_space<vmem_shared>> -> memref<640x128xf32, #tpu.memory_space<vmem_shared>>
        %dma_wait3A_42 = arith.constant 0 : i32
        %dma_wait3A_43 = tpu.memref_slice %arg2[%mul3A_34, %dma_wait3A_42] : memref<10000x128xf32, #tpu.memory_space<hbm>> -> memref<640x128xf32, #tpu.memory_space<hbm>>
        tpu.wait_dma2 semaphore(%run_scoped3A : memref<!tpu.dma_semaphore, #tpu.memory_space<semaphore_mem>>) src(%dma_wait3A_43 : memref<640x128xf32, #tpu.memory_space<hbm>>) dst(%dma_wait3A_41 : memref<640x128xf32, #tpu.memory_space<vmem_shared>>)
        tpu.yield
      }) : () -> ()
    } else {
    }
    %eq3A = arith.constant 15 : i32
    %eq3A_5 = arith.cmpi eq, %arg1, %eq3A : i32
    %convert_element_type3A_6 = arith.extui %eq3A_5 : i1 to i32
    %cond3A_7 = arith.constant 0 : i32
    %cond3A_8 = arith.cmpi ne, %convert_element_type3A_6, %cond3A_7 : i32
    scf.if %cond3A_8 {
      "tpu.region"() ({
        %run_scoped3A = tpu.sem_alloc : memref<!tpu.dma_semaphore, #tpu.memory_space<semaphore_mem>>
        %dma_start3A_33 = arith.constant 9600 : i32
        %dma_start3A_34 = arith.constant 0 : i32
        %dma_start3A_35 = tpu.memref_slice %arg13[%dma_start3A_33, %dma_start3A_34] : memref<10240x128xf32, #tpu.memory_space<vmem_shared>> -> memref<400x128xf32, #tpu.memory_space<vmem_shared>>
        %dma_start3A_36 = arith.constant 9600 : i32
        %dma_start3A_37 = arith.constant 0 : i32
        %dma_start3A_38 = tpu.memref_slice %arg2[%dma_start3A_36, %dma_start3A_37] : memref<10000x128xf32, #tpu.memory_space<hbm>> -> memref<400x128xf32, #tpu.memory_space<hbm>>
        tpu.enqueue_dma source(%dma_start3A_38 : memref<400x128xf32, #tpu.memory_space<hbm>>) target(%dma_start3A_35 : memref<400x128xf32, #tpu.memory_space<vmem_shared>>) target_semaphore(%run_scoped3A : memref<!tpu.dma_semaphore, #tpu.memory_space<semaphore_mem>>)
        %dma_wait3A = arith.constant 9600 : i32
        %dma_wait3A_39 = arith.constant 0 : i32
        %dma_wait3A_40 = tpu.memref_slice %arg13[%dma_wait3A, %dma_wait3A_39] : memref<10240x128xf32, #tpu.memory_space<vmem_shared>> -> memref<400x128xf32, #tpu.memory_space<vmem_shared>>
        %dma_wait3A_41 = arith.constant 9600 : i32
        %dma_wait3A_42 = arith.constant 0 : i32
        %dma_wait3A_43 = tpu.memref_slice %arg2[%dma_wait3A_41, %dma_wait3A_42] : memref<10000x128xf32, #tpu.memory_space<hbm>> -> memref<400x128xf32, #tpu.memory_space<hbm>>
        tpu.wait_dma2 semaphore(%run_scoped3A : memref<!tpu.dma_semaphore, #tpu.memory_space<semaphore_mem>>) src(%dma_wait3A_43 : memref<400x128xf32, #tpu.memory_space<hbm>>) dst(%dma_wait3A_40 : memref<400x128xf32, #tpu.memory_space<vmem_shared>>)
        tpu.yield
      }) : () -> ()
    } else {
    }
    "tpu.region"() ({
      %run_scoped3A = tpu.sem_alloc : memref<!tpu.dma_semaphore, #tpu.memory_space<semaphore_mem>>
      %dma_start3A_33 = arith.constant 0 : i32
      %dma_start3A_34 = tpu.memref_slice %arg3[%add3A, %dma_start3A_33] : memref<32x10000xi32, #tpu.memory_space<hbm>> -> memref<1x10000xi32, #tpu.memory_space<hbm>>
      %dma_start3A_35 = tpu.memref_squeeze %dma_start3A_34 : memref<1x10000xi32, #tpu.memory_space<hbm>> -> memref<10000xi32, #tpu.memory_space<hbm>>
      %dma_start3A_36 = arith.constant 0 : i32
      %dma_start3A_37 = tpu.memref_slice %arg3[%add3A, %dma_start3A_36] : memref<32x10000xi32, #tpu.memory_space<hbm>> -> memref<1x10000xi32, #tpu.memory_space<hbm>>
      %dma_start3A_38 = tpu.memref_squeeze %dma_start3A_37 : memref<1x10000xi32, #tpu.memory_space<hbm>> -> memref<10000xi32, #tpu.memory_space<hbm>>
      tpu.enqueue_dma source(%dma_start3A_38 : memref<10000xi32, #tpu.memory_space<hbm>>) target(%arg7 : memref<10000xi32, #tpu.memory_space<vmem>>) target_semaphore(%run_scoped3A : memref<!tpu.dma_semaphore, #tpu.memory_space<semaphore_mem>>)
      %dma_wait3A = arith.constant 0 : i32
      %dma_wait3A_39 = tpu.memref_slice %arg3[%add3A, %dma_wait3A] : memref<32x10000xi32, #tpu.memory_space<hbm>> -> memref<1x10000xi32, #tpu.memory_space<hbm>>
      %dma_wait3A_40 = tpu.memref_squeeze %dma_wait3A_39 : memref<1x10000xi32, #tpu.memory_space<hbm>> -> memref<10000xi32, #tpu.memory_space<hbm>>
      %dma_wait3A_41 = arith.constant 0 : i32
      %dma_wait3A_42 = tpu.memref_slice %arg3[%add3A, %dma_wait3A_41] : memref<32x10000xi32, #tpu.memory_space<hbm>> -> memref<1x10000xi32, #tpu.memory_space<hbm>>
      %dma_wait3A_43 = tpu.memref_squeeze %dma_wait3A_42 : memref<1x10000xi32, #tpu.memory_space<hbm>> -> memref<10000xi32, #tpu.memory_space<hbm>>
      tpu.wait_dma2 semaphore(%run_scoped3A : memref<!tpu.dma_semaphore, #tpu.memory_space<semaphore_mem>>) src(%dma_wait3A_43 : memref<10000xi32, #tpu.memory_space<hbm>>) dst(%arg7 : memref<10000xi32, #tpu.memory_space<vmem>>)
      tpu.yield
    }) : () -> ()
    "tpu.region"() ({
      %run_scoped3A = tpu.sem_alloc : memref<!tpu.dma_semaphore, #tpu.memory_space<semaphore_mem>>
      %dma_start3A_33 = arith.constant 0 : i32
      %dma_start3A_34 = tpu.memref_slice %arg4[%add3A, %dma_start3A_33] : memref<32x10000xi32, #tpu.memory_space<hbm>> -> memref<1x10000xi32, #tpu.memory_space<hbm>>
      %dma_start3A_35 = tpu.memref_squeeze %dma_start3A_34 : memref<1x10000xi32, #tpu.memory_space<hbm>> -> memref<10000xi32, #tpu.memory_space<hbm>>
      %dma_start3A_36 = arith.constant 0 : i32
      %dma_start3A_37 = tpu.memref_slice %arg4[%add3A, %dma_start3A_36] : memref<32x10000xi32, #tpu.memory_space<hbm>> -> memref<1x10000xi32, #tpu.memory_space<hbm>>
      %dma_start3A_38 = tpu.memref_squeeze %dma_start3A_37 : memref<1x10000xi32, #tpu.memory_space<hbm>> -> memref<10000xi32, #tpu.memory_space<hbm>>
      tpu.enqueue_dma source(%dma_start3A_38 : memref<10000xi32, #tpu.memory_space<hbm>>) target(%arg8 : memref<10000xi32, #tpu.memory_space<vmem>>) target_semaphore(%run_scoped3A : memref<!tpu.dma_semaphore, #tpu.memory_space<semaphore_mem>>)
      %dma_wait3A = arith.constant 0 : i32
      %dma_wait3A_39 = tpu.memref_slice %arg4[%add3A, %dma_wait3A] : memref<32x10000xi32, #tpu.memory_space<hbm>> -> memref<1x10000xi32, #tpu.memory_space<hbm>>
      %dma_wait3A_40 = tpu.memref_squeeze %dma_wait3A_39 : memref<1x10000xi32, #tpu.memory_space<hbm>> -> memref<10000xi32, #tpu.memory_space<hbm>>
      %dma_wait3A_41 = arith.constant 0 : i32
      %dma_wait3A_42 = tpu.memref_slice %arg4[%add3A, %dma_wait3A_41] : memref<32x10000xi32, #tpu.memory_space<hbm>> -> memref<1x10000xi32, #tpu.memory_space<hbm>>
      %dma_wait3A_43 = tpu.memref_squeeze %dma_wait3A_42 : memref<1x10000xi32, #tpu.memory_space<hbm>> -> memref<10000xi32, #tpu.memory_space<hbm>>
      tpu.wait_dma2 semaphore(%run_scoped3A : memref<!tpu.dma_semaphore, #tpu.memory_space<semaphore_mem>>) src(%dma_wait3A_43 : memref<10000xi32, #tpu.memory_space<hbm>>) dst(%arg8 : memref<10000xi32, #tpu.memory_space<vmem>>)
      tpu.yield
    }) : () -> ()
    %barrier3A = arith.constant 0 : index
    tpu.barrier barrier_id(%barrier3A)
    %dma_start3A = arith.constant 0 : i32
    %dma_start3A_9 = tpu.memref_slice %arg7[%dma_start3A] : memref<10000xi32, #tpu.memory_space<vmem>> -> memref<40xi32, #tpu.memory_space<vmem>>
    %dma_start3A_10 = arith.constant 0 : i32
    %dma_start3A_11 = arith.constant 0 : i32
    %dma_start3A_12 = tpu.memref_slice %arg13[%dma_start3A_10, %dma_start3A_11] : memref<10240x128xf32, #tpu.memory_space<vmem_shared>> -> memref<10240x128xf32, #tpu.memory_space<vmem_shared>>
    tpu.enqueue_indirect_dma source(%dma_start3A_12 : memref<10240x128xf32, #tpu.memory_space<vmem_shared>>) target(%arg9 : memref<40x128xf32, #tpu.memory_space<vmem>>) offsets(%dma_start3A_9 : memref<40xi32, #tpu.memory_space<vmem>>) semaphore(%arg14 : memref<!tpu.dma_semaphore, #tpu.memory_space<semaphore_mem>>)
    %dma_start3A_13 = arith.constant 0 : i32
    %dma_start3A_14 = tpu.memref_slice %arg8[%dma_start3A_13] : memref<10000xi32, #tpu.memory_space<vmem>> -> memref<40xi32, #tpu.memory_space<vmem>>
    %dma_start3A_15 = arith.constant 0 : i32
    %dma_start3A_16 = arith.constant 0 : i32
    %dma_start3A_17 = tpu.memref_slice %arg13[%dma_start3A_15, %dma_start3A_16] : memref<10240x128xf32, #tpu.memory_space<vmem_shared>> -> memref<10240x128xf32, #tpu.memory_space<vmem_shared>>
    tpu.enqueue_indirect_dma source(%dma_start3A_17 : memref<10240x128xf32, #tpu.memory_space<vmem_shared>>) target(%arg11 : memref<40x128xf32, #tpu.memory_space<vmem>>) offsets(%dma_start3A_14 : memref<40xi32, #tpu.memory_space<vmem>>) semaphore(%arg16 : memref<!tpu.dma_semaphore, #tpu.memory_space<semaphore_mem>>)
    %dma_start3A_18 = arith.constant 40 : i32
    %dma_start3A_19 = tpu.memref_slice %arg7[%dma_start3A_18] : memref<10000xi32, #tpu.memory_space<vmem>> -> memref<40xi32, #tpu.memory_space<vmem>>
    %dma_start3A_20 = arith.constant 0 : i32
    %dma_start3A_21 = arith.constant 0 : i32
    %dma_start3A_22 = tpu.memref_slice %arg13[%dma_start3A_20, %dma_start3A_21] : memref<10240x128xf32, #tpu.memory_space<vmem_shared>> -> memref<10240x128xf32, #tpu.memory_space<vmem_shared>>
    tpu.enqueue_indirect_dma source(%dma_start3A_22 : memref<10240x128xf32, #tpu.memory_space<vmem_shared>>) target(%arg10 : memref<40x128xf32, #tpu.memory_space<vmem>>) offsets(%dma_start3A_19 : memref<40xi32, #tpu.memory_space<vmem>>) semaphore(%arg15 : memref<!tpu.dma_semaphore, #tpu.memory_space<semaphore_mem>>)
    %dma_start3A_23 = arith.constant 40 : i32
    %dma_start3A_24 = tpu.memref_slice %arg8[%dma_start3A_23] : memref<10000xi32, #tpu.memory_space<vmem>> -> memref<40xi32, #tpu.memory_space<vmem>>
    %dma_start3A_25 = arith.constant 0 : i32
    %dma_start3A_26 = arith.constant 0 : i32
    %dma_start3A_27 = tpu.memref_slice %arg13[%dma_start3A_25, %dma_start3A_26] : memref<10240x128xf32, #tpu.memory_space<vmem_shared>> -> memref<10240x128xf32, #tpu.memory_space<vmem_shared>>
    tpu.enqueue_indirect_dma source(%dma_start3A_27 : memref<10240x128xf32, #tpu.memory_space<vmem_shared>>) target(%arg12 : memref<40x128xf32, #tpu.memory_space<vmem>>) offsets(%dma_start3A_24 : memref<40xi32, #tpu.memory_space<vmem>>) semaphore(%arg17 : memref<!tpu.dma_semaphore, #tpu.memory_space<semaphore_mem>>)
    %scan3A = arith.constant 0 : i32
    %scan3A_28 = arith.constant 0 : i32
    %scan3A_29 = arith.constant 125 : i32
    %scan3A_30 = arith.addi %scan3A_28, %scan3A_29 : i32
    %scan3A_31 = arith.constant 1 : i32
    scf.for %scan3A_33 = %scan3A_28 to %scan3A_30 step %scan3A_31  : i32 {
      %mul3A_34 = arith.constant 2 : i32
      %mul3A_35 = arith.muli %scan3A_33, %mul3A_34 : i32
      %add3A_36 = arith.constant 0 : i32
      %add3A_37 = arith.addi %mul3A_35, %add3A_36 : i32
      %mul3A_38 = arith.constant 40 : i32
      %mul3A_39 = arith.muli %add3A_37, %mul3A_38 : i32
      %dma_wait3A = tpu.memref_slice %arg7[%mul3A_39] : memref<10000xi32, #tpu.memory_space<vmem>> -> memref<40xi32, #tpu.memory_space<vmem>>
      %dma_wait3A_40 = arith.constant 0 : i32
      %dma_wait3A_41 = arith.constant 0 : i32
      %dma_wait3A_42 = tpu.memref_slice %arg13[%dma_wait3A_40, %dma_wait3A_41] : memref<10240x128xf32, #tpu.memory_space<vmem_shared>> -> memref<10240x128xf32, #tpu.memory_space<vmem_shared>>
      tpu.wait_indirect_dma semaphore(%arg14 : memref<!tpu.dma_semaphore, #tpu.memory_space<semaphore_mem>>) src(%dma_wait3A_42 : memref<10240x128xf32, #tpu.memory_space<vmem_shared>>) dst(%arg9 : memref<40x128xf32, #tpu.memory_space<vmem>>)
      %dma_wait3A_43 = tpu.memref_slice %arg8[%mul3A_39] : memref<10000xi32, #tpu.memory_space<vmem>> -> memref<40xi32, #tpu.memory_space<vmem>>
      %dma_wait3A_44 = arith.constant 0 : i32
      %dma_wait3A_45 = arith.constant 0 : i32
      %dma_wait3A_46 = tpu.memref_slice %arg13[%dma_wait3A_44, %dma_wait3A_45] : memref<10240x128xf32, #tpu.memory_space<vmem_shared>> -> memref<10240x128xf32, #tpu.memory_space<vmem_shared>>
      tpu.wait_indirect_dma semaphore(%arg16 : memref<!tpu.dma_semaphore, #tpu.memory_space<semaphore_mem>>) src(%dma_wait3A_46 : memref<10240x128xf32, #tpu.memory_space<vmem_shared>>) dst(%arg11 : memref<40x128xf32, #tpu.memory_space<vmem>>)
      %mul3A_47 = arith.constant 40 : i32
      %mul3A_48 = arith.muli %add3A_37, %mul3A_47 : i32
      %add3A_49 = arith.addi %mul3A_2, %mul3A_48 : i32
      %dma_start3A_50 = arith.constant 0 : i32
      %dma_start3A_51 = tpu.memref_slice %arg5[%add3A_49, %dma_start3A_50] : memref<320000x128xf32, #tpu.memory_space<hbm>> -> memref<40x128xf32, #tpu.memory_space<hbm>>
      %dma_start3A_52 = arith.constant 0 : i32
      %dma_start3A_53 = tpu.memref_slice %arg5[%add3A_49, %dma_start3A_52] : memref<320000x128xf32, #tpu.memory_space<hbm>> -> memref<40x128xf32, #tpu.memory_space<hbm>>
      tpu.enqueue_dma source(%arg9 : memref<40x128xf32, #tpu.memory_space<vmem>>) target(%dma_start3A_53 : memref<40x128xf32, #tpu.memory_space<hbm>>) target_semaphore(%arg18 : memref<!tpu.dma_semaphore, #tpu.memory_space<semaphore_mem>>)
      %dma_start3A_54 = arith.constant 0 : i32
      %dma_start3A_55 = tpu.memref_slice %arg6[%add3A_49, %dma_start3A_54] : memref<320000x128xf32, #tpu.memory_space<hbm>> -> memref<40x128xf32, #tpu.memory_space<hbm>>
      %dma_start3A_56 = arith.constant 0 : i32
      %dma_start3A_57 = tpu.memref_slice %arg6[%add3A_49, %dma_start3A_56] : memref<320000x128xf32, #tpu.memory_space<hbm>> -> memref<40x128xf32, #tpu.memory_space<hbm>>
      tpu.enqueue_dma source(%arg11 : memref<40x128xf32, #tpu.memory_space<vmem>>) target(%dma_start3A_57 : memref<40x128xf32, #tpu.memory_space<hbm>>) target_semaphore(%arg20 : memref<!tpu.dma_semaphore, #tpu.memory_space<semaphore_mem>>)
      %mul3A_58 = arith.constant 2 : i32
      %mul3A_59 = arith.muli %scan3A_33, %mul3A_58 : i32
      %add3A_60 = arith.constant 1 : i32
      %add3A_61 = arith.addi %mul3A_59, %add3A_60 : i32
      %mul3A_62 = arith.constant 40 : i32
      %mul3A_63 = arith.muli %add3A_61, %mul3A_62 : i32
      %dma_wait3A_64 = tpu.memref_slice %arg7[%mul3A_63] : memref<10000xi32, #tpu.memory_space<vmem>> -> memref<40xi32, #tpu.memory_space<vmem>>
      %dma_wait3A_65 = arith.constant 0 : i32
      %dma_wait3A_66 = arith.constant 0 : i32
      %dma_wait3A_67 = tpu.memref_slice %arg13[%dma_wait3A_65, %dma_wait3A_66] : memref<10240x128xf32, #tpu.memory_space<vmem_shared>> -> memref<10240x128xf32, #tpu.memory_space<vmem_shared>>
      tpu.wait_indirect_dma semaphore(%arg15 : memref<!tpu.dma_semaphore, #tpu.memory_space<semaphore_mem>>) src(%dma_wait3A_67 : memref<10240x128xf32, #tpu.memory_space<vmem_shared>>) dst(%arg10 : memref<40x128xf32, #tpu.memory_space<vmem>>)
      %dma_wait3A_68 = tpu.memref_slice %arg8[%mul3A_63] : memref<10000xi32, #tpu.memory_space<vmem>> -> memref<40xi32, #tpu.memory_space<vmem>>
      %dma_wait3A_69 = arith.constant 0 : i32
      %dma_wait3A_70 = arith.constant 0 : i32
      %dma_wait3A_71 = tpu.memref_slice %arg13[%dma_wait3A_69, %dma_wait3A_70] : memref<10240x128xf32, #tpu.memory_space<vmem_shared>> -> memref<10240x128xf32, #tpu.memory_space<vmem_shared>>
      tpu.wait_indirect_dma semaphore(%arg17 : memref<!tpu.dma_semaphore, #tpu.memory_space<semaphore_mem>>) src(%dma_wait3A_71 : memref<10240x128xf32, #tpu.memory_space<vmem_shared>>) dst(%arg12 : memref<40x128xf32, #tpu.memory_space<vmem>>)
      %mul3A_72 = arith.constant 40 : i32
      %mul3A_73 = arith.muli %add3A_61, %mul3A_72 : i32
      %add3A_74 = arith.addi %mul3A_2, %mul3A_73 : i32
      %dma_start3A_75 = arith.constant 0 : i32
      %dma_start3A_76 = tpu.memref_slice %arg5[%add3A_74, %dma_start3A_75] : memref<320000x128xf32, #tpu.memory_space<hbm>> -> memref<40x128xf32, #tpu.memory_space<hbm>>
      %dma_start3A_77 = arith.constant 0 : i32
      %dma_start3A_78 = tpu.memref_slice %arg5[%add3A_74, %dma_start3A_77] : memref<320000x128xf32, #tpu.memory_space<hbm>> -> memref<40x128xf32, #tpu.memory_space<hbm>>
      tpu.enqueue_dma source(%arg10 : memref<40x128xf32, #tpu.memory_space<vmem>>) target(%dma_start3A_78 : memref<40x128xf32, #tpu.memory_space<hbm>>) target_semaphore(%arg19 : memref<!tpu.dma_semaphore, #tpu.memory_space<semaphore_mem>>)
      %dma_start3A_79 = arith.constant 0 : i32
      %dma_start3A_80 = tpu.memref_slice %arg6[%add3A_74, %dma_start3A_79] : memref<320000x128xf32, #tpu.memory_space<hbm>> -> memref<40x128xf32, #tpu.memory_space<hbm>>
      %dma_start3A_81 = arith.constant 0 : i32
      %dma_start3A_82 = tpu.memref_slice %arg6[%add3A_74, %dma_start3A_81] : memref<320000x128xf32, #tpu.memory_space<hbm>> -> memref<40x128xf32, #tpu.memory_space<hbm>>
      tpu.enqueue_dma source(%arg12 : memref<40x128xf32, #tpu.memory_space<vmem>>) target(%dma_start3A_82 : memref<40x128xf32, #tpu.memory_space<hbm>>) target_semaphore(%arg21 : memref<!tpu.dma_semaphore, #tpu.memory_space<semaphore_mem>>)
      %mul3A_83 = arith.constant 2 : i32
      %mul3A_84 = arith.muli %scan3A_33, %mul3A_83 : i32
      %add3A_85 = arith.constant 0 : i32
      %add3A_86 = arith.addi %mul3A_84, %add3A_85 : i32
      %mul3A_87 = arith.constant 40 : i32
      %mul3A_88 = arith.muli %add3A_86, %mul3A_87 : i32
      %add3A_89 = arith.addi %mul3A_2, %mul3A_88 : i32
      %dma_wait3A_90 = arith.constant 0 : i32
      %dma_wait3A_91 = tpu.memref_slice %arg5[%add3A_89, %dma_wait3A_90] : memref<320000x128xf32, #tpu.memory_space<hbm>> -> memref<40x128xf32, #tpu.memory_space<hbm>>
      %dma_wait3A_92 = arith.constant 0 : i32
      %dma_wait3A_93 = tpu.memref_slice %arg5[%add3A_89, %dma_wait3A_92] : memref<320000x128xf32, #tpu.memory_space<hbm>> -> memref<40x128xf32, #tpu.memory_space<hbm>>
      tpu.wait_dma2 semaphore(%arg18 : memref<!tpu.dma_semaphore, #tpu.memory_space<semaphore_mem>>) src(%arg9 : memref<40x128xf32, #tpu.memory_space<vmem>>) dst(%dma_wait3A_93 : memref<40x128xf32, #tpu.memory_space<hbm>>)
      %dma_wait3A_94 = arith.constant 0 : i32
      %dma_wait3A_95 = tpu.memref_slice %arg6[%add3A_89, %dma_wait3A_94] : memref<320000x128xf32, #tpu.memory_space<hbm>> -> memref<40x128xf32, #tpu.memory_space<hbm>>
      %dma_wait3A_96 = arith.constant 0 : i32
      %dma_wait3A_97 = tpu.memref_slice %arg6[%add3A_89, %dma_wait3A_96] : memref<320000x128xf32, #tpu.memory_space<hbm>> -> memref<40x128xf32, #tpu.memory_space<hbm>>
      tpu.wait_dma2 semaphore(%arg20 : memref<!tpu.dma_semaphore, #tpu.memory_space<semaphore_mem>>) src(%arg11 : memref<40x128xf32, #tpu.memory_space<vmem>>) dst(%dma_wait3A_97 : memref<40x128xf32, #tpu.memory_space<hbm>>)
      %add3A_98 = arith.constant 2 : i32
      %add3A_99 = arith.addi %add3A_86, %add3A_98 : i32
      %lt3A_100 = arith.constant 250 : i32
      %lt3A_101 = arith.cmpi slt, %add3A_99, %lt3A_100 : i32
      %convert_element_type3A_102 = arith.extui %lt3A_101 : i1 to i32
      %cond3A_103 = arith.constant 0 : i32
      %cond3A_104 = arith.cmpi ne, %convert_element_type3A_102, %cond3A_103 : i32
      scf.if %cond3A_104 {
        %add3A_127 = arith.constant 2 : i32
        %add3A_128 = arith.addi %add3A_86, %add3A_127 : i32
        %mul3A_129 = arith.constant 40 : i32
        %mul3A_130 = arith.muli %add3A_128, %mul3A_129 : i32
        %dma_start3A_131 = tpu.memref_slice %arg7[%mul3A_130] : memref<10000xi32, #tpu.memory_space<vmem>> -> memref<40xi32, #tpu.memory_space<vmem>>
        %dma_start3A_132 = arith.constant 0 : i32
        %dma_start3A_133 = arith.constant 0 : i32
        %dma_start3A_134 = tpu.memref_slice %arg13[%dma_start3A_132, %dma_start3A_133] : memref<10240x128xf32, #tpu.memory_space<vmem_shared>> -> memref<10240x128xf32, #tpu.memory_space<vmem_shared>>
        tpu.enqueue_indirect_dma source(%dma_start3A_134 : memref<10240x128xf32, #tpu.memory_space<vmem_shared>>) target(%arg9 : memref<40x128xf32, #tpu.memory_space<vmem>>) offsets(%dma_start3A_131 : memref<40xi32, #tpu.memory_space<vmem>>) semaphore(%arg14 : memref<!tpu.dma_semaphore, #tpu.memory_space<semaphore_mem>>)
        %dma_start3A_135 = tpu.memref_slice %arg8[%mul3A_130] : memref<10000xi32, #tpu.memory_space<vmem>> -> memref<40xi32, #tpu.memory_space<vmem>>
        %dma_start3A_136 = arith.constant 0 : i32
        %dma_start3A_137 = arith.constant 0 : i32
        %dma_start3A_138 = tpu.memref_slice %arg13[%dma_start3A_136, %dma_start3A_137] : memref<10240x128xf32, #tpu.memory_space<vmem_shared>> -> memref<10240x128xf32, #tpu.memory_space<vmem_shared>>
        tpu.enqueue_indirect_dma source(%dma_start3A_138 : memref<10240x128xf32, #tpu.memory_space<vmem_shared>>) target(%arg11 : memref<40x128xf32, #tpu.memory_space<vmem>>) offsets(%dma_start3A_135 : memref<40xi32, #tpu.memory_space<vmem>>) semaphore(%arg16 : memref<!tpu.dma_semaphore, #tpu.memory_space<semaphore_mem>>)
      } else {
      }
      %mul3A_105 = arith.constant 2 : i32
      %mul3A_106 = arith.muli %scan3A_33, %mul3A_105 : i32
      %add3A_107 = arith.constant 1 : i32
      %add3A_108 = arith.addi %mul3A_106, %add3A_107 : i32
      %mul3A_109 = arith.constant 40 : i32
      %mul3A_110 = arith.muli %add3A_108, %mul3A_109 : i32
      %add3A_111 = arith.addi %mul3A_2, %mul3A_110 : i32
      %dma_wait3A_112 = arith.constant 0 : i32
      %dma_wait3A_113 = tpu.memref_slice %arg5[%add3A_111, %dma_wait3A_112] : memref<320000x128xf32, #tpu.memory_space<hbm>> -> memref<40x128xf32, #tpu.memory_space<hbm>>
      %dma_wait3A_114 = arith.constant 0 : i32
      %dma_wait3A_115 = tpu.memref_slice %arg5[%add3A_111, %dma_wait3A_114] : memref<320000x128xf32, #tpu.memory_space<hbm>> -> memref<40x128xf32, #tpu.memory_space<hbm>>
      tpu.wait_dma2 semaphore(%arg19 : memref<!tpu.dma_semaphore, #tpu.memory_space<semaphore_mem>>) src(%arg10 : memref<40x128xf32, #tpu.memory_space<vmem>>) dst(%dma_wait3A_115 : memref<40x128xf32, #tpu.memory_space<hbm>>)
      %dma_wait3A_116 = arith.constant 0 : i32
      %dma_wait3A_117 = tpu.memref_slice %arg6[%add3A_111, %dma_wait3A_116] : memref<320000x128xf32, #tpu.memory_space<hbm>> -> memref<40x128xf32, #tpu.memory_space<hbm>>
      %dma_wait3A_118 = arith.constant 0 : i32
      %dma_wait3A_119 = tpu.memref_slice %arg6[%add3A_111, %dma_wait3A_118] : memref<320000x128xf32, #tpu.memory_space<hbm>> -> memref<40x128xf32, #tpu.memory_space<hbm>>
      tpu.wait_dma2 semaphore(%arg21 : memref<!tpu.dma_semaphore, #tpu.memory_space<semaphore_mem>>) src(%arg12 : memref<40x128xf32, #tpu.memory_space<vmem>>) dst(%dma_wait3A_119 : memref<40x128xf32, #tpu.memory_space<hbm>>)
      %add3A_120 = arith.constant 2 : i32
      %add3A_121 = arith.addi %add3A_108, %add3A_120 : i32
      %lt3A_122 = arith.constant 250 : i32
      %lt3A_123 = arith.cmpi slt, %add3A_121, %lt3A_122 : i32
      %convert_element_type3A_124 = arith.extui %lt3A_123 : i1 to i32
      %cond3A_125 = arith.constant 0 : i32
      %cond3A_126 = arith.cmpi ne, %convert_element_type3A_124, %cond3A_125 : i32
      scf.if %cond3A_126 {
        %add3A_127 = arith.constant 2 : i32
        %add3A_128 = arith.addi %add3A_108, %add3A_127 : i32
        %mul3A_129 = arith.constant 40 : i32
        %mul3A_130 = arith.muli %add3A_128, %mul3A_129 : i32
        %dma_start3A_131 = tpu.memref_slice %arg7[%mul3A_130] : memref<10000xi32, #tpu.memory_space<vmem>> -> memref<40xi32, #tpu.memory_space<vmem>>
        %dma_start3A_132 = arith.constant 0 : i32
        %dma_start3A_133 = arith.constant 0 : i32
        %dma_start3A_134 = tpu.memref_slice %arg13[%dma_start3A_132, %dma_start3A_133] : memref<10240x128xf32, #tpu.memory_space<vmem_shared>> -> memref<10240x128xf32, #tpu.memory_space<vmem_shared>>
        tpu.enqueue_indirect_dma source(%dma_start3A_134 : memref<10240x128xf32, #tpu.memory_space<vmem_shared>>) target(%arg10 : memref<40x128xf32, #tpu.memory_space<vmem>>) offsets(%dma_start3A_131 : memref<40xi32, #tpu.memory_space<vmem>>) semaphore(%arg15 : memref<!tpu.dma_semaphore, #tpu.memory_space<semaphore_mem>>)
        %dma_start3A_135 = tpu.memref_slice %arg8[%mul3A_130] : memref<10000xi32, #tpu.memory_space<vmem>> -> memref<40xi32, #tpu.memory_space<vmem>>
        %dma_start3A_136 = arith.constant 0 : i32
        %dma_start3A_137 = arith.constant 0 : i32
        %dma_start3A_138 = tpu.memref_slice %arg13[%dma_start3A_136, %dma_start3A_137] : memref<10240x128xf32, #tpu.memory_space<vmem_shared>> -> memref<10240x128xf32, #tpu.memory_space<vmem_shared>>
        tpu.enqueue_indirect_dma source(%dma_start3A_138 : memref<10240x128xf32, #tpu.memory_space<vmem_shared>>) target(%arg12 : memref<40x128xf32, #tpu.memory_space<vmem>>) offsets(%dma_start3A_135 : memref<40xi32, #tpu.memory_space<vmem>>) semaphore(%arg17 : memref<!tpu.dma_semaphore, #tpu.memory_space<semaphore_mem>>)
      } else {
      }
    }
    %scan3A_32 = arith.constant 125 : i32
    return
  }
}

#map = affine_map<(d0, d1) -> (0, 0)>
#map1 = affine_map<(d0, d1) -> (0, 0, 0)>
module attributes {stable_mosaic.version = 14 : i64} {
  func.func @_sc_scatter(%arg0: i32, %arg1: i32, %arg2: memref<320000x128xf32, #tpu.memory_space<hbm>>, %arg3: memref<32x125x80xi32, #tpu.memory_space<hbm>>, %arg4: memref<20000x128xf32, #tpu.memory_space<hbm>>, %arg5: memref<125x80xi32, #tpu.memory_space<vmem>>, %arg6: memref<80x128xf32, #tpu.memory_space<vmem>>, %arg7: memref<80x128xf32, #tpu.memory_space<vmem>>, %arg8: memref<80x128xf32, #tpu.memory_space<vmem>>, %arg9: memref<10240x128xf32, #tpu.memory_space<vmem_shared>>, %arg10: memref<!tpu.dma_semaphore, #tpu.memory_space<semaphore_mem>>, %arg11: memref<!tpu.dma_semaphore, #tpu.memory_space<semaphore_mem>>) attributes {dimension_semantics = [#tpu.dimension_semantics<core_parallel>, #tpu.dimension_semantics<subcore_parallel>], iteration_bounds = array<i64: 2, 16>, scalar_prefetch = 0 : i64, scratch_operands = 7 : i64, tpu.core_type = #tpu.core_type<sc_vector_subcore>, window_params = [{transform_indices = #map}, {transform_indices = #map1}, {transform_indices = #map}]} {
    %mul3A = arith.constant 16 : i32
    %mul3A_0 = arith.muli %arg0, %mul3A : i32
    %add3A = arith.addi %mul3A_0, %arg1 : i32
    %mul3A_1 = arith.constant 10000 : i32
    %mul3A_2 = arith.muli %add3A, %mul3A_1 : i32
    "tpu.region"() ({
      %run_scoped3A = tpu.sem_alloc : memref<!tpu.dma_semaphore, #tpu.memory_space<semaphore_mem>>
      %dma_start3A_64 = arith.constant 0 : i32
      %dma_start3A_65 = arith.constant 0 : i32
      %dma_start3A_66 = tpu.memref_slice %arg3[%add3A, %dma_start3A_64, %dma_start3A_65] : memref<32x125x80xi32, #tpu.memory_space<hbm>> -> memref<1x125x80xi32, #tpu.memory_space<hbm>>
      %dma_start3A_67 = tpu.memref_squeeze %dma_start3A_66 : memref<1x125x80xi32, #tpu.memory_space<hbm>> -> memref<125x80xi32, #tpu.memory_space<hbm>>
      %dma_start3A_68 = arith.constant 0 : i32
      %dma_start3A_69 = arith.constant 0 : i32
      %dma_start3A_70 = tpu.memref_slice %arg3[%add3A, %dma_start3A_68, %dma_start3A_69] : memref<32x125x80xi32, #tpu.memory_space<hbm>> -> memref<1x125x80xi32, #tpu.memory_space<hbm>>
      %dma_start3A_71 = tpu.memref_squeeze %dma_start3A_70 : memref<1x125x80xi32, #tpu.memory_space<hbm>> -> memref<125x80xi32, #tpu.memory_space<hbm>>
      tpu.enqueue_dma source(%dma_start3A_71 : memref<125x80xi32, #tpu.memory_space<hbm>>) target(%arg5 : memref<125x80xi32, #tpu.memory_space<vmem>>) target_semaphore(%run_scoped3A : memref<!tpu.dma_semaphore, #tpu.memory_space<semaphore_mem>>)
      %dma_wait3A = arith.constant 0 : i32
      %dma_wait3A_72 = arith.constant 0 : i32
      %dma_wait3A_73 = tpu.memref_slice %arg3[%add3A, %dma_wait3A, %dma_wait3A_72] : memref<32x125x80xi32, #tpu.memory_space<hbm>> -> memref<1x125x80xi32, #tpu.memory_space<hbm>>
      %dma_wait3A_74 = tpu.memref_squeeze %dma_wait3A_73 : memref<1x125x80xi32, #tpu.memory_space<hbm>> -> memref<125x80xi32, #tpu.memory_space<hbm>>
      %dma_wait3A_75 = arith.constant 0 : i32
      %dma_wait3A_76 = arith.constant 0 : i32
      %dma_wait3A_77 = tpu.memref_slice %arg3[%add3A, %dma_wait3A_75, %dma_wait3A_76] : memref<32x125x80xi32, #tpu.memory_space<hbm>> -> memref<1x125x80xi32, #tpu.memory_space<hbm>>
      %dma_wait3A_78 = tpu.memref_squeeze %dma_wait3A_77 : memref<1x125x80xi32, #tpu.memory_space<hbm>> -> memref<125x80xi32, #tpu.memory_space<hbm>>
      tpu.wait_dma2 semaphore(%run_scoped3A : memref<!tpu.dma_semaphore, #tpu.memory_space<semaphore_mem>>) src(%dma_wait3A_78 : memref<125x80xi32, #tpu.memory_space<hbm>>) dst(%arg5 : memref<125x80xi32, #tpu.memory_space<vmem>>)
      tpu.yield
    }) : () -> ()
    %scan3A = arith.constant 0 : i32
    %scan3A_3 = arith.constant 0 : i32
    %scan3A_4 = arith.constant 80 : i32
    %scan3A_5 = arith.addi %scan3A_3, %scan3A_4 : i32
    %scan3A_6 = arith.constant 1 : i32
    scf.for %scan3A_64 = %scan3A_3 to %scan3A_5 step %scan3A_6  : i32 {
      %broadcast_in_dim3A = arith.constant 0.000000e+00 : f32
      %broadcast_in_dim3A_65 = vector.broadcast %broadcast_in_dim3A : f32 to vector<16xf32>
      %swap3A = arith.index_cast %scan3A_64 : i32 to index
      %swap3A_66 = arith.constant 0 : index
      %swap3A_67 = tpu.vector_load %arg6[%swap3A, %swap3A_66] {strides = array<i32>} : memref<80x128xf32, #tpu.memory_space<vmem>>, vector<1x16xf32>,
      %swap3A_68 = vector.shape_cast %swap3A_67 : vector<1x16xf32> to vector<16xf32>
      %swap3A_69 = vector.shape_cast %broadcast_in_dim3A_65 : vector<16xf32> to vector<1x16xf32>
      tpu.vector_store %arg6[%swap3A, %swap3A_66], %swap3A_69 {strides = array<i32>} : memref<80x128xf32, #tpu.memory_space<vmem>>, vector<1x16xf32>,
      %broadcast_in_dim3A_70 = arith.constant 0.000000e+00 : f32
      %broadcast_in_dim3A_71 = vector.broadcast %broadcast_in_dim3A_70 : f32 to vector<16xf32>
      %swap3A_72 = arith.index_cast %scan3A_64 : i32 to index
      %swap3A_73 = arith.constant 16 : index
      %swap3A_74 = tpu.vector_load %arg6[%swap3A_72, %swap3A_73] {strides = array<i32>} : memref<80x128xf32, #tpu.memory_space<vmem>>, vector<1x16xf32>,
      %swap3A_75 = vector.shape_cast %swap3A_74 : vector<1x16xf32> to vector<16xf32>
      %swap3A_76 = vector.shape_cast %broadcast_in_dim3A_71 : vector<16xf32> to vector<1x16xf32>
      tpu.vector_store %arg6[%swap3A_72, %swap3A_73], %swap3A_76 {strides = array<i32>} : memref<80x128xf32, #tpu.memory_space<vmem>>, vector<1x16xf32>,
      %broadcast_in_dim3A_77 = arith.constant 0.000000e+00 : f32
      %broadcast_in_dim3A_78 = vector.broadcast %broadcast_in_dim3A_77 : f32 to vector<16xf32>
      %swap3A_79 = arith.index_cast %scan3A_64 : i32 to index
      %swap3A_80 = arith.constant 32 : index
      %swap3A_81 = tpu.vector_load %arg6[%swap3A_79, %swap3A_80] {strides = array<i32>} : memref<80x128xf32, #tpu.memory_space<vmem>>, vector<1x16xf32>,
      %swap3A_82 = vector.shape_cast %swap3A_81 : vector<1x16xf32> to vector<16xf32>
      %swap3A_83 = vector.shape_cast %broadcast_in_dim3A_78 : vector<16xf32> to vector<1x16xf32>
      tpu.vector_store %arg6[%swap3A_79, %swap3A_80], %swap3A_83 {strides = array<i32>} : memref<80x128xf32, #tpu.memory_space<vmem>>, vector<1x16xf32>,
      %broadcast_in_dim3A_84 = arith.constant 0.000000e+00 : f32
      %broadcast_in_dim3A_85 = vector.broadcast %broadcast_in_dim3A_84 : f32 to vector<16xf32>
      %swap3A_86 = arith.index_cast %scan3A_64 : i32 to index
      %swap3A_87 = arith.constant 48 : index
      %swap3A_88 = tpu.vector_load %arg6[%swap3A_86, %swap3A_87] {strides = array<i32>} : memref<80x128xf32, #tpu.memory_space<vmem>>, vector<1x16xf32>,
      %swap3A_89 = vector.shape_cast %swap3A_88 : vector<1x16xf32> to vector<16xf32>
      %swap3A_90 = vector.shape_cast %broadcast_in_dim3A_85 : vector<16xf32> to vector<1x16xf32>
      tpu.vector_store %arg6[%swap3A_86, %swap3A_87], %swap3A_90 {strides = array<i32>} : memref<80x128xf32, #tpu.memory_space<vmem>>, vector<1x16xf32>,
      %broadcast_in_dim3A_91 = arith.constant 0.000000e+00 : f32
      %broadcast_in_dim3A_92 = vector.broadcast %broadcast_in_dim3A_91 : f32 to vector<16xf32>
      %swap3A_93 = arith.index_cast %scan3A_64 : i32 to index
      %swap3A_94 = arith.constant 64 : index
      %swap3A_95 = tpu.vector_load %arg6[%swap3A_93, %swap3A_94] {strides = array<i32>} : memref<80x128xf32, #tpu.memory_space<vmem>>, vector<1x16xf32>,
      %swap3A_96 = vector.shape_cast %swap3A_95 : vector<1x16xf32> to vector<16xf32>
      %swap3A_97 = vector.shape_cast %broadcast_in_dim3A_92 : vector<16xf32> to vector<1x16xf32>
      tpu.vector_store %arg6[%swap3A_93, %swap3A_94], %swap3A_97 {strides = array<i32>} : memref<80x128xf32, #tpu.memory_space<vmem>>, vector<1x16xf32>,
      %broadcast_in_dim3A_98 = arith.constant 0.000000e+00 : f32
      %broadcast_in_dim3A_99 = vector.broadcast %broadcast_in_dim3A_98 : f32 to vector<16xf32>
      %swap3A_100 = arith.index_cast %scan3A_64 : i32 to index
      %swap3A_101 = arith.constant 80 : index
      %swap3A_102 = tpu.vector_load %arg6[%swap3A_100, %swap3A_101] {strides = array<i32>} : memref<80x128xf32, #tpu.memory_space<vmem>>, vector<1x16xf32>,
      %swap3A_103 = vector.shape_cast %swap3A_102 : vector<1x16xf32> to vector<16xf32>
      %swap3A_104 = vector.shape_cast %broadcast_in_dim3A_99 : vector<16xf32> to vector<1x16xf32>
      tpu.vector_store %arg6[%swap3A_100, %swap3A_101], %swap3A_104 {strides = array<i32>} : memref<80x128xf32, #tpu.memory_space<vmem>>, vector<1x16xf32>,
      %broadcast_in_dim3A_105 = arith.constant 0.000000e+00 : f32
      %broadcast_in_dim3A_106 = vector.broadcast %broadcast_in_dim3A_105 : f32 to vector<16xf32>
      %swap3A_107 = arith.index_cast %scan3A_64 : i32 to index
      %swap3A_108 = arith.constant 96 : index
      %swap3A_109 = tpu.vector_load %arg6[%swap3A_107, %swap3A_108] {strides = array<i32>} : memref<80x128xf32, #tpu.memory_space<vmem>>, vector<1x16xf32>,
      %swap3A_110 = vector.shape_cast %swap3A_109 : vector<1x16xf32> to vector<16xf32>
      %swap3A_111 = vector.shape_cast %broadcast_in_dim3A_106 : vector<16xf32> to vector<1x16xf32>
      tpu.vector_store %arg6[%swap3A_107, %swap3A_108], %swap3A_111 {strides = array<i32>} : memref<80x128xf32, #tpu.memory_space<vmem>>, vector<1x16xf32>,
      %broadcast_in_dim3A_112 = arith.constant 0.000000e+00 : f32
      %broadcast_in_dim3A_113 = vector.broadcast %broadcast_in_dim3A_112 : f32 to vector<16xf32>
      %swap3A_114 = arith.index_cast %scan3A_64 : i32 to index
      %swap3A_115 = arith.constant 112 : index
      %swap3A_116 = tpu.vector_load %arg6[%swap3A_114, %swap3A_115] {strides = array<i32>} : memref<80x128xf32, #tpu.memory_space<vmem>>, vector<1x16xf32>,
      %swap3A_117 = vector.shape_cast %swap3A_116 : vector<1x16xf32> to vector<16xf32>
      %swap3A_118 = vector.shape_cast %broadcast_in_dim3A_113 : vector<16xf32> to vector<1x16xf32>
      tpu.vector_store %arg6[%swap3A_114, %swap3A_115], %swap3A_118 {strides = array<i32>} : memref<80x128xf32, #tpu.memory_space<vmem>>, vector<1x16xf32>,
    }
    %scan3A_7 = arith.constant 80 : i32
    %mul3A_8 = arith.constant 640 : i32
    %mul3A_9 = arith.muli %arg1, %mul3A_8 : i32
    %add3A_10 = arith.constant 0 : i32
    %add3A_11 = arith.addi %mul3A_9, %add3A_10 : i32
    "tpu.region"() ({
      %run_scoped3A = tpu.sem_alloc : memref<!tpu.dma_semaphore, #tpu.memory_space<semaphore_mem>>
      %dma_start3A_64 = arith.constant 0 : i32
      %dma_start3A_65 = tpu.memref_slice %arg9[%add3A_11, %dma_start3A_64] : memref<10240x128xf32, #tpu.memory_space<vmem_shared>> -> memref<80x128xf32, #tpu.memory_space<vmem_shared>>
      %dma_start3A_66 = arith.constant 0 : i32
      %dma_start3A_67 = tpu.memref_slice %arg9[%add3A_11, %dma_start3A_66] : memref<10240x128xf32, #tpu.memory_space<vmem_shared>> -> memref<80x128xf32, #tpu.memory_space<vmem_shared>>
      tpu.enqueue_dma source(%arg6 : memref<80x128xf32, #tpu.memory_space<vmem>>) target(%dma_start3A_67 : memref<80x128xf32, #tpu.memory_space<vmem_shared>>) target_semaphore(%run_scoped3A : memref<!tpu.dma_semaphore, #tpu.memory_space<semaphore_mem>>)
      %dma_wait3A = arith.constant 0 : i32
      %dma_wait3A_68 = tpu.memref_slice %arg9[%add3A_11, %dma_wait3A] : memref<10240x128xf32, #tpu.memory_space<vmem_shared>> -> memref<80x128xf32, #tpu.memory_space<vmem_shared>>
      %dma_wait3A_69 = arith.constant 0 : i32
      %dma_wait3A_70 = tpu.memref_slice %arg9[%add3A_11, %dma_wait3A_69] : memref<10240x128xf32, #tpu.memory_space<vmem_shared>> -> memref<80x128xf32, #tpu.memory_space<vmem_shared>>
      tpu.wait_dma2 semaphore(%run_scoped3A : memref<!tpu.dma_semaphore, #tpu.memory_space<semaphore_mem>>) src(%arg6 : memref<80x128xf32, #tpu.memory_space<vmem>>) dst(%dma_wait3A_70 : memref<80x128xf32, #tpu.memory_space<vmem_shared>>)
      tpu.yield
    }) : () -> ()
    %mul3A_12 = arith.constant 640 : i32
    %mul3A_13 = arith.muli %arg1, %mul3A_12 : i32
    %add3A_14 = arith.constant 80 : i32
    %add3A_15 = arith.addi %mul3A_13, %add3A_14 : i32
    "tpu.region"() ({
      %run_scoped3A = tpu.sem_alloc : memref<!tpu.dma_semaphore, #tpu.memory_space<semaphore_mem>>
      %dma_start3A_64 = arith.constant 0 : i32
      %dma_start3A_65 = tpu.memref_slice %arg9[%add3A_15, %dma_start3A_64] : memref<10240x128xf32, #tpu.memory_space<vmem_shared>> -> memref<80x128xf32, #tpu.memory_space<vmem_shared>>
      %dma_start3A_66 = arith.constant 0 : i32
      %dma_start3A_67 = tpu.memref_slice %arg9[%add3A_15, %dma_start3A_66] : memref<10240x128xf32, #tpu.memory_space<vmem_shared>> -> memref<80x128xf32, #tpu.memory_space<vmem_shared>>
      tpu.enqueue_dma source(%arg6 : memref<80x128xf32, #tpu.memory_space<vmem>>) target(%dma_start3A_67 : memref<80x128xf32, #tpu.memory_space<vmem_shared>>) target_semaphore(%run_scoped3A : memref<!tpu.dma_semaphore, #tpu.memory_space<semaphore_mem>>)
      %dma_wait3A = arith.constant 0 : i32
      %dma_wait3A_68 = tpu.memref_slice %arg9[%add3A_15, %dma_wait3A] : memref<10240x128xf32, #tpu.memory_space<vmem_shared>> -> memref<80x128xf32, #tpu.memory_space<vmem_shared>>
      %dma_wait3A_69 = arith.constant 0 : i32
      %dma_wait3A_70 = tpu.memref_slice %arg9[%add3A_15, %dma_wait3A_69] : memref<10240x128xf32, #tpu.memory_space<vmem_shared>> -> memref<80x128xf32, #tpu.memory_space<vmem_shared>>
      tpu.wait_dma2 semaphore(%run_scoped3A : memref<!tpu.dma_semaphore, #tpu.memory_space<semaphore_mem>>) src(%arg6 : memref<80x128xf32, #tpu.memory_space<vmem>>) dst(%dma_wait3A_70 : memref<80x128xf32, #tpu.memory_space<vmem_shared>>)
      tpu.yield
    }) : () -> ()
    %mul3A_16 = arith.constant 640 : i32
    %mul3A_17 = arith.muli %arg1, %mul3A_16 : i32
    %add3A_18 = arith.constant 160 : i32
    %add3A_19 = arith.addi %mul3A_17, %add3A_18 : i32
    "tpu.region"() ({
      %run_scoped3A = tpu.sem_alloc : memref<!tpu.dma_semaphore, #tpu.memory_space<semaphore_mem>>
      %dma_start3A_64 = arith.constant 0 : i32
      %dma_start3A_65 = tpu.memref_slice %arg9[%add3A_19, %dma_start3A_64] : memref<10240x128xf32, #tpu.memory_space<vmem_shared>> -> memref<80x128xf32, #tpu.memory_space<vmem_shared>>
      %dma_start3A_66 = arith.constant 0 : i32
      %dma_start3A_67 = tpu.memref_slice %arg9[%add3A_19, %dma_start3A_66] : memref<10240x128xf32, #tpu.memory_space<vmem_shared>> -> memref<80x128xf32, #tpu.memory_space<vmem_shared>>
      tpu.enqueue_dma source(%arg6 : memref<80x128xf32, #tpu.memory_space<vmem>>) target(%dma_start3A_67 : memref<80x128xf32, #tpu.memory_space<vmem_shared>>) target_semaphore(%run_scoped3A : memref<!tpu.dma_semaphore, #tpu.memory_space<semaphore_mem>>)
      %dma_wait3A = arith.constant 0 : i32
      %dma_wait3A_68 = tpu.memref_slice %arg9[%add3A_19, %dma_wait3A] : memref<10240x128xf32, #tpu.memory_space<vmem_shared>> -> memref<80x128xf32, #tpu.memory_space<vmem_shared>>
      %dma_wait3A_69 = arith.constant 0 : i32
      %dma_wait3A_70 = tpu.memref_slice %arg9[%add3A_19, %dma_wait3A_69] : memref<10240x128xf32, #tpu.memory_space<vmem_shared>> -> memref<80x128xf32, #tpu.memory_space<vmem_shared>>
      tpu.wait_dma2 semaphore(%run_scoped3A : memref<!tpu.dma_semaphore, #tpu.memory_space<semaphore_mem>>) src(%arg6 : memref<80x128xf32, #tpu.memory_space<vmem>>) dst(%dma_wait3A_70 : memref<80x128xf32, #tpu.memory_space<vmem_shared>>)
      tpu.yield
    }) : () -> ()
    %mul3A_20 = arith.constant 640 : i32
    %mul3A_21 = arith.muli %arg1, %mul3A_20 : i32
    %add3A_22 = arith.constant 240 : i32
    %add3A_23 = arith.addi %mul3A_21, %add3A_22 : i32
    "tpu.region"() ({
      %run_scoped3A = tpu.sem_alloc : memref<!tpu.dma_semaphore, #tpu.memory_space<semaphore_mem>>
      %dma_start3A_64 = arith.constant 0 : i32
      %dma_start3A_65 = tpu.memref_slice %arg9[%add3A_23, %dma_start3A_64] : memref<10240x128xf32, #tpu.memory_space<vmem_shared>> -> memref<80x128xf32, #tpu.memory_space<vmem_shared>>
      %dma_start3A_66 = arith.constant 0 : i32
      %dma_start3A_67 = tpu.memref_slice %arg9[%add3A_23, %dma_start3A_66] : memref<10240x128xf32, #tpu.memory_space<vmem_shared>> -> memref<80x128xf32, #tpu.memory_space<vmem_shared>>
      tpu.enqueue_dma source(%arg6 : memref<80x128xf32, #tpu.memory_space<vmem>>) target(%dma_start3A_67 : memref<80x128xf32, #tpu.memory_space<vmem_shared>>) target_semaphore(%run_scoped3A : memref<!tpu.dma_semaphore, #tpu.memory_space<semaphore_mem>>)
      %dma_wait3A = arith.constant 0 : i32
      %dma_wait3A_68 = tpu.memref_slice %arg9[%add3A_23, %dma_wait3A] : memref<10240x128xf32, #tpu.memory_space<vmem_shared>> -> memref<80x128xf32, #tpu.memory_space<vmem_shared>>
      %dma_wait3A_69 = arith.constant 0 : i32
      %dma_wait3A_70 = tpu.memref_slice %arg9[%add3A_23, %dma_wait3A_69] : memref<10240x128xf32, #tpu.memory_space<vmem_shared>> -> memref<80x128xf32, #tpu.memory_space<vmem_shared>>
      tpu.wait_dma2 semaphore(%run_scoped3A : memref<!tpu.dma_semaphore, #tpu.memory_space<semaphore_mem>>) src(%arg6 : memref<80x128xf32, #tpu.memory_space<vmem>>) dst(%dma_wait3A_70 : memref<80x128xf32, #tpu.memory_space<vmem_shared>>)
      tpu.yield
    }) : () -> ()
    %mul3A_24 = arith.constant 640 : i32
    %mul3A_25 = arith.muli %arg1, %mul3A_24 : i32
    %add3A_26 = arith.constant 320 : i32
    %add3A_27 = arith.addi %mul3A_25, %add3A_26 : i32
    "tpu.region"() ({
      %run_scoped3A = tpu.sem_alloc : memref<!tpu.dma_semaphore, #tpu.memory_space<semaphore_mem>>
      %dma_start3A_64 = arith.constant 0 : i32
      %dma_start3A_65 = tpu.memref_slice %arg9[%add3A_27, %dma_start3A_64] : memref<10240x128xf32, #tpu.memory_space<vmem_shared>> -> memref<80x128xf32, #tpu.memory_space<vmem_shared>>
      %dma_start3A_66 = arith.constant 0 : i32
      %dma_start3A_67 = tpu.memref_slice %arg9[%add3A_27, %dma_start3A_66] : memref<10240x128xf32, #tpu.memory_space<vmem_shared>> -> memref<80x128xf32, #tpu.memory_space<vmem_shared>>
      tpu.enqueue_dma source(%arg6 : memref<80x128xf32, #tpu.memory_space<vmem>>) target(%dma_start3A_67 : memref<80x128xf32, #tpu.memory_space<vmem_shared>>) target_semaphore(%run_scoped3A : memref<!tpu.dma_semaphore, #tpu.memory_space<semaphore_mem>>)
      %dma_wait3A = arith.constant 0 : i32
      %dma_wait3A_68 = tpu.memref_slice %arg9[%add3A_27, %dma_wait3A] : memref<10240x128xf32, #tpu.memory_space<vmem_shared>> -> memref<80x128xf32, #tpu.memory_space<vmem_shared>>
      %dma_wait3A_69 = arith.constant 0 : i32
      %dma_wait3A_70 = tpu.memref_slice %arg9[%add3A_27, %dma_wait3A_69] : memref<10240x128xf32, #tpu.memory_space<vmem_shared>> -> memref<80x128xf32, #tpu.memory_space<vmem_shared>>
      tpu.wait_dma2 semaphore(%run_scoped3A : memref<!tpu.dma_semaphore, #tpu.memory_space<semaphore_mem>>) src(%arg6 : memref<80x128xf32, #tpu.memory_space<vmem>>) dst(%dma_wait3A_70 : memref<80x128xf32, #tpu.memory_space<vmem_shared>>)
      tpu.yield
    }) : () -> ()
    %mul3A_28 = arith.constant 640 : i32
    %mul3A_29 = arith.muli %arg1, %mul3A_28 : i32
    %add3A_30 = arith.constant 400 : i32
    %add3A_31 = arith.addi %mul3A_29, %add3A_30 : i32
    "tpu.region"() ({
      %run_scoped3A = tpu.sem_alloc : memref<!tpu.dma_semaphore, #tpu.memory_space<semaphore_mem>>
      %dma_start3A_64 = arith.constant 0 : i32
      %dma_start3A_65 = tpu.memref_slice %arg9[%add3A_31, %dma_start3A_64] : memref<10240x128xf32, #tpu.memory_space<vmem_shared>> -> memref<80x128xf32, #tpu.memory_space<vmem_shared>>
      %dma_start3A_66 = arith.constant 0 : i32
      %dma_start3A_67 = tpu.memref_slice %arg9[%add3A_31, %dma_start3A_66] : memref<10240x128xf32, #tpu.memory_space<vmem_shared>> -> memref<80x128xf32, #tpu.memory_space<vmem_shared>>
      tpu.enqueue_dma source(%arg6 : memref<80x128xf32, #tpu.memory_space<vmem>>) target(%dma_start3A_67 : memref<80x128xf32, #tpu.memory_space<vmem_shared>>) target_semaphore(%run_scoped3A : memref<!tpu.dma_semaphore, #tpu.memory_space<semaphore_mem>>)
      %dma_wait3A = arith.constant 0 : i32
      %dma_wait3A_68 = tpu.memref_slice %arg9[%add3A_31, %dma_wait3A] : memref<10240x128xf32, #tpu.memory_space<vmem_shared>> -> memref<80x128xf32, #tpu.memory_space<vmem_shared>>
      %dma_wait3A_69 = arith.constant 0 : i32
      %dma_wait3A_70 = tpu.memref_slice %arg9[%add3A_31, %dma_wait3A_69] : memref<10240x128xf32, #tpu.memory_space<vmem_shared>> -> memref<80x128xf32, #tpu.memory_space<vmem_shared>>
      tpu.wait_dma2 semaphore(%run_scoped3A : memref<!tpu.dma_semaphore, #tpu.memory_space<semaphore_mem>>) src(%arg6 : memref<80x128xf32, #tpu.memory_space<vmem>>) dst(%dma_wait3A_70 : memref<80x128xf32, #tpu.memory_space<vmem_shared>>)
      tpu.yield
    }) : () -> ()
    %mul3A_32 = arith.constant 640 : i32
    %mul3A_33 = arith.muli %arg1, %mul3A_32 : i32
    %add3A_34 = arith.constant 480 : i32
    %add3A_35 = arith.addi %mul3A_33, %add3A_34 : i32
    "tpu.region"() ({
      %run_scoped3A = tpu.sem_alloc : memref<!tpu.dma_semaphore, #tpu.memory_space<semaphore_mem>>
      %dma_start3A_64 = arith.constant 0 : i32
      %dma_start3A_65 = tpu.memref_slice %arg9[%add3A_35, %dma_start3A_64] : memref<10240x128xf32, #tpu.memory_space<vmem_shared>> -> memref<80x128xf32, #tpu.memory_space<vmem_shared>>
      %dma_start3A_66 = arith.constant 0 : i32
      %dma_start3A_67 = tpu.memref_slice %arg9[%add3A_35, %dma_start3A_66] : memref<10240x128xf32, #tpu.memory_space<vmem_shared>> -> memref<80x128xf32, #tpu.memory_space<vmem_shared>>
      tpu.enqueue_dma source(%arg6 : memref<80x128xf32, #tpu.memory_space<vmem>>) target(%dma_start3A_67 : memref<80x128xf32, #tpu.memory_space<vmem_shared>>) target_semaphore(%run_scoped3A : memref<!tpu.dma_semaphore, #tpu.memory_space<semaphore_mem>>)
      %dma_wait3A = arith.constant 0 : i32
      %dma_wait3A_68 = tpu.memref_slice %arg9[%add3A_35, %dma_wait3A] : memref<10240x128xf32, #tpu.memory_space<vmem_shared>> -> memref<80x128xf32, #tpu.memory_space<vmem_shared>>
      %dma_wait3A_69 = arith.constant 0 : i32
      %dma_wait3A_70 = tpu.memref_slice %arg9[%add3A_35, %dma_wait3A_69] : memref<10240x128xf32, #tpu.memory_space<vmem_shared>> -> memref<80x128xf32, #tpu.memory_space<vmem_shared>>
      tpu.wait_dma2 semaphore(%run_scoped3A : memref<!tpu.dma_semaphore, #tpu.memory_space<semaphore_mem>>) src(%arg6 : memref<80x128xf32, #tpu.memory_space<vmem>>) dst(%dma_wait3A_70 : memref<80x128xf32, #tpu.memory_space<vmem_shared>>)
      tpu.yield
    }) : () -> ()
    %mul3A_36 = arith.constant 640 : i32
    %mul3A_37 = arith.muli %arg1, %mul3A_36 : i32
    %add3A_38 = arith.constant 560 : i32
    %add3A_39 = arith.addi %mul3A_37, %add3A_38 : i32
    "tpu.region"() ({
      %run_scoped3A = tpu.sem_alloc : memref<!tpu.dma_semaphore, #tpu.memory_space<semaphore_mem>>
      %dma_start3A_64 = arith.constant 0 : i32
      %dma_start3A_65 = tpu.memref_slice %arg9[%add3A_39, %dma_start3A_64] : memref<10240x128xf32, #tpu.memory_space<vmem_shared>> -> memref<80x128xf32, #tpu.memory_space<vmem_shared>>
      %dma_start3A_66 = arith.constant 0 : i32
      %dma_start3A_67 = tpu.memref_slice %arg9[%add3A_39, %dma_start3A_66] : memref<10240x128xf32, #tpu.memory_space<vmem_shared>> -> memref<80x128xf32, #tpu.memory_space<vmem_shared>>
      tpu.enqueue_dma source(%arg6 : memref<80x128xf32, #tpu.memory_space<vmem>>) target(%dma_start3A_67 : memref<80x128xf32, #tpu.memory_space<vmem_shared>>) target_semaphore(%run_scoped3A : memref<!tpu.dma_semaphore, #tpu.memory_space<semaphore_mem>>)
      %dma_wait3A = arith.constant 0 : i32
      %dma_wait3A_68 = tpu.memref_slice %arg9[%add3A_39, %dma_wait3A] : memref<10240x128xf32, #tpu.memory_space<vmem_shared>> -> memref<80x128xf32, #tpu.memory_space<vmem_shared>>
      %dma_wait3A_69 = arith.constant 0 : i32
      %dma_wait3A_70 = tpu.memref_slice %arg9[%add3A_39, %dma_wait3A_69] : memref<10240x128xf32, #tpu.memory_space<vmem_shared>> -> memref<80x128xf32, #tpu.memory_space<vmem_shared>>
      tpu.wait_dma2 semaphore(%run_scoped3A : memref<!tpu.dma_semaphore, #tpu.memory_space<semaphore_mem>>) src(%arg6 : memref<80x128xf32, #tpu.memory_space<vmem>>) dst(%dma_wait3A_70 : memref<80x128xf32, #tpu.memory_space<vmem_shared>>)
      tpu.yield
    }) : () -> ()
    %barrier3A = arith.constant 0 : index
    tpu.barrier barrier_id(%barrier3A)
    %add3A_40 = arith.constant 0 : i32
    %add3A_41 = arith.addi %mul3A_2, %add3A_40 : i32
    %dma_start3A = arith.constant 0 : i32
    %dma_start3A_42 = tpu.memref_slice %arg2[%add3A_41, %dma_start3A] : memref<320000x128xf32, #tpu.memory_space<hbm>> -> memref<80x128xf32, #tpu.memory_space<hbm>>
    %dma_start3A_43 = arith.constant 0 : i32
    %dma_start3A_44 = tpu.memref_slice %arg2[%add3A_41, %dma_start3A_43] : memref<320000x128xf32, #tpu.memory_space<hbm>> -> memref<80x128xf32, #tpu.memory_space<hbm>>
    tpu.enqueue_dma source(%dma_start3A_44 : memref<80x128xf32, #tpu.memory_space<hbm>>) target(%arg7 : memref<80x128xf32, #tpu.memory_space<vmem>>) target_semaphore(%arg10 : memref<!tpu.dma_semaphore, #tpu.memory_space<semaphore_mem>>)
    %add3A_45 = arith.constant 80 : i32
    %add3A_46 = arith.addi %mul3A_2, %add3A_45 : i32
    %dma_start3A_47 = arith.constant 0 : i32
    %dma_start3A_48 = tpu.memref_slice %arg2[%add3A_46, %dma_start3A_47] : memref<320000x128xf32, #tpu.memory_space<hbm>> -> memref<80x128xf32, #tpu.memory_space<hbm>>
    %dma_start3A_49 = arith.constant 0 : i32
    %dma_start3A_50 = tpu.memref_slice %arg2[%add3A_46, %dma_start3A_49] : memref<320000x128xf32, #tpu.memory_space<hbm>> -> memref<80x128xf32, #tpu.memory_space<hbm>>
    tpu.enqueue_dma source(%dma_start3A_50 : memref<80x128xf32, #tpu.memory_space<hbm>>) target(%arg8 : memref<80x128xf32, #tpu.memory_space<vmem>>) target_semaphore(%arg11 : memref<!tpu.dma_semaphore, #tpu.memory_space<semaphore_mem>>)
    %scan3A_51 = arith.constant 0 : i32
    %scan3A_52 = arith.constant 0 : i32
    %scan3A_53 = arith.constant 63 : i32
    %scan3A_54 = arith.addi %scan3A_52, %scan3A_53 : i32
    %scan3A_55 = arith.constant 1 : i32
    scf.for %scan3A_64 = %scan3A_52 to %scan3A_54 step %scan3A_55  : i32 {
      %mul3A_65 = arith.constant 2 : i32
      %mul3A_66 = arith.muli %scan3A_64, %mul3A_65 : i32
      %add3A_67 = arith.constant 0 : i32
      %add3A_68 = arith.addi %mul3A_66, %add3A_67 : i32
      %lt3A_69 = arith.constant 125 : i32
      %lt3A_70 = arith.cmpi slt, %add3A_68, %lt3A_69 : i32
      %convert_element_type3A_71 = arith.extui %lt3A_70 : i1 to i32
      %cond3A_72 = arith.constant 0 : i32
      %cond3A_73 = arith.cmpi ne, %convert_element_type3A_71, %cond3A_72 : i32
      scf.if %cond3A_73 {
        %mul3A_97 = arith.constant 80 : i32
        %mul3A_98 = arith.muli %add3A_68, %mul3A_97 : i32
        %add3A_99 = arith.addi %mul3A_2, %mul3A_98 : i32
        %dma_wait3A = arith.constant 0 : i32
        %dma_wait3A_100 = tpu.memref_slice %arg2[%add3A_99, %dma_wait3A] : memref<320000x128xf32, #tpu.memory_space<hbm>> -> memref<80x128xf32, #tpu.memory_space<hbm>>
        %dma_wait3A_101 = arith.constant 0 : i32
        %dma_wait3A_102 = tpu.memref_slice %arg2[%add3A_99, %dma_wait3A_101] : memref<320000x128xf32, #tpu.memory_space<hbm>> -> memref<80x128xf32, #tpu.memory_space<hbm>>
        tpu.wait_dma2 semaphore(%arg10 : memref<!tpu.dma_semaphore, #tpu.memory_space<semaphore_mem>>) src(%dma_wait3A_102 : memref<80x128xf32, #tpu.memory_space<hbm>>) dst(%arg7 : memref<80x128xf32, #tpu.memory_space<vmem>>)
        "tpu.region"() ({
          %run_scoped3A = tpu.sem_alloc : memref<!tpu.dma_semaphore, #tpu.memory_space<semaphore_mem>>
          %dma_start3A_103 = arith.constant 0 : i32
          %dma_start3A_104 = tpu.memref_slice %arg5[%add3A_68, %dma_start3A_103] : memref<125x80xi32, #tpu.memory_space<vmem>> -> memref<1x80xi32, #tpu.memory_space<vmem>>
          %dma_start3A_105 = tpu.memref_squeeze %dma_start3A_104 : memref<1x80xi32, #tpu.memory_space<vmem>> -> memref<80xi32, #tpu.memory_space<vmem>>
          %dma_start3A_106 = arith.constant 0 : i32
          %dma_start3A_107 = arith.constant 0 : i32
          %dma_start3A_108 = tpu.memref_slice %arg9[%dma_start3A_106, %dma_start3A_107] : memref<10240x128xf32, #tpu.memory_space<vmem_shared>> -> memref<10240x128xf32, #tpu.memory_space<vmem_shared>>
          tpu.enqueue_indirect_dma source(%arg7 : memref<80x128xf32, #tpu.memory_space<vmem>>) target(%dma_start3A_108 : memref<10240x128xf32, #tpu.memory_space<vmem_shared>>) offsets(%dma_start3A_105 : memref<80xi32, #tpu.memory_space<vmem>>) semaphore(%run_scoped3A : memref<!tpu.dma_semaphore, #tpu.memory_space<semaphore_mem>>) {add = true}
          %dma_wait3A_109 = arith.constant 0 : i32
          %dma_wait3A_110 = tpu.memref_slice %arg5[%add3A_68, %dma_wait3A_109] : memref<125x80xi32, #tpu.memory_space<vmem>> -> memref<1x80xi32, #tpu.memory_space<vmem>>
          %dma_wait3A_111 = tpu.memref_squeeze %dma_wait3A_110 : memref<1x80xi32, #tpu.memory_space<vmem>> -> memref<80xi32, #tpu.memory_space<vmem>>
          %dma_wait3A_112 = arith.constant 0 : i32
          %dma_wait3A_113 = arith.constant 0 : i32
          %dma_wait3A_114 = tpu.memref_slice %arg9[%dma_wait3A_112, %dma_wait3A_113] : memref<10240x128xf32, #tpu.memory_space<vmem_shared>> -> memref<10240x128xf32, #tpu.memory_space<vmem_shared>>
          tpu.wait_indirect_dma semaphore(%run_scoped3A : memref<!tpu.dma_semaphore, #tpu.memory_space<semaphore_mem>>) src(%arg7 : memref<80x128xf32, #tpu.memory_space<vmem>>) dst(%dma_wait3A_114 : memref<10240x128xf32, #tpu.memory_space<vmem_shared>>)
          tpu.yield
        }) : () -> ()
      } else {
      }
      %add3A_74 = arith.constant 2 : i32
      %add3A_75 = arith.addi %add3A_68, %add3A_74 : i32
      %lt3A_76 = arith.constant 125 : i32
      %lt3A_77 = arith.cmpi slt, %add3A_75, %lt3A_76 : i32
      %convert_element_type3A_78 = arith.extui %lt3A_77 : i1 to i32
      %cond3A_79 = arith.constant 0 : i32
      %cond3A_80 = arith.cmpi ne, %convert_element_type3A_78, %cond3A_79 : i32
      scf.if %cond3A_80 {
        %add3A_97 = arith.constant 2 : i32
        %add3A_98 = arith.addi %add3A_68, %add3A_97 : i32
        %mul3A_99 = arith.constant 80 : i32
        %mul3A_100 = arith.muli %add3A_98, %mul3A_99 : i32
        %add3A_101 = arith.addi %mul3A_2, %mul3A_100 : i32
        %dma_start3A_102 = arith.constant 0 : i32
        %dma_start3A_103 = tpu.memref_slice %arg2[%add3A_101, %dma_start3A_102] : memref<320000x128xf32, #tpu.memory_space<hbm>> -> memref<80x128xf32, #tpu.memory_space<hbm>>
        %dma_start3A_104 = arith.constant 0 : i32
        %dma_start3A_105 = tpu.memref_slice %arg2[%add3A_101, %dma_start3A_104] : memref<320000x128xf32, #tpu.memory_space<hbm>> -> memref<80x128xf32, #tpu.memory_space<hbm>>
        tpu.enqueue_dma source(%dma_start3A_105 : memref<80x128xf32, #tpu.memory_space<hbm>>) target(%arg7 : memref<80x128xf32, #tpu.memory_space<vmem>>) target_semaphore(%arg10 : memref<!tpu.dma_semaphore, #tpu.memory_space<semaphore_mem>>)
      } else {
      }
      %mul3A_81 = arith.constant 2 : i32
      %mul3A_82 = arith.muli %scan3A_64, %mul3A_81 : i32
      %add3A_83 = arith.constant 1 : i32
      %add3A_84 = arith.addi %mul3A_82, %add3A_83 : i32
      %lt3A_85 = arith.constant 125 : i32
      %lt3A_86 = arith.cmpi slt, %add3A_84, %lt3A_85 : i32
      %convert_element_type3A_87 = arith.extui %lt3A_86 : i1 to i32
      %cond3A_88 = arith.constant 0 : i32
      %cond3A_89 = arith.cmpi ne, %convert_element_type3A_87, %cond3A_88 : i32
      scf.if %cond3A_89 {
        %mul3A_97 = arith.constant 80 : i32
        %mul3A_98 = arith.muli %add3A_84, %mul3A_97 : i32
        %add3A_99 = arith.addi %mul3A_2, %mul3A_98 : i32
        %dma_wait3A = arith.constant 0 : i32
        %dma_wait3A_100 = tpu.memref_slice %arg2[%add3A_99, %dma_wait3A] : memref<320000x128xf32, #tpu.memory_space<hbm>> -> memref<80x128xf32, #tpu.memory_space<hbm>>
        %dma_wait3A_101 = arith.constant 0 : i32
        %dma_wait3A_102 = tpu.memref_slice %arg2[%add3A_99, %dma_wait3A_101] : memref<320000x128xf32, #tpu.memory_space<hbm>> -> memref<80x128xf32, #tpu.memory_space<hbm>>
        tpu.wait_dma2 semaphore(%arg11 : memref<!tpu.dma_semaphore, #tpu.memory_space<semaphore_mem>>) src(%dma_wait3A_102 : memref<80x128xf32, #tpu.memory_space<hbm>>) dst(%arg8 : memref<80x128xf32, #tpu.memory_space<vmem>>)
        "tpu.region"() ({
          %run_scoped3A = tpu.sem_alloc : memref<!tpu.dma_semaphore, #tpu.memory_space<semaphore_mem>>
          %dma_start3A_103 = arith.constant 0 : i32
          %dma_start3A_104 = tpu.memref_slice %arg5[%add3A_84, %dma_start3A_103] : memref<125x80xi32, #tpu.memory_space<vmem>> -> memref<1x80xi32, #tpu.memory_space<vmem>>
          %dma_start3A_105 = tpu.memref_squeeze %dma_start3A_104 : memref<1x80xi32, #tpu.memory_space<vmem>> -> memref<80xi32, #tpu.memory_space<vmem>>
          %dma_start3A_106 = arith.constant 0 : i32
          %dma_start3A_107 = arith.constant 0 : i32
          %dma_start3A_108 = tpu.memref_slice %arg9[%dma_start3A_106, %dma_start3A_107] : memref<10240x128xf32, #tpu.memory_space<vmem_shared>> -> memref<10240x128xf32, #tpu.memory_space<vmem_shared>>
          tpu.enqueue_indirect_dma source(%arg8 : memref<80x128xf32, #tpu.memory_space<vmem>>) target(%dma_start3A_108 : memref<10240x128xf32, #tpu.memory_space<vmem_shared>>) offsets(%dma_start3A_105 : memref<80xi32, #tpu.memory_space<vmem>>) semaphore(%run_scoped3A : memref<!tpu.dma_semaphore, #tpu.memory_space<semaphore_mem>>) {add = true}
          %dma_wait3A_109 = arith.constant 0 : i32
          %dma_wait3A_110 = tpu.memref_slice %arg5[%add3A_84, %dma_wait3A_109] : memref<125x80xi32, #tpu.memory_space<vmem>> -> memref<1x80xi32, #tpu.memory_space<vmem>>
          %dma_wait3A_111 = tpu.memref_squeeze %dma_wait3A_110 : memref<1x80xi32, #tpu.memory_space<vmem>> -> memref<80xi32, #tpu.memory_space<vmem>>
          %dma_wait3A_112 = arith.constant 0 : i32
          %dma_wait3A_113 = arith.constant 0 : i32
          %dma_wait3A_114 = tpu.memref_slice %arg9[%dma_wait3A_112, %dma_wait3A_113] : memref<10240x128xf32, #tpu.memory_space<vmem_shared>> -> memref<10240x128xf32, #tpu.memory_space<vmem_shared>>
          tpu.wait_indirect_dma semaphore(%run_scoped3A : memref<!tpu.dma_semaphore, #tpu.memory_space<semaphore_mem>>) src(%arg8 : memref<80x128xf32, #tpu.memory_space<vmem>>) dst(%dma_wait3A_114 : memref<10240x128xf32, #tpu.memory_space<vmem_shared>>)
          tpu.yield
        }) : () -> ()
      } else {
      }
      %add3A_90 = arith.constant 2 : i32
      %add3A_91 = arith.addi %add3A_84, %add3A_90 : i32
      %lt3A_92 = arith.constant 125 : i32
      %lt3A_93 = arith.cmpi slt, %add3A_91, %lt3A_92 : i32
      %convert_element_type3A_94 = arith.extui %lt3A_93 : i1 to i32
      %cond3A_95 = arith.constant 0 : i32
      %cond3A_96 = arith.cmpi ne, %convert_element_type3A_94, %cond3A_95 : i32
      scf.if %cond3A_96 {
        %add3A_97 = arith.constant 2 : i32
        %add3A_98 = arith.addi %add3A_84, %add3A_97 : i32
        %mul3A_99 = arith.constant 80 : i32
        %mul3A_100 = arith.muli %add3A_98, %mul3A_99 : i32
        %add3A_101 = arith.addi %mul3A_2, %mul3A_100 : i32
        %dma_start3A_102 = arith.constant 0 : i32
        %dma_start3A_103 = tpu.memref_slice %arg2[%add3A_101, %dma_start3A_102] : memref<320000x128xf32, #tpu.memory_space<hbm>> -> memref<80x128xf32, #tpu.memory_space<hbm>>
        %dma_start3A_104 = arith.constant 0 : i32
        %dma_start3A_105 = tpu.memref_slice %arg2[%add3A_101, %dma_start3A_104] : memref<320000x128xf32, #tpu.memory_space<hbm>> -> memref<80x128xf32, #tpu.memory_space<hbm>>
        tpu.enqueue_dma source(%dma_start3A_105 : memref<80x128xf32, #tpu.memory_space<hbm>>) target(%arg8 : memref<80x128xf32, #tpu.memory_space<vmem>>) target_semaphore(%arg11 : memref<!tpu.dma_semaphore, #tpu.memory_space<semaphore_mem>>)
      } else {
      }
    }
    %scan3A_56 = arith.constant 63 : i32
    %barrier3A_57 = arith.constant 0 : index
    tpu.barrier barrier_id(%barrier3A_57)
    %lt3A = arith.constant 15 : i32
    %lt3A_58 = arith.cmpi slt, %arg1, %lt3A : i32
    %convert_element_type3A = arith.extui %lt3A_58 : i1 to i32
    %cond3A = arith.constant 0 : i32
    %cond3A_59 = arith.cmpi ne, %convert_element_type3A, %cond3A : i32
    scf.if %cond3A_59 {
      %mul3A_64 = arith.constant 640 : i32
      %mul3A_65 = arith.muli %arg1, %mul3A_64 : i32
      %mul3A_66 = arith.constant 10000 : i32
      %mul3A_67 = arith.muli %arg0, %mul3A_66 : i32
      %mul3A_68 = arith.constant 640 : i32
      %mul3A_69 = arith.muli %arg1, %mul3A_68 : i32
      %add3A_70 = arith.addi %mul3A_67, %mul3A_69 : i32
      "tpu.region"() ({
        %run_scoped3A = tpu.sem_alloc : memref<!tpu.dma_semaphore, #tpu.memory_space<semaphore_mem>>
        %dma_start3A_71 = arith.constant 0 : i32
        %dma_start3A_72 = tpu.memref_slice %arg4[%add3A_70, %dma_start3A_71] : memref<20000x128xf32, #tpu.memory_space<hbm>> -> memref<640x128xf32, #tpu.memory_space<hbm>>
        %dma_start3A_73 = arith.constant 0 : i32
        %dma_start3A_74 = tpu.memref_slice %arg9[%mul3A_65, %dma_start3A_73] : memref<10240x128xf32, #tpu.memory_space<vmem_shared>> -> memref<640x128xf32, #tpu.memory_space<vmem_shared>>
        tpu.enqueue_dma source(%dma_start3A_74 : memref<640x128xf32, #tpu.memory_space<vmem_shared>>) target(%dma_start3A_72 : memref<640x128xf32, #tpu.memory_space<hbm>>) target_semaphore(%run_scoped3A : memref<!tpu.dma_semaphore, #tpu.memory_space<semaphore_mem>>)
        %dma_wait3A = arith.constant 0 : i32
        %dma_wait3A_75 = tpu.memref_slice %arg4[%add3A_70, %dma_wait3A] : memref<20000x128xf32, #tpu.memory_space<hbm>> -> memref<640x128xf32, #tpu.memory_space<hbm>>
        %dma_wait3A_76 = arith.constant 0 : i32
        %dma_wait3A_77 = tpu.memref_slice %arg9[%mul3A_65, %dma_wait3A_76] : memref<10240x128xf32, #tpu.memory_space<vmem_shared>> -> memref<640x128xf32, #tpu.memory_space<vmem_shared>>
        tpu.wait_dma2 semaphore(%run_scoped3A : memref<!tpu.dma_semaphore, #tpu.memory_space<semaphore_mem>>) src(%dma_wait3A_77 : memref<640x128xf32, #tpu.memory_space<vmem_shared>>) dst(%dma_wait3A_75 : memref<640x128xf32, #tpu.memory_space<hbm>>)
        tpu.yield
      }) : () -> ()
    } else {
    }
    %eq3A = arith.constant 15 : i32
    %eq3A_60 = arith.cmpi eq, %arg1, %eq3A : i32
    %convert_element_type3A_61 = arith.extui %eq3A_60 : i1 to i32
    %cond3A_62 = arith.constant 0 : i32
    %cond3A_63 = arith.cmpi ne, %convert_element_type3A_61, %cond3A_62 : i32
    scf.if %cond3A_63 {
      %mul3A_64 = arith.constant 10000 : i32
      %mul3A_65 = arith.muli %arg0, %mul3A_64 : i32
      %add3A_66 = arith.constant 9600 : i32
      %add3A_67 = arith.addi %mul3A_65, %add3A_66 : i32
      "tpu.region"() ({
        %run_scoped3A = tpu.sem_alloc : memref<!tpu.dma_semaphore, #tpu.memory_space<semaphore_mem>>
        %dma_start3A_68 = arith.constant 0 : i32
        %dma_start3A_69 = tpu.memref_slice %arg4[%add3A_67, %dma_start3A_68] : memref<20000x128xf32, #tpu.memory_space<hbm>> -> memref<400x128xf32, #tpu.memory_space<hbm>>
        %dma_start3A_70 = arith.constant 9600 : i32
        %dma_start3A_71 = arith.constant 0 : i32
        %dma_start3A_72 = tpu.memref_slice %arg9[%dma_start3A_70, %dma_start3A_71] : memref<10240x128xf32, #tpu.memory_space<vmem_shared>> -> memref<400x128xf32, #tpu.memory_space<vmem_shared>>
        tpu.enqueue_dma source(%dma_start3A_72 : memref<400x128xf32, #tpu.memory_space<vmem_shared>>) target(%dma_start3A_69 : memref<400x128xf32, #tpu.memory_space<hbm>>) target_semaphore(%run_scoped3A : memref<!tpu.dma_semaphore, #tpu.memory_space<semaphore_mem>>)
        %dma_wait3A = arith.constant 0 : i32
        %dma_wait3A_73 = tpu.memref_slice %arg4[%add3A_67, %dma_wait3A] : memref<20000x128xf32, #tpu.memory_space<hbm>> -> memref<400x128xf32, #tpu.memory_space<hbm>>
        %dma_wait3A_74 = arith.constant 9600 : i32
        %dma_wait3A_75 = arith.constant 0 : i32
        %dma_wait3A_76 = tpu.memref_slice %arg9[%dma_wait3A_74, %dma_wait3A_75] : memref<10240x128xf32, #tpu.memory_space<vmem_shared>> -> memref<400x128xf32, #tpu.memory_space<vmem_shared>>
        tpu.wait_dma2 semaphore(%run_scoped3A : memref<!tpu.dma_semaphore, #tpu.memory_space<semaphore_mem>>) src(%dma_wait3A_76 : memref<400x128xf32, #tpu.memory_space<vmem_shared>>) dst(%dma_wait3A_73 : memref<400x128xf32, #tpu.memory_space<hbm>>)
        tpu.yield
      }) : () -> ()
    } else {
    }
    return
  }
}

#map = affine_map<(d0, d1) -> (0, 0)>
#map1 = affine_map<(d0, d1) -> (0, 0, 0)>
module attributes {stable_mosaic.version = 14 : i64} {
  func.func @_sc_scatter(%arg0: i32, %arg1: i32, %arg2: memref<320000x128xf32, #tpu.memory_space<hbm>>, %arg3: memref<32x125x80xi32, #tpu.memory_space<hbm>>, %arg4: memref<20000x128xf32, #tpu.memory_space<hbm>>, %arg5: memref<125x80xi32, #tpu.memory_space<vmem>>, %arg6: memref<80x128xf32, #tpu.memory_space<vmem>>, %arg7: memref<80x128xf32, #tpu.memory_space<vmem>>, %arg8: memref<80x128xf32, #tpu.memory_space<vmem>>, %arg9: memref<10240x128xf32, #tpu.memory_space<vmem_shared>>, %arg10: memref<!tpu.dma_semaphore, #tpu.memory_space<semaphore_mem>>, %arg11: memref<!tpu.dma_semaphore, #tpu.memory_space<semaphore_mem>>) attributes {dimension_semantics = [#tpu.dimension_semantics<core_parallel>, #tpu.dimension_semantics<subcore_parallel>], iteration_bounds = array<i64: 2, 16>, scalar_prefetch = 0 : i64, scratch_operands = 7 : i64, tpu.core_type = #tpu.core_type<sc_vector_subcore>, window_params = [{transform_indices = #map}, {transform_indices = #map1}, {transform_indices = #map}]} {
    %mul3A = arith.constant 16 : i32
    %mul3A_0 = arith.muli %arg0, %mul3A : i32
    %add3A = arith.addi %mul3A_0, %arg1 : i32
    %mul3A_1 = arith.constant 10000 : i32
    %mul3A_2 = arith.muli %add3A, %mul3A_1 : i32
    "tpu.region"() ({
      %run_scoped3A = tpu.sem_alloc : memref<!tpu.dma_semaphore, #tpu.memory_space<semaphore_mem>>
      %dma_start3A_64 = arith.constant 0 : i32
      %dma_start3A_65 = arith.constant 0 : i32
      %dma_start3A_66 = tpu.memref_slice %arg3[%add3A, %dma_start3A_64, %dma_start3A_65] : memref<32x125x80xi32, #tpu.memory_space<hbm>> -> memref<1x125x80xi32, #tpu.memory_space<hbm>>
      %dma_start3A_67 = tpu.memref_squeeze %dma_start3A_66 : memref<1x125x80xi32, #tpu.memory_space<hbm>> -> memref<125x80xi32, #tpu.memory_space<hbm>>
      %dma_start3A_68 = arith.constant 0 : i32
      %dma_start3A_69 = arith.constant 0 : i32
      %dma_start3A_70 = tpu.memref_slice %arg3[%add3A, %dma_start3A_68, %dma_start3A_69] : memref<32x125x80xi32, #tpu.memory_space<hbm>> -> memref<1x125x80xi32, #tpu.memory_space<hbm>>
      %dma_start3A_71 = tpu.memref_squeeze %dma_start3A_70 : memref<1x125x80xi32, #tpu.memory_space<hbm>> -> memref<125x80xi32, #tpu.memory_space<hbm>>
      tpu.enqueue_dma source(%dma_start3A_71 : memref<125x80xi32, #tpu.memory_space<hbm>>) target(%arg5 : memref<125x80xi32, #tpu.memory_space<vmem>>) target_semaphore(%run_scoped3A : memref<!tpu.dma_semaphore, #tpu.memory_space<semaphore_mem>>)
      %dma_wait3A = arith.constant 0 : i32
      %dma_wait3A_72 = arith.constant 0 : i32
      %dma_wait3A_73 = tpu.memref_slice %arg3[%add3A, %dma_wait3A, %dma_wait3A_72] : memref<32x125x80xi32, #tpu.memory_space<hbm>> -> memref<1x125x80xi32, #tpu.memory_space<hbm>>
      %dma_wait3A_74 = tpu.memref_squeeze %dma_wait3A_73 : memref<1x125x80xi32, #tpu.memory_space<hbm>> -> memref<125x80xi32, #tpu.memory_space<hbm>>
      %dma_wait3A_75 = arith.constant 0 : i32
      %dma_wait3A_76 = arith.constant 0 : i32
      %dma_wait3A_77 = tpu.memref_slice %arg3[%add3A, %dma_wait3A_75, %dma_wait3A_76] : memref<32x125x80xi32, #tpu.memory_space<hbm>> -> memref<1x125x80xi32, #tpu.memory_space<hbm>>
      %dma_wait3A_78 = tpu.memref_squeeze %dma_wait3A_77 : memref<1x125x80xi32, #tpu.memory_space<hbm>> -> memref<125x80xi32, #tpu.memory_space<hbm>>
      tpu.wait_dma2 semaphore(%run_scoped3A : memref<!tpu.dma_semaphore, #tpu.memory_space<semaphore_mem>>) src(%dma_wait3A_78 : memref<125x80xi32, #tpu.memory_space<hbm>>) dst(%arg5 : memref<125x80xi32, #tpu.memory_space<vmem>>)
      tpu.yield
    }) : () -> ()
    %scan3A = arith.constant 0 : i32
    %scan3A_3 = arith.constant 0 : i32
    %scan3A_4 = arith.constant 80 : i32
    %scan3A_5 = arith.addi %scan3A_3, %scan3A_4 : i32
    %scan3A_6 = arith.constant 1 : i32
    scf.for %scan3A_64 = %scan3A_3 to %scan3A_5 step %scan3A_6  : i32 {
      %broadcast_in_dim3A = arith.constant 0.000000e+00 : f32
      %broadcast_in_dim3A_65 = vector.broadcast %broadcast_in_dim3A : f32 to vector<16xf32>
      %swap3A = arith.index_cast %scan3A_64 : i32 to index
      %swap3A_66 = arith.constant 0 : index
      %swap3A_67 = tpu.vector_load %arg6[%swap3A, %swap3A_66] {strides = array<i32>} : memref<80x128xf32, #tpu.memory_space<vmem>>, vector<1x16xf32>,
      %swap3A_68 = vector.shape_cast %swap3A_67 : vector<1x16xf32> to vector<16xf32>
      %swap3A_69 = vector.shape_cast %broadcast_in_dim3A_65 : vector<16xf32> to vector<1x16xf32>
      tpu.vector_store %arg6[%swap3A, %swap3A_66], %swap3A_69 {strides = array<i32>} : memref<80x128xf32, #tpu.memory_space<vmem>>, vector<1x16xf32>,
      %broadcast_in_dim3A_70 = arith.constant 0.000000e+00 : f32
      %broadcast_in_dim3A_71 = vector.broadcast %broadcast_in_dim3A_70 : f32 to vector<16xf32>
      %swap3A_72 = arith.index_cast %scan3A_64 : i32 to index
      %swap3A_73 = arith.constant 16 : index
      %swap3A_74 = tpu.vector_load %arg6[%swap3A_72, %swap3A_73] {strides = array<i32>} : memref<80x128xf32, #tpu.memory_space<vmem>>, vector<1x16xf32>,
      %swap3A_75 = vector.shape_cast %swap3A_74 : vector<1x16xf32> to vector<16xf32>
      %swap3A_76 = vector.shape_cast %broadcast_in_dim3A_71 : vector<16xf32> to vector<1x16xf32>
      tpu.vector_store %arg6[%swap3A_72, %swap3A_73], %swap3A_76 {strides = array<i32>} : memref<80x128xf32, #tpu.memory_space<vmem>>, vector<1x16xf32>,
      %broadcast_in_dim3A_77 = arith.constant 0.000000e+00 : f32
      %broadcast_in_dim3A_78 = vector.broadcast %broadcast_in_dim3A_77 : f32 to vector<16xf32>
      %swap3A_79 = arith.index_cast %scan3A_64 : i32 to index
      %swap3A_80 = arith.constant 32 : index
      %swap3A_81 = tpu.vector_load %arg6[%swap3A_79, %swap3A_80] {strides = array<i32>} : memref<80x128xf32, #tpu.memory_space<vmem>>, vector<1x16xf32>,
      %swap3A_82 = vector.shape_cast %swap3A_81 : vector<1x16xf32> to vector<16xf32>
      %swap3A_83 = vector.shape_cast %broadcast_in_dim3A_78 : vector<16xf32> to vector<1x16xf32>
      tpu.vector_store %arg6[%swap3A_79, %swap3A_80], %swap3A_83 {strides = array<i32>} : memref<80x128xf32, #tpu.memory_space<vmem>>, vector<1x16xf32>,
      %broadcast_in_dim3A_84 = arith.constant 0.000000e+00 : f32
      %broadcast_in_dim3A_85 = vector.broadcast %broadcast_in_dim3A_84 : f32 to vector<16xf32>
      %swap3A_86 = arith.index_cast %scan3A_64 : i32 to index
      %swap3A_87 = arith.constant 48 : index
      %swap3A_88 = tpu.vector_load %arg6[%swap3A_86, %swap3A_87] {strides = array<i32>} : memref<80x128xf32, #tpu.memory_space<vmem>>, vector<1x16xf32>,
      %swap3A_89 = vector.shape_cast %swap3A_88 : vector<1x16xf32> to vector<16xf32>
      %swap3A_90 = vector.shape_cast %broadcast_in_dim3A_85 : vector<16xf32> to vector<1x16xf32>
      tpu.vector_store %arg6[%swap3A_86, %swap3A_87], %swap3A_90 {strides = array<i32>} : memref<80x128xf32, #tpu.memory_space<vmem>>, vector<1x16xf32>,
      %broadcast_in_dim3A_91 = arith.constant 0.000000e+00 : f32
      %broadcast_in_dim3A_92 = vector.broadcast %broadcast_in_dim3A_91 : f32 to vector<16xf32>
      %swap3A_93 = arith.index_cast %scan3A_64 : i32 to index
      %swap3A_94 = arith.constant 64 : index
      %swap3A_95 = tpu.vector_load %arg6[%swap3A_93, %swap3A_94] {strides = array<i32>} : memref<80x128xf32, #tpu.memory_space<vmem>>, vector<1x16xf32>,
      %swap3A_96 = vector.shape_cast %swap3A_95 : vector<1x16xf32> to vector<16xf32>
      %swap3A_97 = vector.shape_cast %broadcast_in_dim3A_92 : vector<16xf32> to vector<1x16xf32>
      tpu.vector_store %arg6[%swap3A_93, %swap3A_94], %swap3A_97 {strides = array<i32>} : memref<80x128xf32, #tpu.memory_space<vmem>>, vector<1x16xf32>,
      %broadcast_in_dim3A_98 = arith.constant 0.000000e+00 : f32
      %broadcast_in_dim3A_99 = vector.broadcast %broadcast_in_dim3A_98 : f32 to vector<16xf32>
      %swap3A_100 = arith.index_cast %scan3A_64 : i32 to index
      %swap3A_101 = arith.constant 80 : index
      %swap3A_102 = tpu.vector_load %arg6[%swap3A_100, %swap3A_101] {strides = array<i32>} : memref<80x128xf32, #tpu.memory_space<vmem>>, vector<1x16xf32>,
      %swap3A_103 = vector.shape_cast %swap3A_102 : vector<1x16xf32> to vector<16xf32>
      %swap3A_104 = vector.shape_cast %broadcast_in_dim3A_99 : vector<16xf32> to vector<1x16xf32>
      tpu.vector_store %arg6[%swap3A_100, %swap3A_101], %swap3A_104 {strides = array<i32>} : memref<80x128xf32, #tpu.memory_space<vmem>>, vector<1x16xf32>,
      %broadcast_in_dim3A_105 = arith.constant 0.000000e+00 : f32
      %broadcast_in_dim3A_106 = vector.broadcast %broadcast_in_dim3A_105 : f32 to vector<16xf32>
      %swap3A_107 = arith.index_cast %scan3A_64 : i32 to index
      %swap3A_108 = arith.constant 96 : index
      %swap3A_109 = tpu.vector_load %arg6[%swap3A_107, %swap3A_108] {strides = array<i32>} : memref<80x128xf32, #tpu.memory_space<vmem>>, vector<1x16xf32>,
      %swap3A_110 = vector.shape_cast %swap3A_109 : vector<1x16xf32> to vector<16xf32>
      %swap3A_111 = vector.shape_cast %broadcast_in_dim3A_106 : vector<16xf32> to vector<1x16xf32>
      tpu.vector_store %arg6[%swap3A_107, %swap3A_108], %swap3A_111 {strides = array<i32>} : memref<80x128xf32, #tpu.memory_space<vmem>>, vector<1x16xf32>,
      %broadcast_in_dim3A_112 = arith.constant 0.000000e+00 : f32
      %broadcast_in_dim3A_113 = vector.broadcast %broadcast_in_dim3A_112 : f32 to vector<16xf32>
      %swap3A_114 = arith.index_cast %scan3A_64 : i32 to index
      %swap3A_115 = arith.constant 112 : index
      %swap3A_116 = tpu.vector_load %arg6[%swap3A_114, %swap3A_115] {strides = array<i32>} : memref<80x128xf32, #tpu.memory_space<vmem>>, vector<1x16xf32>,
      %swap3A_117 = vector.shape_cast %swap3A_116 : vector<1x16xf32> to vector<16xf32>
      %swap3A_118 = vector.shape_cast %broadcast_in_dim3A_113 : vector<16xf32> to vector<1x16xf32>
      tpu.vector_store %arg6[%swap3A_114, %swap3A_115], %swap3A_118 {strides = array<i32>} : memref<80x128xf32, #tpu.memory_space<vmem>>, vector<1x16xf32>,
    }
    %scan3A_7 = arith.constant 80 : i32
    %mul3A_8 = arith.constant 640 : i32
    %mul3A_9 = arith.muli %arg1, %mul3A_8 : i32
    %add3A_10 = arith.constant 0 : i32
    %add3A_11 = arith.addi %mul3A_9, %add3A_10 : i32
    "tpu.region"() ({
      %run_scoped3A = tpu.sem_alloc : memref<!tpu.dma_semaphore, #tpu.memory_space<semaphore_mem>>
      %dma_start3A_64 = arith.constant 0 : i32
      %dma_start3A_65 = tpu.memref_slice %arg9[%add3A_11, %dma_start3A_64] : memref<10240x128xf32, #tpu.memory_space<vmem_shared>> -> memref<80x128xf32, #tpu.memory_space<vmem_shared>>
      %dma_start3A_66 = arith.constant 0 : i32
      %dma_start3A_67 = tpu.memref_slice %arg9[%add3A_11, %dma_start3A_66] : memref<10240x128xf32, #tpu.memory_space<vmem_shared>> -> memref<80x128xf32, #tpu.memory_space<vmem_shared>>
      tpu.enqueue_dma source(%arg6 : memref<80x128xf32, #tpu.memory_space<vmem>>) target(%dma_start3A_67 : memref<80x128xf32, #tpu.memory_space<vmem_shared>>) target_semaphore(%run_scoped3A : memref<!tpu.dma_semaphore, #tpu.memory_space<semaphore_mem>>)
      %dma_wait3A = arith.constant 0 : i32
      %dma_wait3A_68 = tpu.memref_slice %arg9[%add3A_11, %dma_wait3A] : memref<10240x128xf32, #tpu.memory_space<vmem_shared>> -> memref<80x128xf32, #tpu.memory_space<vmem_shared>>
      %dma_wait3A_69 = arith.constant 0 : i32
      %dma_wait3A_70 = tpu.memref_slice %arg9[%add3A_11, %dma_wait3A_69] : memref<10240x128xf32, #tpu.memory_space<vmem_shared>> -> memref<80x128xf32, #tpu.memory_space<vmem_shared>>
      tpu.wait_dma2 semaphore(%run_scoped3A : memref<!tpu.dma_semaphore, #tpu.memory_space<semaphore_mem>>) src(%arg6 : memref<80x128xf32, #tpu.memory_space<vmem>>) dst(%dma_wait3A_70 : memref<80x128xf32, #tpu.memory_space<vmem_shared>>)
      tpu.yield
    }) : () -> ()
    %mul3A_12 = arith.constant 640 : i32
    %mul3A_13 = arith.muli %arg1, %mul3A_12 : i32
    %add3A_14 = arith.constant 80 : i32
    %add3A_15 = arith.addi %mul3A_13, %add3A_14 : i32
    "tpu.region"() ({
      %run_scoped3A = tpu.sem_alloc : memref<!tpu.dma_semaphore, #tpu.memory_space<semaphore_mem>>
      %dma_start3A_64 = arith.constant 0 : i32
      %dma_start3A_65 = tpu.memref_slice %arg9[%add3A_15, %dma_start3A_64] : memref<10240x128xf32, #tpu.memory_space<vmem_shared>> -> memref<80x128xf32, #tpu.memory_space<vmem_shared>>
      %dma_start3A_66 = arith.constant 0 : i32
      %dma_start3A_67 = tpu.memref_slice %arg9[%add3A_15, %dma_start3A_66] : memref<10240x128xf32, #tpu.memory_space<vmem_shared>> -> memref<80x128xf32, #tpu.memory_space<vmem_shared>>
      tpu.enqueue_dma source(%arg6 : memref<80x128xf32, #tpu.memory_space<vmem>>) target(%dma_start3A_67 : memref<80x128xf32, #tpu.memory_space<vmem_shared>>) target_semaphore(%run_scoped3A : memref<!tpu.dma_semaphore, #tpu.memory_space<semaphore_mem>>)
      %dma_wait3A = arith.constant 0 : i32
      %dma_wait3A_68 = tpu.memref_slice %arg9[%add3A_15, %dma_wait3A] : memref<10240x128xf32, #tpu.memory_space<vmem_shared>> -> memref<80x128xf32, #tpu.memory_space<vmem_shared>>
      %dma_wait3A_69 = arith.constant 0 : i32
      %dma_wait3A_70 = tpu.memref_slice %arg9[%add3A_15, %dma_wait3A_69] : memref<10240x128xf32, #tpu.memory_space<vmem_shared>> -> memref<80x128xf32, #tpu.memory_space<vmem_shared>>
      tpu.wait_dma2 semaphore(%run_scoped3A : memref<!tpu.dma_semaphore, #tpu.memory_space<semaphore_mem>>) src(%arg6 : memref<80x128xf32, #tpu.memory_space<vmem>>) dst(%dma_wait3A_70 : memref<80x128xf32, #tpu.memory_space<vmem_shared>>)
      tpu.yield
    }) : () -> ()
    %mul3A_16 = arith.constant 640 : i32
    %mul3A_17 = arith.muli %arg1, %mul3A_16 : i32
    %add3A_18 = arith.constant 160 : i32
    %add3A_19 = arith.addi %mul3A_17, %add3A_18 : i32
    "tpu.region"() ({
      %run_scoped3A = tpu.sem_alloc : memref<!tpu.dma_semaphore, #tpu.memory_space<semaphore_mem>>
      %dma_start3A_64 = arith.constant 0 : i32
      %dma_start3A_65 = tpu.memref_slice %arg9[%add3A_19, %dma_start3A_64] : memref<10240x128xf32, #tpu.memory_space<vmem_shared>> -> memref<80x128xf32, #tpu.memory_space<vmem_shared>>
      %dma_start3A_66 = arith.constant 0 : i32
      %dma_start3A_67 = tpu.memref_slice %arg9[%add3A_19, %dma_start3A_66] : memref<10240x128xf32, #tpu.memory_space<vmem_shared>> -> memref<80x128xf32, #tpu.memory_space<vmem_shared>>
      tpu.enqueue_dma source(%arg6 : memref<80x128xf32, #tpu.memory_space<vmem>>) target(%dma_start3A_67 : memref<80x128xf32, #tpu.memory_space<vmem_shared>>) target_semaphore(%run_scoped3A : memref<!tpu.dma_semaphore, #tpu.memory_space<semaphore_mem>>)
      %dma_wait3A = arith.constant 0 : i32
      %dma_wait3A_68 = tpu.memref_slice %arg9[%add3A_19, %dma_wait3A] : memref<10240x128xf32, #tpu.memory_space<vmem_shared>> -> memref<80x128xf32, #tpu.memory_space<vmem_shared>>
      %dma_wait3A_69 = arith.constant 0 : i32
      %dma_wait3A_70 = tpu.memref_slice %arg9[%add3A_19, %dma_wait3A_69] : memref<10240x128xf32, #tpu.memory_space<vmem_shared>> -> memref<80x128xf32, #tpu.memory_space<vmem_shared>>
      tpu.wait_dma2 semaphore(%run_scoped3A : memref<!tpu.dma_semaphore, #tpu.memory_space<semaphore_mem>>) src(%arg6 : memref<80x128xf32, #tpu.memory_space<vmem>>) dst(%dma_wait3A_70 : memref<80x128xf32, #tpu.memory_space<vmem_shared>>)
      tpu.yield
    }) : () -> ()
    %mul3A_20 = arith.constant 640 : i32
    %mul3A_21 = arith.muli %arg1, %mul3A_20 : i32
    %add3A_22 = arith.constant 240 : i32
    %add3A_23 = arith.addi %mul3A_21, %add3A_22 : i32
    "tpu.region"() ({
      %run_scoped3A = tpu.sem_alloc : memref<!tpu.dma_semaphore, #tpu.memory_space<semaphore_mem>>
      %dma_start3A_64 = arith.constant 0 : i32
      %dma_start3A_65 = tpu.memref_slice %arg9[%add3A_23, %dma_start3A_64] : memref<10240x128xf32, #tpu.memory_space<vmem_shared>> -> memref<80x128xf32, #tpu.memory_space<vmem_shared>>
      %dma_start3A_66 = arith.constant 0 : i32
      %dma_start3A_67 = tpu.memref_slice %arg9[%add3A_23, %dma_start3A_66] : memref<10240x128xf32, #tpu.memory_space<vmem_shared>> -> memref<80x128xf32, #tpu.memory_space<vmem_shared>>
      tpu.enqueue_dma source(%arg6 : memref<80x128xf32, #tpu.memory_space<vmem>>) target(%dma_start3A_67 : memref<80x128xf32, #tpu.memory_space<vmem_shared>>) target_semaphore(%run_scoped3A : memref<!tpu.dma_semaphore, #tpu.memory_space<semaphore_mem>>)
      %dma_wait3A = arith.constant 0 : i32
      %dma_wait3A_68 = tpu.memref_slice %arg9[%add3A_23, %dma_wait3A] : memref<10240x128xf32, #tpu.memory_space<vmem_shared>> -> memref<80x128xf32, #tpu.memory_space<vmem_shared>>
      %dma_wait3A_69 = arith.constant 0 : i32
      %dma_wait3A_70 = tpu.memref_slice %arg9[%add3A_23, %dma_wait3A_69] : memref<10240x128xf32, #tpu.memory_space<vmem_shared>> -> memref<80x128xf32, #tpu.memory_space<vmem_shared>>
      tpu.wait_dma2 semaphore(%run_scoped3A : memref<!tpu.dma_semaphore, #tpu.memory_space<semaphore_mem>>) src(%arg6 : memref<80x128xf32, #tpu.memory_space<vmem>>) dst(%dma_wait3A_70 : memref<80x128xf32, #tpu.memory_space<vmem_shared>>)
      tpu.yield
    }) : () -> ()
    %mul3A_24 = arith.constant 640 : i32
    %mul3A_25 = arith.muli %arg1, %mul3A_24 : i32
    %add3A_26 = arith.constant 320 : i32
    %add3A_27 = arith.addi %mul3A_25, %add3A_26 : i32
    "tpu.region"() ({
      %run_scoped3A = tpu.sem_alloc : memref<!tpu.dma_semaphore, #tpu.memory_space<semaphore_mem>>
      %dma_start3A_64 = arith.constant 0 : i32
      %dma_start3A_65 = tpu.memref_slice %arg9[%add3A_27, %dma_start3A_64] : memref<10240x128xf32, #tpu.memory_space<vmem_shared>> -> memref<80x128xf32, #tpu.memory_space<vmem_shared>>
      %dma_start3A_66 = arith.constant 0 : i32
      %dma_start3A_67 = tpu.memref_slice %arg9[%add3A_27, %dma_start3A_66] : memref<10240x128xf32, #tpu.memory_space<vmem_shared>> -> memref<80x128xf32, #tpu.memory_space<vmem_shared>>
      tpu.enqueue_dma source(%arg6 : memref<80x128xf32, #tpu.memory_space<vmem>>) target(%dma_start3A_67 : memref<80x128xf32, #tpu.memory_space<vmem_shared>>) target_semaphore(%run_scoped3A : memref<!tpu.dma_semaphore, #tpu.memory_space<semaphore_mem>>)
      %dma_wait3A = arith.constant 0 : i32
      %dma_wait3A_68 = tpu.memref_slice %arg9[%add3A_27, %dma_wait3A] : memref<10240x128xf32, #tpu.memory_space<vmem_shared>> -> memref<80x128xf32, #tpu.memory_space<vmem_shared>>
      %dma_wait3A_69 = arith.constant 0 : i32
      %dma_wait3A_70 = tpu.memref_slice %arg9[%add3A_27, %dma_wait3A_69] : memref<10240x128xf32, #tpu.memory_space<vmem_shared>> -> memref<80x128xf32, #tpu.memory_space<vmem_shared>>
      tpu.wait_dma2 semaphore(%run_scoped3A : memref<!tpu.dma_semaphore, #tpu.memory_space<semaphore_mem>>) src(%arg6 : memref<80x128xf32, #tpu.memory_space<vmem>>) dst(%dma_wait3A_70 : memref<80x128xf32, #tpu.memory_space<vmem_shared>>)
      tpu.yield
    }) : () -> ()
    %mul3A_28 = arith.constant 640 : i32
    %mul3A_29 = arith.muli %arg1, %mul3A_28 : i32
    %add3A_30 = arith.constant 400 : i32
    %add3A_31 = arith.addi %mul3A_29, %add3A_30 : i32
    "tpu.region"() ({
      %run_scoped3A = tpu.sem_alloc : memref<!tpu.dma_semaphore, #tpu.memory_space<semaphore_mem>>
      %dma_start3A_64 = arith.constant 0 : i32
      %dma_start3A_65 = tpu.memref_slice %arg9[%add3A_31, %dma_start3A_64] : memref<10240x128xf32, #tpu.memory_space<vmem_shared>> -> memref<80x128xf32, #tpu.memory_space<vmem_shared>>
      %dma_start3A_66 = arith.constant 0 : i32
      %dma_start3A_67 = tpu.memref_slice %arg9[%add3A_31, %dma_start3A_66] : memref<10240x128xf32, #tpu.memory_space<vmem_shared>> -> memref<80x128xf32, #tpu.memory_space<vmem_shared>>
      tpu.enqueue_dma source(%arg6 : memref<80x128xf32, #tpu.memory_space<vmem>>) target(%dma_start3A_67 : memref<80x128xf32, #tpu.memory_space<vmem_shared>>) target_semaphore(%run_scoped3A : memref<!tpu.dma_semaphore, #tpu.memory_space<semaphore_mem>>)
      %dma_wait3A = arith.constant 0 : i32
      %dma_wait3A_68 = tpu.memref_slice %arg9[%add3A_31, %dma_wait3A] : memref<10240x128xf32, #tpu.memory_space<vmem_shared>> -> memref<80x128xf32, #tpu.memory_space<vmem_shared>>
      %dma_wait3A_69 = arith.constant 0 : i32
      %dma_wait3A_70 = tpu.memref_slice %arg9[%add3A_31, %dma_wait3A_69] : memref<10240x128xf32, #tpu.memory_space<vmem_shared>> -> memref<80x128xf32, #tpu.memory_space<vmem_shared>>
      tpu.wait_dma2 semaphore(%run_scoped3A : memref<!tpu.dma_semaphore, #tpu.memory_space<semaphore_mem>>) src(%arg6 : memref<80x128xf32, #tpu.memory_space<vmem>>) dst(%dma_wait3A_70 : memref<80x128xf32, #tpu.memory_space<vmem_shared>>)
      tpu.yield
    }) : () -> ()
    %mul3A_32 = arith.constant 640 : i32
    %mul3A_33 = arith.muli %arg1, %mul3A_32 : i32
    %add3A_34 = arith.constant 480 : i32
    %add3A_35 = arith.addi %mul3A_33, %add3A_34 : i32
    "tpu.region"() ({
      %run_scoped3A = tpu.sem_alloc : memref<!tpu.dma_semaphore, #tpu.memory_space<semaphore_mem>>
      %dma_start3A_64 = arith.constant 0 : i32
      %dma_start3A_65 = tpu.memref_slice %arg9[%add3A_35, %dma_start3A_64] : memref<10240x128xf32, #tpu.memory_space<vmem_shared>> -> memref<80x128xf32, #tpu.memory_space<vmem_shared>>
      %dma_start3A_66 = arith.constant 0 : i32
      %dma_start3A_67 = tpu.memref_slice %arg9[%add3A_35, %dma_start3A_66] : memref<10240x128xf32, #tpu.memory_space<vmem_shared>> -> memref<80x128xf32, #tpu.memory_space<vmem_shared>>
      tpu.enqueue_dma source(%arg6 : memref<80x128xf32, #tpu.memory_space<vmem>>) target(%dma_start3A_67 : memref<80x128xf32, #tpu.memory_space<vmem_shared>>) target_semaphore(%run_scoped3A : memref<!tpu.dma_semaphore, #tpu.memory_space<semaphore_mem>>)
      %dma_wait3A = arith.constant 0 : i32
      %dma_wait3A_68 = tpu.memref_slice %arg9[%add3A_35, %dma_wait3A] : memref<10240x128xf32, #tpu.memory_space<vmem_shared>> -> memref<80x128xf32, #tpu.memory_space<vmem_shared>>
      %dma_wait3A_69 = arith.constant 0 : i32
      %dma_wait3A_70 = tpu.memref_slice %arg9[%add3A_35, %dma_wait3A_69] : memref<10240x128xf32, #tpu.memory_space<vmem_shared>> -> memref<80x128xf32, #tpu.memory_space<vmem_shared>>
      tpu.wait_dma2 semaphore(%run_scoped3A : memref<!tpu.dma_semaphore, #tpu.memory_space<semaphore_mem>>) src(%arg6 : memref<80x128xf32, #tpu.memory_space<vmem>>) dst(%dma_wait3A_70 : memref<80x128xf32, #tpu.memory_space<vmem_shared>>)
      tpu.yield
    }) : () -> ()
    %mul3A_36 = arith.constant 640 : i32
    %mul3A_37 = arith.muli %arg1, %mul3A_36 : i32
    %add3A_38 = arith.constant 560 : i32
    %add3A_39 = arith.addi %mul3A_37, %add3A_38 : i32
    "tpu.region"() ({
      %run_scoped3A = tpu.sem_alloc : memref<!tpu.dma_semaphore, #tpu.memory_space<semaphore_mem>>
      %dma_start3A_64 = arith.constant 0 : i32
      %dma_start3A_65 = tpu.memref_slice %arg9[%add3A_39, %dma_start3A_64] : memref<10240x128xf32, #tpu.memory_space<vmem_shared>> -> memref<80x128xf32, #tpu.memory_space<vmem_shared>>
      %dma_start3A_66 = arith.constant 0 : i32
      %dma_start3A_67 = tpu.memref_slice %arg9[%add3A_39, %dma_start3A_66] : memref<10240x128xf32, #tpu.memory_space<vmem_shared>> -> memref<80x128xf32, #tpu.memory_space<vmem_shared>>
      tpu.enqueue_dma source(%arg6 : memref<80x128xf32, #tpu.memory_space<vmem>>) target(%dma_start3A_67 : memref<80x128xf32, #tpu.memory_space<vmem_shared>>) target_semaphore(%run_scoped3A : memref<!tpu.dma_semaphore, #tpu.memory_space<semaphore_mem>>)
      %dma_wait3A = arith.constant 0 : i32
      %dma_wait3A_68 = tpu.memref_slice %arg9[%add3A_39, %dma_wait3A] : memref<10240x128xf32, #tpu.memory_space<vmem_shared>> -> memref<80x128xf32, #tpu.memory_space<vmem_shared>>
      %dma_wait3A_69 = arith.constant 0 : i32
      %dma_wait3A_70 = tpu.memref_slice %arg9[%add3A_39, %dma_wait3A_69] : memref<10240x128xf32, #tpu.memory_space<vmem_shared>> -> memref<80x128xf32, #tpu.memory_space<vmem_shared>>
      tpu.wait_dma2 semaphore(%run_scoped3A : memref<!tpu.dma_semaphore, #tpu.memory_space<semaphore_mem>>) src(%arg6 : memref<80x128xf32, #tpu.memory_space<vmem>>) dst(%dma_wait3A_70 : memref<80x128xf32, #tpu.memory_space<vmem_shared>>)
      tpu.yield
    }) : () -> ()
    %barrier3A = arith.constant 0 : index
    tpu.barrier barrier_id(%barrier3A)
    %add3A_40 = arith.constant 0 : i32
    %add3A_41 = arith.addi %mul3A_2, %add3A_40 : i32
    %dma_start3A = arith.constant 0 : i32
    %dma_start3A_42 = tpu.memref_slice %arg2[%add3A_41, %dma_start3A] : memref<320000x128xf32, #tpu.memory_space<hbm>> -> memref<80x128xf32, #tpu.memory_space<hbm>>
    %dma_start3A_43 = arith.constant 0 : i32
    %dma_start3A_44 = tpu.memref_slice %arg2[%add3A_41, %dma_start3A_43] : memref<320000x128xf32, #tpu.memory_space<hbm>> -> memref<80x128xf32, #tpu.memory_space<hbm>>
    tpu.enqueue_dma source(%dma_start3A_44 : memref<80x128xf32, #tpu.memory_space<hbm>>) target(%arg7 : memref<80x128xf32, #tpu.memory_space<vmem>>) target_semaphore(%arg10 : memref<!tpu.dma_semaphore, #tpu.memory_space<semaphore_mem>>)
    %add3A_45 = arith.constant 80 : i32
    %add3A_46 = arith.addi %mul3A_2, %add3A_45 : i32
    %dma_start3A_47 = arith.constant 0 : i32
    %dma_start3A_48 = tpu.memref_slice %arg2[%add3A_46, %dma_start3A_47] : memref<320000x128xf32, #tpu.memory_space<hbm>> -> memref<80x128xf32, #tpu.memory_space<hbm>>
    %dma_start3A_49 = arith.constant 0 : i32
    %dma_start3A_50 = tpu.memref_slice %arg2[%add3A_46, %dma_start3A_49] : memref<320000x128xf32, #tpu.memory_space<hbm>> -> memref<80x128xf32, #tpu.memory_space<hbm>>
    tpu.enqueue_dma source(%dma_start3A_50 : memref<80x128xf32, #tpu.memory_space<hbm>>) target(%arg8 : memref<80x128xf32, #tpu.memory_space<vmem>>) target_semaphore(%arg11 : memref<!tpu.dma_semaphore, #tpu.memory_space<semaphore_mem>>)
    %scan3A_51 = arith.constant 0 : i32
    %scan3A_52 = arith.constant 0 : i32
    %scan3A_53 = arith.constant 63 : i32
    %scan3A_54 = arith.addi %scan3A_52, %scan3A_53 : i32
    %scan3A_55 = arith.constant 1 : i32
    scf.for %scan3A_64 = %scan3A_52 to %scan3A_54 step %scan3A_55  : i32 {
      %mul3A_65 = arith.constant 2 : i32
      %mul3A_66 = arith.muli %scan3A_64, %mul3A_65 : i32
      %add3A_67 = arith.constant 0 : i32
      %add3A_68 = arith.addi %mul3A_66, %add3A_67 : i32
      %lt3A_69 = arith.constant 125 : i32
      %lt3A_70 = arith.cmpi slt, %add3A_68, %lt3A_69 : i32
      %convert_element_type3A_71 = arith.extui %lt3A_70 : i1 to i32
      %cond3A_72 = arith.constant 0 : i32
      %cond3A_73 = arith.cmpi ne, %convert_element_type3A_71, %cond3A_72 : i32
      scf.if %cond3A_73 {
        %mul3A_97 = arith.constant 80 : i32
        %mul3A_98 = arith.muli %add3A_68, %mul3A_97 : i32
        %add3A_99 = arith.addi %mul3A_2, %mul3A_98 : i32
        %dma_wait3A = arith.constant 0 : i32
        %dma_wait3A_100 = tpu.memref_slice %arg2[%add3A_99, %dma_wait3A] : memref<320000x128xf32, #tpu.memory_space<hbm>> -> memref<80x128xf32, #tpu.memory_space<hbm>>
        %dma_wait3A_101 = arith.constant 0 : i32
        %dma_wait3A_102 = tpu.memref_slice %arg2[%add3A_99, %dma_wait3A_101] : memref<320000x128xf32, #tpu.memory_space<hbm>> -> memref<80x128xf32, #tpu.memory_space<hbm>>
        tpu.wait_dma2 semaphore(%arg10 : memref<!tpu.dma_semaphore, #tpu.memory_space<semaphore_mem>>) src(%dma_wait3A_102 : memref<80x128xf32, #tpu.memory_space<hbm>>) dst(%arg7 : memref<80x128xf32, #tpu.memory_space<vmem>>)
        "tpu.region"() ({
          %run_scoped3A = tpu.sem_alloc : memref<!tpu.dma_semaphore, #tpu.memory_space<semaphore_mem>>
          %dma_start3A_103 = arith.constant 0 : i32
          %dma_start3A_104 = tpu.memref_slice %arg5[%add3A_68, %dma_start3A_103] : memref<125x80xi32, #tpu.memory_space<vmem>> -> memref<1x80xi32, #tpu.memory_space<vmem>>
          %dma_start3A_105 = tpu.memref_squeeze %dma_start3A_104 : memref<1x80xi32, #tpu.memory_space<vmem>> -> memref<80xi32, #tpu.memory_space<vmem>>
          %dma_start3A_106 = arith.constant 0 : i32
          %dma_start3A_107 = arith.constant 0 : i32
          %dma_start3A_108 = tpu.memref_slice %arg9[%dma_start3A_106, %dma_start3A_107] : memref<10240x128xf32, #tpu.memory_space<vmem_shared>> -> memref<10240x128xf32, #tpu.memory_space<vmem_shared>>
          tpu.enqueue_indirect_dma source(%arg7 : memref<80x128xf32, #tpu.memory_space<vmem>>) target(%dma_start3A_108 : memref<10240x128xf32, #tpu.memory_space<vmem_shared>>) offsets(%dma_start3A_105 : memref<80xi32, #tpu.memory_space<vmem>>) semaphore(%run_scoped3A : memref<!tpu.dma_semaphore, #tpu.memory_space<semaphore_mem>>) {add = true}
          %dma_wait3A_109 = arith.constant 0 : i32
          %dma_wait3A_110 = tpu.memref_slice %arg5[%add3A_68, %dma_wait3A_109] : memref<125x80xi32, #tpu.memory_space<vmem>> -> memref<1x80xi32, #tpu.memory_space<vmem>>
          %dma_wait3A_111 = tpu.memref_squeeze %dma_wait3A_110 : memref<1x80xi32, #tpu.memory_space<vmem>> -> memref<80xi32, #tpu.memory_space<vmem>>
          %dma_wait3A_112 = arith.constant 0 : i32
          %dma_wait3A_113 = arith.constant 0 : i32
          %dma_wait3A_114 = tpu.memref_slice %arg9[%dma_wait3A_112, %dma_wait3A_113] : memref<10240x128xf32, #tpu.memory_space<vmem_shared>> -> memref<10240x128xf32, #tpu.memory_space<vmem_shared>>
          tpu.wait_indirect_dma semaphore(%run_scoped3A : memref<!tpu.dma_semaphore, #tpu.memory_space<semaphore_mem>>) src(%arg7 : memref<80x128xf32, #tpu.memory_space<vmem>>) dst(%dma_wait3A_114 : memref<10240x128xf32, #tpu.memory_space<vmem_shared>>)
          tpu.yield
        }) : () -> ()
      } else {
      }
      %add3A_74 = arith.constant 2 : i32
      %add3A_75 = arith.addi %add3A_68, %add3A_74 : i32
      %lt3A_76 = arith.constant 125 : i32
      %lt3A_77 = arith.cmpi slt, %add3A_75, %lt3A_76 : i32
      %convert_element_type3A_78 = arith.extui %lt3A_77 : i1 to i32
      %cond3A_79 = arith.constant 0 : i32
      %cond3A_80 = arith.cmpi ne, %convert_element_type3A_78, %cond3A_79 : i32
      scf.if %cond3A_80 {
        %add3A_97 = arith.constant 2 : i32
        %add3A_98 = arith.addi %add3A_68, %add3A_97 : i32
        %mul3A_99 = arith.constant 80 : i32
        %mul3A_100 = arith.muli %add3A_98, %mul3A_99 : i32
        %add3A_101 = arith.addi %mul3A_2, %mul3A_100 : i32
        %dma_start3A_102 = arith.constant 0 : i32
        %dma_start3A_103 = tpu.memref_slice %arg2[%add3A_101, %dma_start3A_102] : memref<320000x128xf32, #tpu.memory_space<hbm>> -> memref<80x128xf32, #tpu.memory_space<hbm>>
        %dma_start3A_104 = arith.constant 0 : i32
        %dma_start3A_105 = tpu.memref_slice %arg2[%add3A_101, %dma_start3A_104] : memref<320000x128xf32, #tpu.memory_space<hbm>> -> memref<80x128xf32, #tpu.memory_space<hbm>>
        tpu.enqueue_dma source(%dma_start3A_105 : memref<80x128xf32, #tpu.memory_space<hbm>>) target(%arg7 : memref<80x128xf32, #tpu.memory_space<vmem>>) target_semaphore(%arg10 : memref<!tpu.dma_semaphore, #tpu.memory_space<semaphore_mem>>)
      } else {
      }
      %mul3A_81 = arith.constant 2 : i32
      %mul3A_82 = arith.muli %scan3A_64, %mul3A_81 : i32
      %add3A_83 = arith.constant 1 : i32
      %add3A_84 = arith.addi %mul3A_82, %add3A_83 : i32
      %lt3A_85 = arith.constant 125 : i32
      %lt3A_86 = arith.cmpi slt, %add3A_84, %lt3A_85 : i32
      %convert_element_type3A_87 = arith.extui %lt3A_86 : i1 to i32
      %cond3A_88 = arith.constant 0 : i32
      %cond3A_89 = arith.cmpi ne, %convert_element_type3A_87, %cond3A_88 : i32
      scf.if %cond3A_89 {
        %mul3A_97 = arith.constant 80 : i32
        %mul3A_98 = arith.muli %add3A_84, %mul3A_97 : i32
        %add3A_99 = arith.addi %mul3A_2, %mul3A_98 : i32
        %dma_wait3A = arith.constant 0 : i32
        %dma_wait3A_100 = tpu.memref_slice %arg2[%add3A_99, %dma_wait3A] : memref<320000x128xf32, #tpu.memory_space<hbm>> -> memref<80x128xf32, #tpu.memory_space<hbm>>
        %dma_wait3A_101 = arith.constant 0 : i32
        %dma_wait3A_102 = tpu.memref_slice %arg2[%add3A_99, %dma_wait3A_101] : memref<320000x128xf32, #tpu.memory_space<hbm>> -> memref<80x128xf32, #tpu.memory_space<hbm>>
        tpu.wait_dma2 semaphore(%arg11 : memref<!tpu.dma_semaphore, #tpu.memory_space<semaphore_mem>>) src(%dma_wait3A_102 : memref<80x128xf32, #tpu.memory_space<hbm>>) dst(%arg8 : memref<80x128xf32, #tpu.memory_space<vmem>>)
        "tpu.region"() ({
          %run_scoped3A = tpu.sem_alloc : memref<!tpu.dma_semaphore, #tpu.memory_space<semaphore_mem>>
          %dma_start3A_103 = arith.constant 0 : i32
          %dma_start3A_104 = tpu.memref_slice %arg5[%add3A_84, %dma_start3A_103] : memref<125x80xi32, #tpu.memory_space<vmem>> -> memref<1x80xi32, #tpu.memory_space<vmem>>
          %dma_start3A_105 = tpu.memref_squeeze %dma_start3A_104 : memref<1x80xi32, #tpu.memory_space<vmem>> -> memref<80xi32, #tpu.memory_space<vmem>>
          %dma_start3A_106 = arith.constant 0 : i32
          %dma_start3A_107 = arith.constant 0 : i32
          %dma_start3A_108 = tpu.memref_slice %arg9[%dma_start3A_106, %dma_start3A_107] : memref<10240x128xf32, #tpu.memory_space<vmem_shared>> -> memref<10240x128xf32, #tpu.memory_space<vmem_shared>>
          tpu.enqueue_indirect_dma source(%arg8 : memref<80x128xf32, #tpu.memory_space<vmem>>) target(%dma_start3A_108 : memref<10240x128xf32, #tpu.memory_space<vmem_shared>>) offsets(%dma_start3A_105 : memref<80xi32, #tpu.memory_space<vmem>>) semaphore(%run_scoped3A : memref<!tpu.dma_semaphore, #tpu.memory_space<semaphore_mem>>) {add = true}
          %dma_wait3A_109 = arith.constant 0 : i32
          %dma_wait3A_110 = tpu.memref_slice %arg5[%add3A_84, %dma_wait3A_109] : memref<125x80xi32, #tpu.memory_space<vmem>> -> memref<1x80xi32, #tpu.memory_space<vmem>>
          %dma_wait3A_111 = tpu.memref_squeeze %dma_wait3A_110 : memref<1x80xi32, #tpu.memory_space<vmem>> -> memref<80xi32, #tpu.memory_space<vmem>>
          %dma_wait3A_112 = arith.constant 0 : i32
          %dma_wait3A_113 = arith.constant 0 : i32
          %dma_wait3A_114 = tpu.memref_slice %arg9[%dma_wait3A_112, %dma_wait3A_113] : memref<10240x128xf32, #tpu.memory_space<vmem_shared>> -> memref<10240x128xf32, #tpu.memory_space<vmem_shared>>
          tpu.wait_indirect_dma semaphore(%run_scoped3A : memref<!tpu.dma_semaphore, #tpu.memory_space<semaphore_mem>>) src(%arg8 : memref<80x128xf32, #tpu.memory_space<vmem>>) dst(%dma_wait3A_114 : memref<10240x128xf32, #tpu.memory_space<vmem_shared>>)
          tpu.yield
        }) : () -> ()
      } else {
      }
      %add3A_90 = arith.constant 2 : i32
      %add3A_91 = arith.addi %add3A_84, %add3A_90 : i32
      %lt3A_92 = arith.constant 125 : i32
      %lt3A_93 = arith.cmpi slt, %add3A_91, %lt3A_92 : i32
      %convert_element_type3A_94 = arith.extui %lt3A_93 : i1 to i32
      %cond3A_95 = arith.constant 0 : i32
      %cond3A_96 = arith.cmpi ne, %convert_element_type3A_94, %cond3A_95 : i32
      scf.if %cond3A_96 {
        %add3A_97 = arith.constant 2 : i32
        %add3A_98 = arith.addi %add3A_84, %add3A_97 : i32
        %mul3A_99 = arith.constant 80 : i32
        %mul3A_100 = arith.muli %add3A_98, %mul3A_99 : i32
        %add3A_101 = arith.addi %mul3A_2, %mul3A_100 : i32
        %dma_start3A_102 = arith.constant 0 : i32
        %dma_start3A_103 = tpu.memref_slice %arg2[%add3A_101, %dma_start3A_102] : memref<320000x128xf32, #tpu.memory_space<hbm>> -> memref<80x128xf32, #tpu.memory_space<hbm>>
        %dma_start3A_104 = arith.constant 0 : i32
        %dma_start3A_105 = tpu.memref_slice %arg2[%add3A_101, %dma_start3A_104] : memref<320000x128xf32, #tpu.memory_space<hbm>> -> memref<80x128xf32, #tpu.memory_space<hbm>>
        tpu.enqueue_dma source(%dma_start3A_105 : memref<80x128xf32, #tpu.memory_space<hbm>>) target(%arg8 : memref<80x128xf32, #tpu.memory_space<vmem>>) target_semaphore(%arg11 : memref<!tpu.dma_semaphore, #tpu.memory_space<semaphore_mem>>)
      } else {
      }
    }
    %scan3A_56 = arith.constant 63 : i32
    %barrier3A_57 = arith.constant 0 : index
    tpu.barrier barrier_id(%barrier3A_57)
    %lt3A = arith.constant 15 : i32
    %lt3A_58 = arith.cmpi slt, %arg1, %lt3A : i32
    %convert_element_type3A = arith.extui %lt3A_58 : i1 to i32
    %cond3A = arith.constant 0 : i32
    %cond3A_59 = arith.cmpi ne, %convert_element_type3A, %cond3A : i32
    scf.if %cond3A_59 {
      %mul3A_64 = arith.constant 640 : i32
      %mul3A_65 = arith.muli %arg1, %mul3A_64 : i32
      %mul3A_66 = arith.constant 10000 : i32
      %mul3A_67 = arith.muli %arg0, %mul3A_66 : i32
      %mul3A_68 = arith.constant 640 : i32
      %mul3A_69 = arith.muli %arg1, %mul3A_68 : i32
      %add3A_70 = arith.addi %mul3A_67, %mul3A_69 : i32
      "tpu.region"() ({
        %run_scoped3A = tpu.sem_alloc : memref<!tpu.dma_semaphore, #tpu.memory_space<semaphore_mem>>
        %dma_start3A_71 = arith.constant 0 : i32
        %dma_start3A_72 = tpu.memref_slice %arg4[%add3A_70, %dma_start3A_71] : memref<20000x128xf32, #tpu.memory_space<hbm>> -> memref<640x128xf32, #tpu.memory_space<hbm>>
        %dma_start3A_73 = arith.constant 0 : i32
        %dma_start3A_74 = tpu.memref_slice %arg9[%mul3A_65, %dma_start3A_73] : memref<10240x128xf32, #tpu.memory_space<vmem_shared>> -> memref<640x128xf32, #tpu.memory_space<vmem_shared>>
        tpu.enqueue_dma source(%dma_start3A_74 : memref<640x128xf32, #tpu.memory_space<vmem_shared>>) target(%dma_start3A_72 : memref<640x128xf32, #tpu.memory_space<hbm>>) target_semaphore(%run_scoped3A : memref<!tpu.dma_semaphore, #tpu.memory_space<semaphore_mem>>)
        %dma_wait3A = arith.constant 0 : i32
        %dma_wait3A_75 = tpu.memref_slice %arg4[%add3A_70, %dma_wait3A] : memref<20000x128xf32, #tpu.memory_space<hbm>> -> memref<640x128xf32, #tpu.memory_space<hbm>>
        %dma_wait3A_76 = arith.constant 0 : i32
        %dma_wait3A_77 = tpu.memref_slice %arg9[%mul3A_65, %dma_wait3A_76] : memref<10240x128xf32, #tpu.memory_space<vmem_shared>> -> memref<640x128xf32, #tpu.memory_space<vmem_shared>>
        tpu.wait_dma2 semaphore(%run_scoped3A : memref<!tpu.dma_semaphore, #tpu.memory_space<semaphore_mem>>) src(%dma_wait3A_77 : memref<640x128xf32, #tpu.memory_space<vmem_shared>>) dst(%dma_wait3A_75 : memref<640x128xf32, #tpu.memory_space<hbm>>)
        tpu.yield
      }) : () -> ()
    } else {
    }
    %eq3A = arith.constant 15 : i32
    %eq3A_60 = arith.cmpi eq, %arg1, %eq3A : i32
    %convert_element_type3A_61 = arith.extui %eq3A_60 : i1 to i32
    %cond3A_62 = arith.constant 0 : i32
    %cond3A_63 = arith.cmpi ne, %convert_element_type3A_61, %cond3A_62 : i32
    scf.if %cond3A_63 {
      %mul3A_64 = arith.constant 10000 : i32
      %mul3A_65 = arith.muli %arg0, %mul3A_64 : i32
      %add3A_66 = arith.constant 9600 : i32
      %add3A_67 = arith.addi %mul3A_65, %add3A_66 : i32
      "tpu.region"() ({
        %run_scoped3A = tpu.sem_alloc : memref<!tpu.dma_semaphore, #tpu.memory_space<semaphore_mem>>
        %dma_start3A_68 = arith.constant 0 : i32
        %dma_start3A_69 = tpu.memref_slice %arg4[%add3A_67, %dma_start3A_68] : memref<20000x128xf32, #tpu.memory_space<hbm>> -> memref<400x128xf32, #tpu.memory_space<hbm>>
        %dma_start3A_70 = arith.constant 9600 : i32
        %dma_start3A_71 = arith.constant 0 : i32
        %dma_start3A_72 = tpu.memref_slice %arg9[%dma_start3A_70, %dma_start3A_71] : memref<10240x128xf32, #tpu.memory_space<vmem_shared>> -> memref<400x128xf32, #tpu.memory_space<vmem_shared>>
        tpu.enqueue_dma source(%dma_start3A_72 : memref<400x128xf32, #tpu.memory_space<vmem_shared>>) target(%dma_start3A_69 : memref<400x128xf32, #tpu.memory_space<hbm>>) target_semaphore(%run_scoped3A : memref<!tpu.dma_semaphore, #tpu.memory_space<semaphore_mem>>)
        %dma_wait3A = arith.constant 0 : i32
        %dma_wait3A_73 = tpu.memref_slice %arg4[%add3A_67, %dma_wait3A] : memref<20000x128xf32, #tpu.memory_space<hbm>> -> memref<400x128xf32, #tpu.memory_space<hbm>>
        %dma_wait3A_74 = arith.constant 9600 : i32
        %dma_wait3A_75 = arith.constant 0 : i32
        %dma_wait3A_76 = tpu.memref_slice %arg9[%dma_wait3A_74, %dma_wait3A_75] : memref<10240x128xf32, #tpu.memory_space<vmem_shared>> -> memref<400x128xf32, #tpu.memory_space<vmem_shared>>
        tpu.wait_dma2 semaphore(%run_scoped3A : memref<!tpu.dma_semaphore, #tpu.memory_space<semaphore_mem>>) src(%dma_wait3A_76 : memref<400x128xf32, #tpu.memory_space<vmem_shared>>) dst(%dma_wait3A_73 : memref<400x128xf32, #tpu.memory_space<hbm>>)
        tpu.yield
      }) : () -> ()
    } else {
    }
    return
  }
}

#map = affine_map<(d0, d1) -> (0, 0)>
module attributes {stable_mosaic.version = 14 : i64} {
  func.func @_sc_gather(%arg0: i32, %arg1: i32, %arg2: memref<10000x128xf32, #tpu.memory_space<hbm>>, %arg3: memref<32x10000xi32, #tpu.memory_space<hbm>>, %arg4: memref<32x10000xi32, #tpu.memory_space<hbm>>, %arg5: memref<320000x128xf32, #tpu.memory_space<hbm>>, %arg6: memref<320000x128xf32, #tpu.memory_space<hbm>>, %arg7: memref<10000xi32, #tpu.memory_space<vmem>>, %arg8: memref<10000xi32, #tpu.memory_space<vmem>>, %arg9: memref<40x128xf32, #tpu.memory_space<vmem>>, %arg10: memref<40x128xf32, #tpu.memory_space<vmem>>, %arg11: memref<40x128xf32, #tpu.memory_space<vmem>>, %arg12: memref<40x128xf32, #tpu.memory_space<vmem>>, %arg13: memref<10240x128xf32, #tpu.memory_space<vmem_shared>>, %arg14: memref<!tpu.dma_semaphore, #tpu.memory_space<semaphore_mem>>, %arg15: memref<!tpu.dma_semaphore, #tpu.memory_space<semaphore_mem>>, %arg16: memref<!tpu.dma_semaphore, #tpu.memory_space<semaphore_mem>>, %arg17: memref<!tpu.dma_semaphore, #tpu.memory_space<semaphore_mem>>, %arg18: memref<!tpu.dma_semaphore, #tpu.memory_space<semaphore_mem>>, %arg19: memref<!tpu.dma_semaphore, #tpu.memory_space<semaphore_mem>>, %arg20: memref<!tpu.dma_semaphore, #tpu.memory_space<semaphore_mem>>, %arg21: memref<!tpu.dma_semaphore, #tpu.memory_space<semaphore_mem>>) attributes {dimension_semantics = [#tpu.dimension_semantics<core_parallel>, #tpu.dimension_semantics<subcore_parallel>], iteration_bounds = array<i64: 2, 16>, scalar_prefetch = 0 : i64, scratch_operands = 15 : i64, tpu.core_type = #tpu.core_type<sc_vector_subcore>, window_params = [{transform_indices = #map}, {transform_indices = #map}, {transform_indices = #map}, {transform_indices = #map}, {transform_indices = #map}]} {
    %mul3A = arith.constant 16 : i32
    %mul3A_0 = arith.muli %arg0, %mul3A : i32
    %add3A = arith.addi %mul3A_0, %arg1 : i32
    %mul3A_1 = arith.constant 10000 : i32
    %mul3A_2 = arith.muli %add3A, %mul3A_1 : i32
    %lt3A = arith.constant 15 : i32
    %lt3A_3 = arith.cmpi slt, %arg1, %lt3A : i32
    %convert_element_type3A = arith.extui %lt3A_3 : i1 to i32
    %cond3A = arith.constant 0 : i32
    %cond3A_4 = arith.cmpi ne, %convert_element_type3A, %cond3A : i32
    scf.if %cond3A_4 {
      %mul3A_33 = arith.constant 640 : i32
      %mul3A_34 = arith.muli %arg1, %mul3A_33 : i32
      %mul3A_35 = arith.constant 640 : i32
      %mul3A_36 = arith.muli %arg1, %mul3A_35 : i32
      "tpu.region"() ({
        %run_scoped3A = tpu.sem_alloc : memref<!tpu.dma_semaphore, #tpu.memory_space<semaphore_mem>>
        %dma_start3A_37 = arith.constant 0 : i32
        %dma_start3A_38 = tpu.memref_slice %arg13[%mul3A_36, %dma_start3A_37] : memref<10240x128xf32, #tpu.memory_space<vmem_shared>> -> memref<640x128xf32, #tpu.memory_space<vmem_shared>>
        %dma_start3A_39 = arith.constant 0 : i32
        %dma_start3A_40 = tpu.memref_slice %arg2[%mul3A_34, %dma_start3A_39] : memref<10000x128xf32, #tpu.memory_space<hbm>> -> memref<640x128xf32, #tpu.memory_space<hbm>>
        tpu.enqueue_dma source(%dma_start3A_40 : memref<640x128xf32, #tpu.memory_space<hbm>>) target(%dma_start3A_38 : memref<640x128xf32, #tpu.memory_space<vmem_shared>>) target_semaphore(%run_scoped3A : memref<!tpu.dma_semaphore, #tpu.memory_space<semaphore_mem>>)
        %dma_wait3A = arith.constant 0 : i32
        %dma_wait3A_41 = tpu.memref_slice %arg13[%mul3A_36, %dma_wait3A] : memref<10240x128xf32, #tpu.memory_space<vmem_shared>> -> memref<640x128xf32, #tpu.memory_space<vmem_shared>>
        %dma_wait3A_42 = arith.constant 0 : i32
        %dma_wait3A_43 = tpu.memref_slice %arg2[%mul3A_34, %dma_wait3A_42] : memref<10000x128xf32, #tpu.memory_space<hbm>> -> memref<640x128xf32, #tpu.memory_space<hbm>>
        tpu.wait_dma2 semaphore(%run_scoped3A : memref<!tpu.dma_semaphore, #tpu.memory_space<semaphore_mem>>) src(%dma_wait3A_43 : memref<640x128xf32, #tpu.memory_space<hbm>>) dst(%dma_wait3A_41 : memref<640x128xf32, #tpu.memory_space<vmem_shared>>)
        tpu.yield
      }) : () -> ()
    } else {
    }
    %eq3A = arith.constant 15 : i32
    %eq3A_5 = arith.cmpi eq, %arg1, %eq3A : i32
    %convert_element_type3A_6 = arith.extui %eq3A_5 : i1 to i32
    %cond3A_7 = arith.constant 0 : i32
    %cond3A_8 = arith.cmpi ne, %convert_element_type3A_6, %cond3A_7 : i32
    scf.if %cond3A_8 {
      "tpu.region"() ({
        %run_scoped3A = tpu.sem_alloc : memref<!tpu.dma_semaphore, #tpu.memory_space<semaphore_mem>>
        %dma_start3A_33 = arith.constant 9600 : i32
        %dma_start3A_34 = arith.constant 0 : i32
        %dma_start3A_35 = tpu.memref_slice %arg13[%dma_start3A_33, %dma_start3A_34] : memref<10240x128xf32, #tpu.memory_space<vmem_shared>> -> memref<400x128xf32, #tpu.memory_space<vmem_shared>>
        %dma_start3A_36 = arith.constant 9600 : i32
        %dma_start3A_37 = arith.constant 0 : i32
        %dma_start3A_38 = tpu.memref_slice %arg2[%dma_start3A_36, %dma_start3A_37] : memref<10000x128xf32, #tpu.memory_space<hbm>> -> memref<400x128xf32, #tpu.memory_space<hbm>>
        tpu.enqueue_dma source(%dma_start3A_38 : memref<400x128xf32, #tpu.memory_space<hbm>>) target(%dma_start3A_35 : memref<400x128xf32, #tpu.memory_space<vmem_shared>>) target_semaphore(%run_scoped3A : memref<!tpu.dma_semaphore, #tpu.memory_space<semaphore_mem>>)
        %dma_wait3A = arith.constant 9600 : i32
        %dma_wait3A_39 = arith.constant 0 : i32
        %dma_wait3A_40 = tpu.memref_slice %arg13[%dma_wait3A, %dma_wait3A_39] : memref<10240x128xf32, #tpu.memory_space<vmem_shared>> -> memref<400x128xf32, #tpu.memory_space<vmem_shared>>
        %dma_wait3A_41 = arith.constant 9600 : i32
        %dma_wait3A_42 = arith.constant 0 : i32
        %dma_wait3A_43 = tpu.memref_slice %arg2[%dma_wait3A_41, %dma_wait3A_42] : memref<10000x128xf32, #tpu.memory_space<hbm>> -> memref<400x128xf32, #tpu.memory_space<hbm>>
        tpu.wait_dma2 semaphore(%run_scoped3A : memref<!tpu.dma_semaphore, #tpu.memory_space<semaphore_mem>>) src(%dma_wait3A_43 : memref<400x128xf32, #tpu.memory_space<hbm>>) dst(%dma_wait3A_40 : memref<400x128xf32, #tpu.memory_space<vmem_shared>>)
        tpu.yield
      }) : () -> ()
    } else {
    }
    "tpu.region"() ({
      %run_scoped3A = tpu.sem_alloc : memref<!tpu.dma_semaphore, #tpu.memory_space<semaphore_mem>>
      %dma_start3A_33 = arith.constant 0 : i32
      %dma_start3A_34 = tpu.memref_slice %arg3[%add3A, %dma_start3A_33] : memref<32x10000xi32, #tpu.memory_space<hbm>> -> memref<1x10000xi32, #tpu.memory_space<hbm>>
      %dma_start3A_35 = tpu.memref_squeeze %dma_start3A_34 : memref<1x10000xi32, #tpu.memory_space<hbm>> -> memref<10000xi32, #tpu.memory_space<hbm>>
      %dma_start3A_36 = arith.constant 0 : i32
      %dma_start3A_37 = tpu.memref_slice %arg3[%add3A, %dma_start3A_36] : memref<32x10000xi32, #tpu.memory_space<hbm>> -> memref<1x10000xi32, #tpu.memory_space<hbm>>
      %dma_start3A_38 = tpu.memref_squeeze %dma_start3A_37 : memref<1x10000xi32, #tpu.memory_space<hbm>> -> memref<10000xi32, #tpu.memory_space<hbm>>
      tpu.enqueue_dma source(%dma_start3A_38 : memref<10000xi32, #tpu.memory_space<hbm>>) target(%arg7 : memref<10000xi32, #tpu.memory_space<vmem>>) target_semaphore(%run_scoped3A : memref<!tpu.dma_semaphore, #tpu.memory_space<semaphore_mem>>)
      %dma_wait3A = arith.constant 0 : i32
      %dma_wait3A_39 = tpu.memref_slice %arg3[%add3A, %dma_wait3A] : memref<32x10000xi32, #tpu.memory_space<hbm>> -> memref<1x10000xi32, #tpu.memory_space<hbm>>
      %dma_wait3A_40 = tpu.memref_squeeze %dma_wait3A_39 : memref<1x10000xi32, #tpu.memory_space<hbm>> -> memref<10000xi32, #tpu.memory_space<hbm>>
      %dma_wait3A_41 = arith.constant 0 : i32
      %dma_wait3A_42 = tpu.memref_slice %arg3[%add3A, %dma_wait3A_41] : memref<32x10000xi32, #tpu.memory_space<hbm>> -> memref<1x10000xi32, #tpu.memory_space<hbm>>
      %dma_wait3A_43 = tpu.memref_squeeze %dma_wait3A_42 : memref<1x10000xi32, #tpu.memory_space<hbm>> -> memref<10000xi32, #tpu.memory_space<hbm>>
      tpu.wait_dma2 semaphore(%run_scoped3A : memref<!tpu.dma_semaphore, #tpu.memory_space<semaphore_mem>>) src(%dma_wait3A_43 : memref<10000xi32, #tpu.memory_space<hbm>>) dst(%arg7 : memref<10000xi32, #tpu.memory_space<vmem>>)
      tpu.yield
    }) : () -> ()
    "tpu.region"() ({
      %run_scoped3A = tpu.sem_alloc : memref<!tpu.dma_semaphore, #tpu.memory_space<semaphore_mem>>
      %dma_start3A_33 = arith.constant 0 : i32
      %dma_start3A_34 = tpu.memref_slice %arg4[%add3A, %dma_start3A_33] : memref<32x10000xi32, #tpu.memory_space<hbm>> -> memref<1x10000xi32, #tpu.memory_space<hbm>>
      %dma_start3A_35 = tpu.memref_squeeze %dma_start3A_34 : memref<1x10000xi32, #tpu.memory_space<hbm>> -> memref<10000xi32, #tpu.memory_space<hbm>>
      %dma_start3A_36 = arith.constant 0 : i32
      %dma_start3A_37 = tpu.memref_slice %arg4[%add3A, %dma_start3A_36] : memref<32x10000xi32, #tpu.memory_space<hbm>> -> memref<1x10000xi32, #tpu.memory_space<hbm>>
      %dma_start3A_38 = tpu.memref_squeeze %dma_start3A_37 : memref<1x10000xi32, #tpu.memory_space<hbm>> -> memref<10000xi32, #tpu.memory_space<hbm>>
      tpu.enqueue_dma source(%dma_start3A_38 : memref<10000xi32, #tpu.memory_space<hbm>>) target(%arg8 : memref<10000xi32, #tpu.memory_space<vmem>>) target_semaphore(%run_scoped3A : memref<!tpu.dma_semaphore, #tpu.memory_space<semaphore_mem>>)
      %dma_wait3A = arith.constant 0 : i32
      %dma_wait3A_39 = tpu.memref_slice %arg4[%add3A, %dma_wait3A] : memref<32x10000xi32, #tpu.memory_space<hbm>> -> memref<1x10000xi32, #tpu.memory_space<hbm>>
      %dma_wait3A_40 = tpu.memref_squeeze %dma_wait3A_39 : memref<1x10000xi32, #tpu.memory_space<hbm>> -> memref<10000xi32, #tpu.memory_space<hbm>>
      %dma_wait3A_41 = arith.constant 0 : i32
      %dma_wait3A_42 = tpu.memref_slice %arg4[%add3A, %dma_wait3A_41] : memref<32x10000xi32, #tpu.memory_space<hbm>> -> memref<1x10000xi32, #tpu.memory_space<hbm>>
      %dma_wait3A_43 = tpu.memref_squeeze %dma_wait3A_42 : memref<1x10000xi32, #tpu.memory_space<hbm>> -> memref<10000xi32, #tpu.memory_space<hbm>>
      tpu.wait_dma2 semaphore(%run_scoped3A : memref<!tpu.dma_semaphore, #tpu.memory_space<semaphore_mem>>) src(%dma_wait3A_43 : memref<10000xi32, #tpu.memory_space<hbm>>) dst(%arg8 : memref<10000xi32, #tpu.memory_space<vmem>>)
      tpu.yield
    }) : () -> ()
    %barrier3A = arith.constant 0 : index
    tpu.barrier barrier_id(%barrier3A)
    %dma_start3A = arith.constant 0 : i32
    %dma_start3A_9 = tpu.memref_slice %arg7[%dma_start3A] : memref<10000xi32, #tpu.memory_space<vmem>> -> memref<40xi32, #tpu.memory_space<vmem>>
    %dma_start3A_10 = arith.constant 0 : i32
    %dma_start3A_11 = arith.constant 0 : i32
    %dma_start3A_12 = tpu.memref_slice %arg13[%dma_start3A_10, %dma_start3A_11] : memref<10240x128xf32, #tpu.memory_space<vmem_shared>> -> memref<10240x128xf32, #tpu.memory_space<vmem_shared>>
    tpu.enqueue_indirect_dma source(%dma_start3A_12 : memref<10240x128xf32, #tpu.memory_space<vmem_shared>>) target(%arg9 : memref<40x128xf32, #tpu.memory_space<vmem>>) offsets(%dma_start3A_9 : memref<40xi32, #tpu.memory_space<vmem>>) semaphore(%arg14 : memref<!tpu.dma_semaphore, #tpu.memory_space<semaphore_mem>>)
    %dma_start3A_13 = arith.constant 0 : i32
    %dma_start3A_14 = tpu.memref_slice %arg8[%dma_start3A_13] : memref<10000xi32, #tpu.memory_space<vmem>> -> memref<40xi32, #tpu.memory_space<vmem>>
    %dma_start3A_15 = arith.constant 0 : i32
    %dma_start3A_16 = arith.constant 0 : i32
    %dma_start3A_17 = tpu.memref_slice %arg13[%dma_start3A_15, %dma_start3A_16] : memref<10240x128xf32, #tpu.memory_space<vmem_shared>> -> memref<10240x128xf32, #tpu.memory_space<vmem_shared>>
    tpu.enqueue_indirect_dma source(%dma_start3A_17 : memref<10240x128xf32, #tpu.memory_space<vmem_shared>>) target(%arg11 : memref<40x128xf32, #tpu.memory_space<vmem>>) offsets(%dma_start3A_14 : memref<40xi32, #tpu.memory_space<vmem>>) semaphore(%arg16 : memref<!tpu.dma_semaphore, #tpu.memory_space<semaphore_mem>>)
    %dma_start3A_18 = arith.constant 40 : i32
    %dma_start3A_19 = tpu.memref_slice %arg7[%dma_start3A_18] : memref<10000xi32, #tpu.memory_space<vmem>> -> memref<40xi32, #tpu.memory_space<vmem>>
    %dma_start3A_20 = arith.constant 0 : i32
    %dma_start3A_21 = arith.constant 0 : i32
    %dma_start3A_22 = tpu.memref_slice %arg13[%dma_start3A_20, %dma_start3A_21] : memref<10240x128xf32, #tpu.memory_space<vmem_shared>> -> memref<10240x128xf32, #tpu.memory_space<vmem_shared>>
    tpu.enqueue_indirect_dma source(%dma_start3A_22 : memref<10240x128xf32, #tpu.memory_space<vmem_shared>>) target(%arg10 : memref<40x128xf32, #tpu.memory_space<vmem>>) offsets(%dma_start3A_19 : memref<40xi32, #tpu.memory_space<vmem>>) semaphore(%arg15 : memref<!tpu.dma_semaphore, #tpu.memory_space<semaphore_mem>>)
    %dma_start3A_23 = arith.constant 40 : i32
    %dma_start3A_24 = tpu.memref_slice %arg8[%dma_start3A_23] : memref<10000xi32, #tpu.memory_space<vmem>> -> memref<40xi32, #tpu.memory_space<vmem>>
    %dma_start3A_25 = arith.constant 0 : i32
    %dma_start3A_26 = arith.constant 0 : i32
    %dma_start3A_27 = tpu.memref_slice %arg13[%dma_start3A_25, %dma_start3A_26] : memref<10240x128xf32, #tpu.memory_space<vmem_shared>> -> memref<10240x128xf32, #tpu.memory_space<vmem_shared>>
    tpu.enqueue_indirect_dma source(%dma_start3A_27 : memref<10240x128xf32, #tpu.memory_space<vmem_shared>>) target(%arg12 : memref<40x128xf32, #tpu.memory_space<vmem>>) offsets(%dma_start3A_24 : memref<40xi32, #tpu.memory_space<vmem>>) semaphore(%arg17 : memref<!tpu.dma_semaphore, #tpu.memory_space<semaphore_mem>>)
    %scan3A = arith.constant 0 : i32
    %scan3A_28 = arith.constant 0 : i32
    %scan3A_29 = arith.constant 125 : i32
    %scan3A_30 = arith.addi %scan3A_28, %scan3A_29 : i32
    %scan3A_31 = arith.constant 1 : i32
    scf.for %scan3A_33 = %scan3A_28 to %scan3A_30 step %scan3A_31  : i32 {
      %mul3A_34 = arith.constant 2 : i32
      %mul3A_35 = arith.muli %scan3A_33, %mul3A_34 : i32
      %add3A_36 = arith.constant 0 : i32
      %add3A_37 = arith.addi %mul3A_35, %add3A_36 : i32
      %mul3A_38 = arith.constant 40 : i32
      %mul3A_39 = arith.muli %add3A_37, %mul3A_38 : i32
      %dma_wait3A = tpu.memref_slice %arg7[%mul3A_39] : memref<10000xi32, #tpu.memory_space<vmem>> -> memref<40xi32, #tpu.memory_space<vmem>>
      %dma_wait3A_40 = arith.constant 0 : i32
      %dma_wait3A_41 = arith.constant 0 : i32
      %dma_wait3A_42 = tpu.memref_slice %arg13[%dma_wait3A_40, %dma_wait3A_41] : memref<10240x128xf32, #tpu.memory_space<vmem_shared>> -> memref<10240x128xf32, #tpu.memory_space<vmem_shared>>
      tpu.wait_indirect_dma semaphore(%arg14 : memref<!tpu.dma_semaphore, #tpu.memory_space<semaphore_mem>>) src(%dma_wait3A_42 : memref<10240x128xf32, #tpu.memory_space<vmem_shared>>) dst(%arg9 : memref<40x128xf32, #tpu.memory_space<vmem>>)
      %dma_wait3A_43 = tpu.memref_slice %arg8[%mul3A_39] : memref<10000xi32, #tpu.memory_space<vmem>> -> memref<40xi32, #tpu.memory_space<vmem>>
      %dma_wait3A_44 = arith.constant 0 : i32
      %dma_wait3A_45 = arith.constant 0 : i32
      %dma_wait3A_46 = tpu.memref_slice %arg13[%dma_wait3A_44, %dma_wait3A_45] : memref<10240x128xf32, #tpu.memory_space<vmem_shared>> -> memref<10240x128xf32, #tpu.memory_space<vmem_shared>>
      tpu.wait_indirect_dma semaphore(%arg16 : memref<!tpu.dma_semaphore, #tpu.memory_space<semaphore_mem>>) src(%dma_wait3A_46 : memref<10240x128xf32, #tpu.memory_space<vmem_shared>>) dst(%arg11 : memref<40x128xf32, #tpu.memory_space<vmem>>)
      %mul3A_47 = arith.constant 40 : i32
      %mul3A_48 = arith.muli %add3A_37, %mul3A_47 : i32
      %add3A_49 = arith.addi %mul3A_2, %mul3A_48 : i32
      %dma_start3A_50 = arith.constant 0 : i32
      %dma_start3A_51 = tpu.memref_slice %arg5[%add3A_49, %dma_start3A_50] : memref<320000x128xf32, #tpu.memory_space<hbm>> -> memref<40x128xf32, #tpu.memory_space<hbm>>
      %dma_start3A_52 = arith.constant 0 : i32
      %dma_start3A_53 = tpu.memref_slice %arg5[%add3A_49, %dma_start3A_52] : memref<320000x128xf32, #tpu.memory_space<hbm>> -> memref<40x128xf32, #tpu.memory_space<hbm>>
      tpu.enqueue_dma source(%arg9 : memref<40x128xf32, #tpu.memory_space<vmem>>) target(%dma_start3A_53 : memref<40x128xf32, #tpu.memory_space<hbm>>) target_semaphore(%arg18 : memref<!tpu.dma_semaphore, #tpu.memory_space<semaphore_mem>>)
      %dma_start3A_54 = arith.constant 0 : i32
      %dma_start3A_55 = tpu.memref_slice %arg6[%add3A_49, %dma_start3A_54] : memref<320000x128xf32, #tpu.memory_space<hbm>> -> memref<40x128xf32, #tpu.memory_space<hbm>>
      %dma_start3A_56 = arith.constant 0 : i32
      %dma_start3A_57 = tpu.memref_slice %arg6[%add3A_49, %dma_start3A_56] : memref<320000x128xf32, #tpu.memory_space<hbm>> -> memref<40x128xf32, #tpu.memory_space<hbm>>
      tpu.enqueue_dma source(%arg11 : memref<40x128xf32, #tpu.memory_space<vmem>>) target(%dma_start3A_57 : memref<40x128xf32, #tpu.memory_space<hbm>>) target_semaphore(%arg20 : memref<!tpu.dma_semaphore, #tpu.memory_space<semaphore_mem>>)
      %mul3A_58 = arith.constant 2 : i32
      %mul3A_59 = arith.muli %scan3A_33, %mul3A_58 : i32
      %add3A_60 = arith.constant 1 : i32
      %add3A_61 = arith.addi %mul3A_59, %add3A_60 : i32
      %mul3A_62 = arith.constant 40 : i32
      %mul3A_63 = arith.muli %add3A_61, %mul3A_62 : i32
      %dma_wait3A_64 = tpu.memref_slice %arg7[%mul3A_63] : memref<10000xi32, #tpu.memory_space<vmem>> -> memref<40xi32, #tpu.memory_space<vmem>>
      %dma_wait3A_65 = arith.constant 0 : i32
      %dma_wait3A_66 = arith.constant 0 : i32
      %dma_wait3A_67 = tpu.memref_slice %arg13[%dma_wait3A_65, %dma_wait3A_66] : memref<10240x128xf32, #tpu.memory_space<vmem_shared>> -> memref<10240x128xf32, #tpu.memory_space<vmem_shared>>
      tpu.wait_indirect_dma semaphore(%arg15 : memref<!tpu.dma_semaphore, #tpu.memory_space<semaphore_mem>>) src(%dma_wait3A_67 : memref<10240x128xf32, #tpu.memory_space<vmem_shared>>) dst(%arg10 : memref<40x128xf32, #tpu.memory_space<vmem>>)
      %dma_wait3A_68 = tpu.memref_slice %arg8[%mul3A_63] : memref<10000xi32, #tpu.memory_space<vmem>> -> memref<40xi32, #tpu.memory_space<vmem>>
      %dma_wait3A_69 = arith.constant 0 : i32
      %dma_wait3A_70 = arith.constant 0 : i32
      %dma_wait3A_71 = tpu.memref_slice %arg13[%dma_wait3A_69, %dma_wait3A_70] : memref<10240x128xf32, #tpu.memory_space<vmem_shared>> -> memref<10240x128xf32, #tpu.memory_space<vmem_shared>>
      tpu.wait_indirect_dma semaphore(%arg17 : memref<!tpu.dma_semaphore, #tpu.memory_space<semaphore_mem>>) src(%dma_wait3A_71 : memref<10240x128xf32, #tpu.memory_space<vmem_shared>>) dst(%arg12 : memref<40x128xf32, #tpu.memory_space<vmem>>)
      %mul3A_72 = arith.constant 40 : i32
      %mul3A_73 = arith.muli %add3A_61, %mul3A_72 : i32
      %add3A_74 = arith.addi %mul3A_2, %mul3A_73 : i32
      %dma_start3A_75 = arith.constant 0 : i32
      %dma_start3A_76 = tpu.memref_slice %arg5[%add3A_74, %dma_start3A_75] : memref<320000x128xf32, #tpu.memory_space<hbm>> -> memref<40x128xf32, #tpu.memory_space<hbm>>
      %dma_start3A_77 = arith.constant 0 : i32
      %dma_start3A_78 = tpu.memref_slice %arg5[%add3A_74, %dma_start3A_77] : memref<320000x128xf32, #tpu.memory_space<hbm>> -> memref<40x128xf32, #tpu.memory_space<hbm>>
      tpu.enqueue_dma source(%arg10 : memref<40x128xf32, #tpu.memory_space<vmem>>) target(%dma_start3A_78 : memref<40x128xf32, #tpu.memory_space<hbm>>) target_semaphore(%arg19 : memref<!tpu.dma_semaphore, #tpu.memory_space<semaphore_mem>>)
      %dma_start3A_79 = arith.constant 0 : i32
      %dma_start3A_80 = tpu.memref_slice %arg6[%add3A_74, %dma_start3A_79] : memref<320000x128xf32, #tpu.memory_space<hbm>> -> memref<40x128xf32, #tpu.memory_space<hbm>>
      %dma_start3A_81 = arith.constant 0 : i32
      %dma_start3A_82 = tpu.memref_slice %arg6[%add3A_74, %dma_start3A_81] : memref<320000x128xf32, #tpu.memory_space<hbm>> -> memref<40x128xf32, #tpu.memory_space<hbm>>
      tpu.enqueue_dma source(%arg12 : memref<40x128xf32, #tpu.memory_space<vmem>>) target(%dma_start3A_82 : memref<40x128xf32, #tpu.memory_space<hbm>>) target_semaphore(%arg21 : memref<!tpu.dma_semaphore, #tpu.memory_space<semaphore_mem>>)
      %mul3A_83 = arith.constant 2 : i32
      %mul3A_84 = arith.muli %scan3A_33, %mul3A_83 : i32
      %add3A_85 = arith.constant 0 : i32
      %add3A_86 = arith.addi %mul3A_84, %add3A_85 : i32
      %mul3A_87 = arith.constant 40 : i32
      %mul3A_88 = arith.muli %add3A_86, %mul3A_87 : i32
      %add3A_89 = arith.addi %mul3A_2, %mul3A_88 : i32
      %dma_wait3A_90 = arith.constant 0 : i32
      %dma_wait3A_91 = tpu.memref_slice %arg5[%add3A_89, %dma_wait3A_90] : memref<320000x128xf32, #tpu.memory_space<hbm>> -> memref<40x128xf32, #tpu.memory_space<hbm>>
      %dma_wait3A_92 = arith.constant 0 : i32
      %dma_wait3A_93 = tpu.memref_slice %arg5[%add3A_89, %dma_wait3A_92] : memref<320000x128xf32, #tpu.memory_space<hbm>> -> memref<40x128xf32, #tpu.memory_space<hbm>>
      tpu.wait_dma2 semaphore(%arg18 : memref<!tpu.dma_semaphore, #tpu.memory_space<semaphore_mem>>) src(%arg9 : memref<40x128xf32, #tpu.memory_space<vmem>>) dst(%dma_wait3A_93 : memref<40x128xf32, #tpu.memory_space<hbm>>)
      %dma_wait3A_94 = arith.constant 0 : i32
      %dma_wait3A_95 = tpu.memref_slice %arg6[%add3A_89, %dma_wait3A_94] : memref<320000x128xf32, #tpu.memory_space<hbm>> -> memref<40x128xf32, #tpu.memory_space<hbm>>
      %dma_wait3A_96 = arith.constant 0 : i32
      %dma_wait3A_97 = tpu.memref_slice %arg6[%add3A_89, %dma_wait3A_96] : memref<320000x128xf32, #tpu.memory_space<hbm>> -> memref<40x128xf32, #tpu.memory_space<hbm>>
      tpu.wait_dma2 semaphore(%arg20 : memref<!tpu.dma_semaphore, #tpu.memory_space<semaphore_mem>>) src(%arg11 : memref<40x128xf32, #tpu.memory_space<vmem>>) dst(%dma_wait3A_97 : memref<40x128xf32, #tpu.memory_space<hbm>>)
      %add3A_98 = arith.constant 2 : i32
      %add3A_99 = arith.addi %add3A_86, %add3A_98 : i32
      %lt3A_100 = arith.constant 250 : i32
      %lt3A_101 = arith.cmpi slt, %add3A_99, %lt3A_100 : i32
      %convert_element_type3A_102 = arith.extui %lt3A_101 : i1 to i32
      %cond3A_103 = arith.constant 0 : i32
      %cond3A_104 = arith.cmpi ne, %convert_element_type3A_102, %cond3A_103 : i32
      scf.if %cond3A_104 {
        %add3A_127 = arith.constant 2 : i32
        %add3A_128 = arith.addi %add3A_86, %add3A_127 : i32
        %mul3A_129 = arith.constant 40 : i32
        %mul3A_130 = arith.muli %add3A_128, %mul3A_129 : i32
        %dma_start3A_131 = tpu.memref_slice %arg7[%mul3A_130] : memref<10000xi32, #tpu.memory_space<vmem>> -> memref<40xi32, #tpu.memory_space<vmem>>
        %dma_start3A_132 = arith.constant 0 : i32
        %dma_start3A_133 = arith.constant 0 : i32
        %dma_start3A_134 = tpu.memref_slice %arg13[%dma_start3A_132, %dma_start3A_133] : memref<10240x128xf32, #tpu.memory_space<vmem_shared>> -> memref<10240x128xf32, #tpu.memory_space<vmem_shared>>
        tpu.enqueue_indirect_dma source(%dma_start3A_134 : memref<10240x128xf32, #tpu.memory_space<vmem_shared>>) target(%arg9 : memref<40x128xf32, #tpu.memory_space<vmem>>) offsets(%dma_start3A_131 : memref<40xi32, #tpu.memory_space<vmem>>) semaphore(%arg14 : memref<!tpu.dma_semaphore, #tpu.memory_space<semaphore_mem>>)
        %dma_start3A_135 = tpu.memref_slice %arg8[%mul3A_130] : memref<10000xi32, #tpu.memory_space<vmem>> -> memref<40xi32, #tpu.memory_space<vmem>>
        %dma_start3A_136 = arith.constant 0 : i32
        %dma_start3A_137 = arith.constant 0 : i32
        %dma_start3A_138 = tpu.memref_slice %arg13[%dma_start3A_136, %dma_start3A_137] : memref<10240x128xf32, #tpu.memory_space<vmem_shared>> -> memref<10240x128xf32, #tpu.memory_space<vmem_shared>>
        tpu.enqueue_indirect_dma source(%dma_start3A_138 : memref<10240x128xf32, #tpu.memory_space<vmem_shared>>) target(%arg11 : memref<40x128xf32, #tpu.memory_space<vmem>>) offsets(%dma_start3A_135 : memref<40xi32, #tpu.memory_space<vmem>>) semaphore(%arg16 : memref<!tpu.dma_semaphore, #tpu.memory_space<semaphore_mem>>)
      } else {
      }
      %mul3A_105 = arith.constant 2 : i32
      %mul3A_106 = arith.muli %scan3A_33, %mul3A_105 : i32
      %add3A_107 = arith.constant 1 : i32
      %add3A_108 = arith.addi %mul3A_106, %add3A_107 : i32
      %mul3A_109 = arith.constant 40 : i32
      %mul3A_110 = arith.muli %add3A_108, %mul3A_109 : i32
      %add3A_111 = arith.addi %mul3A_2, %mul3A_110 : i32
      %dma_wait3A_112 = arith.constant 0 : i32
      %dma_wait3A_113 = tpu.memref_slice %arg5[%add3A_111, %dma_wait3A_112] : memref<320000x128xf32, #tpu.memory_space<hbm>> -> memref<40x128xf32, #tpu.memory_space<hbm>>
      %dma_wait3A_114 = arith.constant 0 : i32
      %dma_wait3A_115 = tpu.memref_slice %arg5[%add3A_111, %dma_wait3A_114] : memref<320000x128xf32, #tpu.memory_space<hbm>> -> memref<40x128xf32, #tpu.memory_space<hbm>>
      tpu.wait_dma2 semaphore(%arg19 : memref<!tpu.dma_semaphore, #tpu.memory_space<semaphore_mem>>) src(%arg10 : memref<40x128xf32, #tpu.memory_space<vmem>>) dst(%dma_wait3A_115 : memref<40x128xf32, #tpu.memory_space<hbm>>)
      %dma_wait3A_116 = arith.constant 0 : i32
      %dma_wait3A_117 = tpu.memref_slice %arg6[%add3A_111, %dma_wait3A_116] : memref<320000x128xf32, #tpu.memory_space<hbm>> -> memref<40x128xf32, #tpu.memory_space<hbm>>
      %dma_wait3A_118 = arith.constant 0 : i32
      %dma_wait3A_119 = tpu.memref_slice %arg6[%add3A_111, %dma_wait3A_118] : memref<320000x128xf32, #tpu.memory_space<hbm>> -> memref<40x128xf32, #tpu.memory_space<hbm>>
      tpu.wait_dma2 semaphore(%arg21 : memref<!tpu.dma_semaphore, #tpu.memory_space<semaphore_mem>>) src(%arg12 : memref<40x128xf32, #tpu.memory_space<vmem>>) dst(%dma_wait3A_119 : memref<40x128xf32, #tpu.memory_space<hbm>>)
      %add3A_120 = arith.constant 2 : i32
      %add3A_121 = arith.addi %add3A_108, %add3A_120 : i32
      %lt3A_122 = arith.constant 250 : i32
      %lt3A_123 = arith.cmpi slt, %add3A_121, %lt3A_122 : i32
      %convert_element_type3A_124 = arith.extui %lt3A_123 : i1 to i32
      %cond3A_125 = arith.constant 0 : i32
      %cond3A_126 = arith.cmpi ne, %convert_element_type3A_124, %cond3A_125 : i32
      scf.if %cond3A_126 {
        %add3A_127 = arith.constant 2 : i32
        %add3A_128 = arith.addi %add3A_108, %add3A_127 : i32
        %mul3A_129 = arith.constant 40 : i32
        %mul3A_130 = arith.muli %add3A_128, %mul3A_129 : i32
        %dma_start3A_131 = tpu.memref_slice %arg7[%mul3A_130] : memref<10000xi32, #tpu.memory_space<vmem>> -> memref<40xi32, #tpu.memory_space<vmem>>
        %dma_start3A_132 = arith.constant 0 : i32
        %dma_start3A_133 = arith.constant 0 : i32
        %dma_start3A_134 = tpu.memref_slice %arg13[%dma_start3A_132, %dma_start3A_133] : memref<10240x128xf32, #tpu.memory_space<vmem_shared>> -> memref<10240x128xf32, #tpu.memory_space<vmem_shared>>
        tpu.enqueue_indirect_dma source(%dma_start3A_134 : memref<10240x128xf32, #tpu.memory_space<vmem_shared>>) target(%arg10 : memref<40x128xf32, #tpu.memory_space<vmem>>) offsets(%dma_start3A_131 : memref<40xi32, #tpu.memory_space<vmem>>) semaphore(%arg15 : memref<!tpu.dma_semaphore, #tpu.memory_space<semaphore_mem>>)
        %dma_start3A_135 = tpu.memref_slice %arg8[%mul3A_130] : memref<10000xi32, #tpu.memory_space<vmem>> -> memref<40xi32, #tpu.memory_space<vmem>>
        %dma_start3A_136 = arith.constant 0 : i32
        %dma_start3A_137 = arith.constant 0 : i32
        %dma_start3A_138 = tpu.memref_slice %arg13[%dma_start3A_136, %dma_start3A_137] : memref<10240x128xf32, #tpu.memory_space<vmem_shared>> -> memref<10240x128xf32, #tpu.memory_space<vmem_shared>>
        tpu.enqueue_indirect_dma source(%dma_start3A_138 : memref<10240x128xf32, #tpu.memory_space<vmem_shared>>) target(%arg12 : memref<40x128xf32, #tpu.memory_space<vmem>>) offsets(%dma_start3A_135 : memref<40xi32, #tpu.memory_space<vmem>>) semaphore(%arg17 : memref<!tpu.dma_semaphore, #tpu.memory_space<semaphore_mem>>)
      } else {
      }
    }
    %scan3A_32 = arith.constant 125 : i32
    return
  }
}

#map = affine_map<(d0, d1) -> (0, 0)>
#map1 = affine_map<(d0, d1) -> (0, 0, 0)>
module attributes {stable_mosaic.version = 14 : i64} {
  func.func @_sc_scatter(%arg0: i32, %arg1: i32, %arg2: memref<320000x128xf32, #tpu.memory_space<hbm>>, %arg3: memref<32x125x80xi32, #tpu.memory_space<hbm>>, %arg4: memref<20000x128xf32, #tpu.memory_space<hbm>>, %arg5: memref<125x80xi32, #tpu.memory_space<vmem>>, %arg6: memref<80x128xf32, #tpu.memory_space<vmem>>, %arg7: memref<80x128xf32, #tpu.memory_space<vmem>>, %arg8: memref<80x128xf32, #tpu.memory_space<vmem>>, %arg9: memref<10240x128xf32, #tpu.memory_space<vmem_shared>>, %arg10: memref<!tpu.dma_semaphore, #tpu.memory_space<semaphore_mem>>, %arg11: memref<!tpu.dma_semaphore, #tpu.memory_space<semaphore_mem>>) attributes {dimension_semantics = [#tpu.dimension_semantics<core_parallel>, #tpu.dimension_semantics<subcore_parallel>], iteration_bounds = array<i64: 2, 16>, scalar_prefetch = 0 : i64, scratch_operands = 7 : i64, tpu.core_type = #tpu.core_type<sc_vector_subcore>, window_params = [{transform_indices = #map}, {transform_indices = #map1}, {transform_indices = #map}]} {
    %mul3A = arith.constant 16 : i32
    %mul3A_0 = arith.muli %arg0, %mul3A : i32
    %add3A = arith.addi %mul3A_0, %arg1 : i32
    %mul3A_1 = arith.constant 10000 : i32
    %mul3A_2 = arith.muli %add3A, %mul3A_1 : i32
    "tpu.region"() ({
      %run_scoped3A = tpu.sem_alloc : memref<!tpu.dma_semaphore, #tpu.memory_space<semaphore_mem>>
      %dma_start3A_64 = arith.constant 0 : i32
      %dma_start3A_65 = arith.constant 0 : i32
      %dma_start3A_66 = tpu.memref_slice %arg3[%add3A, %dma_start3A_64, %dma_start3A_65] : memref<32x125x80xi32, #tpu.memory_space<hbm>> -> memref<1x125x80xi32, #tpu.memory_space<hbm>>
      %dma_start3A_67 = tpu.memref_squeeze %dma_start3A_66 : memref<1x125x80xi32, #tpu.memory_space<hbm>> -> memref<125x80xi32, #tpu.memory_space<hbm>>
      %dma_start3A_68 = arith.constant 0 : i32
      %dma_start3A_69 = arith.constant 0 : i32
      %dma_start3A_70 = tpu.memref_slice %arg3[%add3A, %dma_start3A_68, %dma_start3A_69] : memref<32x125x80xi32, #tpu.memory_space<hbm>> -> memref<1x125x80xi32, #tpu.memory_space<hbm>>
      %dma_start3A_71 = tpu.memref_squeeze %dma_start3A_70 : memref<1x125x80xi32, #tpu.memory_space<hbm>> -> memref<125x80xi32, #tpu.memory_space<hbm>>
      tpu.enqueue_dma source(%dma_start3A_71 : memref<125x80xi32, #tpu.memory_space<hbm>>) target(%arg5 : memref<125x80xi32, #tpu.memory_space<vmem>>) target_semaphore(%run_scoped3A : memref<!tpu.dma_semaphore, #tpu.memory_space<semaphore_mem>>)
      %dma_wait3A = arith.constant 0 : i32
      %dma_wait3A_72 = arith.constant 0 : i32
      %dma_wait3A_73 = tpu.memref_slice %arg3[%add3A, %dma_wait3A, %dma_wait3A_72] : memref<32x125x80xi32, #tpu.memory_space<hbm>> -> memref<1x125x80xi32, #tpu.memory_space<hbm>>
      %dma_wait3A_74 = tpu.memref_squeeze %dma_wait3A_73 : memref<1x125x80xi32, #tpu.memory_space<hbm>> -> memref<125x80xi32, #tpu.memory_space<hbm>>
      %dma_wait3A_75 = arith.constant 0 : i32
      %dma_wait3A_76 = arith.constant 0 : i32
      %dma_wait3A_77 = tpu.memref_slice %arg3[%add3A, %dma_wait3A_75, %dma_wait3A_76] : memref<32x125x80xi32, #tpu.memory_space<hbm>> -> memref<1x125x80xi32, #tpu.memory_space<hbm>>
      %dma_wait3A_78 = tpu.memref_squeeze %dma_wait3A_77 : memref<1x125x80xi32, #tpu.memory_space<hbm>> -> memref<125x80xi32, #tpu.memory_space<hbm>>
      tpu.wait_dma2 semaphore(%run_scoped3A : memref<!tpu.dma_semaphore, #tpu.memory_space<semaphore_mem>>) src(%dma_wait3A_78 : memref<125x80xi32, #tpu.memory_space<hbm>>) dst(%arg5 : memref<125x80xi32, #tpu.memory_space<vmem>>)
      tpu.yield
    }) : () -> ()
    %scan3A = arith.constant 0 : i32
    %scan3A_3 = arith.constant 0 : i32
    %scan3A_4 = arith.constant 80 : i32
    %scan3A_5 = arith.addi %scan3A_3, %scan3A_4 : i32
    %scan3A_6 = arith.constant 1 : i32
    scf.for %scan3A_64 = %scan3A_3 to %scan3A_5 step %scan3A_6  : i32 {
      %broadcast_in_dim3A = arith.constant 0.000000e+00 : f32
      %broadcast_in_dim3A_65 = vector.broadcast %broadcast_in_dim3A : f32 to vector<16xf32>
      %swap3A = arith.index_cast %scan3A_64 : i32 to index
      %swap3A_66 = arith.constant 0 : index
      %swap3A_67 = tpu.vector_load %arg6[%swap3A, %swap3A_66] {strides = array<i32>} : memref<80x128xf32, #tpu.memory_space<vmem>>, vector<1x16xf32>,
      %swap3A_68 = vector.shape_cast %swap3A_67 : vector<1x16xf32> to vector<16xf32>
      %swap3A_69 = vector.shape_cast %broadcast_in_dim3A_65 : vector<16xf32> to vector<1x16xf32>
      tpu.vector_store %arg6[%swap3A, %swap3A_66], %swap3A_69 {strides = array<i32>} : memref<80x128xf32, #tpu.memory_space<vmem>>, vector<1x16xf32>,
      %broadcast_in_dim3A_70 = arith.constant 0.000000e+00 : f32
      %broadcast_in_dim3A_71 = vector.broadcast %broadcast_in_dim3A_70 : f32 to vector<16xf32>
      %swap3A_72 = arith.index_cast %scan3A_64 : i32 to index
      %swap3A_73 = arith.constant 16 : index
      %swap3A_74 = tpu.vector_load %arg6[%swap3A_72, %swap3A_73] {strides = array<i32>} : memref<80x128xf32, #tpu.memory_space<vmem>>, vector<1x16xf32>,
      %swap3A_75 = vector.shape_cast %swap3A_74 : vector<1x16xf32> to vector<16xf32>
      %swap3A_76 = vector.shape_cast %broadcast_in_dim3A_71 : vector<16xf32> to vector<1x16xf32>
      tpu.vector_store %arg6[%swap3A_72, %swap3A_73], %swap3A_76 {strides = array<i32>} : memref<80x128xf32, #tpu.memory_space<vmem>>, vector<1x16xf32>,
      %broadcast_in_dim3A_77 = arith.constant 0.000000e+00 : f32
      %broadcast_in_dim3A_78 = vector.broadcast %broadcast_in_dim3A_77 : f32 to vector<16xf32>
      %swap3A_79 = arith.index_cast %scan3A_64 : i32 to index
      %swap3A_80 = arith.constant 32 : index
      %swap3A_81 = tpu.vector_load %arg6[%swap3A_79, %swap3A_80] {strides = array<i32>} : memref<80x128xf32, #tpu.memory_space<vmem>>, vector<1x16xf32>,
      %swap3A_82 = vector.shape_cast %swap3A_81 : vector<1x16xf32> to vector<16xf32>
      %swap3A_83 = vector.shape_cast %broadcast_in_dim3A_78 : vector<16xf32> to vector<1x16xf32>
      tpu.vector_store %arg6[%swap3A_79, %swap3A_80], %swap3A_83 {strides = array<i32>} : memref<80x128xf32, #tpu.memory_space<vmem>>, vector<1x16xf32>,
      %broadcast_in_dim3A_84 = arith.constant 0.000000e+00 : f32
      %broadcast_in_dim3A_85 = vector.broadcast %broadcast_in_dim3A_84 : f32 to vector<16xf32>
      %swap3A_86 = arith.index_cast %scan3A_64 : i32 to index
      %swap3A_87 = arith.constant 48 : index
      %swap3A_88 = tpu.vector_load %arg6[%swap3A_86, %swap3A_87] {strides = array<i32>} : memref<80x128xf32, #tpu.memory_space<vmem>>, vector<1x16xf32>,
      %swap3A_89 = vector.shape_cast %swap3A_88 : vector<1x16xf32> to vector<16xf32>
      %swap3A_90 = vector.shape_cast %broadcast_in_dim3A_85 : vector<16xf32> to vector<1x16xf32>
      tpu.vector_store %arg6[%swap3A_86, %swap3A_87], %swap3A_90 {strides = array<i32>} : memref<80x128xf32, #tpu.memory_space<vmem>>, vector<1x16xf32>,
      %broadcast_in_dim3A_91 = arith.constant 0.000000e+00 : f32
      %broadcast_in_dim3A_92 = vector.broadcast %broadcast_in_dim3A_91 : f32 to vector<16xf32>
      %swap3A_93 = arith.index_cast %scan3A_64 : i32 to index
      %swap3A_94 = arith.constant 64 : index
      %swap3A_95 = tpu.vector_load %arg6[%swap3A_93, %swap3A_94] {strides = array<i32>} : memref<80x128xf32, #tpu.memory_space<vmem>>, vector<1x16xf32>,
      %swap3A_96 = vector.shape_cast %swap3A_95 : vector<1x16xf32> to vector<16xf32>
      %swap3A_97 = vector.shape_cast %broadcast_in_dim3A_92 : vector<16xf32> to vector<1x16xf32>
      tpu.vector_store %arg6[%swap3A_93, %swap3A_94], %swap3A_97 {strides = array<i32>} : memref<80x128xf32, #tpu.memory_space<vmem>>, vector<1x16xf32>,
      %broadcast_in_dim3A_98 = arith.constant 0.000000e+00 : f32
      %broadcast_in_dim3A_99 = vector.broadcast %broadcast_in_dim3A_98 : f32 to vector<16xf32>
      %swap3A_100 = arith.index_cast %scan3A_64 : i32 to index
      %swap3A_101 = arith.constant 80 : index
      %swap3A_102 = tpu.vector_load %arg6[%swap3A_100, %swap3A_101] {strides = array<i32>} : memref<80x128xf32, #tpu.memory_space<vmem>>, vector<1x16xf32>,
      %swap3A_103 = vector.shape_cast %swap3A_102 : vector<1x16xf32> to vector<16xf32>
      %swap3A_104 = vector.shape_cast %broadcast_in_dim3A_99 : vector<16xf32> to vector<1x16xf32>
      tpu.vector_store %arg6[%swap3A_100, %swap3A_101], %swap3A_104 {strides = array<i32>} : memref<80x128xf32, #tpu.memory_space<vmem>>, vector<1x16xf32>,
      %broadcast_in_dim3A_105 = arith.constant 0.000000e+00 : f32
      %broadcast_in_dim3A_106 = vector.broadcast %broadcast_in_dim3A_105 : f32 to vector<16xf32>
      %swap3A_107 = arith.index_cast %scan3A_64 : i32 to index
      %swap3A_108 = arith.constant 96 : index
      %swap3A_109 = tpu.vector_load %arg6[%swap3A_107, %swap3A_108] {strides = array<i32>} : memref<80x128xf32, #tpu.memory_space<vmem>>, vector<1x16xf32>,
      %swap3A_110 = vector.shape_cast %swap3A_109 : vector<1x16xf32> to vector<16xf32>
      %swap3A_111 = vector.shape_cast %broadcast_in_dim3A_106 : vector<16xf32> to vector<1x16xf32>
      tpu.vector_store %arg6[%swap3A_107, %swap3A_108], %swap3A_111 {strides = array<i32>} : memref<80x128xf32, #tpu.memory_space<vmem>>, vector<1x16xf32>,
      %broadcast_in_dim3A_112 = arith.constant 0.000000e+00 : f32
      %broadcast_in_dim3A_113 = vector.broadcast %broadcast_in_dim3A_112 : f32 to vector<16xf32>
      %swap3A_114 = arith.index_cast %scan3A_64 : i32 to index
      %swap3A_115 = arith.constant 112 : index
      %swap3A_116 = tpu.vector_load %arg6[%swap3A_114, %swap3A_115] {strides = array<i32>} : memref<80x128xf32, #tpu.memory_space<vmem>>, vector<1x16xf32>,
      %swap3A_117 = vector.shape_cast %swap3A_116 : vector<1x16xf32> to vector<16xf32>
      %swap3A_118 = vector.shape_cast %broadcast_in_dim3A_113 : vector<16xf32> to vector<1x16xf32>
      tpu.vector_store %arg6[%swap3A_114, %swap3A_115], %swap3A_118 {strides = array<i32>} : memref<80x128xf32, #tpu.memory_space<vmem>>, vector<1x16xf32>,
    }
    %scan3A_7 = arith.constant 80 : i32
    %mul3A_8 = arith.constant 640 : i32
    %mul3A_9 = arith.muli %arg1, %mul3A_8 : i32
    %add3A_10 = arith.constant 0 : i32
    %add3A_11 = arith.addi %mul3A_9, %add3A_10 : i32
    "tpu.region"() ({
      %run_scoped3A = tpu.sem_alloc : memref<!tpu.dma_semaphore, #tpu.memory_space<semaphore_mem>>
      %dma_start3A_64 = arith.constant 0 : i32
      %dma_start3A_65 = tpu.memref_slice %arg9[%add3A_11, %dma_start3A_64] : memref<10240x128xf32, #tpu.memory_space<vmem_shared>> -> memref<80x128xf32, #tpu.memory_space<vmem_shared>>
      %dma_start3A_66 = arith.constant 0 : i32
      %dma_start3A_67 = tpu.memref_slice %arg9[%add3A_11, %dma_start3A_66] : memref<10240x128xf32, #tpu.memory_space<vmem_shared>> -> memref<80x128xf32, #tpu.memory_space<vmem_shared>>
      tpu.enqueue_dma source(%arg6 : memref<80x128xf32, #tpu.memory_space<vmem>>) target(%dma_start3A_67 : memref<80x128xf32, #tpu.memory_space<vmem_shared>>) target_semaphore(%run_scoped3A : memref<!tpu.dma_semaphore, #tpu.memory_space<semaphore_mem>>)
      %dma_wait3A = arith.constant 0 : i32
      %dma_wait3A_68 = tpu.memref_slice %arg9[%add3A_11, %dma_wait3A] : memref<10240x128xf32, #tpu.memory_space<vmem_shared>> -> memref<80x128xf32, #tpu.memory_space<vmem_shared>>
      %dma_wait3A_69 = arith.constant 0 : i32
      %dma_wait3A_70 = tpu.memref_slice %arg9[%add3A_11, %dma_wait3A_69] : memref<10240x128xf32, #tpu.memory_space<vmem_shared>> -> memref<80x128xf32, #tpu.memory_space<vmem_shared>>
      tpu.wait_dma2 semaphore(%run_scoped3A : memref<!tpu.dma_semaphore, #tpu.memory_space<semaphore_mem>>) src(%arg6 : memref<80x128xf32, #tpu.memory_space<vmem>>) dst(%dma_wait3A_70 : memref<80x128xf32, #tpu.memory_space<vmem_shared>>)
      tpu.yield
    }) : () -> ()
    %mul3A_12 = arith.constant 640 : i32
    %mul3A_13 = arith.muli %arg1, %mul3A_12 : i32
    %add3A_14 = arith.constant 80 : i32
    %add3A_15 = arith.addi %mul3A_13, %add3A_14 : i32
    "tpu.region"() ({
      %run_scoped3A = tpu.sem_alloc : memref<!tpu.dma_semaphore, #tpu.memory_space<semaphore_mem>>
      %dma_start3A_64 = arith.constant 0 : i32
      %dma_start3A_65 = tpu.memref_slice %arg9[%add3A_15, %dma_start3A_64] : memref<10240x128xf32, #tpu.memory_space<vmem_shared>> -> memref<80x128xf32, #tpu.memory_space<vmem_shared>>
      %dma_start3A_66 = arith.constant 0 : i32
      %dma_start3A_67 = tpu.memref_slice %arg9[%add3A_15, %dma_start3A_66] : memref<10240x128xf32, #tpu.memory_space<vmem_shared>> -> memref<80x128xf32, #tpu.memory_space<vmem_shared>>
      tpu.enqueue_dma source(%arg6 : memref<80x128xf32, #tpu.memory_space<vmem>>) target(%dma_start3A_67 : memref<80x128xf32, #tpu.memory_space<vmem_shared>>) target_semaphore(%run_scoped3A : memref<!tpu.dma_semaphore, #tpu.memory_space<semaphore_mem>>)
      %dma_wait3A = arith.constant 0 : i32
      %dma_wait3A_68 = tpu.memref_slice %arg9[%add3A_15, %dma_wait3A] : memref<10240x128xf32, #tpu.memory_space<vmem_shared>> -> memref<80x128xf32, #tpu.memory_space<vmem_shared>>
      %dma_wait3A_69 = arith.constant 0 : i32
      %dma_wait3A_70 = tpu.memref_slice %arg9[%add3A_15, %dma_wait3A_69] : memref<10240x128xf32, #tpu.memory_space<vmem_shared>> -> memref<80x128xf32, #tpu.memory_space<vmem_shared>>
      tpu.wait_dma2 semaphore(%run_scoped3A : memref<!tpu.dma_semaphore, #tpu.memory_space<semaphore_mem>>) src(%arg6 : memref<80x128xf32, #tpu.memory_space<vmem>>) dst(%dma_wait3A_70 : memref<80x128xf32, #tpu.memory_space<vmem_shared>>)
      tpu.yield
    }) : () -> ()
    %mul3A_16 = arith.constant 640 : i32
    %mul3A_17 = arith.muli %arg1, %mul3A_16 : i32
    %add3A_18 = arith.constant 160 : i32
    %add3A_19 = arith.addi %mul3A_17, %add3A_18 : i32
    "tpu.region"() ({
      %run_scoped3A = tpu.sem_alloc : memref<!tpu.dma_semaphore, #tpu.memory_space<semaphore_mem>>
      %dma_start3A_64 = arith.constant 0 : i32
      %dma_start3A_65 = tpu.memref_slice %arg9[%add3A_19, %dma_start3A_64] : memref<10240x128xf32, #tpu.memory_space<vmem_shared>> -> memref<80x128xf32, #tpu.memory_space<vmem_shared>>
      %dma_start3A_66 = arith.constant 0 : i32
      %dma_start3A_67 = tpu.memref_slice %arg9[%add3A_19, %dma_start3A_66] : memref<10240x128xf32, #tpu.memory_space<vmem_shared>> -> memref<80x128xf32, #tpu.memory_space<vmem_shared>>
      tpu.enqueue_dma source(%arg6 : memref<80x128xf32, #tpu.memory_space<vmem>>) target(%dma_start3A_67 : memref<80x128xf32, #tpu.memory_space<vmem_shared>>) target_semaphore(%run_scoped3A : memref<!tpu.dma_semaphore, #tpu.memory_space<semaphore_mem>>)
      %dma_wait3A = arith.constant 0 : i32
      %dma_wait3A_68 = tpu.memref_slice %arg9[%add3A_19, %dma_wait3A] : memref<10240x128xf32, #tpu.memory_space<vmem_shared>> -> memref<80x128xf32, #tpu.memory_space<vmem_shared>>
      %dma_wait3A_69 = arith.constant 0 : i32
      %dma_wait3A_70 = tpu.memref_slice %arg9[%add3A_19, %dma_wait3A_69] : memref<10240x128xf32, #tpu.memory_space<vmem_shared>> -> memref<80x128xf32, #tpu.memory_space<vmem_shared>>
      tpu.wait_dma2 semaphore(%run_scoped3A : memref<!tpu.dma_semaphore, #tpu.memory_space<semaphore_mem>>) src(%arg6 : memref<80x128xf32, #tpu.memory_space<vmem>>) dst(%dma_wait3A_70 : memref<80x128xf32, #tpu.memory_space<vmem_shared>>)
      tpu.yield
    }) : () -> ()
    %mul3A_20 = arith.constant 640 : i32
    %mul3A_21 = arith.muli %arg1, %mul3A_20 : i32
    %add3A_22 = arith.constant 240 : i32
    %add3A_23 = arith.addi %mul3A_21, %add3A_22 : i32
    "tpu.region"() ({
      %run_scoped3A = tpu.sem_alloc : memref<!tpu.dma_semaphore, #tpu.memory_space<semaphore_mem>>
      %dma_start3A_64 = arith.constant 0 : i32
      %dma_start3A_65 = tpu.memref_slice %arg9[%add3A_23, %dma_start3A_64] : memref<10240x128xf32, #tpu.memory_space<vmem_shared>> -> memref<80x128xf32, #tpu.memory_space<vmem_shared>>
      %dma_start3A_66 = arith.constant 0 : i32
      %dma_start3A_67 = tpu.memref_slice %arg9[%add3A_23, %dma_start3A_66] : memref<10240x128xf32, #tpu.memory_space<vmem_shared>> -> memref<80x128xf32, #tpu.memory_space<vmem_shared>>
      tpu.enqueue_dma source(%arg6 : memref<80x128xf32, #tpu.memory_space<vmem>>) target(%dma_start3A_67 : memref<80x128xf32, #tpu.memory_space<vmem_shared>>) target_semaphore(%run_scoped3A : memref<!tpu.dma_semaphore, #tpu.memory_space<semaphore_mem>>)
      %dma_wait3A = arith.constant 0 : i32
      %dma_wait3A_68 = tpu.memref_slice %arg9[%add3A_23, %dma_wait3A] : memref<10240x128xf32, #tpu.memory_space<vmem_shared>> -> memref<80x128xf32, #tpu.memory_space<vmem_shared>>
      %dma_wait3A_69 = arith.constant 0 : i32
      %dma_wait3A_70 = tpu.memref_slice %arg9[%add3A_23, %dma_wait3A_69] : memref<10240x128xf32, #tpu.memory_space<vmem_shared>> -> memref<80x128xf32, #tpu.memory_space<vmem_shared>>
      tpu.wait_dma2 semaphore(%run_scoped3A : memref<!tpu.dma_semaphore, #tpu.memory_space<semaphore_mem>>) src(%arg6 : memref<80x128xf32, #tpu.memory_space<vmem>>) dst(%dma_wait3A_70 : memref<80x128xf32, #tpu.memory_space<vmem_shared>>)
      tpu.yield
    }) : () -> ()
    %mul3A_24 = arith.constant 640 : i32
    %mul3A_25 = arith.muli %arg1, %mul3A_24 : i32
    %add3A_26 = arith.constant 320 : i32
    %add3A_27 = arith.addi %mul3A_25, %add3A_26 : i32
    "tpu.region"() ({
      %run_scoped3A = tpu.sem_alloc : memref<!tpu.dma_semaphore, #tpu.memory_space<semaphore_mem>>
      %dma_start3A_64 = arith.constant 0 : i32
      %dma_start3A_65 = tpu.memref_slice %arg9[%add3A_27, %dma_start3A_64] : memref<10240x128xf32, #tpu.memory_space<vmem_shared>> -> memref<80x128xf32, #tpu.memory_space<vmem_shared>>
      %dma_start3A_66 = arith.constant 0 : i32
      %dma_start3A_67 = tpu.memref_slice %arg9[%add3A_27, %dma_start3A_66] : memref<10240x128xf32, #tpu.memory_space<vmem_shared>> -> memref<80x128xf32, #tpu.memory_space<vmem_shared>>
      tpu.enqueue_dma source(%arg6 : memref<80x128xf32, #tpu.memory_space<vmem>>) target(%dma_start3A_67 : memref<80x128xf32, #tpu.memory_space<vmem_shared>>) target_semaphore(%run_scoped3A : memref<!tpu.dma_semaphore, #tpu.memory_space<semaphore_mem>>)
      %dma_wait3A = arith.constant 0 : i32
      %dma_wait3A_68 = tpu.memref_slice %arg9[%add3A_27, %dma_wait3A] : memref<10240x128xf32, #tpu.memory_space<vmem_shared>> -> memref<80x128xf32, #tpu.memory_space<vmem_shared>>
      %dma_wait3A_69 = arith.constant 0 : i32
      %dma_wait3A_70 = tpu.memref_slice %arg9[%add3A_27, %dma_wait3A_69] : memref<10240x128xf32, #tpu.memory_space<vmem_shared>> -> memref<80x128xf32, #tpu.memory_space<vmem_shared>>
      tpu.wait_dma2 semaphore(%run_scoped3A : memref<!tpu.dma_semaphore, #tpu.memory_space<semaphore_mem>>) src(%arg6 : memref<80x128xf32, #tpu.memory_space<vmem>>) dst(%dma_wait3A_70 : memref<80x128xf32, #tpu.memory_space<vmem_shared>>)
      tpu.yield
    }) : () -> ()
    %mul3A_28 = arith.constant 640 : i32
    %mul3A_29 = arith.muli %arg1, %mul3A_28 : i32
    %add3A_30 = arith.constant 400 : i32
    %add3A_31 = arith.addi %mul3A_29, %add3A_30 : i32
    "tpu.region"() ({
      %run_scoped3A = tpu.sem_alloc : memref<!tpu.dma_semaphore, #tpu.memory_space<semaphore_mem>>
      %dma_start3A_64 = arith.constant 0 : i32
      %dma_start3A_65 = tpu.memref_slice %arg9[%add3A_31, %dma_start3A_64] : memref<10240x128xf32, #tpu.memory_space<vmem_shared>> -> memref<80x128xf32, #tpu.memory_space<vmem_shared>>
      %dma_start3A_66 = arith.constant 0 : i32
      %dma_start3A_67 = tpu.memref_slice %arg9[%add3A_31, %dma_start3A_66] : memref<10240x128xf32, #tpu.memory_space<vmem_shared>> -> memref<80x128xf32, #tpu.memory_space<vmem_shared>>
      tpu.enqueue_dma source(%arg6 : memref<80x128xf32, #tpu.memory_space<vmem>>) target(%dma_start3A_67 : memref<80x128xf32, #tpu.memory_space<vmem_shared>>) target_semaphore(%run_scoped3A : memref<!tpu.dma_semaphore, #tpu.memory_space<semaphore_mem>>)
      %dma_wait3A = arith.constant 0 : i32
      %dma_wait3A_68 = tpu.memref_slice %arg9[%add3A_31, %dma_wait3A] : memref<10240x128xf32, #tpu.memory_space<vmem_shared>> -> memref<80x128xf32, #tpu.memory_space<vmem_shared>>
      %dma_wait3A_69 = arith.constant 0 : i32
      %dma_wait3A_70 = tpu.memref_slice %arg9[%add3A_31, %dma_wait3A_69] : memref<10240x128xf32, #tpu.memory_space<vmem_shared>> -> memref<80x128xf32, #tpu.memory_space<vmem_shared>>
      tpu.wait_dma2 semaphore(%run_scoped3A : memref<!tpu.dma_semaphore, #tpu.memory_space<semaphore_mem>>) src(%arg6 : memref<80x128xf32, #tpu.memory_space<vmem>>) dst(%dma_wait3A_70 : memref<80x128xf32, #tpu.memory_space<vmem_shared>>)
      tpu.yield
    }) : () -> ()
    %mul3A_32 = arith.constant 640 : i32
    %mul3A_33 = arith.muli %arg1, %mul3A_32 : i32
    %add3A_34 = arith.constant 480 : i32
    %add3A_35 = arith.addi %mul3A_33, %add3A_34 : i32
    "tpu.region"() ({
      %run_scoped3A = tpu.sem_alloc : memref<!tpu.dma_semaphore, #tpu.memory_space<semaphore_mem>>
      %dma_start3A_64 = arith.constant 0 : i32
      %dma_start3A_65 = tpu.memref_slice %arg9[%add3A_35, %dma_start3A_64] : memref<10240x128xf32, #tpu.memory_space<vmem_shared>> -> memref<80x128xf32, #tpu.memory_space<vmem_shared>>
      %dma_start3A_66 = arith.constant 0 : i32
      %dma_start3A_67 = tpu.memref_slice %arg9[%add3A_35, %dma_start3A_66] : memref<10240x128xf32, #tpu.memory_space<vmem_shared>> -> memref<80x128xf32, #tpu.memory_space<vmem_shared>>
      tpu.enqueue_dma source(%arg6 : memref<80x128xf32, #tpu.memory_space<vmem>>) target(%dma_start3A_67 : memref<80x128xf32, #tpu.memory_space<vmem_shared>>) target_semaphore(%run_scoped3A : memref<!tpu.dma_semaphore, #tpu.memory_space<semaphore_mem>>)
      %dma_wait3A = arith.constant 0 : i32
      %dma_wait3A_68 = tpu.memref_slice %arg9[%add3A_35, %dma_wait3A] : memref<10240x128xf32, #tpu.memory_space<vmem_shared>> -> memref<80x128xf32, #tpu.memory_space<vmem_shared>>
      %dma_wait3A_69 = arith.constant 0 : i32
      %dma_wait3A_70 = tpu.memref_slice %arg9[%add3A_35, %dma_wait3A_69] : memref<10240x128xf32, #tpu.memory_space<vmem_shared>> -> memref<80x128xf32, #tpu.memory_space<vmem_shared>>
      tpu.wait_dma2 semaphore(%run_scoped3A : memref<!tpu.dma_semaphore, #tpu.memory_space<semaphore_mem>>) src(%arg6 : memref<80x128xf32, #tpu.memory_space<vmem>>) dst(%dma_wait3A_70 : memref<80x128xf32, #tpu.memory_space<vmem_shared>>)
      tpu.yield
    }) : () -> ()
    %mul3A_36 = arith.constant 640 : i32
    %mul3A_37 = arith.muli %arg1, %mul3A_36 : i32
    %add3A_38 = arith.constant 560 : i32
    %add3A_39 = arith.addi %mul3A_37, %add3A_38 : i32
    "tpu.region"() ({
      %run_scoped3A = tpu.sem_alloc : memref<!tpu.dma_semaphore, #tpu.memory_space<semaphore_mem>>
      %dma_start3A_64 = arith.constant 0 : i32
      %dma_start3A_65 = tpu.memref_slice %arg9[%add3A_39, %dma_start3A_64] : memref<10240x128xf32, #tpu.memory_space<vmem_shared>> -> memref<80x128xf32, #tpu.memory_space<vmem_shared>>
      %dma_start3A_66 = arith.constant 0 : i32
      %dma_start3A_67 = tpu.memref_slice %arg9[%add3A_39, %dma_start3A_66] : memref<10240x128xf32, #tpu.memory_space<vmem_shared>> -> memref<80x128xf32, #tpu.memory_space<vmem_shared>>
      tpu.enqueue_dma source(%arg6 : memref<80x128xf32, #tpu.memory_space<vmem>>) target(%dma_start3A_67 : memref<80x128xf32, #tpu.memory_space<vmem_shared>>) target_semaphore(%run_scoped3A : memref<!tpu.dma_semaphore, #tpu.memory_space<semaphore_mem>>)
      %dma_wait3A = arith.constant 0 : i32
      %dma_wait3A_68 = tpu.memref_slice %arg9[%add3A_39, %dma_wait3A] : memref<10240x128xf32, #tpu.memory_space<vmem_shared>> -> memref<80x128xf32, #tpu.memory_space<vmem_shared>>
      %dma_wait3A_69 = arith.constant 0 : i32
      %dma_wait3A_70 = tpu.memref_slice %arg9[%add3A_39, %dma_wait3A_69] : memref<10240x128xf32, #tpu.memory_space<vmem_shared>> -> memref<80x128xf32, #tpu.memory_space<vmem_shared>>
      tpu.wait_dma2 semaphore(%run_scoped3A : memref<!tpu.dma_semaphore, #tpu.memory_space<semaphore_mem>>) src(%arg6 : memref<80x128xf32, #tpu.memory_space<vmem>>) dst(%dma_wait3A_70 : memref<80x128xf32, #tpu.memory_space<vmem_shared>>)
      tpu.yield
    }) : () -> ()
    %barrier3A = arith.constant 0 : index
    tpu.barrier barrier_id(%barrier3A)
    %add3A_40 = arith.constant 0 : i32
    %add3A_41 = arith.addi %mul3A_2, %add3A_40 : i32
    %dma_start3A = arith.constant 0 : i32
    %dma_start3A_42 = tpu.memref_slice %arg2[%add3A_41, %dma_start3A] : memref<320000x128xf32, #tpu.memory_space<hbm>> -> memref<80x128xf32, #tpu.memory_space<hbm>>
    %dma_start3A_43 = arith.constant 0 : i32
    %dma_start3A_44 = tpu.memref_slice %arg2[%add3A_41, %dma_start3A_43] : memref<320000x128xf32, #tpu.memory_space<hbm>> -> memref<80x128xf32, #tpu.memory_space<hbm>>
    tpu.enqueue_dma source(%dma_start3A_44 : memref<80x128xf32, #tpu.memory_space<hbm>>) target(%arg7 : memref<80x128xf32, #tpu.memory_space<vmem>>) target_semaphore(%arg10 : memref<!tpu.dma_semaphore, #tpu.memory_space<semaphore_mem>>)
    %add3A_45 = arith.constant 80 : i32
    %add3A_46 = arith.addi %mul3A_2, %add3A_45 : i32
    %dma_start3A_47 = arith.constant 0 : i32
    %dma_start3A_48 = tpu.memref_slice %arg2[%add3A_46, %dma_start3A_47] : memref<320000x128xf32, #tpu.memory_space<hbm>> -> memref<80x128xf32, #tpu.memory_space<hbm>>
    %dma_start3A_49 = arith.constant 0 : i32
    %dma_start3A_50 = tpu.memref_slice %arg2[%add3A_46, %dma_start3A_49] : memref<320000x128xf32, #tpu.memory_space<hbm>> -> memref<80x128xf32, #tpu.memory_space<hbm>>
    tpu.enqueue_dma source(%dma_start3A_50 : memref<80x128xf32, #tpu.memory_space<hbm>>) target(%arg8 : memref<80x128xf32, #tpu.memory_space<vmem>>) target_semaphore(%arg11 : memref<!tpu.dma_semaphore, #tpu.memory_space<semaphore_mem>>)
    %scan3A_51 = arith.constant 0 : i32
    %scan3A_52 = arith.constant 0 : i32
    %scan3A_53 = arith.constant 63 : i32
    %scan3A_54 = arith.addi %scan3A_52, %scan3A_53 : i32
    %scan3A_55 = arith.constant 1 : i32
    scf.for %scan3A_64 = %scan3A_52 to %scan3A_54 step %scan3A_55  : i32 {
      %mul3A_65 = arith.constant 2 : i32
      %mul3A_66 = arith.muli %scan3A_64, %mul3A_65 : i32
      %add3A_67 = arith.constant 0 : i32
      %add3A_68 = arith.addi %mul3A_66, %add3A_67 : i32
      %lt3A_69 = arith.constant 125 : i32
      %lt3A_70 = arith.cmpi slt, %add3A_68, %lt3A_69 : i32
      %convert_element_type3A_71 = arith.extui %lt3A_70 : i1 to i32
      %cond3A_72 = arith.constant 0 : i32
      %cond3A_73 = arith.cmpi ne, %convert_element_type3A_71, %cond3A_72 : i32
      scf.if %cond3A_73 {
        %mul3A_97 = arith.constant 80 : i32
        %mul3A_98 = arith.muli %add3A_68, %mul3A_97 : i32
        %add3A_99 = arith.addi %mul3A_2, %mul3A_98 : i32
        %dma_wait3A = arith.constant 0 : i32
        %dma_wait3A_100 = tpu.memref_slice %arg2[%add3A_99, %dma_wait3A] : memref<320000x128xf32, #tpu.memory_space<hbm>> -> memref<80x128xf32, #tpu.memory_space<hbm>>
        %dma_wait3A_101 = arith.constant 0 : i32
        %dma_wait3A_102 = tpu.memref_slice %arg2[%add3A_99, %dma_wait3A_101] : memref<320000x128xf32, #tpu.memory_space<hbm>> -> memref<80x128xf32, #tpu.memory_space<hbm>>
        tpu.wait_dma2 semaphore(%arg10 : memref<!tpu.dma_semaphore, #tpu.memory_space<semaphore_mem>>) src(%dma_wait3A_102 : memref<80x128xf32, #tpu.memory_space<hbm>>) dst(%arg7 : memref<80x128xf32, #tpu.memory_space<vmem>>)
        "tpu.region"() ({
          %run_scoped3A = tpu.sem_alloc : memref<!tpu.dma_semaphore, #tpu.memory_space<semaphore_mem>>
          %dma_start3A_103 = arith.constant 0 : i32
          %dma_start3A_104 = tpu.memref_slice %arg5[%add3A_68, %dma_start3A_103] : memref<125x80xi32, #tpu.memory_space<vmem>> -> memref<1x80xi32, #tpu.memory_space<vmem>>
          %dma_start3A_105 = tpu.memref_squeeze %dma_start3A_104 : memref<1x80xi32, #tpu.memory_space<vmem>> -> memref<80xi32, #tpu.memory_space<vmem>>
          %dma_start3A_106 = arith.constant 0 : i32
          %dma_start3A_107 = arith.constant 0 : i32
          %dma_start3A_108 = tpu.memref_slice %arg9[%dma_start3A_106, %dma_start3A_107] : memref<10240x128xf32, #tpu.memory_space<vmem_shared>> -> memref<10240x128xf32, #tpu.memory_space<vmem_shared>>
          tpu.enqueue_indirect_dma source(%arg7 : memref<80x128xf32, #tpu.memory_space<vmem>>) target(%dma_start3A_108 : memref<10240x128xf32, #tpu.memory_space<vmem_shared>>) offsets(%dma_start3A_105 : memref<80xi32, #tpu.memory_space<vmem>>) semaphore(%run_scoped3A : memref<!tpu.dma_semaphore, #tpu.memory_space<semaphore_mem>>) {add = true}
          %dma_wait3A_109 = arith.constant 0 : i32
          %dma_wait3A_110 = tpu.memref_slice %arg5[%add3A_68, %dma_wait3A_109] : memref<125x80xi32, #tpu.memory_space<vmem>> -> memref<1x80xi32, #tpu.memory_space<vmem>>
          %dma_wait3A_111 = tpu.memref_squeeze %dma_wait3A_110 : memref<1x80xi32, #tpu.memory_space<vmem>> -> memref<80xi32, #tpu.memory_space<vmem>>
          %dma_wait3A_112 = arith.constant 0 : i32
          %dma_wait3A_113 = arith.constant 0 : i32
          %dma_wait3A_114 = tpu.memref_slice %arg9[%dma_wait3A_112, %dma_wait3A_113] : memref<10240x128xf32, #tpu.memory_space<vmem_shared>> -> memref<10240x128xf32, #tpu.memory_space<vmem_shared>>
          tpu.wait_indirect_dma semaphore(%run_scoped3A : memref<!tpu.dma_semaphore, #tpu.memory_space<semaphore_mem>>) src(%arg7 : memref<80x128xf32, #tpu.memory_space<vmem>>) dst(%dma_wait3A_114 : memref<10240x128xf32, #tpu.memory_space<vmem_shared>>)
          tpu.yield
        }) : () -> ()
      } else {
      }
      %add3A_74 = arith.constant 2 : i32
      %add3A_75 = arith.addi %add3A_68, %add3A_74 : i32
      %lt3A_76 = arith.constant 125 : i32
      %lt3A_77 = arith.cmpi slt, %add3A_75, %lt3A_76 : i32
      %convert_element_type3A_78 = arith.extui %lt3A_77 : i1 to i32
      %cond3A_79 = arith.constant 0 : i32
      %cond3A_80 = arith.cmpi ne, %convert_element_type3A_78, %cond3A_79 : i32
      scf.if %cond3A_80 {
        %add3A_97 = arith.constant 2 : i32
        %add3A_98 = arith.addi %add3A_68, %add3A_97 : i32
        %mul3A_99 = arith.constant 80 : i32
        %mul3A_100 = arith.muli %add3A_98, %mul3A_99 : i32
        %add3A_101 = arith.addi %mul3A_2, %mul3A_100 : i32
        %dma_start3A_102 = arith.constant 0 : i32
        %dma_start3A_103 = tpu.memref_slice %arg2[%add3A_101, %dma_start3A_102] : memref<320000x128xf32, #tpu.memory_space<hbm>> -> memref<80x128xf32, #tpu.memory_space<hbm>>
        %dma_start3A_104 = arith.constant 0 : i32
        %dma_start3A_105 = tpu.memref_slice %arg2[%add3A_101, %dma_start3A_104] : memref<320000x128xf32, #tpu.memory_space<hbm>> -> memref<80x128xf32, #tpu.memory_space<hbm>>
        tpu.enqueue_dma source(%dma_start3A_105 : memref<80x128xf32, #tpu.memory_space<hbm>>) target(%arg7 : memref<80x128xf32, #tpu.memory_space<vmem>>) target_semaphore(%arg10 : memref<!tpu.dma_semaphore, #tpu.memory_space<semaphore_mem>>)
      } else {
      }
      %mul3A_81 = arith.constant 2 : i32
      %mul3A_82 = arith.muli %scan3A_64, %mul3A_81 : i32
      %add3A_83 = arith.constant 1 : i32
      %add3A_84 = arith.addi %mul3A_82, %add3A_83 : i32
      %lt3A_85 = arith.constant 125 : i32
      %lt3A_86 = arith.cmpi slt, %add3A_84, %lt3A_85 : i32
      %convert_element_type3A_87 = arith.extui %lt3A_86 : i1 to i32
      %cond3A_88 = arith.constant 0 : i32
      %cond3A_89 = arith.cmpi ne, %convert_element_type3A_87, %cond3A_88 : i32
      scf.if %cond3A_89 {
        %mul3A_97 = arith.constant 80 : i32
        %mul3A_98 = arith.muli %add3A_84, %mul3A_97 : i32
        %add3A_99 = arith.addi %mul3A_2, %mul3A_98 : i32
        %dma_wait3A = arith.constant 0 : i32
        %dma_wait3A_100 = tpu.memref_slice %arg2[%add3A_99, %dma_wait3A] : memref<320000x128xf32, #tpu.memory_space<hbm>> -> memref<80x128xf32, #tpu.memory_space<hbm>>
        %dma_wait3A_101 = arith.constant 0 : i32
        %dma_wait3A_102 = tpu.memref_slice %arg2[%add3A_99, %dma_wait3A_101] : memref<320000x128xf32, #tpu.memory_space<hbm>> -> memref<80x128xf32, #tpu.memory_space<hbm>>
        tpu.wait_dma2 semaphore(%arg11 : memref<!tpu.dma_semaphore, #tpu.memory_space<semaphore_mem>>) src(%dma_wait3A_102 : memref<80x128xf32, #tpu.memory_space<hbm>>) dst(%arg8 : memref<80x128xf32, #tpu.memory_space<vmem>>)
        "tpu.region"() ({
          %run_scoped3A = tpu.sem_alloc : memref<!tpu.dma_semaphore, #tpu.memory_space<semaphore_mem>>
          %dma_start3A_103 = arith.constant 0 : i32
          %dma_start3A_104 = tpu.memref_slice %arg5[%add3A_84, %dma_start3A_103] : memref<125x80xi32, #tpu.memory_space<vmem>> -> memref<1x80xi32, #tpu.memory_space<vmem>>
          %dma_start3A_105 = tpu.memref_squeeze %dma_start3A_104 : memref<1x80xi32, #tpu.memory_space<vmem>> -> memref<80xi32, #tpu.memory_space<vmem>>
          %dma_start3A_106 = arith.constant 0 : i32
          %dma_start3A_107 = arith.constant 0 : i32
          %dma_start3A_108 = tpu.memref_slice %arg9[%dma_start3A_106, %dma_start3A_107] : memref<10240x128xf32, #tpu.memory_space<vmem_shared>> -> memref<10240x128xf32, #tpu.memory_space<vmem_shared>>
          tpu.enqueue_indirect_dma source(%arg8 : memref<80x128xf32, #tpu.memory_space<vmem>>) target(%dma_start3A_108 : memref<10240x128xf32, #tpu.memory_space<vmem_shared>>) offsets(%dma_start3A_105 : memref<80xi32, #tpu.memory_space<vmem>>) semaphore(%run_scoped3A : memref<!tpu.dma_semaphore, #tpu.memory_space<semaphore_mem>>) {add = true}
          %dma_wait3A_109 = arith.constant 0 : i32
          %dma_wait3A_110 = tpu.memref_slice %arg5[%add3A_84, %dma_wait3A_109] : memref<125x80xi32, #tpu.memory_space<vmem>> -> memref<1x80xi32, #tpu.memory_space<vmem>>
          %dma_wait3A_111 = tpu.memref_squeeze %dma_wait3A_110 : memref<1x80xi32, #tpu.memory_space<vmem>> -> memref<80xi32, #tpu.memory_space<vmem>>
          %dma_wait3A_112 = arith.constant 0 : i32
          %dma_wait3A_113 = arith.constant 0 : i32
          %dma_wait3A_114 = tpu.memref_slice %arg9[%dma_wait3A_112, %dma_wait3A_113] : memref<10240x128xf32, #tpu.memory_space<vmem_shared>> -> memref<10240x128xf32, #tpu.memory_space<vmem_shared>>
          tpu.wait_indirect_dma semaphore(%run_scoped3A : memref<!tpu.dma_semaphore, #tpu.memory_space<semaphore_mem>>) src(%arg8 : memref<80x128xf32, #tpu.memory_space<vmem>>) dst(%dma_wait3A_114 : memref<10240x128xf32, #tpu.memory_space<vmem_shared>>)
          tpu.yield
        }) : () -> ()
      } else {
      }
      %add3A_90 = arith.constant 2 : i32
      %add3A_91 = arith.addi %add3A_84, %add3A_90 : i32
      %lt3A_92 = arith.constant 125 : i32
      %lt3A_93 = arith.cmpi slt, %add3A_91, %lt3A_92 : i32
      %convert_element_type3A_94 = arith.extui %lt3A_93 : i1 to i32
      %cond3A_95 = arith.constant 0 : i32
      %cond3A_96 = arith.cmpi ne, %convert_element_type3A_94, %cond3A_95 : i32
      scf.if %cond3A_96 {
        %add3A_97 = arith.constant 2 : i32
        %add3A_98 = arith.addi %add3A_84, %add3A_97 : i32
        %mul3A_99 = arith.constant 80 : i32
        %mul3A_100 = arith.muli %add3A_98, %mul3A_99 : i32
        %add3A_101 = arith.addi %mul3A_2, %mul3A_100 : i32
        %dma_start3A_102 = arith.constant 0 : i32
        %dma_start3A_103 = tpu.memref_slice %arg2[%add3A_101, %dma_start3A_102] : memref<320000x128xf32, #tpu.memory_space<hbm>> -> memref<80x128xf32, #tpu.memory_space<hbm>>
        %dma_start3A_104 = arith.constant 0 : i32
        %dma_start3A_105 = tpu.memref_slice %arg2[%add3A_101, %dma_start3A_104] : memref<320000x128xf32, #tpu.memory_space<hbm>> -> memref<80x128xf32, #tpu.memory_space<hbm>>
        tpu.enqueue_dma source(%dma_start3A_105 : memref<80x128xf32, #tpu.memory_space<hbm>>) target(%arg8 : memref<80x128xf32, #tpu.memory_space<vmem>>) target_semaphore(%arg11 : memref<!tpu.dma_semaphore, #tpu.memory_space<semaphore_mem>>)
      } else {
      }
    }
    %scan3A_56 = arith.constant 63 : i32
    %barrier3A_57 = arith.constant 0 : index
    tpu.barrier barrier_id(%barrier3A_57)
    %lt3A = arith.constant 15 : i32
    %lt3A_58 = arith.cmpi slt, %arg1, %lt3A : i32
    %convert_element_type3A = arith.extui %lt3A_58 : i1 to i32
    %cond3A = arith.constant 0 : i32
    %cond3A_59 = arith.cmpi ne, %convert_element_type3A, %cond3A : i32
    scf.if %cond3A_59 {
      %mul3A_64 = arith.constant 640 : i32
      %mul3A_65 = arith.muli %arg1, %mul3A_64 : i32
      %mul3A_66 = arith.constant 10000 : i32
      %mul3A_67 = arith.muli %arg0, %mul3A_66 : i32
      %mul3A_68 = arith.constant 640 : i32
      %mul3A_69 = arith.muli %arg1, %mul3A_68 : i32
      %add3A_70 = arith.addi %mul3A_67, %mul3A_69 : i32
      "tpu.region"() ({
        %run_scoped3A = tpu.sem_alloc : memref<!tpu.dma_semaphore, #tpu.memory_space<semaphore_mem>>
        %dma_start3A_71 = arith.constant 0 : i32
        %dma_start3A_72 = tpu.memref_slice %arg4[%add3A_70, %dma_start3A_71] : memref<20000x128xf32, #tpu.memory_space<hbm>> -> memref<640x128xf32, #tpu.memory_space<hbm>>
        %dma_start3A_73 = arith.constant 0 : i32
        %dma_start3A_74 = tpu.memref_slice %arg9[%mul3A_65, %dma_start3A_73] : memref<10240x128xf32, #tpu.memory_space<vmem_shared>> -> memref<640x128xf32, #tpu.memory_space<vmem_shared>>
        tpu.enqueue_dma source(%dma_start3A_74 : memref<640x128xf32, #tpu.memory_space<vmem_shared>>) target(%dma_start3A_72 : memref<640x128xf32, #tpu.memory_space<hbm>>) target_semaphore(%run_scoped3A : memref<!tpu.dma_semaphore, #tpu.memory_space<semaphore_mem>>)
        %dma_wait3A = arith.constant 0 : i32
        %dma_wait3A_75 = tpu.memref_slice %arg4[%add3A_70, %dma_wait3A] : memref<20000x128xf32, #tpu.memory_space<hbm>> -> memref<640x128xf32, #tpu.memory_space<hbm>>
        %dma_wait3A_76 = arith.constant 0 : i32
        %dma_wait3A_77 = tpu.memref_slice %arg9[%mul3A_65, %dma_wait3A_76] : memref<10240x128xf32, #tpu.memory_space<vmem_shared>> -> memref<640x128xf32, #tpu.memory_space<vmem_shared>>
        tpu.wait_dma2 semaphore(%run_scoped3A : memref<!tpu.dma_semaphore, #tpu.memory_space<semaphore_mem>>) src(%dma_wait3A_77 : memref<640x128xf32, #tpu.memory_space<vmem_shared>>) dst(%dma_wait3A_75 : memref<640x128xf32, #tpu.memory_space<hbm>>)
        tpu.yield
      }) : () -> ()
    } else {
    }
    %eq3A = arith.constant 15 : i32
    %eq3A_60 = arith.cmpi eq, %arg1, %eq3A : i32
    %convert_element_type3A_61 = arith.extui %eq3A_60 : i1 to i32
    %cond3A_62 = arith.constant 0 : i32
    %cond3A_63 = arith.cmpi ne, %convert_element_type3A_61, %cond3A_62 : i32
    scf.if %cond3A_63 {
      %mul3A_64 = arith.constant 10000 : i32
      %mul3A_65 = arith.muli %arg0, %mul3A_64 : i32
      %add3A_66 = arith.constant 9600 : i32
      %add3A_67 = arith.addi %mul3A_65, %add3A_66 : i32
      "tpu.region"() ({
        %run_scoped3A = tpu.sem_alloc : memref<!tpu.dma_semaphore, #tpu.memory_space<semaphore_mem>>
        %dma_start3A_68 = arith.constant 0 : i32
        %dma_start3A_69 = tpu.memref_slice %arg4[%add3A_67, %dma_start3A_68] : memref<20000x128xf32, #tpu.memory_space<hbm>> -> memref<400x128xf32, #tpu.memory_space<hbm>>
        %dma_start3A_70 = arith.constant 9600 : i32
        %dma_start3A_71 = arith.constant 0 : i32
        %dma_start3A_72 = tpu.memref_slice %arg9[%dma_start3A_70, %dma_start3A_71] : memref<10240x128xf32, #tpu.memory_space<vmem_shared>> -> memref<400x128xf32, #tpu.memory_space<vmem_shared>>
        tpu.enqueue_dma source(%dma_start3A_72 : memref<400x128xf32, #tpu.memory_space<vmem_shared>>) target(%dma_start3A_69 : memref<400x128xf32, #tpu.memory_space<hbm>>) target_semaphore(%run_scoped3A : memref<!tpu.dma_semaphore, #tpu.memory_space<semaphore_mem>>)
        %dma_wait3A = arith.constant 0 : i32
        %dma_wait3A_73 = tpu.memref_slice %arg4[%add3A_67, %dma_wait3A] : memref<20000x128xf32, #tpu.memory_space<hbm>> -> memref<400x128xf32, #tpu.memory_space<hbm>>
        %dma_wait3A_74 = arith.constant 9600 : i32
        %dma_wait3A_75 = arith.constant 0 : i32
        %dma_wait3A_76 = tpu.memref_slice %arg9[%dma_wait3A_74, %dma_wait3A_75] : memref<10240x128xf32, #tpu.memory_space<vmem_shared>> -> memref<400x128xf32, #tpu.memory_space<vmem_shared>>
        tpu.wait_dma2 semaphore(%run_scoped3A : memref<!tpu.dma_semaphore, #tpu.memory_space<semaphore_mem>>) src(%dma_wait3A_76 : memref<400x128xf32, #tpu.memory_space<vmem_shared>>) dst(%dma_wait3A_73 : memref<400x128xf32, #tpu.memory_space<hbm>>)
        tpu.yield
      }) : () -> ()
    } else {
    }
    return
  }
}

module attributes {stable_mosaic.version = 14 : i64} {
  func.func @body(%arg0: i32, %arg1: memref<1000x128xf32, #tpu.memory_space<vmem>>, %arg2: memref<128x64xf32, #tpu.memory_space<vmem>>, %arg3: memref<1x64xf32, #tpu.memory_space<vmem>>, %arg4: memref<64x128xf32, #tpu.memory_space<vmem>>, %arg5: memref<1000x64xf32, #tpu.memory_space<vmem>>, %arg6: memref<1000x128xf32, #tpu.memory_space<vmem>>) attributes {dimension_semantics = [#tpu.dimension_semantics<arbitrary>], iteration_bounds = array<i64: 10>, scalar_prefetch = 0 : i64, scratch_operands = 0 : i64, tpu.core_type = #tpu.core_type<tc>, window_params = [{transform_indices = @transform_0, window_bounds = array<i64: 1000, 128>}, {pipeline_mode = #tpu.pipeline_mode<synchronous>, transform_indices = @transform_1, window_bounds = array<i64: 128, 64>}, {pipeline_mode = #tpu.pipeline_mode<synchronous>, transform_indices = @transform_2, window_bounds = array<i64: 1, 64>}, {pipeline_mode = #tpu.pipeline_mode<synchronous>, transform_indices = @transform_3, window_bounds = array<i64: 64, 128>}, {transform_indices = @transform_4, window_bounds = array<i64: 1000, 64>}, {transform_indices = @transform_5, window_bounds = array<i64: 1000, 128>}]} {
    %get3A = arith.constant 0 : index
    %get3A_0 = arith.constant 0 : index
    %get3A_1 = vector.load %arg1[%get3A, %get3A_0] : memref<1000x128xf32, #tpu.memory_space<vmem>>, vector<1000x128xf32>
    %get3A_2 = arith.constant 0 : index
    %get3A_3 = arith.constant 0 : index
    %get3A_4 = vector.load %arg2[%get3A_2, %get3A_3] : memref<128x64xf32, #tpu.memory_space<vmem>>, vector<128x64xf32>
    %dot_general3A = arith.constant dense<0.000000e+00> : vector<1000x64xf32>
    %dot_general3A_5 = tpu.matmul %get3A_1, %get3A_4, %dot_general3A {dimension_numbers = #tpu.dot_dimension_numbers<[1], [0], [0], [1], [0, 0, 1, 1], [], []>, transpose_lhs_hint = false} : vector<1000x128xf32>, vector<128x64xf32>, vector<1000x64xf32> -> vector<1000x64xf32>
    %get3A_6 = arith.constant 0 : index
    %get3A_7 = arith.constant 0 : index
    %get3A_8 = vector.load %arg3[%get3A_6, %get3A_7] : memref<1x64xf32, #tpu.memory_space<vmem>>, vector<1x64xf32>
    %add3A = vector.broadcast %get3A_8 : vector<1x64xf32> to vector<1000x64xf32>
    %add3A_9 = arith.addf %dot_general3A_5, %add3A : vector<1000x64xf32>
    %swap3A = arith.constant 0 : index
    %swap3A_10 = arith.constant 0 : index
    %swap3A_11 = vector.load %arg5[%swap3A, %swap3A_10] : memref<1000x64xf32, #tpu.memory_space<vmem>>, vector<1000x64xf32>
    tpu.vector_store %arg5[%swap3A, %swap3A_10], %add3A_9 {strides = array<i32>} : memref<1000x64xf32, #tpu.memory_space<vmem>>, vector<1000x64xf32>,
    %get3A_12 = arith.constant 0 : index
    %get3A_13 = arith.constant 0 : index
    %get3A_14 = vector.load %arg4[%get3A_12, %get3A_13] : memref<64x128xf32, #tpu.memory_space<vmem>>, vector<64x128xf32>
    %dot_general3A_15 = arith.constant dense<0.000000e+00> : vector<1000x128xf32>
    %dot_general3A_16 = tpu.matmul %add3A_9, %get3A_14, %dot_general3A_15 {dimension_numbers = #tpu.dot_dimension_numbers<[1], [0], [0], [1], [0, 0, 1, 1], [], []>, transpose_lhs_hint = false} : vector<1000x64xf32>, vector<64x128xf32>, vector<1000x128xf32> -> vector<1000x128xf32>
    %swap3A_17 = arith.constant 0 : index
    %swap3A_18 = arith.constant 0 : index
    %swap3A_19 = vector.load %arg6[%swap3A_17, %swap3A_18] : memref<1000x128xf32, #tpu.memory_space<vmem>>, vector<1000x128xf32>
    tpu.vector_store %arg6[%swap3A_17, %swap3A_18], %dot_general3A_16 {strides = array<i32>} : memref<1000x128xf32, #tpu.memory_space<vmem>>, vector<1000x128xf32>,
    return
  }
  func.func @transform_0(%arg0: i32) -> (i32, i32) {
    %c0_i32 = arith.constant 0 : i32
    %c0_i32_0 = arith.constant 0 : i32
    return %arg0, %c0_i32 : i32, i32
  }
  func.func @transform_1(%arg0: i32) -> (i32, i32) {
    %c0_i32 = arith.constant 0 : i32
    %c0_i32_0 = arith.constant 0 : i32
    %c0_i32_1 = arith.constant 0 : i32
    return %c0_i32, %c0_i32_0 : i32, i32
  }
  func.func @transform_2(%arg0: i32) -> (i32, i32) {
    %c0_i32 = arith.constant 0 : i32
    %c0_i32_0 = arith.constant 0 : i32
    %c0_i32_1 = arith.constant 0 : i32
    return %c0_i32, %c0_i32_0 : i32, i32
  }
  func.func @transform_3(%arg0: i32) -> (i32, i32) {
    %c0_i32 = arith.constant 0 : i32
    %c0_i32_0 = arith.constant 0 : i32
    %c0_i32_1 = arith.constant 0 : i32
    return %c0_i32, %c0_i32_0 : i32, i32
  }
  func.func @transform_4(%arg0: i32) -> (i32, i32) {
    %c0_i32 = arith.constant 0 : i32
    %c0_i32_0 = arith.constant 0 : i32
    return %arg0, %c0_i32 : i32, i32
  }
  func.func @transform_5(%arg0: i32) -> (i32, i32) {
    %c0_i32 = arith.constant 0 : i32
    %c0_i32_0 = arith.constant 0 : i32
    return %arg0, %c0_i32 : i32, i32
  }
}

module attributes {stable_mosaic.version = 14 : i64} {
  func.func @body(%arg0: i32, %arg1: memref<4000x16xf32, #tpu.memory_space<vmem>>, %arg2: memref<4000x128xf32, #tpu.memory_space<vmem>>, %arg3: memref<4000x128xf32, #tpu.memory_space<vmem>>, %arg4: memref<16x64xf32, #tpu.memory_space<vmem>>, %arg5: memref<1x64xf32, #tpu.memory_space<vmem>>, %arg6: memref<64x64xf32, #tpu.memory_space<vmem>>, %arg7: memref<1x64xf32, #tpu.memory_space<vmem>>, %arg8: memref<64x64xf32, #tpu.memory_space<vmem>>, %arg9: memref<1x64xf32, #tpu.memory_space<vmem>>, %arg10: memref<4000x128xf32, #tpu.memory_space<vmem>>) attributes {dimension_semantics = [#tpu.dimension_semantics<arbitrary>], iteration_bounds = array<i64: 80>, scalar_prefetch = 0 : i64, scratch_operands = 0 : i64, tpu.core_type = #tpu.core_type<tc>, window_params = [{transform_indices = @transform_0, window_bounds = array<i64: 4000, 16>}, {transform_indices = @transform_1, window_bounds = array<i64: 4000, 128>}, {transform_indices = @transform_2, window_bounds = array<i64: 4000, 128>}, {pipeline_mode = #tpu.pipeline_mode<synchronous>, transform_indices = @transform_3, window_bounds = array<i64: 16, 64>}, {pipeline_mode = #tpu.pipeline_mode<synchronous>, transform_indices = @transform_4, window_bounds = array<i64: 1, 64>}, {pipeline_mode = #tpu.pipeline_mode<synchronous>, transform_indices = @transform_5, window_bounds = array<i64: 64, 64>}, {pipeline_mode = #tpu.pipeline_mode<synchronous>, transform_indices = @transform_6, window_bounds = array<i64: 1, 64>}, {pipeline_mode = #tpu.pipeline_mode<synchronous>, transform_indices = @transform_7, window_bounds = array<i64: 64, 64>}, {pipeline_mode = #tpu.pipeline_mode<synchronous>, transform_indices = @transform_8, window_bounds = array<i64: 1, 64>}, {transform_indices = @transform_9, window_bounds = array<i64: 4000, 128>}]} {
    %get3A = arith.constant 0 : index
    %get3A_0 = arith.constant 0 : index
    %get3A_1 = vector.load %arg1[%get3A, %get3A_0] : memref<4000x16xf32, #tpu.memory_space<vmem>>, vector<4000x16xf32>
    %get3A_2 = arith.constant 0 : index
    %get3A_3 = arith.constant 0 : index
    %get3A_4 = vector.load %arg2[%get3A_2, %get3A_3] : memref<4000x128xf32, #tpu.memory_space<vmem>>, vector<4000x64xf32>
    %get3A_5 = arith.constant 0 : index
    %get3A_6 = arith.constant 64 : index
    %get3A_7 = vector.load %arg3[%get3A_5, %get3A_6] : memref<4000x128xf32, #tpu.memory_space<vmem>>, vector<4000x64xf32>
    %add3A = arith.addf %get3A_4, %get3A_7 : vector<4000x64xf32>
    %get3A_8 = arith.constant 0 : index
    %get3A_9 = arith.constant 0 : index
    %get3A_10 = vector.load %arg4[%get3A_8, %get3A_9] : memref<16x64xf32, #tpu.memory_space<vmem>>, vector<16x64xf32>
    %dot_general3A = arith.constant dense<0.000000e+00> : vector<4000x64xf32>
    %dot_general3A_11 = tpu.matmul %get3A_1, %get3A_10, %dot_general3A {dimension_numbers = #tpu.dot_dimension_numbers<[1], [0], [0], [1], [0, 0, 1, 1], [], []>, transpose_lhs_hint = false} : vector<4000x16xf32>, vector<16x64xf32>, vector<4000x64xf32> -> vector<4000x64xf32>
    %add3A_12 = arith.addf %dot_general3A_11, %add3A : vector<4000x64xf32>
    %get3A_13 = arith.constant 0 : index
    %get3A_14 = arith.constant 0 : index
    %get3A_15 = vector.load %arg5[%get3A_13, %get3A_14] : memref<1x64xf32, #tpu.memory_space<vmem>>, vector<1x64xf32>
    %add3A_16 = vector.broadcast %get3A_15 : vector<1x64xf32> to vector<4000x64xf32>
    %add3A_17 = arith.addf %add3A_12, %add3A_16 : vector<4000x64xf32>
    %integer_pow3A = arith.mulf %add3A_17, %add3A_17 : vector<4000x64xf32>
    %integer_pow3A_18 = arith.mulf %add3A_17, %integer_pow3A : vector<4000x64xf32>
    %mul3A = arith.constant 4.471500e-02 : f32
    %mul3A_19 = vector.broadcast %mul3A : f32 to vector<4000x64xf32>
    %mul3A_20 = arith.mulf %mul3A_19, %integer_pow3A_18 : vector<4000x64xf32>
    %add3A_21 = arith.addf %add3A_17, %mul3A_20 : vector<4000x64xf32>
    %mul3A_22 = arith.constant 0.797884583 : f32
    %mul3A_23 = vector.broadcast %mul3A_22 : f32 to vector<4000x64xf32>
    %mul3A_24 = arith.mulf %mul3A_23, %add3A_21 : vector<4000x64xf32>
    %tanh3A = math.tanh %mul3A_24 : vector<4000x64xf32>
    %add3A_25 = arith.constant 1.000000e+00 : f32
    %add3A_26 = vector.broadcast %add3A_25 : f32 to vector<4000x64xf32>
    %add3A_27 = arith.addf %add3A_26, %tanh3A : vector<4000x64xf32>
    %mul3A_28 = arith.constant 5.000000e-01 : f32
    %mul3A_29 = vector.broadcast %mul3A_28 : f32 to vector<4000x64xf32>
    %mul3A_30 = arith.mulf %mul3A_29, %add3A_27 : vector<4000x64xf32>
    %mul3A_31 = arith.mulf %add3A_17, %mul3A_30 : vector<4000x64xf32>
    %get3A_32 = arith.constant 0 : index
    %get3A_33 = arith.constant 0 : index
    %get3A_34 = vector.load %arg6[%get3A_32, %get3A_33] : memref<64x64xf32, #tpu.memory_space<vmem>>, vector<64x64xf32>
    %dot_general3A_35 = arith.constant dense<0.000000e+00> : vector<4000x64xf32>
    %dot_general3A_36 = tpu.matmul %mul3A_31, %get3A_34, %dot_general3A_35 {dimension_numbers = #tpu.dot_dimension_numbers<[1], [0], [0], [1], [0, 0, 1, 1], [], []>, transpose_lhs_hint = false} : vector<4000x64xf32>, vector<64x64xf32>, vector<4000x64xf32> -> vector<4000x64xf32>
    %get3A_37 = arith.constant 0 : index
    %get3A_38 = arith.constant 0 : index
    %get3A_39 = vector.load %arg7[%get3A_37, %get3A_38] : memref<1x64xf32, #tpu.memory_space<vmem>>, vector<1x64xf32>
    %add3A_40 = vector.broadcast %get3A_39 : vector<1x64xf32> to vector<4000x64xf32>
    %add3A_41 = arith.addf %dot_general3A_36, %add3A_40 : vector<4000x64xf32>
    %integer_pow3A_42 = arith.mulf %add3A_41, %add3A_41 : vector<4000x64xf32>
    %integer_pow3A_43 = arith.mulf %add3A_41, %integer_pow3A_42 : vector<4000x64xf32>
    %mul3A_44 = arith.constant 4.471500e-02 : f32
    %mul3A_45 = vector.broadcast %mul3A_44 : f32 to vector<4000x64xf32>
    %mul3A_46 = arith.mulf %mul3A_45, %integer_pow3A_43 : vector<4000x64xf32>
    %add3A_47 = arith.addf %add3A_41, %mul3A_46 : vector<4000x64xf32>
    %mul3A_48 = arith.constant 0.797884583 : f32
    %mul3A_49 = vector.broadcast %mul3A_48 : f32 to vector<4000x64xf32>
    %mul3A_50 = arith.mulf %mul3A_49, %add3A_47 : vector<4000x64xf32>
    %tanh3A_51 = math.tanh %mul3A_50 : vector<4000x64xf32>
    %add3A_52 = arith.constant 1.000000e+00 : f32
    %add3A_53 = vector.broadcast %add3A_52 : f32 to vector<4000x64xf32>
    %add3A_54 = arith.addf %add3A_53, %tanh3A_51 : vector<4000x64xf32>
    %mul3A_55 = arith.constant 5.000000e-01 : f32
    %mul3A_56 = vector.broadcast %mul3A_55 : f32 to vector<4000x64xf32>
    %mul3A_57 = arith.mulf %mul3A_56, %add3A_54 : vector<4000x64xf32>
    %mul3A_58 = arith.mulf %add3A_41, %mul3A_57 : vector<4000x64xf32>
    %get3A_59 = arith.constant 0 : index
    %get3A_60 = arith.constant 0 : index
    %get3A_61 = vector.load %arg8[%get3A_59, %get3A_60] : memref<64x64xf32, #tpu.memory_space<vmem>>, vector<64x64xf32>
    %dot_general3A_62 = arith.constant dense<0.000000e+00> : vector<4000x64xf32>
    %dot_general3A_63 = tpu.matmul %mul3A_58, %get3A_61, %dot_general3A_62 {dimension_numbers = #tpu.dot_dimension_numbers<[1], [0], [0], [1], [0, 0, 1, 1], [], []>, transpose_lhs_hint = false} : vector<4000x64xf32>, vector<64x64xf32>, vector<4000x64xf32> -> vector<4000x64xf32>
    %get3A_64 = arith.constant 0 : index
    %get3A_65 = arith.constant 0 : index
    %get3A_66 = vector.load %arg9[%get3A_64, %get3A_65] : memref<1x64xf32, #tpu.memory_space<vmem>>, vector<1x64xf32>
    %add3A_67 = vector.broadcast %get3A_66 : vector<1x64xf32> to vector<4000x64xf32>
    %add3A_68 = arith.addf %dot_general3A_63, %add3A_67 : vector<4000x64xf32>
    %broadcast_in_dim3A = arith.constant 0.000000e+00 : f32
    %broadcast_in_dim3A_69 = vector.broadcast %broadcast_in_dim3A : f32 to vector<4000x64xf32>
    %concatenate3A = tpu.concatenate %add3A_68, %broadcast_in_dim3A_69 in 1 : vector<4000x64xf32>, vector<4000x64xf32> -> vector<4000x128xf32>
    %swap3A = arith.constant 0 : index
    %swap3A_70 = arith.constant 0 : index
    %swap3A_71 = vector.load %arg10[%swap3A, %swap3A_70] : memref<4000x128xf32, #tpu.memory_space<vmem>>, vector<4000x128xf32>
    tpu.vector_store %arg10[%swap3A, %swap3A_70], %concatenate3A {strides = array<i32>} : memref<4000x128xf32, #tpu.memory_space<vmem>>, vector<4000x128xf32>,
    return
  }
  func.func @transform_0(%arg0: i32) -> (i32, i32) {
    %c0_i32 = arith.constant 0 : i32
    %c0_i32_0 = arith.constant 0 : i32
    return %arg0, %c0_i32 : i32, i32
  }
  func.func @transform_1(%arg0: i32) -> (i32, i32) {
    %c0_i32 = arith.constant 0 : i32
    %c0_i32_0 = arith.constant 0 : i32
    return %arg0, %c0_i32 : i32, i32
  }
  func.func @transform_2(%arg0: i32) -> (i32, i32) {
    %c0_i32 = arith.constant 0 : i32
    %c0_i32_0 = arith.constant 0 : i32
    return %arg0, %c0_i32 : i32, i32
  }
  func.func @transform_3(%arg0: i32) -> (i32, i32) {
    %c0_i32 = arith.constant 0 : i32
    %c0_i32_0 = arith.constant 0 : i32
    %c0_i32_1 = arith.constant 0 : i32
    return %c0_i32, %c0_i32_0 : i32, i32
  }
  func.func @transform_4(%arg0: i32) -> (i32, i32) {
    %c0_i32 = arith.constant 0 : i32
    %c0_i32_0 = arith.constant 0 : i32
    %c0_i32_1 = arith.constant 0 : i32
    return %c0_i32, %c0_i32_0 : i32, i32
  }
  func.func @transform_5(%arg0: i32) -> (i32, i32) {
    %c0_i32 = arith.constant 0 : i32
    %c0_i32_0 = arith.constant 0 : i32
    %c0_i32_1 = arith.constant 0 : i32
    return %c0_i32, %c0_i32_0 : i32, i32
  }
  func.func @transform_6(%arg0: i32) -> (i32, i32) {
    %c0_i32 = arith.constant 0 : i32
    %c0_i32_0 = arith.constant 0 : i32
    %c0_i32_1 = arith.constant 0 : i32
    return %c0_i32, %c0_i32_0 : i32, i32
  }
  func.func @transform_7(%arg0: i32) -> (i32, i32) {
    %c0_i32 = arith.constant 0 : i32
    %c0_i32_0 = arith.constant 0 : i32
    %c0_i32_1 = arith.constant 0 : i32
    return %c0_i32, %c0_i32_0 : i32, i32
  }
  func.func @transform_8(%arg0: i32) -> (i32, i32) {
    %c0_i32 = arith.constant 0 : i32
    %c0_i32_0 = arith.constant 0 : i32
    %c0_i32_1 = arith.constant 0 : i32
    return %c0_i32, %c0_i32_0 : i32, i32
  }
  func.func @transform_9(%arg0: i32) -> (i32, i32) {
    %c0_i32 = arith.constant 0 : i32
    %c0_i32_0 = arith.constant 0 : i32
    return %arg0, %c0_i32 : i32, i32
  }
}

module attributes {stable_mosaic.version = 14 : i64} {
  func.func @body(%arg0: i32, %arg1: memref<1000x64xf32, #tpu.memory_space<vmem>>, %arg2: memref<1000x128xf32, #tpu.memory_space<vmem>>, %arg3: memref<1000x128xf32, #tpu.memory_space<vmem>>, %arg4: memref<64x64xf32, #tpu.memory_space<vmem>>, %arg5: memref<64x64xf32, #tpu.memory_space<vmem>>, %arg6: memref<1x64xf32, #tpu.memory_space<vmem>>, %arg7: memref<64x64xf32, #tpu.memory_space<vmem>>, %arg8: memref<1x64xf32, #tpu.memory_space<vmem>>, %arg9: memref<64x64xf32, #tpu.memory_space<vmem>>, %arg10: memref<1x64xf32, #tpu.memory_space<vmem>>, %arg11: memref<1x64xf32, #tpu.memory_space<vmem>>, %arg12: memref<1x64xf32, #tpu.memory_space<vmem>>, %arg13: memref<64x128xf32, #tpu.memory_space<vmem>>, %arg14: memref<1000x64xf32, #tpu.memory_space<vmem>>, %arg15: memref<1000x128xf32, #tpu.memory_space<vmem>>) attributes {dimension_semantics = [#tpu.dimension_semantics<arbitrary>], iteration_bounds = array<i64: 10>, scalar_prefetch = 0 : i64, scratch_operands = 0 : i64, tpu.core_type = #tpu.core_type<tc>, window_params = [{transform_indices = @transform_0, window_bounds = array<i64: 1000, 64>}, {transform_indices = @transform_1, window_bounds = array<i64: 1000, 128>}, {transform_indices = @transform_2, window_bounds = array<i64: 1000, 128>}, {pipeline_mode = #tpu.pipeline_mode<synchronous>, transform_indices = @transform_3, window_bounds = array<i64: 64, 64>}, {pipeline_mode = #tpu.pipeline_mode<synchronous>, transform_indices = @transform_4, window_bounds = array<i64: 64, 64>}, {pipeline_mode = #tpu.pipeline_mode<synchronous>, transform_indices = @transform_5, window_bounds = array<i64: 1, 64>}, {pipeline_mode = #tpu.pipeline_mode<synchronous>, transform_indices = @transform_6, window_bounds = array<i64: 64, 64>}, {pipeline_mode = #tpu.pipeline_mode<synchronous>, transform_indices = @transform_7, window_bounds = array<i64: 1, 64>}, {pipeline_mode = #tpu.pipeline_mode<synchronous>, transform_indices = @transform_8, window_bounds = array<i64: 64, 64>}, {pipeline_mode = #tpu.pipeline_mode<synchronous>, transform_indices = @transform_9, window_bounds = array<i64: 1, 64>}, {pipeline_mode = #tpu.pipeline_mode<synchronous>, transform_indices = @transform_10, window_bounds = array<i64: 1, 64>}, {pipeline_mode = #tpu.pipeline_mode<synchronous>, transform_indices = @transform_11, window_bounds = array<i64: 1, 64>}, {pipeline_mode = #tpu.pipeline_mode<synchronous>, transform_indices = @transform_12, window_bounds = array<i64: 64, 128>}, {transform_indices = @transform_13, window_bounds = array<i64: 1000, 64>}, {transform_indices = @transform_14, window_bounds = array<i64: 1000, 128>}]} {
    %get3A = arith.constant 0 : index
    %get3A_0 = arith.constant 0 : index
    %get3A_1 = vector.load %arg2[%get3A, %get3A_0] : memref<1000x128xf32, #tpu.memory_space<vmem>>, vector<1000x64xf32>
    %get3A_2 = arith.constant 0 : index
    %get3A_3 = arith.constant 0 : index
    %get3A_4 = vector.load %arg3[%get3A_2, %get3A_3] : memref<1000x128xf32, #tpu.memory_space<vmem>>, vector<1000x64xf32>
    %add3A = arith.addf %get3A_1, %get3A_4 : vector<1000x64xf32>
    %get3A_5 = arith.constant 0 : index
    %get3A_6 = arith.constant 0 : index
    %get3A_7 = vector.load %arg1[%get3A_5, %get3A_6] : memref<1000x64xf32, #tpu.memory_space<vmem>>, vector<1000x64xf32>
    %get3A_8 = arith.constant 0 : index
    %get3A_9 = arith.constant 0 : index
    %get3A_10 = vector.load %arg4[%get3A_8, %get3A_9] : memref<64x64xf32, #tpu.memory_space<vmem>>, vector<64x64xf32>
    %dot_general3A = arith.constant dense<0.000000e+00> : vector<1000x64xf32>
    %dot_general3A_11 = tpu.matmul %get3A_7, %get3A_10, %dot_general3A {dimension_numbers = #tpu.dot_dimension_numbers<[1], [0], [0], [1], [0, 0, 1, 1], [], []>, transpose_lhs_hint = false} : vector<1000x64xf32>, vector<64x64xf32>, vector<1000x64xf32> -> vector<1000x64xf32>
    %get3A_12 = arith.constant 0 : index
    %get3A_13 = arith.constant 0 : index
    %get3A_14 = vector.load %arg5[%get3A_12, %get3A_13] : memref<64x64xf32, #tpu.memory_space<vmem>>, vector<64x64xf32>
    %dot_general3A_15 = arith.constant dense<0.000000e+00> : vector<1000x64xf32>
    %dot_general3A_16 = tpu.matmul %add3A, %get3A_14, %dot_general3A_15 {dimension_numbers = #tpu.dot_dimension_numbers<[1], [0], [0], [1], [0, 0, 1, 1], [], []>, transpose_lhs_hint = false} : vector<1000x64xf32>, vector<64x64xf32>, vector<1000x64xf32> -> vector<1000x64xf32>
    %add3A_17 = arith.addf %dot_general3A_11, %dot_general3A_16 : vector<1000x64xf32>
    %get3A_18 = arith.constant 0 : index
    %get3A_19 = arith.constant 0 : index
    %get3A_20 = vector.load %arg6[%get3A_18, %get3A_19] : memref<1x64xf32, #tpu.memory_space<vmem>>, vector<1x64xf32>
    %add3A_21 = vector.broadcast %get3A_20 : vector<1x64xf32> to vector<1000x64xf32>
    %add3A_22 = arith.addf %add3A_17, %add3A_21 : vector<1000x64xf32>
    %integer_pow3A = arith.mulf %add3A_22, %add3A_22 : vector<1000x64xf32>
    %integer_pow3A_23 = arith.mulf %add3A_22, %integer_pow3A : vector<1000x64xf32>
    %mul3A = arith.constant 4.471500e-02 : f32
    %mul3A_24 = vector.broadcast %mul3A : f32 to vector<1000x64xf32>
    %mul3A_25 = arith.mulf %mul3A_24, %integer_pow3A_23 : vector<1000x64xf32>
    %add3A_26 = arith.addf %add3A_22, %mul3A_25 : vector<1000x64xf32>
    %mul3A_27 = arith.constant 0.797884583 : f32
    %mul3A_28 = vector.broadcast %mul3A_27 : f32 to vector<1000x64xf32>
    %mul3A_29 = arith.mulf %mul3A_28, %add3A_26 : vector<1000x64xf32>
    %tanh3A = math.tanh %mul3A_29 : vector<1000x64xf32>
    %add3A_30 = arith.constant 1.000000e+00 : f32
    %add3A_31 = vector.broadcast %add3A_30 : f32 to vector<1000x64xf32>
    %add3A_32 = arith.addf %add3A_31, %tanh3A : vector<1000x64xf32>
    %mul3A_33 = arith.constant 5.000000e-01 : f32
    %mul3A_34 = vector.broadcast %mul3A_33 : f32 to vector<1000x64xf32>
    %mul3A_35 = arith.mulf %mul3A_34, %add3A_32 : vector<1000x64xf32>
    %mul3A_36 = arith.mulf %add3A_22, %mul3A_35 : vector<1000x64xf32>
    %get3A_37 = arith.constant 0 : index
    %get3A_38 = arith.constant 0 : index
    %get3A_39 = vector.load %arg7[%get3A_37, %get3A_38] : memref<64x64xf32, #tpu.memory_space<vmem>>, vector<64x64xf32>
    %dot_general3A_40 = arith.constant dense<0.000000e+00> : vector<1000x64xf32>
    %dot_general3A_41 = tpu.matmul %mul3A_36, %get3A_39, %dot_general3A_40 {dimension_numbers = #tpu.dot_dimension_numbers<[1], [0], [0], [1], [0, 0, 1, 1], [], []>, transpose_lhs_hint = false} : vector<1000x64xf32>, vector<64x64xf32>, vector<1000x64xf32> -> vector<1000x64xf32>
    %get3A_42 = arith.constant 0 : index
    %get3A_43 = arith.constant 0 : index
    %get3A_44 = vector.load %arg8[%get3A_42, %get3A_43] : memref<1x64xf32, #tpu.memory_space<vmem>>, vector<1x64xf32>
    %add3A_45 = vector.broadcast %get3A_44 : vector<1x64xf32> to vector<1000x64xf32>
    %add3A_46 = arith.addf %dot_general3A_41, %add3A_45 : vector<1000x64xf32>
    %integer_pow3A_47 = arith.mulf %add3A_46, %add3A_46 : vector<1000x64xf32>
    %integer_pow3A_48 = arith.mulf %add3A_46, %integer_pow3A_47 : vector<1000x64xf32>
    %mul3A_49 = arith.constant 4.471500e-02 : f32
    %mul3A_50 = vector.broadcast %mul3A_49 : f32 to vector<1000x64xf32>
    %mul3A_51 = arith.mulf %mul3A_50, %integer_pow3A_48 : vector<1000x64xf32>
    %add3A_52 = arith.addf %add3A_46, %mul3A_51 : vector<1000x64xf32>
    %mul3A_53 = arith.constant 0.797884583 : f32
    %mul3A_54 = vector.broadcast %mul3A_53 : f32 to vector<1000x64xf32>
    %mul3A_55 = arith.mulf %mul3A_54, %add3A_52 : vector<1000x64xf32>
    %tanh3A_56 = math.tanh %mul3A_55 : vector<1000x64xf32>
    %add3A_57 = arith.constant 1.000000e+00 : f32
    %add3A_58 = vector.broadcast %add3A_57 : f32 to vector<1000x64xf32>
    %add3A_59 = arith.addf %add3A_58, %tanh3A_56 : vector<1000x64xf32>
    %mul3A_60 = arith.constant 5.000000e-01 : f32
    %mul3A_61 = vector.broadcast %mul3A_60 : f32 to vector<1000x64xf32>
    %mul3A_62 = arith.mulf %mul3A_61, %add3A_59 : vector<1000x64xf32>
    %mul3A_63 = arith.mulf %add3A_46, %mul3A_62 : vector<1000x64xf32>
    %get3A_64 = arith.constant 0 : index
    %get3A_65 = arith.constant 0 : index
    %get3A_66 = vector.load %arg9[%get3A_64, %get3A_65] : memref<64x64xf32, #tpu.memory_space<vmem>>, vector<64x64xf32>
    %dot_general3A_67 = arith.constant dense<0.000000e+00> : vector<1000x64xf32>
    %dot_general3A_68 = tpu.matmul %mul3A_63, %get3A_66, %dot_general3A_67 {dimension_numbers = #tpu.dot_dimension_numbers<[1], [0], [0], [1], [0, 0, 1, 1], [], []>, transpose_lhs_hint = false} : vector<1000x64xf32>, vector<64x64xf32>, vector<1000x64xf32> -> vector<1000x64xf32>
    %get3A_69 = arith.constant 0 : index
    %get3A_70 = arith.constant 0 : index
    %get3A_71 = vector.load %arg10[%get3A_69, %get3A_70] : memref<1x64xf32, #tpu.memory_space<vmem>>, vector<1x64xf32>
    %add3A_72 = vector.broadcast %get3A_71 : vector<1x64xf32> to vector<1000x64xf32>
    %add3A_73 = arith.addf %dot_general3A_68, %add3A_72 : vector<1000x64xf32>
    %get3A_74 = arith.constant 0 : index
    %get3A_75 = arith.constant 0 : index
    %get3A_76 = vector.load %arg11[%get3A_74, %get3A_75] : memref<1x64xf32, #tpu.memory_space<vmem>>, vector<1x64xf32>
    %get3A_77 = arith.constant 0 : index
    %get3A_78 = arith.constant 0 : index
    %get3A_79 = vector.load %arg12[%get3A_77, %get3A_78] : memref<1x64xf32, #tpu.memory_space<vmem>>, vector<1x64xf32>
    %reduce_sum3A = arith.constant dense<0.000000e+00> : vector<1000xf32>
    %reduce_sum3A_80 = vector.multi_reduction <add>, %add3A_73, %reduce_sum3A [1] : vector<1000x64xf32> to vector<1000xf32>
    %broadcast_in_dim3A = vector.shape_cast %reduce_sum3A_80 : vector<1000xf32> to vector<1000x1xf32>
    %div3A = arith.constant 6.400000e+01 : f32
    %div3A_81 = vector.broadcast %div3A : f32 to vector<1000x1xf32>
    %div3A_82 = arith.divf %broadcast_in_dim3A, %div3A_81 : vector<1000x1xf32>
    %sub3A = vector.broadcast %div3A_82 : vector<1000x1xf32> to vector<1000x64xf32>
    %sub3A_83 = arith.subf %add3A_73, %sub3A : vector<1000x64xf32>
    %sub3A_84 = vector.broadcast %div3A_82 : vector<1000x1xf32> to vector<1000x64xf32>
    %sub3A_85 = arith.subf %add3A_73, %sub3A_84 : vector<1000x64xf32>
    %mul3A_86 = arith.mulf %sub3A_83, %sub3A_85 : vector<1000x64xf32>
    %reduce_sum3A_87 = arith.constant dense<0.000000e+00> : vector<1000xf32>
    %reduce_sum3A_88 = vector.multi_reduction <add>, %mul3A_86, %reduce_sum3A_87 [1] : vector<1000x64xf32> to vector<1000xf32>
    %broadcast_in_dim3A_89 = vector.shape_cast %reduce_sum3A_88 : vector<1000xf32> to vector<1000x1xf32>
    %div3A_90 = arith.constant 6.400000e+01 : f32
    %div3A_91 = vector.broadcast %div3A_90 : f32 to vector<1000x1xf32>
    %div3A_92 = arith.divf %broadcast_in_dim3A_89, %div3A_91 : vector<1000x1xf32>
    %sub3A_93 = vector.broadcast %div3A_82 : vector<1000x1xf32> to vector<1000x64xf32>
    %sub3A_94 = arith.subf %add3A_73, %sub3A_93 : vector<1000x64xf32>
    %add3A_95 = arith.constant 9.99999997E-7 : f32
    %add3A_96 = vector.broadcast %add3A_95 : f32 to vector<1000x1xf32>
    %add3A_97 = arith.addf %div3A_92, %add3A_96 : vector<1000x1xf32>
    %sqrt3A = math.sqrt %add3A_97 : vector<1000x1xf32>
    %div3A_98 = vector.broadcast %sqrt3A : vector<1000x1xf32> to vector<1000x64xf32>
    %div3A_99 = arith.divf %sub3A_94, %div3A_98 : vector<1000x64xf32>
    %mul3A_100 = vector.broadcast %get3A_76 : vector<1x64xf32> to vector<1000x64xf32>
    %mul3A_101 = arith.mulf %div3A_99, %mul3A_100 : vector<1000x64xf32>
    %add3A_102 = vector.broadcast %get3A_79 : vector<1x64xf32> to vector<1000x64xf32>
    %add3A_103 = arith.addf %mul3A_101, %add3A_102 : vector<1000x64xf32>
    %swap3A = arith.constant 0 : index
    %swap3A_104 = arith.constant 0 : index
    %swap3A_105 = vector.load %arg14[%swap3A, %swap3A_104] : memref<1000x64xf32, #tpu.memory_space<vmem>>, vector<1000x64xf32>
    tpu.vector_store %arg14[%swap3A, %swap3A_104], %add3A_103 {strides = array<i32>} : memref<1000x64xf32, #tpu.memory_space<vmem>>, vector<1000x64xf32>,
    %get3A_106 = arith.constant 0 : index
    %get3A_107 = arith.constant 0 : index
    %get3A_108 = vector.load %arg13[%get3A_106, %get3A_107] : memref<64x128xf32, #tpu.memory_space<vmem>>, vector<64x128xf32>
    %dot_general3A_109 = arith.constant dense<0.000000e+00> : vector<1000x128xf32>
    %dot_general3A_110 = tpu.matmul %add3A_103, %get3A_108, %dot_general3A_109 {dimension_numbers = #tpu.dot_dimension_numbers<[1], [0], [0], [1], [0, 0, 1, 1], [], []>, transpose_lhs_hint = false} : vector<1000x64xf32>, vector<64x128xf32>, vector<1000x128xf32> -> vector<1000x128xf32>
    %swap3A_111 = arith.constant 0 : index
    %swap3A_112 = arith.constant 0 : index
    %swap3A_113 = vector.load %arg15[%swap3A_111, %swap3A_112] : memref<1000x128xf32, #tpu.memory_space<vmem>>, vector<1000x128xf32>
    tpu.vector_store %arg15[%swap3A_111, %swap3A_112], %dot_general3A_110 {strides = array<i32>} : memref<1000x128xf32, #tpu.memory_space<vmem>>, vector<1000x128xf32>,
    return
  }
  func.func @transform_0(%arg0: i32) -> (i32, i32) {
    %c0_i32 = arith.constant 0 : i32
    %c0_i32_0 = arith.constant 0 : i32
    return %arg0, %c0_i32 : i32, i32
  }
  func.func @transform_1(%arg0: i32) -> (i32, i32) {
    %c0_i32 = arith.constant 0 : i32
    %c0_i32_0 = arith.constant 0 : i32
    return %arg0, %c0_i32 : i32, i32
  }
  func.func @transform_2(%arg0: i32) -> (i32, i32) {
    %add3A = arith.constant 10 : i32
    %add3A_0 = arith.addi %arg0, %add3A : i32
    %c0_i32 = arith.constant 0 : i32
    %c0_i32_1 = arith.constant 0 : i32
    return %add3A_0, %c0_i32 : i32, i32
  }
  func.func @transform_3(%arg0: i32) -> (i32, i32) {
    %c0_i32 = arith.constant 0 : i32
    %c0_i32_0 = arith.constant 0 : i32
    %c0_i32_1 = arith.constant 0 : i32
    return %c0_i32, %c0_i32_0 : i32, i32
  }
  func.func @transform_4(%arg0: i32) -> (i32, i32) {
    %c0_i32 = arith.constant 0 : i32
    %c0_i32_0 = arith.constant 0 : i32
    %c0_i32_1 = arith.constant 0 : i32
    return %c0_i32, %c0_i32_0 : i32, i32
  }
  func.func @transform_5(%arg0: i32) -> (i32, i32) {
    %c0_i32 = arith.constant 0 : i32
    %c0_i32_0 = arith.constant 0 : i32
    %c0_i32_1 = arith.constant 0 : i32
    return %c0_i32, %c0_i32_0 : i32, i32
  }
  func.func @transform_6(%arg0: i32) -> (i32, i32) {
    %c0_i32 = arith.constant 0 : i32
    %c0_i32_0 = arith.constant 0 : i32
    %c0_i32_1 = arith.constant 0 : i32
    return %c0_i32, %c0_i32_0 : i32, i32
  }
  func.func @transform_7(%arg0: i32) -> (i32, i32) {
    %c0_i32 = arith.constant 0 : i32
    %c0_i32_0 = arith.constant 0 : i32
    %c0_i32_1 = arith.constant 0 : i32
    return %c0_i32, %c0_i32_0 : i32, i32
  }
  func.func @transform_8(%arg0: i32) -> (i32, i32) {
    %c0_i32 = arith.constant 0 : i32
    %c0_i32_0 = arith.constant 0 : i32
    %c0_i32_1 = arith.constant 0 : i32
    return %c0_i32, %c0_i32_0 : i32, i32
  }
  func.func @transform_9(%arg0: i32) -> (i32, i32) {
    %c0_i32 = arith.constant 0 : i32
    %c0_i32_0 = arith.constant 0 : i32
    %c0_i32_1 = arith.constant 0 : i32
    return %c0_i32, %c0_i32_0 : i32, i32
  }
  func.func @transform_10(%arg0: i32) -> (i32, i32) {
    %c0_i32 = arith.constant 0 : i32
    %c0_i32_0 = arith.constant 0 : i32
    %c0_i32_1 = arith.constant 0 : i32
    return %c0_i32, %c0_i32_0 : i32, i32
  }
  func.func @transform_11(%arg0: i32) -> (i32, i32) {
    %c0_i32 = arith.constant 0 : i32
    %c0_i32_0 = arith.constant 0 : i32
    %c0_i32_1 = arith.constant 0 : i32
    return %c0_i32, %c0_i32_0 : i32, i32
  }
  func.func @transform_12(%arg0: i32) -> (i32, i32) {
    %c0_i32 = arith.constant 0 : i32
    %c0_i32_0 = arith.constant 0 : i32
    %c0_i32_1 = arith.constant 0 : i32
    return %c0_i32, %c0_i32_0 : i32, i32
  }
  func.func @transform_13(%arg0: i32) -> (i32, i32) {
    %c0_i32 = arith.constant 0 : i32
    %c0_i32_0 = arith.constant 0 : i32
    return %arg0, %c0_i32 : i32, i32
  }
  func.func @transform_14(%arg0: i32) -> (i32, i32) {
    %c0_i32 = arith.constant 0 : i32
    %c0_i32_0 = arith.constant 0 : i32
    return %arg0, %c0_i32 : i32, i32
  }
}

module attributes {stable_mosaic.version = 14 : i64} {
  func.func @body(%arg0: i32, %arg1: memref<4000x128xf32, #tpu.memory_space<vmem>>, %arg2: memref<4000x128xf32, #tpu.memory_space<vmem>>, %arg3: memref<4000x128xf32, #tpu.memory_space<vmem>>, %arg4: memref<1x64xf32, #tpu.memory_space<vmem>>, %arg5: memref<1x64xf32, #tpu.memory_space<vmem>>, %arg6: memref<64x64xf32, #tpu.memory_space<vmem>>, %arg7: memref<1x64xf32, #tpu.memory_space<vmem>>, %arg8: memref<64x64xf32, #tpu.memory_space<vmem>>, %arg9: memref<1x64xf32, #tpu.memory_space<vmem>>, %arg10: memref<64x64xf32, #tpu.memory_space<vmem>>, %arg11: memref<1x64xf32, #tpu.memory_space<vmem>>, %arg12: memref<4000x128xf32, #tpu.memory_space<vmem>>) attributes {dimension_semantics = [#tpu.dimension_semantics<arbitrary>], iteration_bounds = array<i64: 80>, scalar_prefetch = 0 : i64, scratch_operands = 0 : i64, tpu.core_type = #tpu.core_type<tc>, window_params = [{transform_indices = @transform_0, window_bounds = array<i64: 4000, 128>}, {transform_indices = @transform_1, window_bounds = array<i64: 4000, 128>}, {transform_indices = @transform_2, window_bounds = array<i64: 4000, 128>}, {pipeline_mode = #tpu.pipeline_mode<synchronous>, transform_indices = @transform_3, window_bounds = array<i64: 1, 64>}, {pipeline_mode = #tpu.pipeline_mode<synchronous>, transform_indices = @transform_4, window_bounds = array<i64: 1, 64>}, {pipeline_mode = #tpu.pipeline_mode<synchronous>, transform_indices = @transform_5, window_bounds = array<i64: 64, 64>}, {pipeline_mode = #tpu.pipeline_mode<synchronous>, transform_indices = @transform_6, window_bounds = array<i64: 1, 64>}, {pipeline_mode = #tpu.pipeline_mode<synchronous>, transform_indices = @transform_7, window_bounds = array<i64: 64, 64>}, {pipeline_mode = #tpu.pipeline_mode<synchronous>, transform_indices = @transform_8, window_bounds = array<i64: 1, 64>}, {pipeline_mode = #tpu.pipeline_mode<synchronous>, transform_indices = @transform_9, window_bounds = array<i64: 64, 64>}, {pipeline_mode = #tpu.pipeline_mode<synchronous>, transform_indices = @transform_10, window_bounds = array<i64: 1, 64>}, {transform_indices = @transform_11, window_bounds = array<i64: 4000, 128>}]} {
    %get3A = arith.constant 0 : index
    %get3A_0 = arith.constant 0 : index
    %get3A_1 = vector.load %arg1[%get3A, %get3A_0] : memref<4000x128xf32, #tpu.memory_space<vmem>>, vector<4000x64xf32>
    %get3A_2 = arith.constant 0 : index
    %get3A_3 = arith.constant 0 : index
    %get3A_4 = vector.load %arg4[%get3A_2, %get3A_3] : memref<1x64xf32, #tpu.memory_space<vmem>>, vector<1x64xf32>
    %get3A_5 = arith.constant 0 : index
    %get3A_6 = arith.constant 0 : index
    %get3A_7 = vector.load %arg5[%get3A_5, %get3A_6] : memref<1x64xf32, #tpu.memory_space<vmem>>, vector<1x64xf32>
    %reduce_sum3A = arith.constant dense<0.000000e+00> : vector<4000xf32>
    %reduce_sum3A_8 = vector.multi_reduction <add>, %get3A_1, %reduce_sum3A [1] : vector<4000x64xf32> to vector<4000xf32>
    %broadcast_in_dim3A = vector.shape_cast %reduce_sum3A_8 : vector<4000xf32> to vector<4000x1xf32>
    %div3A = arith.constant 6.400000e+01 : f32
    %div3A_9 = vector.broadcast %div3A : f32 to vector<4000x1xf32>
    %div3A_10 = arith.divf %broadcast_in_dim3A, %div3A_9 : vector<4000x1xf32>
    %sub3A = vector.broadcast %div3A_10 : vector<4000x1xf32> to vector<4000x64xf32>
    %sub3A_11 = arith.subf %get3A_1, %sub3A : vector<4000x64xf32>
    %sub3A_12 = vector.broadcast %div3A_10 : vector<4000x1xf32> to vector<4000x64xf32>
    %sub3A_13 = arith.subf %get3A_1, %sub3A_12 : vector<4000x64xf32>
    %mul3A = arith.mulf %sub3A_11, %sub3A_13 : vector<4000x64xf32>
    %reduce_sum3A_14 = arith.constant dense<0.000000e+00> : vector<4000xf32>
    %reduce_sum3A_15 = vector.multi_reduction <add>, %mul3A, %reduce_sum3A_14 [1] : vector<4000x64xf32> to vector<4000xf32>
    %broadcast_in_dim3A_16 = vector.shape_cast %reduce_sum3A_15 : vector<4000xf32> to vector<4000x1xf32>
    %div3A_17 = arith.constant 6.400000e+01 : f32
    %div3A_18 = vector.broadcast %div3A_17 : f32 to vector<4000x1xf32>
    %div3A_19 = arith.divf %broadcast_in_dim3A_16, %div3A_18 : vector<4000x1xf32>
    %sub3A_20 = vector.broadcast %div3A_10 : vector<4000x1xf32> to vector<4000x64xf32>
    %sub3A_21 = arith.subf %get3A_1, %sub3A_20 : vector<4000x64xf32>
    %add3A = arith.constant 9.99999997E-7 : f32
    %add3A_22 = vector.broadcast %add3A : f32 to vector<4000x1xf32>
    %add3A_23 = arith.addf %div3A_19, %add3A_22 : vector<4000x1xf32>
    %sqrt3A = math.sqrt %add3A_23 : vector<4000x1xf32>
    %div3A_24 = vector.broadcast %sqrt3A : vector<4000x1xf32> to vector<4000x64xf32>
    %div3A_25 = arith.divf %sub3A_21, %div3A_24 : vector<4000x64xf32>
    %mul3A_26 = vector.broadcast %get3A_4 : vector<1x64xf32> to vector<4000x64xf32>
    %mul3A_27 = arith.mulf %div3A_25, %mul3A_26 : vector<4000x64xf32>
    %add3A_28 = vector.broadcast %get3A_7 : vector<1x64xf32> to vector<4000x64xf32>
    %add3A_29 = arith.addf %mul3A_27, %add3A_28 : vector<4000x64xf32>
    %get3A_30 = arith.constant 0 : index
    %get3A_31 = arith.constant 0 : index
    %get3A_32 = vector.load %arg2[%get3A_30, %get3A_31] : memref<4000x128xf32, #tpu.memory_space<vmem>>, vector<4000x64xf32>
    %get3A_33 = arith.constant 0 : index
    %get3A_34 = arith.constant 64 : index
    %get3A_35 = vector.load %arg3[%get3A_33, %get3A_34] : memref<4000x128xf32, #tpu.memory_space<vmem>>, vector<4000x64xf32>
    %add3A_36 = arith.addf %get3A_32, %get3A_35 : vector<4000x64xf32>
    %get3A_37 = arith.constant 0 : index
    %get3A_38 = arith.constant 0 : index
    %get3A_39 = vector.load %arg6[%get3A_37, %get3A_38] : memref<64x64xf32, #tpu.memory_space<vmem>>, vector<64x64xf32>
    %dot_general3A = arith.constant dense<0.000000e+00> : vector<4000x64xf32>
    %dot_general3A_40 = tpu.matmul %add3A_29, %get3A_39, %dot_general3A {dimension_numbers = #tpu.dot_dimension_numbers<[1], [0], [0], [1], [0, 0, 1, 1], [], []>, transpose_lhs_hint = false} : vector<4000x64xf32>, vector<64x64xf32>, vector<4000x64xf32> -> vector<4000x64xf32>
    %add3A_41 = arith.addf %dot_general3A_40, %add3A_36 : vector<4000x64xf32>
    %get3A_42 = arith.constant 0 : index
    %get3A_43 = arith.constant 0 : index
    %get3A_44 = vector.load %arg7[%get3A_42, %get3A_43] : memref<1x64xf32, #tpu.memory_space<vmem>>, vector<1x64xf32>
    %add3A_45 = vector.broadcast %get3A_44 : vector<1x64xf32> to vector<4000x64xf32>
    %add3A_46 = arith.addf %add3A_41, %add3A_45 : vector<4000x64xf32>
    %integer_pow3A = arith.mulf %add3A_46, %add3A_46 : vector<4000x64xf32>
    %integer_pow3A_47 = arith.mulf %add3A_46, %integer_pow3A : vector<4000x64xf32>
    %mul3A_48 = arith.constant 4.471500e-02 : f32
    %mul3A_49 = vector.broadcast %mul3A_48 : f32 to vector<4000x64xf32>
    %mul3A_50 = arith.mulf %mul3A_49, %integer_pow3A_47 : vector<4000x64xf32>
    %add3A_51 = arith.addf %add3A_46, %mul3A_50 : vector<4000x64xf32>
    %mul3A_52 = arith.constant 0.797884583 : f32
    %mul3A_53 = vector.broadcast %mul3A_52 : f32 to vector<4000x64xf32>
    %mul3A_54 = arith.mulf %mul3A_53, %add3A_51 : vector<4000x64xf32>
    %tanh3A = math.tanh %mul3A_54 : vector<4000x64xf32>
    %add3A_55 = arith.constant 1.000000e+00 : f32
    %add3A_56 = vector.broadcast %add3A_55 : f32 to vector<4000x64xf32>
    %add3A_57 = arith.addf %add3A_56, %tanh3A : vector<4000x64xf32>
    %mul3A_58 = arith.constant 5.000000e-01 : f32
    %mul3A_59 = vector.broadcast %mul3A_58 : f32 to vector<4000x64xf32>
    %mul3A_60 = arith.mulf %mul3A_59, %add3A_57 : vector<4000x64xf32>
    %mul3A_61 = arith.mulf %add3A_46, %mul3A_60 : vector<4000x64xf32>
    %get3A_62 = arith.constant 0 : index
    %get3A_63 = arith.constant 0 : index
    %get3A_64 = vector.load %arg8[%get3A_62, %get3A_63] : memref<64x64xf32, #tpu.memory_space<vmem>>, vector<64x64xf32>
    %dot_general3A_65 = arith.constant dense<0.000000e+00> : vector<4000x64xf32>
    %dot_general3A_66 = tpu.matmul %mul3A_61, %get3A_64, %dot_general3A_65 {dimension_numbers = #tpu.dot_dimension_numbers<[1], [0], [0], [1], [0, 0, 1, 1], [], []>, transpose_lhs_hint = false} : vector<4000x64xf32>, vector<64x64xf32>, vector<4000x64xf32> -> vector<4000x64xf32>
    %get3A_67 = arith.constant 0 : index
    %get3A_68 = arith.constant 0 : index
    %get3A_69 = vector.load %arg9[%get3A_67, %get3A_68] : memref<1x64xf32, #tpu.memory_space<vmem>>, vector<1x64xf32>
    %add3A_70 = vector.broadcast %get3A_69 : vector<1x64xf32> to vector<4000x64xf32>
    %add3A_71 = arith.addf %dot_general3A_66, %add3A_70 : vector<4000x64xf32>
    %integer_pow3A_72 = arith.mulf %add3A_71, %add3A_71 : vector<4000x64xf32>
    %integer_pow3A_73 = arith.mulf %add3A_71, %integer_pow3A_72 : vector<4000x64xf32>
    %mul3A_74 = arith.constant 4.471500e-02 : f32
    %mul3A_75 = vector.broadcast %mul3A_74 : f32 to vector<4000x64xf32>
    %mul3A_76 = arith.mulf %mul3A_75, %integer_pow3A_73 : vector<4000x64xf32>
    %add3A_77 = arith.addf %add3A_71, %mul3A_76 : vector<4000x64xf32>
    %mul3A_78 = arith.constant 0.797884583 : f32
    %mul3A_79 = vector.broadcast %mul3A_78 : f32 to vector<4000x64xf32>
    %mul3A_80 = arith.mulf %mul3A_79, %add3A_77 : vector<4000x64xf32>
    %tanh3A_81 = math.tanh %mul3A_80 : vector<4000x64xf32>
    %add3A_82 = arith.constant 1.000000e+00 : f32
    %add3A_83 = vector.broadcast %add3A_82 : f32 to vector<4000x64xf32>
    %add3A_84 = arith.addf %add3A_83, %tanh3A_81 : vector<4000x64xf32>
    %mul3A_85 = arith.constant 5.000000e-01 : f32
    %mul3A_86 = vector.broadcast %mul3A_85 : f32 to vector<4000x64xf32>
    %mul3A_87 = arith.mulf %mul3A_86, %add3A_84 : vector<4000x64xf32>
    %mul3A_88 = arith.mulf %add3A_71, %mul3A_87 : vector<4000x64xf32>
    %get3A_89 = arith.constant 0 : index
    %get3A_90 = arith.constant 0 : index
    %get3A_91 = vector.load %arg10[%get3A_89, %get3A_90] : memref<64x64xf32, #tpu.memory_space<vmem>>, vector<64x64xf32>
    %dot_general3A_92 = arith.constant dense<0.000000e+00> : vector<4000x64xf32>
    %dot_general3A_93 = tpu.matmul %mul3A_88, %get3A_91, %dot_general3A_92 {dimension_numbers = #tpu.dot_dimension_numbers<[1], [0], [0], [1], [0, 0, 1, 1], [], []>, transpose_lhs_hint = false} : vector<4000x64xf32>, vector<64x64xf32>, vector<4000x64xf32> -> vector<4000x64xf32>
    %get3A_94 = arith.constant 0 : index
    %get3A_95 = arith.constant 0 : index
    %get3A_96 = vector.load %arg11[%get3A_94, %get3A_95] : memref<1x64xf32, #tpu.memory_space<vmem>>, vector<1x64xf32>
    %add3A_97 = vector.broadcast %get3A_96 : vector<1x64xf32> to vector<4000x64xf32>
    %add3A_98 = arith.addf %dot_general3A_93, %add3A_97 : vector<4000x64xf32>
    %broadcast_in_dim3A_99 = arith.constant 0.000000e+00 : f32
    %broadcast_in_dim3A_100 = vector.broadcast %broadcast_in_dim3A_99 : f32 to vector<4000x64xf32>
    %concatenate3A = tpu.concatenate %add3A_98, %broadcast_in_dim3A_100 in 1 : vector<4000x64xf32>, vector<4000x64xf32> -> vector<4000x128xf32>
    %swap3A = arith.constant 0 : index
    %swap3A_101 = arith.constant 0 : index
    %swap3A_102 = vector.load %arg12[%swap3A, %swap3A_101] : memref<4000x128xf32, #tpu.memory_space<vmem>>, vector<4000x128xf32>
    tpu.vector_store %arg12[%swap3A, %swap3A_101], %concatenate3A {strides = array<i32>} : memref<4000x128xf32, #tpu.memory_space<vmem>>, vector<4000x128xf32>,
    return
  }
  func.func @transform_0(%arg0: i32) -> (i32, i32) {
    %c0_i32 = arith.constant 0 : i32
    %c0_i32_0 = arith.constant 0 : i32
    return %arg0, %c0_i32 : i32, i32
  }
  func.func @transform_1(%arg0: i32) -> (i32, i32) {
    %c0_i32 = arith.constant 0 : i32
    %c0_i32_0 = arith.constant 0 : i32
    return %arg0, %c0_i32 : i32, i32
  }
  func.func @transform_2(%arg0: i32) -> (i32, i32) {
    %c0_i32 = arith.constant 0 : i32
    %c0_i32_0 = arith.constant 0 : i32
    return %arg0, %c0_i32 : i32, i32
  }
  func.func @transform_3(%arg0: i32) -> (i32, i32) {
    %c0_i32 = arith.constant 0 : i32
    %c0_i32_0 = arith.constant 0 : i32
    %c0_i32_1 = arith.constant 0 : i32
    return %c0_i32, %c0_i32_0 : i32, i32
  }
  func.func @transform_4(%arg0: i32) -> (i32, i32) {
    %c0_i32 = arith.constant 0 : i32
    %c0_i32_0 = arith.constant 0 : i32
    %c0_i32_1 = arith.constant 0 : i32
    return %c0_i32, %c0_i32_0 : i32, i32
  }
  func.func @transform_5(%arg0: i32) -> (i32, i32) {
    %c0_i32 = arith.constant 0 : i32
    %c0_i32_0 = arith.constant 0 : i32
    %c0_i32_1 = arith.constant 0 : i32
    return %c0_i32, %c0_i32_0 : i32, i32
  }
  func.func @transform_6(%arg0: i32) -> (i32, i32) {
    %c0_i32 = arith.constant 0 : i32
    %c0_i32_0 = arith.constant 0 : i32
    %c0_i32_1 = arith.constant 0 : i32
    return %c0_i32, %c0_i32_0 : i32, i32
  }
  func.func @transform_7(%arg0: i32) -> (i32, i32) {
    %c0_i32 = arith.constant 0 : i32
    %c0_i32_0 = arith.constant 0 : i32
    %c0_i32_1 = arith.constant 0 : i32
    return %c0_i32, %c0_i32_0 : i32, i32
  }
  func.func @transform_8(%arg0: i32) -> (i32, i32) {
    %c0_i32 = arith.constant 0 : i32
    %c0_i32_0 = arith.constant 0 : i32
    %c0_i32_1 = arith.constant 0 : i32
    return %c0_i32, %c0_i32_0 : i32, i32
  }
  func.func @transform_9(%arg0: i32) -> (i32, i32) {
    %c0_i32 = arith.constant 0 : i32
    %c0_i32_0 = arith.constant 0 : i32
    %c0_i32_1 = arith.constant 0 : i32
    return %c0_i32, %c0_i32_0 : i32, i32
  }
  func.func @transform_10(%arg0: i32) -> (i32, i32) {
    %c0_i32 = arith.constant 0 : i32
    %c0_i32_0 = arith.constant 0 : i32
    %c0_i32_1 = arith.constant 0 : i32
    return %c0_i32, %c0_i32_0 : i32, i32
  }
  func.func @transform_11(%arg0: i32) -> (i32, i32) {
    %c0_i32 = arith.constant 0 : i32
    %c0_i32_0 = arith.constant 0 : i32
    return %arg0, %c0_i32 : i32, i32
  }
}

module attributes {stable_mosaic.version = 14 : i64} {
  func.func @body(%arg0: i32, %arg1: memref<1000x64xf32, #tpu.memory_space<vmem>>, %arg2: memref<1000x128xf32, #tpu.memory_space<vmem>>, %arg3: memref<1000x128xf32, #tpu.memory_space<vmem>>, %arg4: memref<64x64xf32, #tpu.memory_space<vmem>>, %arg5: memref<64x64xf32, #tpu.memory_space<vmem>>, %arg6: memref<1x64xf32, #tpu.memory_space<vmem>>, %arg7: memref<64x64xf32, #tpu.memory_space<vmem>>, %arg8: memref<1x64xf32, #tpu.memory_space<vmem>>, %arg9: memref<64x64xf32, #tpu.memory_space<vmem>>, %arg10: memref<1x64xf32, #tpu.memory_space<vmem>>, %arg11: memref<1x64xf32, #tpu.memory_space<vmem>>, %arg12: memref<1x64xf32, #tpu.memory_space<vmem>>, %arg13: memref<1000x64xf32, #tpu.memory_space<vmem>>) attributes {dimension_semantics = [#tpu.dimension_semantics<arbitrary>], iteration_bounds = array<i64: 10>, scalar_prefetch = 0 : i64, scratch_operands = 0 : i64, tpu.core_type = #tpu.core_type<tc>, window_params = [{transform_indices = @transform_0, window_bounds = array<i64: 1000, 64>}, {transform_indices = @transform_1, window_bounds = array<i64: 1000, 128>}, {transform_indices = @transform_2, window_bounds = array<i64: 1000, 128>}, {pipeline_mode = #tpu.pipeline_mode<synchronous>, transform_indices = @transform_3, window_bounds = array<i64: 64, 64>}, {pipeline_mode = #tpu.pipeline_mode<synchronous>, transform_indices = @transform_4, window_bounds = array<i64: 64, 64>}, {pipeline_mode = #tpu.pipeline_mode<synchronous>, transform_indices = @transform_5, window_bounds = array<i64: 1, 64>}, {pipeline_mode = #tpu.pipeline_mode<synchronous>, transform_indices = @transform_6, window_bounds = array<i64: 64, 64>}, {pipeline_mode = #tpu.pipeline_mode<synchronous>, transform_indices = @transform_7, window_bounds = array<i64: 1, 64>}, {pipeline_mode = #tpu.pipeline_mode<synchronous>, transform_indices = @transform_8, window_bounds = array<i64: 64, 64>}, {pipeline_mode = #tpu.pipeline_mode<synchronous>, transform_indices = @transform_9, window_bounds = array<i64: 1, 64>}, {pipeline_mode = #tpu.pipeline_mode<synchronous>, transform_indices = @transform_10, window_bounds = array<i64: 1, 64>}, {pipeline_mode = #tpu.pipeline_mode<synchronous>, transform_indices = @transform_11, window_bounds = array<i64: 1, 64>}, {transform_indices = @transform_12, window_bounds = array<i64: 1000, 64>}]} {
    %get3A = arith.constant 0 : index
    %get3A_0 = arith.constant 0 : index
    %get3A_1 = vector.load %arg2[%get3A, %get3A_0] : memref<1000x128xf32, #tpu.memory_space<vmem>>, vector<1000x64xf32>
    %get3A_2 = arith.constant 0 : index
    %get3A_3 = arith.constant 0 : index
    %get3A_4 = vector.load %arg3[%get3A_2, %get3A_3] : memref<1000x128xf32, #tpu.memory_space<vmem>>, vector<1000x64xf32>
    %add3A = arith.addf %get3A_1, %get3A_4 : vector<1000x64xf32>
    %get3A_5 = arith.constant 0 : index
    %get3A_6 = arith.constant 0 : index
    %get3A_7 = vector.load %arg1[%get3A_5, %get3A_6] : memref<1000x64xf32, #tpu.memory_space<vmem>>, vector<1000x64xf32>
    %get3A_8 = arith.constant 0 : index
    %get3A_9 = arith.constant 0 : index
    %get3A_10 = vector.load %arg4[%get3A_8, %get3A_9] : memref<64x64xf32, #tpu.memory_space<vmem>>, vector<64x64xf32>
    %dot_general3A = arith.constant dense<0.000000e+00> : vector<1000x64xf32>
    %dot_general3A_11 = tpu.matmul %get3A_7, %get3A_10, %dot_general3A {dimension_numbers = #tpu.dot_dimension_numbers<[1], [0], [0], [1], [0, 0, 1, 1], [], []>, transpose_lhs_hint = false} : vector<1000x64xf32>, vector<64x64xf32>, vector<1000x64xf32> -> vector<1000x64xf32>
    %get3A_12 = arith.constant 0 : index
    %get3A_13 = arith.constant 0 : index
    %get3A_14 = vector.load %arg5[%get3A_12, %get3A_13] : memref<64x64xf32, #tpu.memory_space<vmem>>, vector<64x64xf32>
    %dot_general3A_15 = arith.constant dense<0.000000e+00> : vector<1000x64xf32>
    %dot_general3A_16 = tpu.matmul %add3A, %get3A_14, %dot_general3A_15 {dimension_numbers = #tpu.dot_dimension_numbers<[1], [0], [0], [1], [0, 0, 1, 1], [], []>, transpose_lhs_hint = false} : vector<1000x64xf32>, vector<64x64xf32>, vector<1000x64xf32> -> vector<1000x64xf32>
    %add3A_17 = arith.addf %dot_general3A_11, %dot_general3A_16 : vector<1000x64xf32>
    %get3A_18 = arith.constant 0 : index
    %get3A_19 = arith.constant 0 : index
    %get3A_20 = vector.load %arg6[%get3A_18, %get3A_19] : memref<1x64xf32, #tpu.memory_space<vmem>>, vector<1x64xf32>
    %add3A_21 = vector.broadcast %get3A_20 : vector<1x64xf32> to vector<1000x64xf32>
    %add3A_22 = arith.addf %add3A_17, %add3A_21 : vector<1000x64xf32>
    %integer_pow3A = arith.mulf %add3A_22, %add3A_22 : vector<1000x64xf32>
    %integer_pow3A_23 = arith.mulf %add3A_22, %integer_pow3A : vector<1000x64xf32>
    %mul3A = arith.constant 4.471500e-02 : f32
    %mul3A_24 = vector.broadcast %mul3A : f32 to vector<1000x64xf32>
    %mul3A_25 = arith.mulf %mul3A_24, %integer_pow3A_23 : vector<1000x64xf32>
    %add3A_26 = arith.addf %add3A_22, %mul3A_25 : vector<1000x64xf32>
    %mul3A_27 = arith.constant 0.797884583 : f32
    %mul3A_28 = vector.broadcast %mul3A_27 : f32 to vector<1000x64xf32>
    %mul3A_29 = arith.mulf %mul3A_28, %add3A_26 : vector<1000x64xf32>
    %tanh3A = math.tanh %mul3A_29 : vector<1000x64xf32>
    %add3A_30 = arith.constant 1.000000e+00 : f32
    %add3A_31 = vector.broadcast %add3A_30 : f32 to vector<1000x64xf32>
    %add3A_32 = arith.addf %add3A_31, %tanh3A : vector<1000x64xf32>
    %mul3A_33 = arith.constant 5.000000e-01 : f32
    %mul3A_34 = vector.broadcast %mul3A_33 : f32 to vector<1000x64xf32>
    %mul3A_35 = arith.mulf %mul3A_34, %add3A_32 : vector<1000x64xf32>
    %mul3A_36 = arith.mulf %add3A_22, %mul3A_35 : vector<1000x64xf32>
    %get3A_37 = arith.constant 0 : index
    %get3A_38 = arith.constant 0 : index
    %get3A_39 = vector.load %arg7[%get3A_37, %get3A_38] : memref<64x64xf32, #tpu.memory_space<vmem>>, vector<64x64xf32>
    %dot_general3A_40 = arith.constant dense<0.000000e+00> : vector<1000x64xf32>
    %dot_general3A_41 = tpu.matmul %mul3A_36, %get3A_39, %dot_general3A_40 {dimension_numbers = #tpu.dot_dimension_numbers<[1], [0], [0], [1], [0, 0, 1, 1], [], []>, transpose_lhs_hint = false} : vector<1000x64xf32>, vector<64x64xf32>, vector<1000x64xf32> -> vector<1000x64xf32>
    %get3A_42 = arith.constant 0 : index
    %get3A_43 = arith.constant 0 : index
    %get3A_44 = vector.load %arg8[%get3A_42, %get3A_43] : memref<1x64xf32, #tpu.memory_space<vmem>>, vector<1x64xf32>
    %add3A_45 = vector.broadcast %get3A_44 : vector<1x64xf32> to vector<1000x64xf32>
    %add3A_46 = arith.addf %dot_general3A_41, %add3A_45 : vector<1000x64xf32>
    %integer_pow3A_47 = arith.mulf %add3A_46, %add3A_46 : vector<1000x64xf32>
    %integer_pow3A_48 = arith.mulf %add3A_46, %integer_pow3A_47 : vector<1000x64xf32>
    %mul3A_49 = arith.constant 4.471500e-02 : f32
    %mul3A_50 = vector.broadcast %mul3A_49 : f32 to vector<1000x64xf32>
    %mul3A_51 = arith.mulf %mul3A_50, %integer_pow3A_48 : vector<1000x64xf32>
    %add3A_52 = arith.addf %add3A_46, %mul3A_51 : vector<1000x64xf32>
    %mul3A_53 = arith.constant 0.797884583 : f32
    %mul3A_54 = vector.broadcast %mul3A_53 : f32 to vector<1000x64xf32>
    %mul3A_55 = arith.mulf %mul3A_54, %add3A_52 : vector<1000x64xf32>
    %tanh3A_56 = math.tanh %mul3A_55 : vector<1000x64xf32>
    %add3A_57 = arith.constant 1.000000e+00 : f32
    %add3A_58 = vector.broadcast %add3A_57 : f32 to vector<1000x64xf32>
    %add3A_59 = arith.addf %add3A_58, %tanh3A_56 : vector<1000x64xf32>
    %mul3A_60 = arith.constant 5.000000e-01 : f32
    %mul3A_61 = vector.broadcast %mul3A_60 : f32 to vector<1000x64xf32>
    %mul3A_62 = arith.mulf %mul3A_61, %add3A_59 : vector<1000x64xf32>
    %mul3A_63 = arith.mulf %add3A_46, %mul3A_62 : vector<1000x64xf32>
    %get3A_64 = arith.constant 0 : index
    %get3A_65 = arith.constant 0 : index
    %get3A_66 = vector.load %arg9[%get3A_64, %get3A_65] : memref<64x64xf32, #tpu.memory_space<vmem>>, vector<64x64xf32>
    %dot_general3A_67 = arith.constant dense<0.000000e+00> : vector<1000x64xf32>
    %dot_general3A_68 = tpu.matmul %mul3A_63, %get3A_66, %dot_general3A_67 {dimension_numbers = #tpu.dot_dimension_numbers<[1], [0], [0], [1], [0, 0, 1, 1], [], []>, transpose_lhs_hint = false} : vector<1000x64xf32>, vector<64x64xf32>, vector<1000x64xf32> -> vector<1000x64xf32>
    %get3A_69 = arith.constant 0 : index
    %get3A_70 = arith.constant 0 : index
    %get3A_71 = vector.load %arg10[%get3A_69, %get3A_70] : memref<1x64xf32, #tpu.memory_space<vmem>>, vector<1x64xf32>
    %add3A_72 = vector.broadcast %get3A_71 : vector<1x64xf32> to vector<1000x64xf32>
    %add3A_73 = arith.addf %dot_general3A_68, %add3A_72 : vector<1000x64xf32>
    %get3A_74 = arith.constant 0 : index
    %get3A_75 = arith.constant 0 : index
    %get3A_76 = vector.load %arg11[%get3A_74, %get3A_75] : memref<1x64xf32, #tpu.memory_space<vmem>>, vector<1x64xf32>
    %get3A_77 = arith.constant 0 : index
    %get3A_78 = arith.constant 0 : index
    %get3A_79 = vector.load %arg12[%get3A_77, %get3A_78] : memref<1x64xf32, #tpu.memory_space<vmem>>, vector<1x64xf32>
    %reduce_sum3A = arith.constant dense<0.000000e+00> : vector<1000xf32>
    %reduce_sum3A_80 = vector.multi_reduction <add>, %add3A_73, %reduce_sum3A [1] : vector<1000x64xf32> to vector<1000xf32>
    %broadcast_in_dim3A = vector.shape_cast %reduce_sum3A_80 : vector<1000xf32> to vector<1000x1xf32>
    %div3A = arith.constant 6.400000e+01 : f32
    %div3A_81 = vector.broadcast %div3A : f32 to vector<1000x1xf32>
    %div3A_82 = arith.divf %broadcast_in_dim3A, %div3A_81 : vector<1000x1xf32>
    %sub3A = vector.broadcast %div3A_82 : vector<1000x1xf32> to vector<1000x64xf32>
    %sub3A_83 = arith.subf %add3A_73, %sub3A : vector<1000x64xf32>
    %sub3A_84 = vector.broadcast %div3A_82 : vector<1000x1xf32> to vector<1000x64xf32>
    %sub3A_85 = arith.subf %add3A_73, %sub3A_84 : vector<1000x64xf32>
    %mul3A_86 = arith.mulf %sub3A_83, %sub3A_85 : vector<1000x64xf32>
    %reduce_sum3A_87 = arith.constant dense<0.000000e+00> : vector<1000xf32>
    %reduce_sum3A_88 = vector.multi_reduction <add>, %mul3A_86, %reduce_sum3A_87 [1] : vector<1000x64xf32> to vector<1000xf32>
    %broadcast_in_dim3A_89 = vector.shape_cast %reduce_sum3A_88 : vector<1000xf32> to vector<1000x1xf32>
    %div3A_90 = arith.constant 6.400000e+01 : f32
    %div3A_91 = vector.broadcast %div3A_90 : f32 to vector<1000x1xf32>
    %div3A_92 = arith.divf %broadcast_in_dim3A_89, %div3A_91 : vector<1000x1xf32>
    %sub3A_93 = vector.broadcast %div3A_82 : vector<1000x1xf32> to vector<1000x64xf32>
    %sub3A_94 = arith.subf %add3A_73, %sub3A_93 : vector<1000x64xf32>
    %add3A_95 = arith.constant 9.99999997E-7 : f32
    %add3A_96 = vector.broadcast %add3A_95 : f32 to vector<1000x1xf32>
    %add3A_97 = arith.addf %div3A_92, %add3A_96 : vector<1000x1xf32>
    %sqrt3A = math.sqrt %add3A_97 : vector<1000x1xf32>
    %div3A_98 = vector.broadcast %sqrt3A : vector<1000x1xf32> to vector<1000x64xf32>
    %div3A_99 = arith.divf %sub3A_94, %div3A_98 : vector<1000x64xf32>
    %mul3A_100 = vector.broadcast %get3A_76 : vector<1x64xf32> to vector<1000x64xf32>
    %mul3A_101 = arith.mulf %div3A_99, %mul3A_100 : vector<1000x64xf32>
    %add3A_102 = vector.broadcast %get3A_79 : vector<1x64xf32> to vector<1000x64xf32>
    %add3A_103 = arith.addf %mul3A_101, %add3A_102 : vector<1000x64xf32>
    %swap3A = arith.constant 0 : index
    %swap3A_104 = arith.constant 0 : index
    %swap3A_105 = vector.load %arg13[%swap3A, %swap3A_104] : memref<1000x64xf32, #tpu.memory_space<vmem>>, vector<1000x64xf32>
    tpu.vector_store %arg13[%swap3A, %swap3A_104], %add3A_103 {strides = array<i32>} : memref<1000x64xf32, #tpu.memory_space<vmem>>, vector<1000x64xf32>,
    return
  }
  func.func @transform_0(%arg0: i32) -> (i32, i32) {
    %c0_i32 = arith.constant 0 : i32
    %c0_i32_0 = arith.constant 0 : i32
    return %arg0, %c0_i32 : i32, i32
  }
  func.func @transform_1(%arg0: i32) -> (i32, i32) {
    %c0_i32 = arith.constant 0 : i32
    %c0_i32_0 = arith.constant 0 : i32
    return %arg0, %c0_i32 : i32, i32
  }
  func.func @transform_2(%arg0: i32) -> (i32, i32) {
    %add3A = arith.constant 10 : i32
    %add3A_0 = arith.addi %arg0, %add3A : i32
    %c0_i32 = arith.constant 0 : i32
    %c0_i32_1 = arith.constant 0 : i32
    return %add3A_0, %c0_i32 : i32, i32
  }
  func.func @transform_3(%arg0: i32) -> (i32, i32) {
    %c0_i32 = arith.constant 0 : i32
    %c0_i32_0 = arith.constant 0 : i32
    %c0_i32_1 = arith.constant 0 : i32
    return %c0_i32, %c0_i32_0 : i32, i32
  }
  func.func @transform_4(%arg0: i32) -> (i32, i32) {
    %c0_i32 = arith.constant 0 : i32
    %c0_i32_0 = arith.constant 0 : i32
    %c0_i32_1 = arith.constant 0 : i32
    return %c0_i32, %c0_i32_0 : i32, i32
  }
  func.func @transform_5(%arg0: i32) -> (i32, i32) {
    %c0_i32 = arith.constant 0 : i32
    %c0_i32_0 = arith.constant 0 : i32
    %c0_i32_1 = arith.constant 0 : i32
    return %c0_i32, %c0_i32_0 : i32, i32
  }
  func.func @transform_6(%arg0: i32) -> (i32, i32) {
    %c0_i32 = arith.constant 0 : i32
    %c0_i32_0 = arith.constant 0 : i32
    %c0_i32_1 = arith.constant 0 : i32
    return %c0_i32, %c0_i32_0 : i32, i32
  }
  func.func @transform_7(%arg0: i32) -> (i32, i32) {
    %c0_i32 = arith.constant 0 : i32
    %c0_i32_0 = arith.constant 0 : i32
    %c0_i32_1 = arith.constant 0 : i32
    return %c0_i32, %c0_i32_0 : i32, i32
  }
  func.func @transform_8(%arg0: i32) -> (i32, i32) {
    %c0_i32 = arith.constant 0 : i32
    %c0_i32_0 = arith.constant 0 : i32
    %c0_i32_1 = arith.constant 0 : i32
    return %c0_i32, %c0_i32_0 : i32, i32
  }
  func.func @transform_9(%arg0: i32) -> (i32, i32) {
    %c0_i32 = arith.constant 0 : i32
    %c0_i32_0 = arith.constant 0 : i32
    %c0_i32_1 = arith.constant 0 : i32
    return %c0_i32, %c0_i32_0 : i32, i32
  }
  func.func @transform_10(%arg0: i32) -> (i32, i32) {
    %c0_i32 = arith.constant 0 : i32
    %c0_i32_0 = arith.constant 0 : i32
    %c0_i32_1 = arith.constant 0 : i32
    return %c0_i32, %c0_i32_0 : i32, i32
  }
  func.func @transform_11(%arg0: i32) -> (i32, i32) {
    %c0_i32 = arith.constant 0 : i32
    %c0_i32_0 = arith.constant 0 : i32
    %c0_i32_1 = arith.constant 0 : i32
    return %c0_i32, %c0_i32_0 : i32, i32
  }
  func.func @transform_12(%arg0: i32) -> (i32, i32) {
    %c0_i32 = arith.constant 0 : i32
    %c0_i32_0 = arith.constant 0 : i32
    return %arg0, %c0_i32 : i32, i32
  }
}

module attributes {stable_mosaic.version = 14 : i64} {
  func.func @body(%arg0: memref<10000x64xf32, #tpu.memory_space<vmem>>, %arg1: memref<64x256xf32, #tpu.memory_space<vmem>>, %arg2: memref<1x256xf32, #tpu.memory_space<vmem>>, %arg3: memref<256x128xf32, #tpu.memory_space<vmem>>, %arg4: memref<1x128xf32, #tpu.memory_space<vmem>>, %arg5: memref<128x128xf32, #tpu.memory_space<vmem>>, %arg6: memref<1x128xf32, #tpu.memory_space<vmem>>, %arg7: memref<1x128xf32, #tpu.memory_space<vmem>>, %arg8: memref<1x1xf32, #tpu.memory_space<vmem>>, %arg9: memref<1x128xf32, #tpu.memory_space<vmem>>) attributes {dimension_semantics = [], scalar_prefetch = 0 : i64, scratch_operands = 0 : i64, tpu.core_type = #tpu.core_type<tc>} {
    %get3A = arith.constant 0 : index
    %get3A_0 = arith.constant 0 : index
    %get3A_1 = vector.load %arg0[%get3A, %get3A_0] : memref<10000x64xf32, #tpu.memory_space<vmem>>, vector<10000x64xf32>
    %reduce_sum3A = arith.constant dense<0.000000e+00> : vector<64xf32>
    %reduce_sum3A_2 = vector.multi_reduction <add>, %get3A_1, %reduce_sum3A [0] : vector<10000x64xf32> to vector<64xf32>
    %broadcast_in_dim3A = vector.shape_cast %reduce_sum3A_2 : vector<64xf32> to vector<1x64xf32>
    %div3A = arith.constant 1.000000e+04 : f32
    %div3A_3 = vector.broadcast %div3A : f32 to vector<1x64xf32>
    %div3A_4 = arith.divf %broadcast_in_dim3A, %div3A_3 : vector<1x64xf32>
    %get3A_5 = arith.constant 0 : index
    %get3A_6 = arith.constant 0 : index
    %get3A_7 = vector.load %arg1[%get3A_5, %get3A_6] : memref<64x256xf32, #tpu.memory_space<vmem>>, vector<64x256xf32>
    %dot_general3A = arith.constant dense<0.000000e+00> : vector<1x256xf32>
    %dot_general3A_8 = tpu.matmul %div3A_4, %get3A_7, %dot_general3A {dimension_numbers = #tpu.dot_dimension_numbers<[1], [0], [0], [1], [0, 0, 1, 1], [], []>, transpose_lhs_hint = false} : vector<1x64xf32>, vector<64x256xf32>, vector<1x256xf32> -> vector<1x256xf32>
    %get3A_9 = arith.constant 0 : index
    %get3A_10 = arith.constant 0 : index
    %get3A_11 = vector.load %arg2[%get3A_9, %get3A_10] : memref<1x256xf32, #tpu.memory_space<vmem>>, vector<1x256xf32>
    %add3A = arith.addf %dot_general3A_8, %get3A_11 : vector<1x256xf32>
    %integer_pow3A = arith.mulf %add3A, %add3A : vector<1x256xf32>
    %integer_pow3A_12 = arith.mulf %add3A, %integer_pow3A : vector<1x256xf32>
    %mul3A = arith.constant 4.471500e-02 : f32
    %mul3A_13 = vector.broadcast %mul3A : f32 to vector<1x256xf32>
    %mul3A_14 = arith.mulf %mul3A_13, %integer_pow3A_12 : vector<1x256xf32>
    %add3A_15 = arith.addf %add3A, %mul3A_14 : vector<1x256xf32>
    %mul3A_16 = arith.constant 0.797884583 : f32
    %mul3A_17 = vector.broadcast %mul3A_16 : f32 to vector<1x256xf32>
    %mul3A_18 = arith.mulf %mul3A_17, %add3A_15 : vector<1x256xf32>
    %tanh3A = math.tanh %mul3A_18 : vector<1x256xf32>
    %add3A_19 = arith.constant 1.000000e+00 : f32
    %add3A_20 = vector.broadcast %add3A_19 : f32 to vector<1x256xf32>
    %add3A_21 = arith.addf %add3A_20, %tanh3A : vector<1x256xf32>
    %mul3A_22 = arith.constant 5.000000e-01 : f32
    %mul3A_23 = vector.broadcast %mul3A_22 : f32 to vector<1x256xf32>
    %mul3A_24 = arith.mulf %mul3A_23, %add3A_21 : vector<1x256xf32>
    %mul3A_25 = arith.mulf %add3A, %mul3A_24 : vector<1x256xf32>
    %get3A_26 = arith.constant 0 : index
    %get3A_27 = arith.constant 0 : index
    %get3A_28 = vector.load %arg3[%get3A_26, %get3A_27] : memref<256x128xf32, #tpu.memory_space<vmem>>, vector<256x128xf32>
    %dot_general3A_29 = arith.constant dense<0.000000e+00> : vector<1x128xf32>
    %dot_general3A_30 = tpu.matmul %mul3A_25, %get3A_28, %dot_general3A_29 {dimension_numbers = #tpu.dot_dimension_numbers<[1], [0], [0], [1], [0, 0, 1, 1], [], []>, transpose_lhs_hint = false} : vector<1x256xf32>, vector<256x128xf32>, vector<1x128xf32> -> vector<1x128xf32>
    %get3A_31 = arith.constant 0 : index
    %get3A_32 = arith.constant 0 : index
    %get3A_33 = vector.load %arg4[%get3A_31, %get3A_32] : memref<1x128xf32, #tpu.memory_space<vmem>>, vector<1x128xf32>
    %add3A_34 = arith.addf %dot_general3A_30, %get3A_33 : vector<1x128xf32>
    %integer_pow3A_35 = arith.mulf %add3A_34, %add3A_34 : vector<1x128xf32>
    %integer_pow3A_36 = arith.mulf %add3A_34, %integer_pow3A_35 : vector<1x128xf32>
    %mul3A_37 = arith.constant 4.471500e-02 : f32
    %mul3A_38 = vector.broadcast %mul3A_37 : f32 to vector<1x128xf32>
    %mul3A_39 = arith.mulf %mul3A_38, %integer_pow3A_36 : vector<1x128xf32>
    %add3A_40 = arith.addf %add3A_34, %mul3A_39 : vector<1x128xf32>
    %mul3A_41 = arith.constant 0.797884583 : f32
    %mul3A_42 = vector.broadcast %mul3A_41 : f32 to vector<1x128xf32>
    %mul3A_43 = arith.mulf %mul3A_42, %add3A_40 : vector<1x128xf32>
    %tanh3A_44 = math.tanh %mul3A_43 : vector<1x128xf32>
    %add3A_45 = arith.constant 1.000000e+00 : f32
    %add3A_46 = vector.broadcast %add3A_45 : f32 to vector<1x128xf32>
    %add3A_47 = arith.addf %add3A_46, %tanh3A_44 : vector<1x128xf32>
    %mul3A_48 = arith.constant 5.000000e-01 : f32
    %mul3A_49 = vector.broadcast %mul3A_48 : f32 to vector<1x128xf32>
    %mul3A_50 = arith.mulf %mul3A_49, %add3A_47 : vector<1x128xf32>
    %mul3A_51 = arith.mulf %add3A_34, %mul3A_50 : vector<1x128xf32>
    %get3A_52 = arith.constant 0 : index
    %get3A_53 = arith.constant 0 : index
    %get3A_54 = vector.load %arg5[%get3A_52, %get3A_53] : memref<128x128xf32, #tpu.memory_space<vmem>>, vector<128x128xf32>
    %dot_general3A_55 = arith.constant dense<0.000000e+00> : vector<1x128xf32>
    %dot_general3A_56 = tpu.matmul %mul3A_51, %get3A_54, %dot_general3A_55 {dimension_numbers = #tpu.dot_dimension_numbers<[1], [0], [0], [1], [0, 0, 1, 1], [], []>, transpose_lhs_hint = false} : vector<1x128xf32>, vector<128x128xf32>, vector<1x128xf32> -> vector<1x128xf32>
    %get3A_57 = arith.constant 0 : index
    %get3A_58 = arith.constant 0 : index
    %get3A_59 = vector.load %arg6[%get3A_57, %get3A_58] : memref<1x128xf32, #tpu.memory_space<vmem>>, vector<1x128xf32>
    %add3A_60 = arith.addf %dot_general3A_56, %get3A_59 : vector<1x128xf32>
    %integer_pow3A_61 = arith.mulf %add3A_60, %add3A_60 : vector<1x128xf32>
    %integer_pow3A_62 = arith.mulf %add3A_60, %integer_pow3A_61 : vector<1x128xf32>
    %mul3A_63 = arith.constant 4.471500e-02 : f32
    %mul3A_64 = vector.broadcast %mul3A_63 : f32 to vector<1x128xf32>
    %mul3A_65 = arith.mulf %mul3A_64, %integer_pow3A_62 : vector<1x128xf32>
    %add3A_66 = arith.addf %add3A_60, %mul3A_65 : vector<1x128xf32>
    %mul3A_67 = arith.constant 0.797884583 : f32
    %mul3A_68 = vector.broadcast %mul3A_67 : f32 to vector<1x128xf32>
    %mul3A_69 = arith.mulf %mul3A_68, %add3A_66 : vector<1x128xf32>
    %tanh3A_70 = math.tanh %mul3A_69 : vector<1x128xf32>
    %add3A_71 = arith.constant 1.000000e+00 : f32
    %add3A_72 = vector.broadcast %add3A_71 : f32 to vector<1x128xf32>
    %add3A_73 = arith.addf %add3A_72, %tanh3A_70 : vector<1x128xf32>
    %mul3A_74 = arith.constant 5.000000e-01 : f32
    %mul3A_75 = vector.broadcast %mul3A_74 : f32 to vector<1x128xf32>
    %mul3A_76 = arith.mulf %mul3A_75, %add3A_73 : vector<1x128xf32>
    %mul3A_77 = arith.mulf %add3A_60, %mul3A_76 : vector<1x128xf32>
    %get3A_78 = arith.constant 0 : index
    %get3A_79 = arith.constant 0 : index
    %get3A_80 = vector.load %arg7[%get3A_78, %get3A_79] : memref<1x128xf32, #tpu.memory_space<vmem>>, vector<1x128xf32>
    %mul3A_81 = arith.mulf %mul3A_77, %get3A_80 : vector<1x128xf32>
    %reduce_sum3A_82 = vector.shape_cast %mul3A_81 : vector<1x128xf32> to vector<1x1x128xf32>
    %reduce_sum3A_83 = arith.constant dense<0.000000e+00> : vector<1xf32>
    %reduce_sum3A_84 = vector.multi_reduction <add>, %reduce_sum3A_82, %reduce_sum3A_83 [1, 2] : vector<1x1x128xf32> to vector<1xf32>
    %reduce_sum3A_85 = vector.shape_cast %reduce_sum3A_84 : vector<1xf32> to vector<1x1x1xf32>
    %reduce_sum3A_86 = vector.extract %reduce_sum3A_85[0, 0, 0] : f32 from vector<1x1x1xf32>
    %get3A_87 = arith.constant 0 : index
    %get3A_88 = arith.constant 0 : index
    %get3A_89 = vector.load %arg8[%get3A_87, %get3A_88] : memref<1x1xf32, #tpu.memory_space<vmem>>, vector<1x1xf32>
    %get3A_90 = vector.extract %get3A_89[0, 0] : f32 from vector<1x1xf32>
    %add3A_91 = arith.addf %reduce_sum3A_86, %get3A_90 : f32
    %broadcast_in_dim3A_92 = vector.broadcast %add3A_91 : f32 to vector<1x128xf32>
    %swap3A = arith.constant 0 : index
    %swap3A_93 = arith.constant 0 : index
    %swap3A_94 = vector.load %arg9[%swap3A, %swap3A_93] : memref<1x128xf32, #tpu.memory_space<vmem>>, vector<1x128xf32>
    tpu.vector_store %arg9[%swap3A, %swap3A_93], %broadcast_in_dim3A_92 {strides = array<i32>} : memref<1x128xf32, #tpu.memory_space<vmem>>, vector<1x128xf32>,
    return
  }
}

</mosaic_0001>

<sc_bundles>
// kernel: kernel.16.cloned.1.call-start
scs
__scs_entry_jumppad:
0x0: {  	(pc) =	sbr.rel $0x88, $3  }
0x1: {  	(tag) =	ssettag $0x0;
	lr =	simm.s32 $0x1  }
0x2: {  	[smem:$0x3F66] =	sst lr;
	_ =	strace $0xD0000000  }
0x3: {  	_ = 	snop  }
0x4: {  	_ = 	snop  }
0x5: {  	_ = 	snop  }
0x6: {  	_ = 	snop  }
0x7: {  	_ = 	snop  }
__scs_overlays_trampoline_lowered:
0x8: {  	[smem:$0x3F75] =	sst s0  }
0x9: {  	[smem:$0x3F76] =	sst s1  }
0xa: {  	[smem:$0x3F77] =	sst s2  }
0xb: {  	[smem:$0x3F78] =	sst s3  }
0xc: {  	[smem:$0x3F79] =	sst s4  }
0xd: {  	[smem:$0x3F7A] =	sst s5  }
0xe: {  	[smem:$0x3F7B] =	sst s6  }
0xf: {  	[smem:$0x3F7C] =	sst s7  }
0x10: {  	[smem:$0x3F7D] =	sst s8  }
0x11: {  	[smem:$0x3F7E] =	sst s9;
	s0 =	simm.s32 @!p0 $0x0  }
0x12: {  	s1 =	sld [smem:$0x3F64];
	s0 =	simm.s32 @p0 $0x1  }
0x13: {  	[smem:$0x3F7F] =	sst s0;
	s0 =	simm.s32 @!p1 $0x0  }
0x14: {  	s2 =	sld [smem:$0x3F63];
	s0 =	simm.s32 @p1 $0x1  }
0x15: {  	[smem:$0x3F80] =	sst s0;
	s0 =	simm.s32 @!p2 $0x0  }
0x16: {  	s3 =	sld [smem:$0x3FDB];
	s0 =	simm.s32 @p2 $0x1  }
0x17: {  	s4 =	simm.s32 $0x1BF5;
	[smem:$0x3F82] =	sst s0  }
0x18: {  	s0 =	sld [smem:$0x3F65];
	_ =	swait.ge [sflag:s4], $0x0  }
0x19: {  	s7 =	sld [smem:$0x3F66]  }
0x1a: {  	s8 =	sadd.s32 $0xFFFFE003, lr  }
0x1b: {  	s9 =	sadd.s32 $0xFFFFFEF7, lr;
	s5 =	simm.s32 $0xFFFFFFFF;
	p2 =	slt.u32 s8, $0xFFFFF086  }
0x1c: {  	p1 =	slt.u32 s9, $0xF7A;
	s5 =	simm.s32 @!p2 $0x0  }
0x1d: {  	s5 =	simm.s32 @p1 $0x1;
	p0 =	seq.s32 s7, s2  }
0x1e: {  	s7 =	smul.u32 @!p0 $0xF7A, s2;
	p2 =	seq.s32 @!p0 s5, $0x0  }
0x1f: {  	s9 =	smul.u32 $0xF7A, s1;
	s8 =	simm.s32 @!p0 $0x1BF5;
	p2 =	por !p2, p0  }
0x20: {  	[sflag:s8] =	ssyncset.s32 @!p0 $0xFFFFF086;
	s6 =	sadd.s32 @!p0 s3, s7;
	s7 =	simm.s32 @!p0 $0x108  }
0x21: {  	s3 =	sadd.s32 s3, s9;
	s6 =	sadd.s32 @!p0 $0x88, s6;
	s7 =	simm.s32 @p2 $0x1082  }
0x22: {  	[simem:s7], [sflag:s8] =	dma.local @!p0 [hbm:s6], $0xF7A  }
0x23: {  	s9 =	sor.u32 $0xD0000000, s2;
	s6 =	simm.s32 $0x108;
	_ =	swait.ge @!p0 [sflag:s8], $0x0  }
0x24: {  	s3 =	sadd.s32 $0x88, s3;
	s6 =	simm.s32 @!p1 $0x1082;
	[sflag:s4] =	ssyncset.s32 $0xFFFFF086  }
0x25: {  	[simem:s6], [sflag:s4] =	dma.local [hbm:s3], $0xF7A  }
0x26: {  	[smem:$0x3F66] =	sst s1;
	(tag) =	ssettag s2;
	_ =	strace s9  }
0x27: {  	s1 =	sld [smem:$0x3F76]  }
0x28: {  	s2 =	sld [smem:$0x3F77]  }
0x29: {  	s4 =	sld [smem:$0x3F79]  }
0x2a: {  	p0 =	seq.s32 s5, $0x0;
	s5 =	sld [smem:$0x3F7A]  }
0x2b: {  	s6 =	sld [smem:$0x3F7B]  }
0x2c: {  	s7 =	sld [smem:$0x3F7C]  }
0x2d: {  	s3 =	simm.s32 $0x108;
	s8 =	sld [smem:$0x3F7D]  }
0x2e: {  	s3 =	simm.s32 @!p0 $0x1082;
	s9 =	sld [smem:$0x3F7E]  }
0x2f: {  	lr =	sadd.s32 s0, s3;
	s0 =	sld [smem:$0x3F75]  }
0x30: {  	s3 =	sld [smem:$0x3F78]  }
0x31: {  	[smem:$0x3F81] =	sst s10  }
0x32: {  	s10 =	sld [smem:$0x3F7F];
	_ =	sdelay $0x3  }
0x33: {  	p0 =	seq.s32 s10, $0x1;
	s10 =	sld [smem:$0x3F81];
	_ =	sdelay $0x3  }
0x34: {  	[smem:$0x3F81] =	sst s10  }
0x35: {  	s10 =	sld [smem:$0x3F80];
	_ =	sdelay $0x3  }
0x36: {  	p1 =	seq.s32 s10, $0x1;
	s10 =	sld [smem:$0x3F81];
	_ =	sdelay $0x3  }
0x37: {  	[smem:$0x3F81] =	sst s10  }
0x38: {  	s10 =	sld [smem:$0x3F82]  }
0x39: {  	_ = 	snop;
	(pc) =	sbr.ind lr, $3  }
0x3a: {  	_ = 	snop  }
0x3b: {  	_ = 	snop  }
0x3c: {  	p2 =	seq.s32 s10, $0x1;
	s10 =	sld [smem:$0x3F81]  }
0x3d: {  	_ =	shalt  }
0x3e: {  	_ =	shalt  }
0x3f: {  	_ =	shalt  }
0x40: {  	_ =	shalt  }
0x41: {  	_ =	shalt  }
0x42: {  	_ =	shalt  }
0x43: {  	_ =	shalt  }
0x44: {  	_ =	shalt  }
0x45: {  	_ =	shalt  }
0x46: {  	_ =	shalt  }
0x47: {  	_ =	shalt  }
0x48: {  	_ =	shalt  }
0x49: {  	_ =	shalt  }
0x4a: {  	_ =	shalt  }
0x4b: {  	_ =	shalt  }
0x4c: {  	_ =	shalt  }
0x4d: {  	_ =	shalt  }
0x4e: {  	_ =	shalt  }
0x4f: {  	_ =	shalt  }
0x50: {  	_ =	shalt  }
0x51: {  	_ =	shalt  }
0x52: {  	_ =	shalt  }
0x53: {  	_ =	shalt  }
0x54: {  	_ =	shalt  }
0x55: {  	_ =	shalt  }
0x56: {  	_ =	shalt  }
0x57: {  	_ =	shalt  }
0x58: {  	_ =	shalt  }
0x59: {  	_ =	shalt  }
0x5a: {  	_ =	shalt  }
0x5b: {  	_ =	shalt  }
0x5c: {  	_ =	shalt  }
0x5d: {  	_ =	shalt  }
0x5e: {  	_ =	shalt  }
0x5f: {  	_ =	shalt  }
0x60: {  	_ =	shalt  }
0x61: {  	_ =	shalt  }
0x62: {  	_ =	shalt  }
0x63: {  	_ =	shalt  }
0x64: {  	_ =	shalt  }
0x65: {  	_ =	shalt  }
0x66: {  	_ =	shalt  }
0x67: {  	_ =	shalt  }
0x68: {  	_ =	shalt  }
0x69: {  	_ =	shalt  }
0x6a: {  	_ =	shalt  }
0x6b: {  	_ =	shalt  }
0x6c: {  	_ =	shalt  }
0x6d: {  	_ =	shalt  }
0x6e: {  	_ =	shalt  }
0x6f: {  	_ =	shalt  }
0x70: {  	_ =	shalt  }
0x71: {  	_ =	shalt  }
0x72: {  	_ =	shalt  }
0x73: {  	_ =	shalt  }
0x74: {  	_ =	shalt  }
0x75: {  	_ =	shalt  }
0x76: {  	_ =	shalt  }
0x77: {  	_ =	shalt  }
0x78: {  	_ =	shalt  }
0x79: {  	_ =	shalt  }
0x7a: {  	_ =	shalt  }
0x7b: {  	_ =	shalt  }
0x7c: {  	_ =	shalt  }
0x7d: {  	_ =	shalt  }
0x7e: {  	_ =	shalt  }
0x7f: {  	_ =	shalt  }
0x80: {  	_ =	shalt  }
0x81: {  	_ =	shalt  }
0x82: {  	_ =	shalt  }
0x83: {  	_ =	shalt  }
0x84: {  	_ =	shalt  }
0x85: {  	_ =	shalt  }
0x86: {  	_ =	shalt  }
0x87: {  	_ =	shalt  }
.Lfunc_end0:
.L_simem_size_0:
called_computation_lowered:
.L_overlay_start_0:
0x88: {  	s2 =	sld [smem:$0x3FD9]  }
0x89: {  	s3 =	sld [smem:$0x3FFE];
	_ =	sdelay $0x1  }
0x8a: {  	s1 =	srdreg.scid  }
0x8b: {  	s0 =	sand.u32 $0x1, s1  }
0x8c: {  	s16 =	sshll.u32 s0, $0xA;
	s2 =	sadd.s32 s3, s2  }
0x8d: {  	s2 =	sadd.s32 s2, s16  }
0x8e: {  	[smem:$0x3F8D] =	sst s2  }
0x8f: {  	_ = 	snop  }
0x90: {  	(tm) =	ssettm $0x1  }
0x91: {  	s17 =	sld [smem:$0x3FFB];
	_ =	sdelay $0x3  }
0x92: {  	_ =	strace s17  }
0x93: {  	s2 =	sld [smem:$0x3FFC];
	_ =	sdelay $0x3  }
0x94: {  	_ =	strace s2  }
0x95: {  	s2 =	sld [smem:$0x3FFD];
	_ =	sdelay $0x3  }
0x96: {  	_ =	strace s2  }
0x97: {  	_ =	strace $0x8FFFFFFF  }
0x98: {  	s18 =	sld [smem:$0x3FDB];
	_ =	sdelay $0x1  }
0x99: {  	s19 =	simm.s32 $_scs_section_size  }
0x9a: {  	s4 =	simm.s32 $_size__tile_overlayer_lowered;
	s5 =	simm.s32 $_tile_overlayer_lowered  }
0x9b: {  	s22 =	simm.s32 $0x1BFF;
	s21 =	sshll.u32 s5, $0x1;
	s2 =	sadd.s32 s19, s18  }
0x9c: {  	s6 =	simm.s32 $0x0;
	s20 =	sshll.u32 s4, $0x1;
	s4 =	sadd.s32 s21, s2  }
0x9d: {  	[timem:s6], [sflag:s22] =	dma.local [hbm:s4], s20  }
0x9e: {  	_ =	swait.ge [sflag:s22], s20  }
0x9f: {  	s3 =	ssub.s32 $0x0, s20;
	[sflag:s22] =	ssyncset.done $0x0  }
0xa0: {  	[sflag:s22] =	ssyncadd.s32 s3;
	_ =	sdelay $0x1  }
0xa1: {  	s23 =	simm.s32 $0x1B8B  }
0xa2: {  	_ =	swait.ge [sflag:s23], $0x1  }
0xa3: {  	[sflag:s23] =	ssyncset.done $0x0  }
0xa4: {  	s25 =	simm.s32 $0x1B8E;
	s24 =	sld [smem:$0x3FFE];
	[sflag:s23] =	ssyncadd.s32 $0xFFFFFFFF  }
0xa5: {  	s26 =	simm.s32 $execute0_lowered;
	[smem:$0x3FD2] =	sst s25  }
0xa6: {  	s4 =	sshll.u32 s26, $0x1;
	_ =	strace $0x80000046;
	[dreg:$0x1] =	wrdreg $0xFFFFFFFF  }
0xa7: {  	s28 =	simm.s32 $_size_execute0_lowered;
	s2 =	sadd.s32 s2, s4;
	[dreg:$0x0] =	wrdreg $0x0  }
0xa8: {  	s4 =	sshll.u32 s28, $0x1;
	[dreg:$0x2] =	wrdreg s2  }
0xa9: {  	[dreg:$0x3] =	wrdreg s4  }
0xaa: {  	[dreg:$0x4] =	wrdreg $0xC0  }
0xab: {  	_ =	task [dreg:s6], $0x5FFFF  }
0xac: {  	[dreg:$0x1] =	wrdreg $0xFFFFFFFF  }
0xad: {  	[dreg:$0x0] =	wrdreg $0x60  }
0xae: {  	[dreg:$0x2] =	wrdreg s24  }
0xaf: {  	[dreg:$0x3] =	wrdreg $0x9F000  }
0xb0: {  	[dreg:$0x4] =	wrdreg $0x9  }
0xb1: {  	_ =	task.clear_ibuf [dreg:s6], $0x5FFFF;
	_ =	strace $0x90000046  }
0xb2: {  	s29 =	simm.s32 $0x9;
	_ =	strace $0x80000048  }
0xb3: {  	_ =	swait.ge [sflag:s29], $0x1  }
0xb4: {  	[sflag:s29] =	ssyncadd.s32 $0xFFFFFFFF  }
0xb5: {  	_ =	strace $0x90000048  }
0xb6: {  	_ =	sfence  }
0xb7: {  	s30 =	sld [smem:$0x0];
	_ =	sdelay $0x2  }
0xb8: {  	s31 =	sshll.u32 s1, $0xD;
	s1 =	sshrl.u32 s1, $0x2  }
0xb9: {  	s3 =	sand.u32 $0x4000, s31;
	s1 =	sadd.s32 s1, s30  }
0xba: {  	s0 =	sor.u32 s3, s0;
	s1 =	sshll.u32 s1, $0x11  }
0xbb: {  	s0 =	sor.u32 s1, s0  }
0xbc: {  	s0 =	sadd.s32 $0x8F2B, s0  }
0xbd: {  	[sflag:s0] =	ssyncadd.remote.s32 $0x1  }
0xbe: {  	_ =	sfence.sel $0xFFFF  }
0xbf: {  	[dreg:$0x0] =	wrdreg $0xFFFFFFFF;
	(pc) =	sbr.abs _section_cstart, $3  }
0xc0: {  	[dreg:$0x1] =	wrdreg $0xFFFFFFFF  }
0xc1: {  	_ =	task.clear_ibuf [dreg:s6], $0x2FFFF;
	_ =	strace $0x9FFFFFFF  }
0xc2: {  	(tm) =	ssettm $0x7FFFFFFF  }
0xc3: {  	_ =	shalt  }
tec
execute0_lowered:
.L_overlay_start_1:
0x0: {  	(tag) =	ssettag $0x1  }
0x1: {  	s0 =	srdreg.scid;
	s1 =	rddreg [dreg:$0x0]  }
0x2: {  	s16 =	stileid.u32;
	s2 =	rddreg [dreg:$0x1];
	s28 =	simm.s32 $0x8B00  }
0x3: {  	s29 =	simm.s32 $0x1;
	s30 =	simm.s32 $0x3;
	s31 =	simm.s32 $0x2  }
0x4: {  	s0 =	sand.u32 $0x1, s0;
	s6 =	sshll.u32 s16, $0x7;
	s7 =	smul.u32 $0x2800, s16  }
0x5: {  	s17 =	smul.u32 $0x50000, s16;
	s8 =	sadd.s32 $0x6EC00, s1;
	s10 =	sadd.s32 $0x550C00, s1  }
0x6: {  	s24 =	smul.u32 $0x27100, s16;
	p0 =	seq.s32 s16, $0xF;
	s3 =	sshll.u32 s0, $0x4  }
0x7: {  	s6 =	sand.u32 $0x380, s6;
	s9 =	ssub.s32 $0x2, s0;
	s0 =	smul.u32 $0x271000, s0  }
0x8: {  	s4 =	sor.u32 s16, s3;
	s3 =	simm.s32 $0x0;
	s15 =	sadd.s32 s7, s1  }
0x9: {  	s11 =	sshrl.u32 s9, $0x1;
	s7 =	sshrl.u32 s17, $0x2;
	s5 =	sshrl.u32 s4, $0x3  }
0xa: {  	[smem:$0x7FF] =	sst s3;
	s9 =	ssub.s32 s9, s11;
	s7 =	sadd.s32 s7, s2  }
0xb: {  	s4 =	smul.u32 $0x27100, s4;
	s26 =	sadd.s32 s0, s8;
	s0 =	sadd.s32 s0, s10  }
0xc: {  	s5 =	smul.u32 $0x13C00, s5;
	_ =	strace $0x80000047;
	s21 =	smax.u32 s9, $0x1  }
0xd: {  	s13 =	sadd.s32 s24, s26;
	s14 =	sadd.s32 s24, s0;
	s0 =	sshll.u32 @!p0 s16, $0x6  }
0xe: {  	s17 =	sshrl.u32 @!p0 s7, $0x3;
	s24 =	simm.s32 $0x7700;
	s26 =	simm.s32 $0x7  }
0xf: {  	s20 =	sadd.s32 $0x26C00, s4;
	[dreg:$0x7] =	wrdreg s21;
	s23 =	sadd.s32 $0x26E80, s4  }
0x10: {  	s16 =	sor.u32 @!p0 $0x1C09, s0;
	s21 =	simm.s32 $0x2780;
	s0 =	simm.s32 $0x5  }
0x11: {  	s4 =	simm.s32 $0x6;
	s5 =	sor.u32 s6, s5;
	s6 =	sadd.s32 $0x20800, s15  }
0x12: {  	s22 =	sadd.s32 s8, s20;
	s25 =	sadd.s32 s8, s23;
	[dreg:$0x3] =	wrdreg s6  }
0x13: {  	s12 =	sadd.s32 s10, s23;
	s23 =	simm.s32 $0x4F00;
	[dreg:$0x8] =	wrdreg s22  }
0x14: {  	s5 =	sshrl.u32 s5, $0x3;
	s6 =	sadd.s32 $0x12C000, s2;
	[dreg:$0xa] =	wrdreg s25  }
0x15: {  	s22 =	simm.s32 $0x28;
	s5 =	sadd.s32 s5, s1;
	s1 =	sadd.s32 $0x46000, s1  }
0x16: {  	s25 =	simm.s32 $0x6300;
	[dreg:$0x4] =	wrdreg s1;
	s18 =	sadd.s32 $0xCC00, s5  }
0x17: {  	s15 =	sshrl.u32 @p0 s6, $0x3;
	s19 =	sadd.s32 $0x16A00, s5;
	[dreg:$0x5] =	wrdreg s18  }
0x18: {  	s6 =	simm.s32 $0x0;
	s1 =	sadd.s32 s10, s20;
	[dreg:$0x6] =	wrdreg s19  }
0x19: {  	s20 =	simm.s32 $0x9;
	s5 =	simm.s32 $0x8;
	[dreg:$0x9] =	wrdreg s1  }
0x1a: {  	s18 =	simm.s32 $0x80;
	s19 =	simm.s32 $0x400;
	s1 =	simm.s32 $0x4  }
.LBB2_1:
0x1b: {  	s7 =	simm.s32 @p0 $0x1FC9;
	s8 =	rddreg [dreg:$0x4]  }
0x1c: {  	[spmem:s15], [sflag:s7] =	dma.local @p0 [hbm:s8], $0x1900  }
0x1d: {  	s7 =	simm.s32 @p0 $0x9  }
0x1e: {  	_ =	swait.ge @p0 [sflag:s7], $0x1900  }
0x1f: {  	[sflag:s7] =	ssyncset.done @p0 $0x0  }
0x20: {  	[sflag:s7] =	ssyncadd.s32 @p0 $0xFFFFE700;
	s7 =	rddreg [dreg:$0x3]  }
0x21: {  	[spmem:s17], [sflag:s16] =	dma.local @!p0 [hbm:s7], $0x2800  }
0x22: {  	s7 =	simm.s32 @!p0 $0x9  }
0x23: {  	_ =	swait.ge @!p0 [sflag:s7], $0x2800  }
0x24: {  	[sflag:s7] =	ssyncset.done @!p0 $0x0  }
0x25: {  	s11 =	rddreg [dreg:$0x5];
	[sflag:s7] =	ssyncadd.s32 @!p0 $0xFFFFD800  }
0x26: {  	[tilespmem:s3], [sflag:$0x9] =	stream.strided.gather [hbm4b:s11+s18], $0x2780, s19, s18, $0x38;
	[tilespmem:$0x1DF00] =	vst v63  }
0x27: {  	_ =	swait.ge [sflag:s20], $0x2780  }
0x28: {  	[sflag:s20] =	ssyncset.done $0x0  }
0x29: {  	s8 =	rddreg [dreg:$0x6];
	[sflag:s20] =	ssyncadd.s32 $0xFFFFD880  }
0x2a: {  	[tilespmem:s21], [sflag:$0x9] =	stream.strided.gather [hbm4b:s8+s18], $0x2780, s19, s18, $0x38;
	[tilespmem:$0x1DF00] =	vst v63  }
0x2b: {  	_ =	swait.ge [sflag:s20], $0x2780  }
0x2c: {  	[sflag:s20] =	ssyncset.done $0x0  }
0x2d: {  	[sflag:s20] =	ssyncadd.s32 $0xFFFFD880  }
0x2e: {  	[bflag:$0x0] =	sbarrier.arrive $0xFFFF  }
0x2f: {  	[tilespmem:s23], [sflag:$0x1] =	stream.indirect.gather [spmem:s2], $0x80, s3, s22, $0xb8;
	[tilespmem:$0x1DF00] =	vst v63  }
0x30: {  	_ = 	snop  }
0x31: {  	[tilespmem:s24], [sflag:$0x3] =	stream.indirect.gather [spmem:s2], $0x80, s21, s22, $0xb8;
	[tilespmem:$0x1DF00] =	vst v63  }
0x32: {  	_ = 	snop  }
0x33: {  	[tilespmem:s25], [sflag:$0x2] =	stream.indirect.gather [spmem:s2], $0x80, s22, s22, $0xb8;
	[tilespmem:$0x1DF00] =	vst v63  }
0x34: {  	s9 =	simm.s32 $0x27A8  }
0x35: {  	[tilespmem:s28], [sflag:$0x4] =	stream.indirect.gather [spmem:s2], $0x80, s9, s22, $0xb8;
	[tilespmem:$0x1DF00] =	vst v63  }
0x36: {  	_ =	swait.ge [sflag:s29], $0x1400  }
0x37: {  	[sflag:s29] =	ssyncset.done $0x0  }
0x38: {  	[sflag:s29] =	ssyncadd.s32 $0xFFFFEC00  }
0x39: {  	_ =	swait.ge [sflag:s30], $0x1400  }
0x3a: {  	[sflag:s30] =	ssyncset.done $0x0  }
0x3b: {  	s10 =	sadd.s32 $0x0, s13;
	[sflag:s30] =	ssyncadd.s32 $0xFFFFEC00  }
0x3c: {  	[hbm4b:s10+s3] =	stream.linear.scatter [tilespmem:s23], [sflag:$0x5], $0x1400, $0x38;
	[tilespmem:$0x1DF00] =	vst v63  }
0x3d: {  	s11 =	sadd.s32 $0x0, s14  }
0x3e: {  	[hbm4b:s11+s3] =	stream.linear.scatter [tilespmem:s24], [sflag:$0x7], $0x1400, $0x38;
	[tilespmem:$0x1DF00] =	vst v63  }
0x3f: {  	_ =	swait.ge [sflag:s31], $0x1400  }
0x40: {  	[sflag:s31] =	ssyncset.done $0x0  }
0x41: {  	[sflag:s31] =	ssyncadd.s32 $0xFFFFEC00  }
0x42: {  	_ =	swait.ge [sflag:s1], $0x1400  }
0x43: {  	[sflag:s1] =	ssyncset.done $0x0  }
0x44: {  	s7 =	sadd.s32 $0x280, s10;
	[sflag:s1] =	ssyncadd.s32 $0xFFFFEC00  }
0x45: {  	[hbm4b:s7+s3] =	stream.linear.scatter [tilespmem:s25], [sflag:$0x6], $0x1400, $0x38;
	[tilespmem:$0x1DF00] =	vst v63  }
0x46: {  	s8 =	sadd.s32 $0x280, s11  }
0x47: {  	[hbm4b:s8+s3] =	stream.linear.scatter [tilespmem:s28], [sflag:$0x8], $0x1400, $0x38;
	[tilespmem:$0x1DF00] =	vst v63  }
0x48: {  	_ =	swait.ge [sflag:s0], $0x1400  }
0x49: {  	[sflag:s0] =	ssyncset.done $0x0  }
0x4a: {  	[sflag:s0] =	ssyncadd.s32 $0xFFFFEC00  }
0x4b: {  	_ =	swait.ge [sflag:s26], $0x1400  }
0x4c: {  	[sflag:s26] =	ssyncset.done $0x0  }
0x4d: {  	s9 =	simm.s32 $0x50;
	[sflag:s26] =	ssyncadd.s32 $0xFFFFEC00  }
0x4e: {  	[tilespmem:s23], [sflag:$0x1] =	stream.indirect.gather [spmem:s2], $0x80, s9, s22, $0xb8;
	[tilespmem:$0x1DF00] =	vst v63  }
0x4f: {  	s10 =	simm.s32 $0x27D0  }
0x50: {  	[tilespmem:s24], [sflag:$0x3] =	stream.indirect.gather [spmem:s2], $0x80, s10, s22, $0xb8;
	[tilespmem:$0x1DF00] =	vst v63  }
0x51: {  	_ =	swait.ge [sflag:s4], $0x1400  }
0x52: {  	[sflag:s4] =	ssyncset.done $0x0  }
0x53: {  	[sflag:s4] =	ssyncadd.s32 $0xFFFFEC00  }
0x54: {  	s11 =	simm.s32 $0x78;
	_ =	swait.ge [sflag:s5], $0x1400  }
0x55: {  	s7 =	simm.s32 $0x500;
	s8 =	simm.s32 $0xA0;
	[sflag:s5] =	ssyncset.done $0x0  }
0x56: {  	s9 =	simm.s32 $0x2820;
	s10 =	simm.s32 $0x27F8;
	[sflag:s5] =	ssyncadd.s32 $0xFFFFEC00  }
0x57: {  	[tilespmem:s25], [sflag:$0x2] =	stream.indirect.gather [spmem:s2], $0x80, s11, s22, $0xb8;
	[tilespmem:$0x1DF00] =	vst v63  }
.LBB2_2:
0x58: {  	[tilespmem:s28], [sflag:$0x4] =	stream.indirect.gather [spmem:s2], $0x80, s10, s22, $0xb8;
	[tilespmem:$0x1DF00] =	vst v63  }
0x59: {  	s10 =	smov.u32 s7  }
0x5a: {  	p1 =	sne.s32 s7, $0x26700;
	s7 =	sadd.s32 $0x500, s7;
	_ =	swait.ge [sflag:s29], $0x1400  }
0x5b: {  	[sflag:s29] =	ssyncset.done $0x0  }
0x5c: {  	[sflag:s29] =	ssyncadd.s32 $0xFFFFEC00  }
0x5d: {  	_ =	swait.ge [sflag:s30], $0x1400  }
0x5e: {  	[sflag:s30] =	ssyncset.done $0x0  }
0x5f: {  	s11 =	sadd.s32 s10, s13;
	[sflag:s30] =	ssyncadd.s32 $0xFFFFEC00  }
0x60: {  	[hbm4b:s11+s3] =	stream.linear.scatter [tilespmem:s23], [sflag:$0x5], $0x1400, $0x38;
	[tilespmem:$0x1DF00] =	vst v63  }
0x61: {  	s10 =	sadd.s32 s10, s14  }
0x62: {  	[hbm4b:s10+s3] =	stream.linear.scatter [tilespmem:s24], [sflag:$0x7], $0x1400, $0x38;
	[tilespmem:$0x1DF00] =	vst v63  }
0x63: {  	_ =	swait.ge [sflag:s31], $0x1400  }
0x64: {  	[sflag:s31] =	ssyncset.done $0x0  }
0x65: {  	[sflag:s31] =	ssyncadd.s32 $0xFFFFEC00  }
0x66: {  	_ =	swait.ge [sflag:s1], $0x1400  }
0x67: {  	[sflag:s1] =	ssyncset.done $0x0  }
0x68: {  	s11 =	sadd.s32 $0x280, s11;
	[sflag:s1] =	ssyncadd.s32 $0xFFFFEC00  }
0x69: {  	[hbm4b:s11+s3] =	stream.linear.scatter [tilespmem:s25], [sflag:$0x6], $0x1400, $0x38;
	[tilespmem:$0x1DF00] =	vst v63  }
0x6a: {  	s10 =	sadd.s32 $0x280, s10  }
0x6b: {  	[hbm4b:s10+s3] =	stream.linear.scatter [tilespmem:s28], [sflag:$0x8], $0x1400, $0x38;
	[tilespmem:$0x1DF00] =	vst v63  }
0x6c: {  	_ =	swait.ge [sflag:s0], $0x1400  }
0x6d: {  	[sflag:s0] =	ssyncset.done $0x0  }
0x6e: {  	[sflag:s0] =	ssyncadd.s32 $0xFFFFEC00  }
0x6f: {  	_ =	swait.ge [sflag:s26], $0x1400  }
0x70: {  	[sflag:s26] =	ssyncset.done $0x0  }
0x71: {  	[sflag:s26] =	ssyncadd.s32 $0xFFFFEC00  }
0x72: {  	[tilespmem:s23], [sflag:$0x1] =	stream.indirect.gather [spmem:s2], $0x80, s8, s22, $0xb8;
	[tilespmem:$0x1DF00] =	vst v63  }
0x73: {  	_ = 	snop  }
0x74: {  	[tilespmem:s24], [sflag:$0x3] =	stream.indirect.gather [spmem:s2], $0x80, s9, s22, $0xb8;
	[tilespmem:$0x1DF00] =	vst v63  }
0x75: {  	_ =	swait.ge [sflag:s4], $0x1400  }
0x76: {  	[sflag:s4] =	ssyncset.done $0x0  }
0x77: {  	[sflag:s4] =	ssyncadd.s32 $0xFFFFEC00  }
.Ltmp0:
0x78: {  	_ =	swait.ge [sflag:s5], $0x1400;
	(pc) =	sbr.rel @p1 .LBB2_2-.Ltmp0, $4  }
0x79: {  	[sflag:s5] =	ssyncset.done $0x0  }
0x7a: {  	s10 =	sadd.s32 $0x28, s8;
	[sflag:s5] =	ssyncadd.s32 $0xFFFFEC00  }
0x7b: {  	[tilespmem:s25], [sflag:$0x2] =	stream.indirect.gather [spmem:s2], $0x80, s10, s22, $0xb8;
	[tilespmem:$0x1DF00] =	vst v63  }
0x7c: {  	s8 =	sadd.s32 $0x50, s8;
	s10 =	sadd.s32 $0x28, s9;
	s9 =	sadd.s32 $0x50, s9  }
0x7d: {  	[tilespmem:s28], [sflag:$0x4] =	stream.indirect.gather [spmem:s2], $0x80, s10, s22, $0xb8;
	[tilespmem:$0x1DF00] =	vst v63  }
0x7e: {  	_ =	swait.ge [sflag:s29], $0x1400  }
0x7f: {  	[sflag:s29] =	ssyncset.done $0x0  }
0x80: {  	[sflag:s29] =	ssyncadd.s32 $0xFFFFEC00  }
0x81: {  	_ =	swait.ge [sflag:s30], $0x1400  }
0x82: {  	[sflag:s30] =	ssyncset.done $0x0  }
0x83: {  	s7 =	rddreg [dreg:$0x8];
	[sflag:s30] =	ssyncadd.s32 $0xFFFFEC00  }
0x84: {  	[hbm4b:s7+s3] =	stream.linear.scatter [tilespmem:s23], [sflag:$0x5], $0x1400, $0x38;
	[tilespmem:$0x1DF00] =	vst v63  }
0x85: {  	s9 =	rddreg [dreg:$0x9]  }
0x86: {  	[hbm4b:s9+s3] =	stream.linear.scatter [tilespmem:s24], [sflag:$0x7], $0x1400, $0x38;
	[tilespmem:$0x1DF00] =	vst v63  }
0x87: {  	_ =	swait.ge [sflag:s31], $0x1400  }
0x88: {  	[sflag:s31] =	ssyncset.done $0x0  }
0x89: {  	[sflag:s31] =	ssyncadd.s32 $0xFFFFEC00  }
0x8a: {  	_ =	swait.ge [sflag:s1], $0x1400  }
0x8b: {  	[sflag:s1] =	ssyncset.done $0x0  }
0x8c: {  	s10 =	rddreg [dreg:$0xa];
	[sflag:s1] =	ssyncadd.s32 $0xFFFFEC00  }
0x8d: {  	[hbm4b:s10+s3] =	stream.linear.scatter [tilespmem:s25], [sflag:$0x6], $0x1400, $0x38;
	[tilespmem:$0x1DF00] =	vst v63  }
0x8e: {  	_ = 	snop  }
0x8f: {  	[hbm4b:s12+s3] =	stream.linear.scatter [tilespmem:s28], [sflag:$0x8], $0x1400, $0x38;
	[tilespmem:$0x1DF00] =	vst v63  }
0x90: {  	_ =	swait.ge [sflag:s0], $0x1400  }
0x91: {  	[sflag:s0] =	ssyncset.done $0x0  }
0x92: {  	[sflag:s0] =	ssyncadd.s32 $0xFFFFEC00  }
0x93: {  	_ =	swait.ge [sflag:s26], $0x1400  }
0x94: {  	[sflag:s26] =	ssyncset.done $0x0  }
0x95: {  	[sflag:s26] =	ssyncadd.s32 $0xFFFFEC00  }
0x96: {  	_ =	swait.ge [sflag:s4], $0x1400  }
0x97: {  	[sflag:s4] =	ssyncset.done $0x0  }
0x98: {  	[sflag:s4] =	ssyncadd.s32 $0xFFFFEC00  }
0x99: {  	_ =	swait.ge [sflag:s5], $0x1400  }
0x9a: {  	s6 =	sadd.s32 $0x1, s6;
	s11 =	rddreg [dreg:$0x7]  }
0x9b: {  	p1 =	sne.s32 s6, s11  }
.Ltmp1:
0x9c: {  	_ = 	snop;
	(pc) =	sbr.rel @p1 .LBB2_1-.Ltmp1, $3  }
0x9d: {  	_ =	sdelay $0x1  }
0x9e: {  	[sflag:s5] =	ssyncset.done $0x0  }
0x9f: {  	[sflag:s5] =	ssyncadd.s32 $0xFFFFEC00  }
0xa0: {  	_ =	sfence.sel $0x180000  }
0xa1: {  	[bflag:$0x0] =	sbarrier.arrive $0xFFFF  }
0xa2: {  	_ =	strace $0x90000047  }
0xa3: {  	s0 =	stileid.u32;
	[bflag:$0x2] =	sbarrier.arrive $0xFFFF  }
0xa4: {  	p0 =	sne.s32 s0, $0x0;
	s0 =	rddreg [dreg:$0x2]  }
0xa5: {  	s0 =	sadd.s32 @!p0 $0x100000, s0  }
0xa6: {  	[sflag:s0] =	ssyncadd.tile.s32 @!p0 $0x1;
	_ =	shalt  }
.Lfunc_end2:
_tile_overlayer_lowered:
.L_overlay_start_2:
0xa7: {  	(tag) =	ssettag $0x2  }
0xa8: {  	s0 =	rddreg [dreg:$0x0];
	s2 =	stileid.u32  }
0xa9: {  	s1 =	rddreg [dreg:$0x1];
	p0 =	sne.s32 s2, $0x0  }
0xaa: {  	s3 =	rddreg [dreg:$0x2];
	[bflag:$0x3] =	sbarrier.arrive $0xFFFF;
	s2 =	simm.s32 @!p0 $0x1C09  }
0xab: {  	[timem:s3], [sflag:s2] =	dma.local @!p0 [hbm:s0], s1  }
0xac: {  	s0 =	simm.s32 @!p0 $0x9  }
0xad: {  	_ =	swait.ge @!p0 [sflag:s0], s1  }
0xae: {  	s1 =	ssub.s32 @!p0 $0x0, s1;
	[sflag:s0] =	ssyncset.done @!p0 $0x0  }
0xaf: {  	[sflag:s0] =	ssyncadd.s32 @!p0 s1  }
0xb0: {  	[bflag:$0x3] =	sbarrier.arrive $0xFFFF  }
0xb1: {  	_ =	shalt  }

// kernel: kernel.19.cloned.1.call-start
scs
__scs_entry_jumppad:
0x0: {  	(pc) =	sbr.rel $0x88, $3  }
0x1: {  	(tag) =	ssettag $0x0;
	lr =	simm.s32 $0x1  }
0x2: {  	[smem:$0x3F66] =	sst lr;
	_ =	strace $0xD0000000  }
0x3: {  	_ = 	snop  }
0x4: {  	_ = 	snop  }
0x5: {  	_ = 	snop  }
0x6: {  	_ = 	snop  }
0x7: {  	_ = 	snop  }
__scs_overlays_trampoline_lowered:
0x8: {  	[smem:$0x3F75] =	sst s0  }
0x9: {  	[smem:$0x3F76] =	sst s1  }
0xa: {  	[smem:$0x3F77] =	sst s2  }
0xb: {  	[smem:$0x3F78] =	sst s3  }
0xc: {  	[smem:$0x3F79] =	sst s4  }
0xd: {  	[smem:$0x3F7A] =	sst s5  }
0xe: {  	[smem:$0x3F7B] =	sst s6  }
0xf: {  	[smem:$0x3F7C] =	sst s7  }
0x10: {  	[smem:$0x3F7D] =	sst s8  }
0x11: {  	[smem:$0x3F7E] =	sst s9;
	s0 =	simm.s32 @!p0 $0x0  }
0x12: {  	s1 =	sld [smem:$0x3F64];
	s0 =	simm.s32 @p0 $0x1  }
0x13: {  	[smem:$0x3F7F] =	sst s0;
	s0 =	simm.s32 @!p1 $0x0  }
0x14: {  	s2 =	sld [smem:$0x3F63];
	s0 =	simm.s32 @p1 $0x1  }
0x15: {  	[smem:$0x3F80] =	sst s0;
	s0 =	simm.s32 @!p2 $0x0  }
0x16: {  	s3 =	sld [smem:$0x3FDB];
	s0 =	simm.s32 @p2 $0x1  }
0x17: {  	s4 =	simm.s32 $0x1BF5;
	[smem:$0x3F82] =	sst s0  }
0x18: {  	s0 =	sld [smem:$0x3F65];
	_ =	swait.ge [sflag:s4], $0x0  }
0x19: {  	s7 =	sld [smem:$0x3F66]  }
0x1a: {  	s8 =	sadd.s32 $0xFFFFE003, lr  }
0x1b: {  	s9 =	sadd.s32 $0xFFFFFEF7, lr;
	s5 =	simm.s32 $0xFFFFFFFF;
	p2 =	slt.u32 s8, $0xFFFFF086  }
0x1c: {  	p1 =	slt.u32 s9, $0xF7A;
	s5 =	simm.s32 @!p2 $0x0  }
0x1d: {  	s5 =	simm.s32 @p1 $0x1;
	p0 =	seq.s32 s7, s2  }
0x1e: {  	s7 =	smul.u32 @!p0 $0xF7A, s2;
	p2 =	seq.s32 @!p0 s5, $0x0  }
0x1f: {  	s9 =	smul.u32 $0xF7A, s1;
	s8 =	simm.s32 @!p0 $0x1BF5;
	p2 =	por !p2, p0  }
0x20: {  	[sflag:s8] =	ssyncset.s32 @!p0 $0xFFFFF086;
	s6 =	sadd.s32 @!p0 s3, s7;
	s7 =	simm.s32 @!p0 $0x108  }
0x21: {  	s3 =	sadd.s32 s3, s9;
	s6 =	sadd.s32 @!p0 $0x88, s6;
	s7 =	simm.s32 @p2 $0x1082  }
0x22: {  	[simem:s7], [sflag:s8] =	dma.local @!p0 [hbm:s6], $0xF7A  }
0x23: {  	s9 =	sor.u32 $0xD0000000, s2;
	s6 =	simm.s32 $0x108;
	_ =	swait.ge @!p0 [sflag:s8], $0x0  }
0x24: {  	s3 =	sadd.s32 $0x88, s3;
	s6 =	simm.s32 @!p1 $0x1082;
	[sflag:s4] =	ssyncset.s32 $0xFFFFF086  }
0x25: {  	[simem:s6], [sflag:s4] =	dma.local [hbm:s3], $0xF7A  }
0x26: {  	[smem:$0x3F66] =	sst s1;
	(tag) =	ssettag s2;
	_ =	strace s9  }
0x27: {  	s1 =	sld [smem:$0x3F76]  }
0x28: {  	s2 =	sld [smem:$0x3F77]  }
0x29: {  	s4 =	sld [smem:$0x3F79]  }
0x2a: {  	p0 =	seq.s32 s5, $0x0;
	s5 =	sld [smem:$0x3F7A]  }
0x2b: {  	s6 =	sld [smem:$0x3F7B]  }
0x2c: {  	s7 =	sld [smem:$0x3F7C]  }
0x2d: {  	s3 =	simm.s32 $0x108;
	s8 =	sld [smem:$0x3F7D]  }
0x2e: {  	s3 =	simm.s32 @!p0 $0x1082;
	s9 =	sld [smem:$0x3F7E]  }
0x2f: {  	lr =	sadd.s32 s0, s3;
	s0 =	sld [smem:$0x3F75]  }
0x30: {  	s3 =	sld [smem:$0x3F78]  }
0x31: {  	[smem:$0x3F81] =	sst s10  }
0x32: {  	s10 =	sld [smem:$0x3F7F];
	_ =	sdelay $0x3  }
0x33: {  	p0 =	seq.s32 s10, $0x1;
	s10 =	sld [smem:$0x3F81];
	_ =	sdelay $0x3  }
0x34: {  	[smem:$0x3F81] =	sst s10  }
0x35: {  	s10 =	sld [smem:$0x3F80];
	_ =	sdelay $0x3  }
0x36: {  	p1 =	seq.s32 s10, $0x1;
	s10 =	sld [smem:$0x3F81];
	_ =	sdelay $0x3  }
0x37: {  	[smem:$0x3F81] =	sst s10  }
0x38: {  	s10 =	sld [smem:$0x3F82]  }
0x39: {  	_ = 	snop;
	(pc) =	sbr.ind lr, $3  }
0x3a: {  	_ = 	snop  }
0x3b: {  	_ = 	snop  }
0x3c: {  	p2 =	seq.s32 s10, $0x1;
	s10 =	sld [smem:$0x3F81]  }
0x3d: {  	_ =	shalt  }
0x3e: {  	_ =	shalt  }
0x3f: {  	_ =	shalt  }
0x40: {  	_ =	shalt  }
0x41: {  	_ =	shalt  }
0x42: {  	_ =	shalt  }
0x43: {  	_ =	shalt  }
0x44: {  	_ =	shalt  }
0x45: {  	_ =	shalt  }
0x46: {  	_ =	shalt  }
0x47: {  	_ =	shalt  }
0x48: {  	_ =	shalt  }
0x49: {  	_ =	shalt  }
0x4a: {  	_ =	shalt  }
0x4b: {  	_ =	shalt  }
0x4c: {  	_ =	shalt  }
0x4d: {  	_ =	shalt  }
0x4e: {  	_ =	shalt  }
0x4f: {  	_ =	shalt  }
0x50: {  	_ =	shalt  }
0x51: {  	_ =	shalt  }
0x52: {  	_ =	shalt  }
0x53: {  	_ =	shalt  }
0x54: {  	_ =	shalt  }
0x55: {  	_ =	shalt  }
0x56: {  	_ =	shalt  }
0x57: {  	_ =	shalt  }
0x58: {  	_ =	shalt  }
0x59: {  	_ =	shalt  }
0x5a: {  	_ =	shalt  }
0x5b: {  	_ =	shalt  }
0x5c: {  	_ =	shalt  }
0x5d: {  	_ =	shalt  }
0x5e: {  	_ =	shalt  }
0x5f: {  	_ =	shalt  }
0x60: {  	_ =	shalt  }
0x61: {  	_ =	shalt  }
0x62: {  	_ =	shalt  }
0x63: {  	_ =	shalt  }
0x64: {  	_ =	shalt  }
0x65: {  	_ =	shalt  }
0x66: {  	_ =	shalt  }
0x67: {  	_ =	shalt  }
0x68: {  	_ =	shalt  }
0x69: {  	_ =	shalt  }
0x6a: {  	_ =	shalt  }
0x6b: {  	_ =	shalt  }
0x6c: {  	_ =	shalt  }
0x6d: {  	_ =	shalt  }
0x6e: {  	_ =	shalt  }
0x6f: {  	_ =	shalt  }
0x70: {  	_ =	shalt  }
0x71: {  	_ =	shalt  }
0x72: {  	_ =	shalt  }
0x73: {  	_ =	shalt  }
0x74: {  	_ =	shalt  }
0x75: {  	_ =	shalt  }
0x76: {  	_ =	shalt  }
0x77: {  	_ =	shalt  }
0x78: {  	_ =	shalt  }
0x79: {  	_ =	shalt  }
0x7a: {  	_ =	shalt  }
0x7b: {  	_ =	shalt  }
0x7c: {  	_ =	shalt  }
0x7d: {  	_ =	shalt  }
0x7e: {  	_ =	shalt  }
0x7f: {  	_ =	shalt  }
0x80: {  	_ =	shalt  }
0x81: {  	_ =	shalt  }
0x82: {  	_ =	shalt  }
0x83: {  	_ =	shalt  }
0x84: {  	_ =	shalt  }
0x85: {  	_ =	shalt  }
0x86: {  	_ =	shalt  }
0x87: {  	_ =	shalt  }
.Lfunc_end0:
.L_simem_size_0:
called_computation.1_lowered:
.L_overlay_start_0:
0x88: {  	s2 =	sld [smem:$0x3FD9]  }
0x89: {  	s3 =	sld [smem:$0x3FFE];
	_ =	sdelay $0x1  }
0x8a: {  	s1 =	srdreg.scid  }
0x8b: {  	s0 =	sand.u32 $0x1, s1  }
0x8c: {  	s16 =	sshll.u32 s0, $0xA;
	s2 =	sadd.s32 s3, s2  }
0x8d: {  	s2 =	sadd.s32 s2, s16  }
0x8e: {  	[smem:$0x3F8D] =	sst s2  }
0x8f: {  	_ = 	snop  }
0x90: {  	(tm) =	ssettm $0x1  }
0x91: {  	s17 =	sld [smem:$0x3FFB];
	_ =	sdelay $0x3  }
0x92: {  	_ =	strace s17  }
0x93: {  	s2 =	sld [smem:$0x3FFC];
	_ =	sdelay $0x3  }
0x94: {  	_ =	strace s2  }
0x95: {  	s2 =	sld [smem:$0x3FFD];
	_ =	sdelay $0x3  }
0x96: {  	_ =	strace s2  }
0x97: {  	_ =	strace $0x8FFFFFFF  }
0x98: {  	s18 =	sld [smem:$0x3FDB];
	_ =	sdelay $0x1  }
0x99: {  	s19 =	simm.s32 $_scs_section_size  }
0x9a: {  	s4 =	simm.s32 $_size__tile_overlayer_lowered;
	s5 =	simm.s32 $_tile_overlayer_lowered  }
0x9b: {  	s22 =	simm.s32 $0x1BFF;
	s21 =	sshll.u32 s5, $0x1;
	s2 =	sadd.s32 s19, s18  }
0x9c: {  	s6 =	simm.s32 $0x0;
	s20 =	sshll.u32 s4, $0x1;
	s4 =	sadd.s32 s21, s2  }
0x9d: {  	[timem:s6], [sflag:s22] =	dma.local [hbm:s4], s20  }
0x9e: {  	_ =	swait.ge [sflag:s22], s20  }
0x9f: {  	s3 =	ssub.s32 $0x0, s20;
	[sflag:s22] =	ssyncset.done $0x0  }
0xa0: {  	[sflag:s22] =	ssyncadd.s32 s3;
	_ =	sdelay $0x1  }
0xa1: {  	s23 =	simm.s32 $0x1B8B  }
0xa2: {  	_ =	swait.ge [sflag:s23], $0x1  }
0xa3: {  	[sflag:s23] =	ssyncset.done $0x0  }
0xa4: {  	s25 =	simm.s32 $0x1B8E;
	s24 =	sld [smem:$0x3FFE];
	[sflag:s23] =	ssyncadd.s32 $0xFFFFFFFF  }
0xa5: {  	s26 =	simm.s32 $execute0_lowered;
	[smem:$0x3FD2] =	sst s25  }
0xa6: {  	s4 =	sshll.u32 s26, $0x1;
	_ =	strace $0x80000049;
	[dreg:$0x1] =	wrdreg $0xFFFFFFFF  }
0xa7: {  	s28 =	simm.s32 $_size_execute0_lowered;
	s2 =	sadd.s32 s2, s4;
	[dreg:$0x0] =	wrdreg $0x0  }
0xa8: {  	s4 =	sshll.u32 s28, $0x1;
	[dreg:$0x2] =	wrdreg s2  }
0xa9: {  	[dreg:$0x3] =	wrdreg s4  }
0xaa: {  	[dreg:$0x4] =	wrdreg $0xC0  }
0xab: {  	_ =	task [dreg:s6], $0x5FFFF  }
0xac: {  	[dreg:$0x1] =	wrdreg $0xFFFFFFFF  }
0xad: {  	[dreg:$0x0] =	wrdreg $0x60  }
0xae: {  	[dreg:$0x2] =	wrdreg s24  }
0xaf: {  	[dreg:$0x3] =	wrdreg $0xB8000  }
0xb0: {  	[dreg:$0x4] =	wrdreg $0x9  }
0xb1: {  	_ =	task.clear_ibuf [dreg:s6], $0x5FFFF;
	_ =	strace $0x90000049  }
0xb2: {  	s29 =	simm.s32 $0x9;
	_ =	strace $0x8000004B  }
0xb3: {  	_ =	swait.ge [sflag:s29], $0x1  }
0xb4: {  	[sflag:s29] =	ssyncadd.s32 $0xFFFFFFFF  }
0xb5: {  	_ =	strace $0x9000004B  }
0xb6: {  	_ =	sfence  }
0xb7: {  	s30 =	sld [smem:$0x0];
	_ =	sdelay $0x2  }
0xb8: {  	s31 =	sshll.u32 s1, $0xD;
	s1 =	sshrl.u32 s1, $0x2  }
0xb9: {  	s3 =	sand.u32 $0x4000, s31;
	s1 =	sadd.s32 s1, s30  }
0xba: {  	s0 =	sor.u32 s3, s0;
	s1 =	sshll.u32 s1, $0x11  }
0xbb: {  	s0 =	sor.u32 s1, s0  }
0xbc: {  	s0 =	sadd.s32 $0x8F2B, s0  }
0xbd: {  	[sflag:s0] =	ssyncadd.remote.s32 $0x1  }
0xbe: {  	_ =	sfence.sel $0xFFFF  }
0xbf: {  	[dreg:$0x0] =	wrdreg $0xFFFFFFFF;
	(pc) =	sbr.abs _section_cstart, $3  }
0xc0: {  	[dreg:$0x1] =	wrdreg $0xFFFFFFFF  }
0xc1: {  	_ =	task.clear_ibuf [dreg:s6], $0x2FFFF;
	_ =	strace $0x9FFFFFFF  }
0xc2: {  	(tm) =	ssettm $0x7FFFFFFF  }
0xc3: {  	_ =	shalt  }
tec
execute0_lowered:
.L_overlay_start_1:
0x0: {  	(tag) =	ssettag $0x1  }
0x1: {  	s0 =	rddreg [dreg:$0x0]  }
0x2: {  	s1 =	rddreg [dreg:$0x1];
	s2 =	srdreg.scid;
	s3 =	simm.s32 $0x0  }
0x3: {  	s23 =	stileid.u32;
	s20 =	simm.s32 $0x3;
	s21 =	simm.s32 $0x4000  }
0x4: {  	s22 =	simm.s32 $0x6800;
	s24 =	simm.s32 $0x1;
	s5 =	smul.u32 $0x50000, s23  }
0x5: {  	s28 =	simm.s32 $0x2;
	s2 =	sand.u32 $0x1, s2;
	s15 =	smul.u32 $0x2800, s23  }
0x6: {  	[smem:$0x7FF] =	sst s3;
	s16 =	sadd.s32 $0xF24C00, s0;
	s29 =	smul.u32 $0x27100, s23  }
0x7: {  	p0 =	seq.s32 s23, $0xF;
	s4 =	sshll.u32 s2, $0x4;
	s19 =	smul.u32 $0x27100, s2  }
0x8: {  	_ =	strace $0x8000004A;
	s6 =	ssub.s32 $0x2, s2;
	s26 =	smul.u32 $0x138800, s2  }
0x9: {  	s2 =	smul.u32 $0x271000, s2;
	s12 =	sor.u32 s23, s4;
	s7 =	sshrl.u32 s6, $0x1  }
0xa: {  	s5 =	sshrl.u32 s5, $0x2;
	s23 =	simm.s32 $0x9000;
	s4 =	sshll.u32 s12, $0xB  }
0xb: {  	s17 =	ssub.s32 s6, s7;
	s5 =	sadd.s32 s5, s1;
	s13 =	smul.u32 $0x138800, s12  }
0xc: {  	s14 =	smul.u32 $0x27100, s12;
	s15 =	sadd.s32 s15, s19;
	s2 =	sadd.s32 s2, s16  }
0xd: {  	s4 =	sadd.s32 s4, s0;
	s0 =	sadd.s32 $0xA42C00, s0;
	s6 =	sadd.s32 $0x2800, s5  }
0xe: {  	s7 =	sadd.s32 $0x5000, s5;
	s8 =	sadd.s32 $0x7800, s5;
	s9 =	sadd.s32 $0xA000, s5  }
0xf: {  	s10 =	sadd.s32 $0xC800, s5;
	s11 =	sadd.s32 $0xF000, s5;
	s12 =	sadd.s32 $0x11800, s5  }
0x10: {  	s17 =	smax.u32 s17, $0x1;
	s31 =	sadd.s32 s29, s2;
	s4 =	sadd.s32 $0xA32C00, s4  }
0x11: {  	s18 =	sshrl.u32 s13, $0x3;
	s13 =	sadd.s32 s16, s14;
	s15 =	sadd.s32 s0, s15  }
0x12: {  	s30 =	sadd.s32 $0xF00, s31;
	[dreg:$0x3] =	wrdreg s4;
	s25 =	sadd.s32 s16, s18  }
0x13: {  	s18 =	sshrl.u32 s26, $0x3;
	s26 =	simm.s32 $0x50;
	s14 =	sadd.s32 $0x500, s25  }
0x14: {  	s25 =	sadd.s32 $0x12C000, s1;
	s0 =	sadd.s32 s0, s18;
	s18 =	sadd.s32 $0x26C00, s13  }
0x15: {  	v0 =	vimm.f32 $0.0e+00;
	s16 =	sadd.s32 $0x25800, s0;
	s25 =	sshrl.u32 @p0 s25, $0x3;
	s0 =	simm.s32 $0x0  }
.LBB2_1:
0x16: {  	s2 =	rddreg [dreg:$0x3]  }
0x17: {  	[tilespmem:s3], [sflag:$0x3] =	stream.linear.gather [hbm4b:s2+s3], $0x3E80, $0x38;
	[tilespmem:$0x1F800] =	vst v63  }
0x18: {  	_ =	swait.ge [sflag:s20], $0x3E80  }
0x19: {  	[sflag:s20] =	ssyncset.done $0x0  }
0x1a: {  	s19 =	simm.s32 $0x200;
	s2 =	simm.s32 $0x0;
	[sflag:s20] =	ssyncadd.s32 $0xFFFFC180  }
.LBB2_2:
0x1b: {  	p1 =	sne.s32 s19, $0x9E00;
	[tilespmem:s2+$0x4070] =	vst v0  }
0x1c: {  	[tilespmem:s2+$0x4000] =	vst v0  }
0x1d: {  	[tilespmem:s2+$0x4010] =	vst v0  }
.Ltmp0:
0x1e: {  	[tilespmem:s2+$0x4020] =	vst v0;
	(pc) =	sbr.rel @p1 .LBB2_2-.Ltmp0, $4  }
0x1f: {  	[tilespmem:s2+$0x4030] =	vst v0  }
0x20: {  	[tilespmem:s2+$0x4040] =	vst v0  }
0x21: {  	[tilespmem:s2+$0x4050] =	vst v0  }
0x22: {  	[tilespmem:s2+$0x4060] =	vst v0;
	s2 =	sshra.s32 s19, $0x2;
	s19 =	sadd.s32 $0x200, s19  }
0x23: {  	[tilespmem:s2+$0x4070] =	vst v0  }
0x24: {  	[tilespmem:s2+$0x4000] =	vst v0  }
0x25: {  	[tilespmem:s2+$0x4010] =	vst v0  }
0x26: {  	[tilespmem:s2+$0x4020] =	vst v0  }
0x27: {  	[tilespmem:s2+$0x4030] =	vst v0  }
0x28: {  	[tilespmem:s2+$0x4040] =	vst v0  }
0x29: {  	[tilespmem:s2+$0x4050] =	vst v0  }
0x2a: {  	[tilespmem:s2+$0x4060] =	vst v0  }
0x2b: {  	[spmem:s5] =	stream.linear.scatter [tilespmem:s21], [sflag:$0x3], $0x2800, $0x38;
	[tilespmem:$0x1F800] =	vst v63  }
0x2c: {  	_ =	swait.ge [sflag:s20], $0x2800  }
0x2d: {  	[sflag:s20] =	ssyncset.done $0x0  }
0x2e: {  	[sflag:s20] =	ssyncadd.s32 $0xFFFFD800  }
0x2f: {  	[spmem:s6] =	stream.linear.scatter [tilespmem:s21], [sflag:$0x3], $0x2800, $0x38;
	[tilespmem:$0x1F800] =	vst v63  }
0x30: {  	_ =	swait.ge [sflag:s20], $0x2800  }
0x31: {  	[sflag:s20] =	ssyncset.done $0x0  }
0x32: {  	[sflag:s20] =	ssyncadd.s32 $0xFFFFD800  }
0x33: {  	[spmem:s7] =	stream.linear.scatter [tilespmem:s21], [sflag:$0x3], $0x2800, $0x38;
	[tilespmem:$0x1F800] =	vst v63  }
0x34: {  	_ =	swait.ge [sflag:s20], $0x2800  }
0x35: {  	[sflag:s20] =	ssyncset.done $0x0  }
0x36: {  	[sflag:s20] =	ssyncadd.s32 $0xFFFFD800  }
0x37: {  	[spmem:s8] =	stream.linear.scatter [tilespmem:s21], [sflag:$0x3], $0x2800, $0x38;
	[tilespmem:$0x1F800] =	vst v63  }
0x38: {  	_ =	swait.ge [sflag:s20], $0x2800  }
0x39: {  	[sflag:s20] =	ssyncset.done $0x0  }
0x3a: {  	[sflag:s20] =	ssyncadd.s32 $0xFFFFD800  }
0x3b: {  	[spmem:s9] =	stream.linear.scatter [tilespmem:s21], [sflag:$0x3], $0x2800, $0x38;
	[tilespmem:$0x1F800] =	vst v63  }
0x3c: {  	_ =	swait.ge [sflag:s20], $0x2800  }
0x3d: {  	[sflag:s20] =	ssyncset.done $0x0  }
0x3e: {  	[sflag:s20] =	ssyncadd.s32 $0xFFFFD800  }
0x3f: {  	[spmem:s10] =	stream.linear.scatter [tilespmem:s21], [sflag:$0x3], $0x2800, $0x38;
	[tilespmem:$0x1F800] =	vst v63  }
0x40: {  	_ =	swait.ge [sflag:s20], $0x2800  }
0x41: {  	[sflag:s20] =	ssyncset.done $0x0  }
0x42: {  	[sflag:s20] =	ssyncadd.s32 $0xFFFFD800  }
0x43: {  	[spmem:s11] =	stream.linear.scatter [tilespmem:s21], [sflag:$0x3], $0x2800, $0x38;
	[tilespmem:$0x1F800] =	vst v63  }
0x44: {  	_ =	swait.ge [sflag:s20], $0x2800  }
0x45: {  	[sflag:s20] =	ssyncset.done $0x0  }
0x46: {  	[sflag:s20] =	ssyncadd.s32 $0xFFFFD800  }
0x47: {  	[spmem:s12] =	stream.linear.scatter [tilespmem:s21], [sflag:$0x3], $0x2800, $0x38;
	[tilespmem:$0x1F800] =	vst v63  }
0x48: {  	_ =	swait.ge [sflag:s20], $0x2800  }
0x49: {  	[sflag:s20] =	ssyncset.done $0x0  }
0x4a: {  	[sflag:s20] =	ssyncadd.s32 $0xFFFFD800  }
0x4b: {  	s31 =	simm.s32 $0x0;
	[bflag:$0x0] =	sbarrier.arrive $0xFFFF  }
0x4c: {  	[tilespmem:s22], [sflag:$0x1] =	stream.linear.gather [hbm4b:s13+s31], $0x2800, $0x38;
	[tilespmem:$0x1F800] =	vst v63  }
0x4d: {  	_ = 	snop  }
0x4e: {  	[tilespmem:s23], [sflag:$0x2] =	stream.linear.gather [hbm4b:s14+s31], $0x2800, $0x38;
	[tilespmem:$0x1F800] =	vst v63  }
0x4f: {  	_ =	swait.ge [sflag:s24], $0x2800  }
0x50: {  	[sflag:s24] =	ssyncset.done $0x0  }
0x51: {  	s4 =	simm.s32 $0x0;
	[sflag:s24] =	ssyncadd.s32 $0xFFFFD800  }
0x52: {  	[spmem:s1] =	stream.indirect.scatter.add.f32 [tilespmem:s22], [sflag:$0x3], $0x80, s4, s26, $0xb8;
	[tilespmem:$0x1F800] =	vst v63  }
0x53: {  	_ =	swait.ge [sflag:s20], $0x2800  }
0x54: {  	[sflag:s20] =	ssyncset.done $0x0  }
0x55: {  	s19 =	sadd.s32 $0xFFFFFB00, s30;
	[sflag:s20] =	ssyncadd.s32 $0xFFFFD800  }
0x56: {  	[tilespmem:s22], [sflag:$0x1] =	stream.linear.gather [hbm4b:s19+s3], $0x2800, $0x38;
	[tilespmem:$0x1F800] =	vst v63  }
0x57: {  	_ =	swait.ge [sflag:s28], $0x2800  }
0x58: {  	[sflag:s28] =	ssyncset.done $0x0  }
0x59: {  	s31 =	simm.s32 $0x80;
	[sflag:s28] =	ssyncadd.s32 $0xFFFFD800  }
0x5a: {  	[spmem:s1] =	stream.indirect.scatter.add.f32 [tilespmem:s23], [sflag:$0x3], $0x80, s31, s26, $0xb8;
	[tilespmem:$0x1F800] =	vst v63  }
0x5b: {  	_ =	swait.ge [sflag:s20], $0x2800  }
0x5c: {  	s2 =	simm.s32 $0x400;
	[sflag:s20] =	ssyncset.done $0x0  }
0x5d: {  	s29 =	sadd.s32 $0xA00, s30;
	s19 =	smov.u32 s30;
	[sflag:s20] =	ssyncadd.s32 $0xFFFFD800  }
.LBB2_4:
0x5e: {  	[tilespmem:s23], [sflag:$0x2] =	stream.linear.gather [hbm4b:s19+s3], $0x2800, $0x38;
	[tilespmem:$0x1F800] =	vst v63  }
0x5f: {  	s31 =	smov.u32 s2;
	s19 =	smov.u32 s29  }
0x60: {  	p1 =	sne.s32 s2, $0xF000;
	s2 =	sadd.s32 $0x400, s2;
	_ =	swait.ge [sflag:s24], $0x2800  }
0x61: {  	[sflag:s24] =	ssyncset.done $0x0  }
0x62: {  	s31 =	sshra.s32 s31, $0x2;
	[sflag:s24] =	ssyncadd.s32 $0xFFFFD800  }
0x63: {  	[spmem:s1] =	stream.indirect.scatter.add.f32 [tilespmem:s22], [sflag:$0x3], $0x80, s31, s26, $0xb8;
	[tilespmem:$0x1F800] =	vst v63  }
0x64: {  	_ =	swait.ge [sflag:s20], $0x2800  }
0x65: {  	[sflag:s20] =	ssyncset.done $0x0  }
0x66: {  	s4 =	sadd.s32 $0xFFFFFB00, s29;
	[sflag:s20] =	ssyncadd.s32 $0xFFFFD800  }
0x67: {  	[tilespmem:s22], [sflag:$0x1] =	stream.linear.gather [hbm4b:s4+s3], $0x2800, $0x38;
	[tilespmem:$0x1F800] =	vst v63  }
0x68: {  	_ =	swait.ge [sflag:s28], $0x2800  }
0x69: {  	[sflag:s28] =	ssyncset.done $0x0  }
.Ltmp1:
0x6a: {  	s4 =	sadd.s32 $0x80, s31;
	[sflag:s28] =	ssyncadd.s32 $0xFFFFD800;
	(pc) =	sbr.rel @p1 .LBB2_4-.Ltmp1, $4  }
0x6b: {  	[spmem:s1] =	stream.indirect.scatter.add.f32 [tilespmem:s23], [sflag:$0x3], $0x80, s4, s26, $0xb8;
	[tilespmem:$0x1F800] =	vst v63  }
0x6c: {  	_ =	swait.ge [sflag:s20], $0x2800  }
0x6d: {  	[sflag:s20] =	ssyncset.done $0x0  }
0x6e: {  	s29 =	sadd.s32 $0xA00, s29;
	[sflag:s20] =	ssyncadd.s32 $0xFFFFD800  }
0x6f: {  	[tilespmem:s23], [sflag:$0x2] =	stream.linear.gather [hbm4b:s19+s3], $0x2800, $0x38;
	[tilespmem:$0x1F800] =	vst v63  }
0x70: {  	_ =	swait.ge [sflag:s24], $0x2800  }
0x71: {  	[sflag:s24] =	ssyncset.done $0x0  }
0x72: {  	s2 =	simm.s32 $0x3D00;
	[sflag:s24] =	ssyncadd.s32 $0xFFFFD800  }
0x73: {  	[spmem:s1] =	stream.indirect.scatter.add.f32 [tilespmem:s22], [sflag:$0x3], $0x80, s2, s26, $0xb8;
	[tilespmem:$0x1F800] =	vst v63  }
0x74: {  	_ =	swait.ge [sflag:s20], $0x2800  }
0x75: {  	[sflag:s20] =	ssyncset.done $0x0  }
0x76: {  	[sflag:s20] =	ssyncadd.s32 $0xFFFFD800  }
0x77: {  	[tilespmem:s22], [sflag:$0x1] =	stream.linear.gather [hbm4b:s18+s3], $0x2800, $0x38;
	[tilespmem:$0x1F800] =	vst v63  }
0x78: {  	_ =	swait.ge [sflag:s28], $0x2800  }
0x79: {  	[sflag:s28] =	ssyncset.done $0x0  }
0x7a: {  	s29 =	simm.s32 $0x3D80;
	[sflag:s28] =	ssyncadd.s32 $0xFFFFD800  }
0x7b: {  	[spmem:s1] =	stream.indirect.scatter.add.f32 [tilespmem:s23], [sflag:$0x3], $0x80, s29, s26, $0xb8;
	[tilespmem:$0x1F800] =	vst v63  }
0x7c: {  	_ =	swait.ge [sflag:s20], $0x2800  }
0x7d: {  	[sflag:s20] =	ssyncset.done $0x0  }
0x7e: {  	[sflag:s20] =	ssyncadd.s32 $0xFFFFD800  }
0x7f: {  	_ =	swait.ge [sflag:s24], $0x2800  }
0x80: {  	[sflag:s24] =	ssyncset.done $0x0  }
0x81: {  	s31 =	simm.s32 $0x3E00;
	[sflag:s24] =	ssyncadd.s32 $0xFFFFD800  }
0x82: {  	[spmem:s1] =	stream.indirect.scatter.add.f32 [tilespmem:s22], [sflag:$0x3], $0x80, s31, s26, $0xb8;
	[tilespmem:$0x1F800] =	vst v63  }
0x83: {  	_ =	swait.ge [sflag:s20], $0x2800  }
0x84: {  	[sflag:s20] =	ssyncset.done $0x0  }
0x85: {  	[sflag:s20] =	ssyncadd.s32 $0xFFFFD800  }
0x86: {  	s2 =	simm.s32 @p0 $0x1FC3;
	[bflag:$0x0] =	sbarrier.arrive $0xFFFF  }
0x87: {  	[hbm:s16], [sflag:s2] =	dma.local @p0 [spmem:s25], $0x1900  }
0x88: {  	s2 =	simm.s32 @p0 $0x3  }
0x89: {  	s4 =	stileid.u32;
	s0 =	sadd.s32 $0x1, s0;
	_ =	swait.ge @p0 [sflag:s2], $0x1900  }
0x8a: {  	s4 =	sshll.u32 @!p0 s4, $0x6;
	p1 =	sne.s32 s0, s17;
	[sflag:s2] =	ssyncset.done @p0 $0x0  }
0x8b: {  	[sflag:s2] =	ssyncadd.s32 @p0 $0xFFFFE700;
	s2 =	sor.u32 @!p0 $0x1C03, s4;
	s4 =	sshrl.u32 @!p0 s5, $0x3  }
0x8c: {  	[hbm:s15], [sflag:s2] =	dma.local @!p0 [spmem:s4], $0x2800  }
.Ltmp2:
0x8d: {  	_ = 	snop;
	(pc) =	sbr.rel @p1 .LBB2_1-.Ltmp2, $4  }
0x8e: {  	s2 =	simm.s32 @!p0 $0x3  }
0x8f: {  	_ =	swait.ge @!p0 [sflag:s2], $0x2800  }
0x90: {  	[sflag:s2] =	ssyncset.done @!p0 $0x0  }
0x91: {  	[sflag:s2] =	ssyncadd.s32 @!p0 $0xFFFFD800  }
0x92: {  	_ =	sfence.sel $0x180000  }
0x93: {  	[bflag:$0x0] =	sbarrier.arrive $0xFFFF  }
0x94: {  	_ =	strace $0x9000004A  }
0x95: {  	s0 =	stileid.u32;
	[bflag:$0x2] =	sbarrier.arrive $0xFFFF  }
0x96: {  	p0 =	sne.s32 s0, $0x0;
	s0 =	rddreg [dreg:$0x2]  }
0x97: {  	s0 =	sadd.s32 @!p0 $0x100000, s0  }
0x98: {  	[sflag:s0] =	ssyncadd.tile.s32 @!p0 $0x1;
	_ =	shalt  }
.Lfunc_end2:
_tile_overlayer_lowered:
.L_overlay_start_2:
0x99: {  	(tag) =	ssettag $0x2  }
0x9a: {  	s0 =	rddreg [dreg:$0x0];
	s2 =	stileid.u32  }
0x9b: {  	s1 =	rddreg [dreg:$0x1];
	p0 =	sne.s32 s2, $0x0  }
0x9c: {  	s3 =	rddreg [dreg:$0x2];
	[bflag:$0x3] =	sbarrier.arrive $0xFFFF;
	s2 =	simm.s32 @!p0 $0x1C03  }
0x9d: {  	[timem:s3], [sflag:s2] =	dma.local @!p0 [hbm:s0], s1  }
0x9e: {  	s0 =	simm.s32 @!p0 $0x3  }
0x9f: {  	_ =	swait.ge @!p0 [sflag:s0], s1  }
0xa0: {  	s1 =	ssub.s32 @!p0 $0x0, s1;
	[sflag:s0] =	ssyncset.done @!p0 $0x0  }
0xa1: {  	[sflag:s0] =	ssyncadd.s32 @!p0 s1  }
0xa2: {  	[bflag:$0x3] =	sbarrier.arrive $0xFFFF  }
0xa3: {  	_ =	shalt  }

// kernel: kernel.22.cloned.1.call-start
scs
__scs_entry_jumppad:
0x0: {  	(pc) =	sbr.rel $0x88, $3  }
0x1: {  	(tag) =	ssettag $0x0;
	lr =	simm.s32 $0x1  }
0x2: {  	[smem:$0x3F66] =	sst lr;
	_ =	strace $0xD0000000  }
0x3: {  	_ = 	snop  }
0x4: {  	_ = 	snop  }
0x5: {  	_ = 	snop  }
0x6: {  	_ = 	snop  }
0x7: {  	_ = 	snop  }
__scs_overlays_trampoline_lowered:
0x8: {  	[smem:$0x3F75] =	sst s0  }
0x9: {  	[smem:$0x3F76] =	sst s1  }
0xa: {  	[smem:$0x3F77] =	sst s2  }
0xb: {  	[smem:$0x3F78] =	sst s3  }
0xc: {  	[smem:$0x3F79] =	sst s4  }
0xd: {  	[smem:$0x3F7A] =	sst s5  }
0xe: {  	[smem:$0x3F7B] =	sst s6  }
0xf: {  	[smem:$0x3F7C] =	sst s7  }
0x10: {  	[smem:$0x3F7D] =	sst s8  }
0x11: {  	[smem:$0x3F7E] =	sst s9;
	s0 =	simm.s32 @!p0 $0x0  }
0x12: {  	s1 =	sld [smem:$0x3F64];
	s0 =	simm.s32 @p0 $0x1  }
0x13: {  	[smem:$0x3F7F] =	sst s0;
	s0 =	simm.s32 @!p1 $0x0  }
0x14: {  	s2 =	sld [smem:$0x3F63];
	s0 =	simm.s32 @p1 $0x1  }
0x15: {  	[smem:$0x3F80] =	sst s0;
	s0 =	simm.s32 @!p2 $0x0  }
0x16: {  	s3 =	sld [smem:$0x3FDB];
	s0 =	simm.s32 @p2 $0x1  }
0x17: {  	s4 =	simm.s32 $0x1BF5;
	[smem:$0x3F82] =	sst s0  }
0x18: {  	s0 =	sld [smem:$0x3F65];
	_ =	swait.ge [sflag:s4], $0x0  }
0x19: {  	s7 =	sld [smem:$0x3F66]  }
0x1a: {  	s8 =	sadd.s32 $0xFFFFE003, lr  }
0x1b: {  	s9 =	sadd.s32 $0xFFFFFEF7, lr;
	s5 =	simm.s32 $0xFFFFFFFF;
	p2 =	slt.u32 s8, $0xFFFFF086  }
0x1c: {  	p1 =	slt.u32 s9, $0xF7A;
	s5 =	simm.s32 @!p2 $0x0  }
0x1d: {  	s5 =	simm.s32 @p1 $0x1;
	p0 =	seq.s32 s7, s2  }
0x1e: {  	s7 =	smul.u32 @!p0 $0xF7A, s2;
	p2 =	seq.s32 @!p0 s5, $0x0  }
0x1f: {  	s9 =	smul.u32 $0xF7A, s1;
	s8 =	simm.s32 @!p0 $0x1BF5;
	p2 =	por !p2, p0  }
0x20: {  	[sflag:s8] =	ssyncset.s32 @!p0 $0xFFFFF086;
	s6 =	sadd.s32 @!p0 s3, s7;
	s7 =	simm.s32 @!p0 $0x108  }
0x21: {  	s3 =	sadd.s32 s3, s9;
	s6 =	sadd.s32 @!p0 $0x88, s6;
	s7 =	simm.s32 @p2 $0x1082  }
0x22: {  	[simem:s7], [sflag:s8] =	dma.local @!p0 [hbm:s6], $0xF7A  }
0x23: {  	s9 =	sor.u32 $0xD0000000, s2;
	s6 =	simm.s32 $0x108;
	_ =	swait.ge @!p0 [sflag:s8], $0x0  }
0x24: {  	s3 =	sadd.s32 $0x88, s3;
	s6 =	simm.s32 @!p1 $0x1082;
	[sflag:s4] =	ssyncset.s32 $0xFFFFF086  }
0x25: {  	[simem:s6], [sflag:s4] =	dma.local [hbm:s3], $0xF7A  }
0x26: {  	[smem:$0x3F66] =	sst s1;
	(tag) =	ssettag s2;
	_ =	strace s9  }
0x27: {  	s1 =	sld [smem:$0x3F76]  }
0x28: {  	s2 =	sld [smem:$0x3F77]  }
0x29: {  	s4 =	sld [smem:$0x3F79]  }
0x2a: {  	p0 =	seq.s32 s5, $0x0;
	s5 =	sld [smem:$0x3F7A]  }
0x2b: {  	s6 =	sld [smem:$0x3F7B]  }
0x2c: {  	s7 =	sld [smem:$0x3F7C]  }
0x2d: {  	s3 =	simm.s32 $0x108;
	s8 =	sld [smem:$0x3F7D]  }
0x2e: {  	s3 =	simm.s32 @!p0 $0x1082;
	s9 =	sld [smem:$0x3F7E]  }
0x2f: {  	lr =	sadd.s32 s0, s3;
	s0 =	sld [smem:$0x3F75]  }
0x30: {  	s3 =	sld [smem:$0x3F78]  }
0x31: {  	[smem:$0x3F81] =	sst s10  }
0x32: {  	s10 =	sld [smem:$0x3F7F];
	_ =	sdelay $0x3  }
0x33: {  	p0 =	seq.s32 s10, $0x1;
	s10 =	sld [smem:$0x3F81];
	_ =	sdelay $0x3  }
0x34: {  	[smem:$0x3F81] =	sst s10  }
0x35: {  	s10 =	sld [smem:$0x3F80];
	_ =	sdelay $0x3  }
0x36: {  	p1 =	seq.s32 s10, $0x1;
	s10 =	sld [smem:$0x3F81];
	_ =	sdelay $0x3  }
0x37: {  	[smem:$0x3F81] =	sst s10  }
0x38: {  	s10 =	sld [smem:$0x3F82]  }
0x39: {  	_ = 	snop;
	(pc) =	sbr.ind lr, $3  }
0x3a: {  	_ = 	snop  }
0x3b: {  	_ = 	snop  }
0x3c: {  	p2 =	seq.s32 s10, $0x1;
	s10 =	sld [smem:$0x3F81]  }
0x3d: {  	_ =	shalt  }
0x3e: {  	_ =	shalt  }
0x3f: {  	_ =	shalt  }
0x40: {  	_ =	shalt  }
0x41: {  	_ =	shalt  }
0x42: {  	_ =	shalt  }
0x43: {  	_ =	shalt  }
0x44: {  	_ =	shalt  }
0x45: {  	_ =	shalt  }
0x46: {  	_ =	shalt  }
0x47: {  	_ =	shalt  }
0x48: {  	_ =	shalt  }
0x49: {  	_ =	shalt  }
0x4a: {  	_ =	shalt  }
0x4b: {  	_ =	shalt  }
0x4c: {  	_ =	shalt  }
0x4d: {  	_ =	shalt  }
0x4e: {  	_ =	shalt  }
0x4f: {  	_ =	shalt  }
0x50: {  	_ =	shalt  }
0x51: {  	_ =	shalt  }
0x52: {  	_ =	shalt  }
0x53: {  	_ =	shalt  }
0x54: {  	_ =	shalt  }
0x55: {  	_ =	shalt  }
0x56: {  	_ =	shalt  }
0x57: {  	_ =	shalt  }
0x58: {  	_ =	shalt  }
0x59: {  	_ =	shalt  }
0x5a: {  	_ =	shalt  }
0x5b: {  	_ =	shalt  }
0x5c: {  	_ =	shalt  }
0x5d: {  	_ =	shalt  }
0x5e: {  	_ =	shalt  }
0x5f: {  	_ =	shalt  }
0x60: {  	_ =	shalt  }
0x61: {  	_ =	shalt  }
0x62: {  	_ =	shalt  }
0x63: {  	_ =	shalt  }
0x64: {  	_ =	shalt  }
0x65: {  	_ =	shalt  }
0x66: {  	_ =	shalt  }
0x67: {  	_ =	shalt  }
0x68: {  	_ =	shalt  }
0x69: {  	_ =	shalt  }
0x6a: {  	_ =	shalt  }
0x6b: {  	_ =	shalt  }
0x6c: {  	_ =	shalt  }
0x6d: {  	_ =	shalt  }
0x6e: {  	_ =	shalt  }
0x6f: {  	_ =	shalt  }
0x70: {  	_ =	shalt  }
0x71: {  	_ =	shalt  }
0x72: {  	_ =	shalt  }
0x73: {  	_ =	shalt  }
0x74: {  	_ =	shalt  }
0x75: {  	_ =	shalt  }
0x76: {  	_ =	shalt  }
0x77: {  	_ =	shalt  }
0x78: {  	_ =	shalt  }
0x79: {  	_ =	shalt  }
0x7a: {  	_ =	shalt  }
0x7b: {  	_ =	shalt  }
0x7c: {  	_ =	shalt  }
0x7d: {  	_ =	shalt  }
0x7e: {  	_ =	shalt  }
0x7f: {  	_ =	shalt  }
0x80: {  	_ =	shalt  }
0x81: {  	_ =	shalt  }
0x82: {  	_ =	shalt  }
0x83: {  	_ =	shalt  }
0x84: {  	_ =	shalt  }
0x85: {  	_ =	shalt  }
0x86: {  	_ =	shalt  }
0x87: {  	_ =	shalt  }
.Lfunc_end0:
.L_simem_size_0:
called_computation.2_lowered:
.L_overlay_start_0:
0x88: {  	s2 =	sld [smem:$0x3FD9]  }
0x89: {  	s3 =	sld [smem:$0x3FFE];
	_ =	sdelay $0x1  }
0x8a: {  	s1 =	srdreg.scid  }
0x8b: {  	s0 =	sand.u32 $0x1, s1  }
0x8c: {  	s16 =	sshll.u32 s0, $0xA;
	s2 =	sadd.s32 s3, s2  }
0x8d: {  	s2 =	sadd.s32 s2, s16  }
0x8e: {  	[smem:$0x3F8D] =	sst s2  }
0x8f: {  	_ = 	snop  }
0x90: {  	(tm) =	ssettm $0x1  }
0x91: {  	s17 =	sld [smem:$0x3FFB];
	_ =	sdelay $0x3  }
0x92: {  	_ =	strace s17  }
0x93: {  	s2 =	sld [smem:$0x3FFC];
	_ =	sdelay $0x3  }
0x94: {  	_ =	strace s2  }
0x95: {  	s2 =	sld [smem:$0x3FFD];
	_ =	sdelay $0x3  }
0x96: {  	_ =	strace s2  }
0x97: {  	_ =	strace $0x8FFFFFFF  }
0x98: {  	s18 =	sld [smem:$0x3FDB];
	_ =	sdelay $0x1  }
0x99: {  	s19 =	simm.s32 $_scs_section_size  }
0x9a: {  	s4 =	simm.s32 $_size__tile_overlayer_lowered;
	s5 =	simm.s32 $_tile_overlayer_lowered  }
0x9b: {  	s22 =	simm.s32 $0x1BFF;
	s21 =	sshll.u32 s5, $0x1;
	s2 =	sadd.s32 s19, s18  }
0x9c: {  	s6 =	simm.s32 $0x0;
	s20 =	sshll.u32 s4, $0x1;
	s4 =	sadd.s32 s21, s2  }
0x9d: {  	[timem:s6], [sflag:s22] =	dma.local [hbm:s4], s20  }
0x9e: {  	_ =	swait.ge [sflag:s22], s20  }
0x9f: {  	s3 =	ssub.s32 $0x0, s20;
	[sflag:s22] =	ssyncset.done $0x0  }
0xa0: {  	[sflag:s22] =	ssyncadd.s32 s3;
	_ =	sdelay $0x1  }
0xa1: {  	s23 =	simm.s32 $0x1B8B  }
0xa2: {  	_ =	swait.ge [sflag:s23], $0x1  }
0xa3: {  	[sflag:s23] =	ssyncset.done $0x0  }
0xa4: {  	s25 =	simm.s32 $0x1B8E;
	s24 =	sld [smem:$0x3FFE];
	[sflag:s23] =	ssyncadd.s32 $0xFFFFFFFF  }
0xa5: {  	s26 =	simm.s32 $execute0_lowered;
	[smem:$0x3FD2] =	sst s25  }
0xa6: {  	s4 =	sshll.u32 s26, $0x1;
	_ =	strace $0x8000004C;
	[dreg:$0x1] =	wrdreg $0xFFFFFFFF  }
0xa7: {  	s28 =	simm.s32 $_size_execute0_lowered;
	s2 =	sadd.s32 s2, s4;
	[dreg:$0x0] =	wrdreg $0x0  }
0xa8: {  	s4 =	sshll.u32 s28, $0x1;
	[dreg:$0x2] =	wrdreg s2  }
0xa9: {  	[dreg:$0x3] =	wrdreg s4  }
0xaa: {  	[dreg:$0x4] =	wrdreg $0xC0  }
0xab: {  	_ =	task [dreg:s6], $0x5FFFF  }
0xac: {  	[dreg:$0x1] =	wrdreg $0xFFFFFFFF  }
0xad: {  	[dreg:$0x0] =	wrdreg $0x60  }
0xae: {  	[dreg:$0x2] =	wrdreg s24  }
0xaf: {  	[dreg:$0x3] =	wrdreg $0x9F000  }
0xb0: {  	[dreg:$0x4] =	wrdreg $0x9  }
0xb1: {  	_ =	task.clear_ibuf [dreg:s6], $0x5FFFF;
	_ =	strace $0x9000004C  }
0xb2: {  	s29 =	simm.s32 $0x9;
	_ =	strace $0x8000004E  }
0xb3: {  	_ =	swait.ge [sflag:s29], $0x1  }
0xb4: {  	[sflag:s29] =	ssyncadd.s32 $0xFFFFFFFF  }
0xb5: {  	_ =	strace $0x9000004E  }
0xb6: {  	_ =	sfence  }
0xb7: {  	s30 =	sld [smem:$0x0];
	_ =	sdelay $0x2  }
0xb8: {  	s31 =	sshll.u32 s1, $0xD;
	s1 =	sshrl.u32 s1, $0x2  }
0xb9: {  	s3 =	sand.u32 $0x4000, s31;
	s1 =	sadd.s32 s1, s30  }
0xba: {  	s0 =	sor.u32 s3, s0;
	s1 =	sshll.u32 s1, $0x11  }
0xbb: {  	s0 =	sor.u32 s1, s0  }
0xbc: {  	s0 =	sadd.s32 $0x8F2B, s0  }
0xbd: {  	[sflag:s0] =	ssyncadd.remote.s32 $0x1  }
0xbe: {  	_ =	sfence.sel $0xFFFF  }
0xbf: {  	[dreg:$0x0] =	wrdreg $0xFFFFFFFF;
	(pc) =	sbr.abs _section_cstart, $3  }
0xc0: {  	[dreg:$0x1] =	wrdreg $0xFFFFFFFF  }
0xc1: {  	_ =	task.clear_ibuf [dreg:s6], $0x2FFFF;
	_ =	strace $0x9FFFFFFF  }
0xc2: {  	(tm) =	ssettm $0x7FFFFFFF  }
0xc3: {  	_ =	shalt  }
tec
execute0_lowered:
.L_overlay_start_1:
0x0: {  	(tag) =	ssettag $0x1  }
0x1: {  	s0 =	srdreg.scid;
	s1 =	rddreg [dreg:$0x0]  }
0x2: {  	s11 =	stileid.u32;
	s2 =	rddreg [dreg:$0x1];
	s28 =	simm.s32 $0x8B00  }
0x3: {  	s29 =	simm.s32 $0x1;
	s30 =	simm.s32 $0x3;
	s31 =	simm.s32 $0x2  }
0x4: {  	s0 =	sand.u32 $0x1, s0;
	s6 =	sshll.u32 s11, $0x7;
	s7 =	smul.u32 $0x2800, s11  }
0x5: {  	s9 =	smul.u32 $0x50000, s11;
	s10 =	sadd.s32 $0x20800, s1;
	s14 =	sadd.s32 $0x502800, s1  }
0x6: {  	s24 =	smul.u32 $0x27100, s11;
	p0 =	seq.s32 s11, $0xF;
	s3 =	sshll.u32 s0, $0x4  }
0x7: {  	s6 =	sand.u32 $0x380, s6;
	s16 =	ssub.s32 $0x2, s0;
	s0 =	smul.u32 $0x271000, s0  }
0x8: {  	s4 =	sor.u32 s11, s3;
	s3 =	simm.s32 $0x0;
	s15 =	sadd.s32 s7, s1  }
0x9: {  	s8 =	sshrl.u32 s16, $0x1;
	s17 =	sshrl.u32 s9, $0x2;
	s5 =	sshrl.u32 s4, $0x3  }
0xa: {  	[smem:$0x7FF] =	sst s3;
	s7 =	ssub.s32 s16, s8;
	s4 =	smul.u32 $0x27100, s4  }
0xb: {  	s8 =	sadd.s32 $0x12C000, s2;
	s26 =	sadd.s32 s0, s10;
	s0 =	sadd.s32 s0, s14  }
0xc: {  	s5 =	smul.u32 $0x13C00, s5;
	_ =	strace $0x8000004D;
	s21 =	smax.u32 s7, $0x1  }
0xd: {  	s13 =	sadd.s32 s24, s26;
	s26 =	simm.s32 $0x7;
	s20 =	sadd.s32 $0x26C00, s4  }
0xe: {  	[dreg:$0x7] =	wrdreg s21;
	s23 =	sadd.s32 $0x26E80, s4;
	s21 =	simm.s32 $0x2780  }
0xf: {  	s4 =	simm.s32 $0x6;
	s5 =	sor.u32 s6, s5;
	s6 =	sadd.s32 $0xA42C00, s15  }
0x10: {  	s22 =	sadd.s32 s10, s20;
	s25 =	sadd.s32 s10, s23;
	s12 =	sadd.s32 s14, s23  }
0x11: {  	s15 =	sshrl.u32 @p0 s8, $0x3;
	s23 =	simm.s32 $0x4F00;
	[dreg:$0x3] =	wrdreg s6  }
0x12: {  	s5 =	sshrl.u32 s5, $0x3;
	s6 =	sadd.s32 s17, s2;
	[dreg:$0x8] =	wrdreg s22  }
0x13: {  	[dreg:$0xa] =	wrdreg s25;
	s22 =	simm.s32 $0x28;
	s25 =	simm.s32 $0x6300  }
0x14: {  	s5 =	sadd.s32 s5, s1;
	s1 =	sadd.s32 $0xA68400, s1;
	s17 =	sshrl.u32 @!p0 s6, $0x3  }
0x15: {  	s6 =	simm.s32 $0x0;
	[dreg:$0x4] =	wrdreg s1;
	s18 =	sadd.s32 $0xCC00, s5  }
0x16: {  	s19 =	sadd.s32 $0x16A00, s5;
	s1 =	sadd.s32 s14, s20;
	s14 =	sadd.s32 s24, s0  }
0x17: {  	s0 =	sshll.u32 @!p0 s11, $0x6;
	s20 =	simm.s32 $0x9;
	[dreg:$0x5] =	wrdreg s18  }
0x18: {  	s24 =	simm.s32 $0x7700;
	s5 =	simm.s32 $0x8;
	[dreg:$0x6] =	wrdreg s19  }
0x19: {  	[dreg:$0x9] =	wrdreg s1;
	s16 =	sor.u32 @!p0 $0x1C09, s0;
	s18 =	simm.s32 $0x80  }
0x1a: {  	s19 =	simm.s32 $0x400;
	s1 =	simm.s32 $0x4;
	s0 =	simm.s32 $0x5  }
.LBB2_1:
0x1b: {  	s7 =	simm.s32 @p0 $0x1FC9;
	s8 =	rddreg [dreg:$0x4]  }
0x1c: {  	[spmem:s15], [sflag:s7] =	dma.local @p0 [hbm:s8], $0x1900  }
0x1d: {  	s7 =	simm.s32 @p0 $0x9  }
0x1e: {  	_ =	swait.ge @p0 [sflag:s7], $0x1900  }
0x1f: {  	[sflag:s7] =	ssyncset.done @p0 $0x0  }
0x20: {  	[sflag:s7] =	ssyncadd.s32 @p0 $0xFFFFE700;
	s7 =	rddreg [dreg:$0x3]  }
0x21: {  	[spmem:s17], [sflag:s16] =	dma.local @!p0 [hbm:s7], $0x2800  }
0x22: {  	s7 =	simm.s32 @!p0 $0x9  }
0x23: {  	_ =	swait.ge @!p0 [sflag:s7], $0x2800  }
0x24: {  	[sflag:s7] =	ssyncset.done @!p0 $0x0  }
0x25: {  	s11 =	rddreg [dreg:$0x5];
	[sflag:s7] =	ssyncadd.s32 @!p0 $0xFFFFD800  }
0x26: {  	[tilespmem:s3], [sflag:$0x9] =	stream.strided.gather [hbm4b:s11+s18], $0x2780, s19, s18, $0x38;
	[tilespmem:$0x1DF00] =	vst v63  }
0x27: {  	_ =	swait.ge [sflag:s20], $0x2780  }
0x28: {  	[sflag:s20] =	ssyncset.done $0x0  }
0x29: {  	s8 =	rddreg [dreg:$0x6];
	[sflag:s20] =	ssyncadd.s32 $0xFFFFD880  }
0x2a: {  	[tilespmem:s21], [sflag:$0x9] =	stream.strided.gather [hbm4b:s8+s18], $0x2780, s19, s18, $0x38;
	[tilespmem:$0x1DF00] =	vst v63  }
0x2b: {  	_ =	swait.ge [sflag:s20], $0x2780  }
0x2c: {  	[sflag:s20] =	ssyncset.done $0x0  }
0x2d: {  	[sflag:s20] =	ssyncadd.s32 $0xFFFFD880  }
0x2e: {  	[bflag:$0x0] =	sbarrier.arrive $0xFFFF  }
0x2f: {  	[tilespmem:s23], [sflag:$0x1] =	stream.indirect.gather [spmem:s2], $0x80, s3, s22, $0xb8;
	[tilespmem:$0x1DF00] =	vst v63  }
0x30: {  	_ = 	snop  }
0x31: {  	[tilespmem:s24], [sflag:$0x3] =	stream.indirect.gather [spmem:s2], $0x80, s21, s22, $0xb8;
	[tilespmem:$0x1DF00] =	vst v63  }
0x32: {  	_ = 	snop  }
0x33: {  	[tilespmem:s25], [sflag:$0x2] =	stream.indirect.gather [spmem:s2], $0x80, s22, s22, $0xb8;
	[tilespmem:$0x1DF00] =	vst v63  }
0x34: {  	s9 =	simm.s32 $0x27A8  }
0x35: {  	[tilespmem:s28], [sflag:$0x4] =	stream.indirect.gather [spmem:s2], $0x80, s9, s22, $0xb8;
	[tilespmem:$0x1DF00] =	vst v63  }
0x36: {  	_ =	swait.ge [sflag:s29], $0x1400  }
0x37: {  	[sflag:s29] =	ssyncset.done $0x0  }
0x38: {  	[sflag:s29] =	ssyncadd.s32 $0xFFFFEC00  }
0x39: {  	_ =	swait.ge [sflag:s30], $0x1400  }
0x3a: {  	[sflag:s30] =	ssyncset.done $0x0  }
0x3b: {  	s10 =	sadd.s32 $0x0, s13;
	[sflag:s30] =	ssyncadd.s32 $0xFFFFEC00  }
0x3c: {  	[hbm4b:s10+s3] =	stream.linear.scatter [tilespmem:s23], [sflag:$0x5], $0x1400, $0x38;
	[tilespmem:$0x1DF00] =	vst v63  }
0x3d: {  	s11 =	sadd.s32 $0x0, s14  }
0x3e: {  	[hbm4b:s11+s3] =	stream.linear.scatter [tilespmem:s24], [sflag:$0x7], $0x1400, $0x38;
	[tilespmem:$0x1DF00] =	vst v63  }
0x3f: {  	_ =	swait.ge [sflag:s31], $0x1400  }
0x40: {  	[sflag:s31] =	ssyncset.done $0x0  }
0x41: {  	[sflag:s31] =	ssyncadd.s32 $0xFFFFEC00  }
0x42: {  	_ =	swait.ge [sflag:s1], $0x1400  }
0x43: {  	[sflag:s1] =	ssyncset.done $0x0  }
0x44: {  	s7 =	sadd.s32 $0x280, s10;
	[sflag:s1] =	ssyncadd.s32 $0xFFFFEC00  }
0x45: {  	[hbm4b:s7+s3] =	stream.linear.scatter [tilespmem:s25], [sflag:$0x6], $0x1400, $0x38;
	[tilespmem:$0x1DF00] =	vst v63  }
0x46: {  	s8 =	sadd.s32 $0x280, s11  }
0x47: {  	[hbm4b:s8+s3] =	stream.linear.scatter [tilespmem:s28], [sflag:$0x8], $0x1400, $0x38;
	[tilespmem:$0x1DF00] =	vst v63  }
0x48: {  	_ =	swait.ge [sflag:s0], $0x1400  }
0x49: {  	[sflag:s0] =	ssyncset.done $0x0  }
0x4a: {  	[sflag:s0] =	ssyncadd.s32 $0xFFFFEC00  }
0x4b: {  	_ =	swait.ge [sflag:s26], $0x1400  }
0x4c: {  	[sflag:s26] =	ssyncset.done $0x0  }
0x4d: {  	s9 =	simm.s32 $0x50;
	[sflag:s26] =	ssyncadd.s32 $0xFFFFEC00  }
0x4e: {  	[tilespmem:s23], [sflag:$0x1] =	stream.indirect.gather [spmem:s2], $0x80, s9, s22, $0xb8;
	[tilespmem:$0x1DF00] =	vst v63  }
0x4f: {  	s10 =	simm.s32 $0x27D0  }
0x50: {  	[tilespmem:s24], [sflag:$0x3] =	stream.indirect.gather [spmem:s2], $0x80, s10, s22, $0xb8;
	[tilespmem:$0x1DF00] =	vst v63  }
0x51: {  	_ =	swait.ge [sflag:s4], $0x1400  }
0x52: {  	[sflag:s4] =	ssyncset.done $0x0  }
0x53: {  	[sflag:s4] =	ssyncadd.s32 $0xFFFFEC00  }
0x54: {  	s11 =	simm.s32 $0x78;
	_ =	swait.ge [sflag:s5], $0x1400  }
0x55: {  	s7 =	simm.s32 $0x500;
	s8 =	simm.s32 $0xA0;
	[sflag:s5] =	ssyncset.done $0x0  }
0x56: {  	s9 =	simm.s32 $0x2820;
	s10 =	simm.s32 $0x27F8;
	[sflag:s5] =	ssyncadd.s32 $0xFFFFEC00  }
0x57: {  	[tilespmem:s25], [sflag:$0x2] =	stream.indirect.gather [spmem:s2], $0x80, s11, s22, $0xb8;
	[tilespmem:$0x1DF00] =	vst v63  }
.LBB2_2:
0x58: {  	[tilespmem:s28], [sflag:$0x4] =	stream.indirect.gather [spmem:s2], $0x80, s10, s22, $0xb8;
	[tilespmem:$0x1DF00] =	vst v63  }
0x59: {  	s10 =	smov.u32 s7  }
0x5a: {  	p1 =	sne.s32 s7, $0x26700;
	s7 =	sadd.s32 $0x500, s7;
	_ =	swait.ge [sflag:s29], $0x1400  }
0x5b: {  	[sflag:s29] =	ssyncset.done $0x0  }
0x5c: {  	[sflag:s29] =	ssyncadd.s32 $0xFFFFEC00  }
0x5d: {  	_ =	swait.ge [sflag:s30], $0x1400  }
0x5e: {  	[sflag:s30] =	ssyncset.done $0x0  }
0x5f: {  	s11 =	sadd.s32 s10, s13;
	[sflag:s30] =	ssyncadd.s32 $0xFFFFEC00  }
0x60: {  	[hbm4b:s11+s3] =	stream.linear.scatter [tilespmem:s23], [sflag:$0x5], $0x1400, $0x38;
	[tilespmem:$0x1DF00] =	vst v63  }
0x61: {  	s10 =	sadd.s32 s10, s14  }
0x62: {  	[hbm4b:s10+s3] =	stream.linear.scatter [tilespmem:s24], [sflag:$0x7], $0x1400, $0x38;
	[tilespmem:$0x1DF00] =	vst v63  }
0x63: {  	_ =	swait.ge [sflag:s31], $0x1400  }
0x64: {  	[sflag:s31] =	ssyncset.done $0x0  }
0x65: {  	[sflag:s31] =	ssyncadd.s32 $0xFFFFEC00  }
0x66: {  	_ =	swait.ge [sflag:s1], $0x1400  }
0x67: {  	[sflag:s1] =	ssyncset.done $0x0  }
0x68: {  	s11 =	sadd.s32 $0x280, s11;
	[sflag:s1] =	ssyncadd.s32 $0xFFFFEC00  }
0x69: {  	[hbm4b:s11+s3] =	stream.linear.scatter [tilespmem:s25], [sflag:$0x6], $0x1400, $0x38;
	[tilespmem:$0x1DF00] =	vst v63  }
0x6a: {  	s10 =	sadd.s32 $0x280, s10  }
0x6b: {  	[hbm4b:s10+s3] =	stream.linear.scatter [tilespmem:s28], [sflag:$0x8], $0x1400, $0x38;
	[tilespmem:$0x1DF00] =	vst v63  }
0x6c: {  	_ =	swait.ge [sflag:s0], $0x1400  }
0x6d: {  	[sflag:s0] =	ssyncset.done $0x0  }
0x6e: {  	[sflag:s0] =	ssyncadd.s32 $0xFFFFEC00  }
0x6f: {  	_ =	swait.ge [sflag:s26], $0x1400  }
0x70: {  	[sflag:s26] =	ssyncset.done $0x0  }
0x71: {  	[sflag:s26] =	ssyncadd.s32 $0xFFFFEC00  }
0x72: {  	[tilespmem:s23], [sflag:$0x1] =	stream.indirect.gather [spmem:s2], $0x80, s8, s22, $0xb8;
	[tilespmem:$0x1DF00] =	vst v63  }
0x73: {  	_ = 	snop  }
0x74: {  	[tilespmem:s24], [sflag:$0x3] =	stream.indirect.gather [spmem:s2], $0x80, s9, s22, $0xb8;
	[tilespmem:$0x1DF00] =	vst v63  }
0x75: {  	_ =	swait.ge [sflag:s4], $0x1400  }
0x76: {  	[sflag:s4] =	ssyncset.done $0x0  }
0x77: {  	[sflag:s4] =	ssyncadd.s32 $0xFFFFEC00  }
.Ltmp0:
0x78: {  	_ =	swait.ge [sflag:s5], $0x1400;
	(pc) =	sbr.rel @p1 .LBB2_2-.Ltmp0, $4  }
0x79: {  	[sflag:s5] =	ssyncset.done $0x0  }
0x7a: {  	s10 =	sadd.s32 $0x28, s8;
	[sflag:s5] =	ssyncadd.s32 $0xFFFFEC00  }
0x7b: {  	[tilespmem:s25], [sflag:$0x2] =	stream.indirect.gather [spmem:s2], $0x80, s10, s22, $0xb8;
	[tilespmem:$0x1DF00] =	vst v63  }
0x7c: {  	s8 =	sadd.s32 $0x50, s8;
	s10 =	sadd.s32 $0x28, s9;
	s9 =	sadd.s32 $0x50, s9  }
0x7d: {  	[tilespmem:s28], [sflag:$0x4] =	stream.indirect.gather [spmem:s2], $0x80, s10, s22, $0xb8;
	[tilespmem:$0x1DF00] =	vst v63  }
0x7e: {  	_ =	swait.ge [sflag:s29], $0x1400  }
0x7f: {  	[sflag:s29] =	ssyncset.done $0x0  }
0x80: {  	[sflag:s29] =	ssyncadd.s32 $0xFFFFEC00  }
0x81: {  	_ =	swait.ge [sflag:s30], $0x1400  }
0x82: {  	[sflag:s30] =	ssyncset.done $0x0  }
0x83: {  	s7 =	rddreg [dreg:$0x8];
	[sflag:s30] =	ssyncadd.s32 $0xFFFFEC00  }
0x84: {  	[hbm4b:s7+s3] =	stream.linear.scatter [tilespmem:s23], [sflag:$0x5], $0x1400, $0x38;
	[tilespmem:$0x1DF00] =	vst v63  }
0x85: {  	s9 =	rddreg [dreg:$0x9]  }
0x86: {  	[hbm4b:s9+s3] =	stream.linear.scatter [tilespmem:s24], [sflag:$0x7], $0x1400, $0x38;
	[tilespmem:$0x1DF00] =	vst v63  }
0x87: {  	_ =	swait.ge [sflag:s31], $0x1400  }
0x88: {  	[sflag:s31] =	ssyncset.done $0x0  }
0x89: {  	[sflag:s31] =	ssyncadd.s32 $0xFFFFEC00  }
0x8a: {  	_ =	swait.ge [sflag:s1], $0x1400  }
0x8b: {  	[sflag:s1] =	ssyncset.done $0x0  }
0x8c: {  	s10 =	rddreg [dreg:$0xa];
	[sflag:s1] =	ssyncadd.s32 $0xFFFFEC00  }
0x8d: {  	[hbm4b:s10+s3] =	stream.linear.scatter [tilespmem:s25], [sflag:$0x6], $0x1400, $0x38;
	[tilespmem:$0x1DF00] =	vst v63  }
0x8e: {  	_ = 	snop  }
0x8f: {  	[hbm4b:s12+s3] =	stream.linear.scatter [tilespmem:s28], [sflag:$0x8], $0x1400, $0x38;
	[tilespmem:$0x1DF00] =	vst v63  }
0x90: {  	_ =	swait.ge [sflag:s0], $0x1400  }
0x91: {  	[sflag:s0] =	ssyncset.done $0x0  }
0x92: {  	[sflag:s0] =	ssyncadd.s32 $0xFFFFEC00  }
0x93: {  	_ =	swait.ge [sflag:s26], $0x1400  }
0x94: {  	[sflag:s26] =	ssyncset.done $0x0  }
0x95: {  	[sflag:s26] =	ssyncadd.s32 $0xFFFFEC00  }
0x96: {  	_ =	swait.ge [sflag:s4], $0x1400  }
0x97: {  	[sflag:s4] =	ssyncset.done $0x0  }
0x98: {  	[sflag:s4] =	ssyncadd.s32 $0xFFFFEC00  }
0x99: {  	_ =	swait.ge [sflag:s5], $0x1400  }
0x9a: {  	s6 =	sadd.s32 $0x1, s6;
	s11 =	rddreg [dreg:$0x7]  }
0x9b: {  	p1 =	sne.s32 s6, s11  }
.Ltmp1:
0x9c: {  	_ = 	snop;
	(pc) =	sbr.rel @p1 .LBB2_1-.Ltmp1, $3  }
0x9d: {  	_ =	sdelay $0x1  }
0x9e: {  	[sflag:s5] =	ssyncset.done $0x0  }
0x9f: {  	[sflag:s5] =	ssyncadd.s32 $0xFFFFEC00  }
0xa0: {  	_ =	sfence.sel $0x180000  }
0xa1: {  	[bflag:$0x0] =	sbarrier.arrive $0xFFFF  }
0xa2: {  	_ =	strace $0x9000004D  }
0xa3: {  	s0 =	stileid.u32;
	[bflag:$0x2] =	sbarrier.arrive $0xFFFF  }
0xa4: {  	p0 =	sne.s32 s0, $0x0;
	s0 =	rddreg [dreg:$0x2]  }
0xa5: {  	s0 =	sadd.s32 @!p0 $0x100000, s0  }
0xa6: {  	[sflag:s0] =	ssyncadd.tile.s32 @!p0 $0x1;
	_ =	shalt  }
.Lfunc_end2:
_tile_overlayer_lowered:
.L_overlay_start_2:
0xa7: {  	(tag) =	ssettag $0x2  }
0xa8: {  	s0 =	rddreg [dreg:$0x0];
	s2 =	stileid.u32  }
0xa9: {  	s1 =	rddreg [dreg:$0x1];
	p0 =	sne.s32 s2, $0x0  }
0xaa: {  	s3 =	rddreg [dreg:$0x2];
	[bflag:$0x3] =	sbarrier.arrive $0xFFFF;
	s2 =	simm.s32 @!p0 $0x1C09  }
0xab: {  	[timem:s3], [sflag:s2] =	dma.local @!p0 [hbm:s0], s1  }
0xac: {  	s0 =	simm.s32 @!p0 $0x9  }
0xad: {  	_ =	swait.ge @!p0 [sflag:s0], s1  }
0xae: {  	s1 =	ssub.s32 @!p0 $0x0, s1;
	[sflag:s0] =	ssyncset.done @!p0 $0x0  }
0xaf: {  	[sflag:s0] =	ssyncadd.s32 @!p0 s1  }
0xb0: {  	[bflag:$0x3] =	sbarrier.arrive $0xFFFF  }
0xb1: {  	_ =	shalt  }

// kernel: kernel.25.cloned.1.call-start
scs
__scs_entry_jumppad:
0x0: {  	(pc) =	sbr.rel $0x88, $3  }
0x1: {  	(tag) =	ssettag $0x0;
	lr =	simm.s32 $0x1  }
0x2: {  	[smem:$0x3F66] =	sst lr;
	_ =	strace $0xD0000000  }
0x3: {  	_ = 	snop  }
0x4: {  	_ = 	snop  }
0x5: {  	_ = 	snop  }
0x6: {  	_ = 	snop  }
0x7: {  	_ = 	snop  }
__scs_overlays_trampoline_lowered:
0x8: {  	[smem:$0x3F75] =	sst s0  }
0x9: {  	[smem:$0x3F76] =	sst s1  }
0xa: {  	[smem:$0x3F77] =	sst s2  }
0xb: {  	[smem:$0x3F78] =	sst s3  }
0xc: {  	[smem:$0x3F79] =	sst s4  }
0xd: {  	[smem:$0x3F7A] =	sst s5  }
0xe: {  	[smem:$0x3F7B] =	sst s6  }
0xf: {  	[smem:$0x3F7C] =	sst s7  }
0x10: {  	[smem:$0x3F7D] =	sst s8  }
0x11: {  	[smem:$0x3F7E] =	sst s9;
	s0 =	simm.s32 @!p0 $0x0  }
0x12: {  	s1 =	sld [smem:$0x3F64];
	s0 =	simm.s32 @p0 $0x1  }
0x13: {  	[smem:$0x3F7F] =	sst s0;
	s0 =	simm.s32 @!p1 $0x0  }
0x14: {  	s2 =	sld [smem:$0x3F63];
	s0 =	simm.s32 @p1 $0x1  }
0x15: {  	[smem:$0x3F80] =	sst s0;
	s0 =	simm.s32 @!p2 $0x0  }
0x16: {  	s3 =	sld [smem:$0x3FDB];
	s0 =	simm.s32 @p2 $0x1  }
0x17: {  	s4 =	simm.s32 $0x1BF5;
	[smem:$0x3F82] =	sst s0  }
0x18: {  	s0 =	sld [smem:$0x3F65];
	_ =	swait.ge [sflag:s4], $0x0  }
0x19: {  	s7 =	sld [smem:$0x3F66]  }
0x1a: {  	s8 =	sadd.s32 $0xFFFFE003, lr  }
0x1b: {  	s9 =	sadd.s32 $0xFFFFFEF7, lr;
	s5 =	simm.s32 $0xFFFFFFFF;
	p2 =	slt.u32 s8, $0xFFFFF086  }
0x1c: {  	p1 =	slt.u32 s9, $0xF7A;
	s5 =	simm.s32 @!p2 $0x0  }
0x1d: {  	s5 =	simm.s32 @p1 $0x1;
	p0 =	seq.s32 s7, s2  }
0x1e: {  	s7 =	smul.u32 @!p0 $0xF7A, s2;
	p2 =	seq.s32 @!p0 s5, $0x0  }
0x1f: {  	s9 =	smul.u32 $0xF7A, s1;
	s8 =	simm.s32 @!p0 $0x1BF5;
	p2 =	por !p2, p0  }
0x20: {  	[sflag:s8] =	ssyncset.s32 @!p0 $0xFFFFF086;
	s6 =	sadd.s32 @!p0 s3, s7;
	s7 =	simm.s32 @!p0 $0x108  }
0x21: {  	s3 =	sadd.s32 s3, s9;
	s6 =	sadd.s32 @!p0 $0x88, s6;
	s7 =	simm.s32 @p2 $0x1082  }
0x22: {  	[simem:s7], [sflag:s8] =	dma.local @!p0 [hbm:s6], $0xF7A  }
0x23: {  	s9 =	sor.u32 $0xD0000000, s2;
	s6 =	simm.s32 $0x108;
	_ =	swait.ge @!p0 [sflag:s8], $0x0  }
0x24: {  	s3 =	sadd.s32 $0x88, s3;
	s6 =	simm.s32 @!p1 $0x1082;
	[sflag:s4] =	ssyncset.s32 $0xFFFFF086  }
0x25: {  	[simem:s6], [sflag:s4] =	dma.local [hbm:s3], $0xF7A  }
0x26: {  	[smem:$0x3F66] =	sst s1;
	(tag) =	ssettag s2;
	_ =	strace s9  }
0x27: {  	s1 =	sld [smem:$0x3F76]  }
0x28: {  	s2 =	sld [smem:$0x3F77]  }
0x29: {  	s4 =	sld [smem:$0x3F79]  }
0x2a: {  	p0 =	seq.s32 s5, $0x0;
	s5 =	sld [smem:$0x3F7A]  }
0x2b: {  	s6 =	sld [smem:$0x3F7B]  }
0x2c: {  	s7 =	sld [smem:$0x3F7C]  }
0x2d: {  	s3 =	simm.s32 $0x108;
	s8 =	sld [smem:$0x3F7D]  }
0x2e: {  	s3 =	simm.s32 @!p0 $0x1082;
	s9 =	sld [smem:$0x3F7E]  }
0x2f: {  	lr =	sadd.s32 s0, s3;
	s0 =	sld [smem:$0x3F75]  }
0x30: {  	s3 =	sld [smem:$0x3F78]  }
0x31: {  	[smem:$0x3F81] =	sst s10  }
0x32: {  	s10 =	sld [smem:$0x3F7F];
	_ =	sdelay $0x3  }
0x33: {  	p0 =	seq.s32 s10, $0x1;
	s10 =	sld [smem:$0x3F81];
	_ =	sdelay $0x3  }
0x34: {  	[smem:$0x3F81] =	sst s10  }
0x35: {  	s10 =	sld [smem:$0x3F80];
	_ =	sdelay $0x3  }
0x36: {  	p1 =	seq.s32 s10, $0x1;
	s10 =	sld [smem:$0x3F81];
	_ =	sdelay $0x3  }
0x37: {  	[smem:$0x3F81] =	sst s10  }
0x38: {  	s10 =	sld [smem:$0x3F82]  }
0x39: {  	_ = 	snop;
	(pc) =	sbr.ind lr, $3  }
0x3a: {  	_ = 	snop  }
0x3b: {  	_ = 	snop  }
0x3c: {  	p2 =	seq.s32 s10, $0x1;
	s10 =	sld [smem:$0x3F81]  }
0x3d: {  	_ =	shalt  }
0x3e: {  	_ =	shalt  }
0x3f: {  	_ =	shalt  }
0x40: {  	_ =	shalt  }
0x41: {  	_ =	shalt  }
0x42: {  	_ =	shalt  }
0x43: {  	_ =	shalt  }
0x44: {  	_ =	shalt  }
0x45: {  	_ =	shalt  }
0x46: {  	_ =	shalt  }
0x47: {  	_ =	shalt  }
0x48: {  	_ =	shalt  }
0x49: {  	_ =	shalt  }
0x4a: {  	_ =	shalt  }
0x4b: {  	_ =	shalt  }
0x4c: {  	_ =	shalt  }
0x4d: {  	_ =	shalt  }
0x4e: {  	_ =	shalt  }
0x4f: {  	_ =	shalt  }
0x50: {  	_ =	shalt  }
0x51: {  	_ =	shalt  }
0x52: {  	_ =	shalt  }
0x53: {  	_ =	shalt  }
0x54: {  	_ =	shalt  }
0x55: {  	_ =	shalt  }
0x56: {  	_ =	shalt  }
0x57: {  	_ =	shalt  }
0x58: {  	_ =	shalt  }
0x59: {  	_ =	shalt  }
0x5a: {  	_ =	shalt  }
0x5b: {  	_ =	shalt  }
0x5c: {  	_ =	shalt  }
0x5d: {  	_ =	shalt  }
0x5e: {  	_ =	shalt  }
0x5f: {  	_ =	shalt  }
0x60: {  	_ =	shalt  }
0x61: {  	_ =	shalt  }
0x62: {  	_ =	shalt  }
0x63: {  	_ =	shalt  }
0x64: {  	_ =	shalt  }
0x65: {  	_ =	shalt  }
0x66: {  	_ =	shalt  }
0x67: {  	_ =	shalt  }
0x68: {  	_ =	shalt  }
0x69: {  	_ =	shalt  }
0x6a: {  	_ =	shalt  }
0x6b: {  	_ =	shalt  }
0x6c: {  	_ =	shalt  }
0x6d: {  	_ =	shalt  }
0x6e: {  	_ =	shalt  }
0x6f: {  	_ =	shalt  }
0x70: {  	_ =	shalt  }
0x71: {  	_ =	shalt  }
0x72: {  	_ =	shalt  }
0x73: {  	_ =	shalt  }
0x74: {  	_ =	shalt  }
0x75: {  	_ =	shalt  }
0x76: {  	_ =	shalt  }
0x77: {  	_ =	shalt  }
0x78: {  	_ =	shalt  }
0x79: {  	_ =	shalt  }
0x7a: {  	_ =	shalt  }
0x7b: {  	_ =	shalt  }
0x7c: {  	_ =	shalt  }
0x7d: {  	_ =	shalt  }
0x7e: {  	_ =	shalt  }
0x7f: {  	_ =	shalt  }
0x80: {  	_ =	shalt  }
0x81: {  	_ =	shalt  }
0x82: {  	_ =	shalt  }
0x83: {  	_ =	shalt  }
0x84: {  	_ =	shalt  }
0x85: {  	_ =	shalt  }
0x86: {  	_ =	shalt  }
0x87: {  	_ =	shalt  }
.Lfunc_end0:
.L_simem_size_0:
called_computation.3_lowered:
.L_overlay_start_0:
0x88: {  	s2 =	sld [smem:$0x3FD9]  }
0x89: {  	s3 =	sld [smem:$0x3FFE];
	_ =	sdelay $0x1  }
0x8a: {  	s1 =	srdreg.scid  }
0x8b: {  	s0 =	sand.u32 $0x1, s1  }
0x8c: {  	s16 =	sshll.u32 s0, $0xA;
	s2 =	sadd.s32 s3, s2  }
0x8d: {  	s2 =	sadd.s32 s2, s16  }
0x8e: {  	[smem:$0x3F8D] =	sst s2  }
0x8f: {  	_ = 	snop  }
0x90: {  	(tm) =	ssettm $0x1  }
0x91: {  	s17 =	sld [smem:$0x3FFB];
	_ =	sdelay $0x3  }
0x92: {  	_ =	strace s17  }
0x93: {  	s2 =	sld [smem:$0x3FFC];
	_ =	sdelay $0x3  }
0x94: {  	_ =	strace s2  }
0x95: {  	s2 =	sld [smem:$0x3FFD];
	_ =	sdelay $0x3  }
0x96: {  	_ =	strace s2  }
0x97: {  	_ =	strace $0x8FFFFFFF  }
0x98: {  	s18 =	sld [smem:$0x3FDB];
	_ =	sdelay $0x1  }
0x99: {  	s19 =	simm.s32 $_scs_section_size  }
0x9a: {  	s4 =	simm.s32 $_size__tile_overlayer_lowered;
	s5 =	simm.s32 $_tile_overlayer_lowered  }
0x9b: {  	s22 =	simm.s32 $0x1BFF;
	s21 =	sshll.u32 s5, $0x1;
	s2 =	sadd.s32 s19, s18  }
0x9c: {  	s6 =	simm.s32 $0x0;
	s20 =	sshll.u32 s4, $0x1;
	s4 =	sadd.s32 s21, s2  }
0x9d: {  	[timem:s6], [sflag:s22] =	dma.local [hbm:s4], s20  }
0x9e: {  	_ =	swait.ge [sflag:s22], s20  }
0x9f: {  	s3 =	ssub.s32 $0x0, s20;
	[sflag:s22] =	ssyncset.done $0x0  }
0xa0: {  	[sflag:s22] =	ssyncadd.s32 s3;
	_ =	sdelay $0x1  }
0xa1: {  	s23 =	simm.s32 $0x1B8B  }
0xa2: {  	_ =	swait.ge [sflag:s23], $0x1  }
0xa3: {  	[sflag:s23] =	ssyncset.done $0x0  }
0xa4: {  	s25 =	simm.s32 $0x1B8E;
	s24 =	sld [smem:$0x3FFE];
	[sflag:s23] =	ssyncadd.s32 $0xFFFFFFFF  }
0xa5: {  	s26 =	simm.s32 $execute0_lowered;
	[smem:$0x3FD2] =	sst s25  }
0xa6: {  	s4 =	sshll.u32 s26, $0x1;
	_ =	strace $0x8000004F;
	[dreg:$0x1] =	wrdreg $0xFFFFFFFF  }
0xa7: {  	s28 =	simm.s32 $_size_execute0_lowered;
	s2 =	sadd.s32 s2, s4;
	[dreg:$0x0] =	wrdreg $0x0  }
0xa8: {  	s4 =	sshll.u32 s28, $0x1;
	[dreg:$0x2] =	wrdreg s2  }
0xa9: {  	[dreg:$0x3] =	wrdreg s4  }
0xaa: {  	[dreg:$0x4] =	wrdreg $0xC0  }
0xab: {  	_ =	task [dreg:s6], $0x5FFFF  }
0xac: {  	[dreg:$0x1] =	wrdreg $0xFFFFFFFF  }
0xad: {  	[dreg:$0x0] =	wrdreg $0x60  }
0xae: {  	[dreg:$0x2] =	wrdreg s24  }
0xaf: {  	[dreg:$0x3] =	wrdreg $0xB8000  }
0xb0: {  	[dreg:$0x4] =	wrdreg $0x9  }
0xb1: {  	_ =	task.clear_ibuf [dreg:s6], $0x5FFFF;
	_ =	strace $0x9000004F  }
0xb2: {  	s29 =	simm.s32 $0x9;
	_ =	strace $0x80000051  }
0xb3: {  	_ =	swait.ge [sflag:s29], $0x1  }
0xb4: {  	[sflag:s29] =	ssyncadd.s32 $0xFFFFFFFF  }
0xb5: {  	_ =	strace $0x90000051  }
0xb6: {  	_ =	sfence  }
0xb7: {  	s30 =	sld [smem:$0x0];
	_ =	sdelay $0x2  }
0xb8: {  	s31 =	sshll.u32 s1, $0xD;
	s1 =	sshrl.u32 s1, $0x2  }
0xb9: {  	s3 =	sand.u32 $0x4000, s31;
	s1 =	sadd.s32 s1, s30  }
0xba: {  	s0 =	sor.u32 s3, s0;
	s1 =	sshll.u32 s1, $0x11  }
0xbb: {  	s0 =	sor.u32 s1, s0  }
0xbc: {  	s0 =	sadd.s32 $0x8F2B, s0  }
0xbd: {  	[sflag:s0] =	ssyncadd.remote.s32 $0x1  }
0xbe: {  	_ =	sfence.sel $0xFFFF  }
0xbf: {  	[dreg:$0x0] =	wrdreg $0xFFFFFFFF;
	(pc) =	sbr.abs _section_cstart, $3  }
0xc0: {  	[dreg:$0x1] =	wrdreg $0xFFFFFFFF  }
0xc1: {  	_ =	task.clear_ibuf [dreg:s6], $0x2FFFF;
	_ =	strace $0x9FFFFFFF  }
0xc2: {  	(tm) =	ssettm $0x7FFFFFFF  }
0xc3: {  	_ =	shalt  }
tec
execute0_lowered:
.L_overlay_start_1:
0x0: {  	(tag) =	ssettag $0x1  }
0x1: {  	s0 =	rddreg [dreg:$0x0]  }
0x2: {  	s1 =	rddreg [dreg:$0x1];
	s2 =	srdreg.scid;
	s3 =	simm.s32 $0x0  }
0x3: {  	s23 =	stileid.u32;
	s20 =	simm.s32 $0x3;
	s21 =	simm.s32 $0x4000  }
0x4: {  	s22 =	simm.s32 $0x6800;
	s24 =	simm.s32 $0x1;
	s5 =	smul.u32 $0x50000, s23  }
0x5: {  	s28 =	simm.s32 $0x2;
	s2 =	sand.u32 $0x1, s2;
	s15 =	smul.u32 $0x2800, s23  }
0x6: {  	[smem:$0x7FF] =	sst s3;
	s16 =	sadd.s32 $0x1406C00, s0;
	s29 =	smul.u32 $0x27100, s23  }
0x7: {  	p0 =	seq.s32 s23, $0xF;
	s4 =	sshll.u32 s2, $0x4;
	s19 =	smul.u32 $0x27100, s2  }
0x8: {  	_ =	strace $0x80000050;
	s6 =	ssub.s32 $0x2, s2;
	s26 =	smul.u32 $0x138800, s2  }
0x9: {  	s2 =	smul.u32 $0x271000, s2;
	s12 =	sor.u32 s23, s4;
	s7 =	sshrl.u32 s6, $0x1  }
0xa: {  	s5 =	sshrl.u32 s5, $0x2;
	s23 =	simm.s32 $0x9000;
	s4 =	sshll.u32 s12, $0xB  }
0xb: {  	s17 =	ssub.s32 s6, s7;
	s5 =	sadd.s32 s5, s1;
	s13 =	smul.u32 $0x138800, s12  }
0xc: {  	s14 =	smul.u32 $0x27100, s12;
	s15 =	sadd.s32 s15, s19;
	s2 =	sadd.s32 s2, s16  }
0xd: {  	s4 =	sadd.s32 s4, s0;
	s0 =	sadd.s32 $0xA91000, s0;
	s6 =	sadd.s32 $0x2800, s5  }
0xe: {  	s7 =	sadd.s32 $0x5000, s5;
	s8 =	sadd.s32 $0x7800, s5;
	s9 =	sadd.s32 $0xA000, s5  }
0xf: {  	s10 =	sadd.s32 $0xC800, s5;
	s11 =	sadd.s32 $0xF000, s5;
	s12 =	sadd.s32 $0x11800, s5  }
0x10: {  	s17 =	smax.u32 s17, $0x1;
	s31 =	sadd.s32 s29, s2;
	s4 =	sadd.s32 $0xA32C00, s4  }
0x11: {  	s18 =	sshrl.u32 s13, $0x3;
	s13 =	sadd.s32 s16, s14;
	s15 =	sadd.s32 s0, s15  }
0x12: {  	s30 =	sadd.s32 $0xF00, s31;
	[dreg:$0x3] =	wrdreg s4;
	s25 =	sadd.s32 s16, s18  }
0x13: {  	s18 =	sshrl.u32 s26, $0x3;
	s26 =	simm.s32 $0x50;
	s14 =	sadd.s32 $0x500, s25  }
0x14: {  	s25 =	sadd.s32 $0x12C000, s1;
	s0 =	sadd.s32 s0, s18;
	s18 =	sadd.s32 $0x26C00, s13  }
0x15: {  	v0 =	vimm.f32 $0.0e+00;
	s16 =	sadd.s32 $0x25800, s0;
	s25 =	sshrl.u32 @p0 s25, $0x3;
	s0 =	simm.s32 $0x0  }
.LBB2_1:
0x16: {  	s2 =	rddreg [dreg:$0x3]  }
0x17: {  	[tilespmem:s3], [sflag:$0x3] =	stream.linear.gather [hbm4b:s2+s3], $0x3E80, $0x38;
	[tilespmem:$0x1F800] =	vst v63  }
0x18: {  	_ =	swait.ge [sflag:s20], $0x3E80  }
0x19: {  	[sflag:s20] =	ssyncset.done $0x0  }
0x1a: {  	s19 =	simm.s32 $0x200;
	s2 =	simm.s32 $0x0;
	[sflag:s20] =	ssyncadd.s32 $0xFFFFC180  }
.LBB2_2:
0x1b: {  	p1 =	sne.s32 s19, $0x9E00;
	[tilespmem:s2+$0x4070] =	vst v0  }
0x1c: {  	[tilespmem:s2+$0x4000] =	vst v0  }
0x1d: {  	[tilespmem:s2+$0x4010] =	vst v0  }
.Ltmp0:
0x1e: {  	[tilespmem:s2+$0x4020] =	vst v0;
	(pc) =	sbr.rel @p1 .LBB2_2-.Ltmp0, $4  }
0x1f: {  	[tilespmem:s2+$0x4030] =	vst v0  }
0x20: {  	[tilespmem:s2+$0x4040] =	vst v0  }
0x21: {  	[tilespmem:s2+$0x4050] =	vst v0  }
0x22: {  	[tilespmem:s2+$0x4060] =	vst v0;
	s2 =	sshra.s32 s19, $0x2;
	s19 =	sadd.s32 $0x200, s19  }
0x23: {  	[tilespmem:s2+$0x4070] =	vst v0  }
0x24: {  	[tilespmem:s2+$0x4000] =	vst v0  }
0x25: {  	[tilespmem:s2+$0x4010] =	vst v0  }
0x26: {  	[tilespmem:s2+$0x4020] =	vst v0  }
0x27: {  	[tilespmem:s2+$0x4030] =	vst v0  }
0x28: {  	[tilespmem:s2+$0x4040] =	vst v0  }
0x29: {  	[tilespmem:s2+$0x4050] =	vst v0  }
0x2a: {  	[tilespmem:s2+$0x4060] =	vst v0  }
0x2b: {  	[spmem:s5] =	stream.linear.scatter [tilespmem:s21], [sflag:$0x3], $0x2800, $0x38;
	[tilespmem:$0x1F800] =	vst v63  }
0x2c: {  	_ =	swait.ge [sflag:s20], $0x2800  }
0x2d: {  	[sflag:s20] =	ssyncset.done $0x0  }
0x2e: {  	[sflag:s20] =	ssyncadd.s32 $0xFFFFD800  }
0x2f: {  	[spmem:s6] =	stream.linear.scatter [tilespmem:s21], [sflag:$0x3], $0x2800, $0x38;
	[tilespmem:$0x1F800] =	vst v63  }
0x30: {  	_ =	swait.ge [sflag:s20], $0x2800  }
0x31: {  	[sflag:s20] =	ssyncset.done $0x0  }
0x32: {  	[sflag:s20] =	ssyncadd.s32 $0xFFFFD800  }
0x33: {  	[spmem:s7] =	stream.linear.scatter [tilespmem:s21], [sflag:$0x3], $0x2800, $0x38;
	[tilespmem:$0x1F800] =	vst v63  }
0x34: {  	_ =	swait.ge [sflag:s20], $0x2800  }
0x35: {  	[sflag:s20] =	ssyncset.done $0x0  }
0x36: {  	[sflag:s20] =	ssyncadd.s32 $0xFFFFD800  }
0x37: {  	[spmem:s8] =	stream.linear.scatter [tilespmem:s21], [sflag:$0x3], $0x2800, $0x38;
	[tilespmem:$0x1F800] =	vst v63  }
0x38: {  	_ =	swait.ge [sflag:s20], $0x2800  }
0x39: {  	[sflag:s20] =	ssyncset.done $0x0  }
0x3a: {  	[sflag:s20] =	ssyncadd.s32 $0xFFFFD800  }
0x3b: {  	[spmem:s9] =	stream.linear.scatter [tilespmem:s21], [sflag:$0x3], $0x2800, $0x38;
	[tilespmem:$0x1F800] =	vst v63  }
0x3c: {  	_ =	swait.ge [sflag:s20], $0x2800  }
0x3d: {  	[sflag:s20] =	ssyncset.done $0x0  }
0x3e: {  	[sflag:s20] =	ssyncadd.s32 $0xFFFFD800  }
0x3f: {  	[spmem:s10] =	stream.linear.scatter [tilespmem:s21], [sflag:$0x3], $0x2800, $0x38;
	[tilespmem:$0x1F800] =	vst v63  }
0x40: {  	_ =	swait.ge [sflag:s20], $0x2800  }
0x41: {  	[sflag:s20] =	ssyncset.done $0x0  }
0x42: {  	[sflag:s20] =	ssyncadd.s32 $0xFFFFD800  }
0x43: {  	[spmem:s11] =	stream.linear.scatter [tilespmem:s21], [sflag:$0x3], $0x2800, $0x38;
	[tilespmem:$0x1F800] =	vst v63  }
0x44: {  	_ =	swait.ge [sflag:s20], $0x2800  }
0x45: {  	[sflag:s20] =	ssyncset.done $0x0  }
0x46: {  	[sflag:s20] =	ssyncadd.s32 $0xFFFFD800  }
0x47: {  	[spmem:s12] =	stream.linear.scatter [tilespmem:s21], [sflag:$0x3], $0x2800, $0x38;
	[tilespmem:$0x1F800] =	vst v63  }
0x48: {  	_ =	swait.ge [sflag:s20], $0x2800  }
0x49: {  	[sflag:s20] =	ssyncset.done $0x0  }
0x4a: {  	[sflag:s20] =	ssyncadd.s32 $0xFFFFD800  }
0x4b: {  	s31 =	simm.s32 $0x0;
	[bflag:$0x0] =	sbarrier.arrive $0xFFFF  }
0x4c: {  	[tilespmem:s22], [sflag:$0x1] =	stream.linear.gather [hbm4b:s13+s31], $0x2800, $0x38;
	[tilespmem:$0x1F800] =	vst v63  }
0x4d: {  	_ = 	snop  }
0x4e: {  	[tilespmem:s23], [sflag:$0x2] =	stream.linear.gather [hbm4b:s14+s31], $0x2800, $0x38;
	[tilespmem:$0x1F800] =	vst v63  }
0x4f: {  	_ =	swait.ge [sflag:s24], $0x2800  }
0x50: {  	[sflag:s24] =	ssyncset.done $0x0  }
0x51: {  	s4 =	simm.s32 $0x0;
	[sflag:s24] =	ssyncadd.s32 $0xFFFFD800  }
0x52: {  	[spmem:s1] =	stream.indirect.scatter.add.f32 [tilespmem:s22], [sflag:$0x3], $0x80, s4, s26, $0xb8;
	[tilespmem:$0x1F800] =	vst v63  }
0x53: {  	_ =	swait.ge [sflag:s20], $0x2800  }
0x54: {  	[sflag:s20] =	ssyncset.done $0x0  }
0x55: {  	s19 =	sadd.s32 $0xFFFFFB00, s30;
	[sflag:s20] =	ssyncadd.s32 $0xFFFFD800  }
0x56: {  	[tilespmem:s22], [sflag:$0x1] =	stream.linear.gather [hbm4b:s19+s3], $0x2800, $0x38;
	[tilespmem:$0x1F800] =	vst v63  }
0x57: {  	_ =	swait.ge [sflag:s28], $0x2800  }
0x58: {  	[sflag:s28] =	ssyncset.done $0x0  }
0x59: {  	s31 =	simm.s32 $0x80;
	[sflag:s28] =	ssyncadd.s32 $0xFFFFD800  }
0x5a: {  	[spmem:s1] =	stream.indirect.scatter.add.f32 [tilespmem:s23], [sflag:$0x3], $0x80, s31, s26, $0xb8;
	[tilespmem:$0x1F800] =	vst v63  }
0x5b: {  	_ =	swait.ge [sflag:s20], $0x2800  }
0x5c: {  	s2 =	simm.s32 $0x400;
	[sflag:s20] =	ssyncset.done $0x0  }
0x5d: {  	s29 =	sadd.s32 $0xA00, s30;
	s19 =	smov.u32 s30;
	[sflag:s20] =	ssyncadd.s32 $0xFFFFD800  }
.LBB2_4:
0x5e: {  	[tilespmem:s23], [sflag:$0x2] =	stream.linear.gather [hbm4b:s19+s3], $0x2800, $0x38;
	[tilespmem:$0x1F800] =	vst v63  }
0x5f: {  	s31 =	smov.u32 s2;
	s19 =	smov.u32 s29  }
0x60: {  	p1 =	sne.s32 s2, $0xF000;
	s2 =	sadd.s32 $0x400, s2;
	_ =	swait.ge [sflag:s24], $0x2800  }
0x61: {  	[sflag:s24] =	ssyncset.done $0x0  }
0x62: {  	s31 =	sshra.s32 s31, $0x2;
	[sflag:s24] =	ssyncadd.s32 $0xFFFFD800  }
0x63: {  	[spmem:s1] =	stream.indirect.scatter.add.f32 [tilespmem:s22], [sflag:$0x3], $0x80, s31, s26, $0xb8;
	[tilespmem:$0x1F800] =	vst v63  }
0x64: {  	_ =	swait.ge [sflag:s20], $0x2800  }
0x65: {  	[sflag:s20] =	ssyncset.done $0x0  }
0x66: {  	s4 =	sadd.s32 $0xFFFFFB00, s29;
	[sflag:s20] =	ssyncadd.s32 $0xFFFFD800  }
0x67: {  	[tilespmem:s22], [sflag:$0x1] =	stream.linear.gather [hbm4b:s4+s3], $0x2800, $0x38;
	[tilespmem:$0x1F800] =	vst v63  }
0x68: {  	_ =	swait.ge [sflag:s28], $0x2800  }
0x69: {  	[sflag:s28] =	ssyncset.done $0x0  }
.Ltmp1:
0x6a: {  	s4 =	sadd.s32 $0x80, s31;
	[sflag:s28] =	ssyncadd.s32 $0xFFFFD800;
	(pc) =	sbr.rel @p1 .LBB2_4-.Ltmp1, $4  }
0x6b: {  	[spmem:s1] =	stream.indirect.scatter.add.f32 [tilespmem:s23], [sflag:$0x3], $0x80, s4, s26, $0xb8;
	[tilespmem:$0x1F800] =	vst v63  }
0x6c: {  	_ =	swait.ge [sflag:s20], $0x2800  }
0x6d: {  	[sflag:s20] =	ssyncset.done $0x0  }
0x6e: {  	s29 =	sadd.s32 $0xA00, s29;
	[sflag:s20] =	ssyncadd.s32 $0xFFFFD800  }
0x6f: {  	[tilespmem:s23], [sflag:$0x2] =	stream.linear.gather [hbm4b:s19+s3], $0x2800, $0x38;
	[tilespmem:$0x1F800] =	vst v63  }
0x70: {  	_ =	swait.ge [sflag:s24], $0x2800  }
0x71: {  	[sflag:s24] =	ssyncset.done $0x0  }
0x72: {  	s2 =	simm.s32 $0x3D00;
	[sflag:s24] =	ssyncadd.s32 $0xFFFFD800  }
0x73: {  	[spmem:s1] =	stream.indirect.scatter.add.f32 [tilespmem:s22], [sflag:$0x3], $0x80, s2, s26, $0xb8;
	[tilespmem:$0x1F800] =	vst v63  }
0x74: {  	_ =	swait.ge [sflag:s20], $0x2800  }
0x75: {  	[sflag:s20] =	ssyncset.done $0x0  }
0x76: {  	[sflag:s20] =	ssyncadd.s32 $0xFFFFD800  }
0x77: {  	[tilespmem:s22], [sflag:$0x1] =	stream.linear.gather [hbm4b:s18+s3], $0x2800, $0x38;
	[tilespmem:$0x1F800] =	vst v63  }
0x78: {  	_ =	swait.ge [sflag:s28], $0x2800  }
0x79: {  	[sflag:s28] =	ssyncset.done $0x0  }
0x7a: {  	s29 =	simm.s32 $0x3D80;
	[sflag:s28] =	ssyncadd.s32 $0xFFFFD800  }
0x7b: {  	[spmem:s1] =	stream.indirect.scatter.add.f32 [tilespmem:s23], [sflag:$0x3], $0x80, s29, s26, $0xb8;
	[tilespmem:$0x1F800] =	vst v63  }
0x7c: {  	_ =	swait.ge [sflag:s20], $0x2800  }
0x7d: {  	[sflag:s20] =	ssyncset.done $0x0  }
0x7e: {  	[sflag:s20] =	ssyncadd.s32 $0xFFFFD800  }
0x7f: {  	_ =	swait.ge [sflag:s24], $0x2800  }
0x80: {  	[sflag:s24] =	ssyncset.done $0x0  }
0x81: {  	s31 =	simm.s32 $0x3E00;
	[sflag:s24] =	ssyncadd.s32 $0xFFFFD800  }
0x82: {  	[spmem:s1] =	stream.indirect.scatter.add.f32 [tilespmem:s22], [sflag:$0x3], $0x80, s31, s26, $0xb8;
	[tilespmem:$0x1F800] =	vst v63  }
0x83: {  	_ =	swait.ge [sflag:s20], $0x2800  }
0x84: {  	[sflag:s20] =	ssyncset.done $0x0  }
0x85: {  	[sflag:s20] =	ssyncadd.s32 $0xFFFFD800  }
0x86: {  	s2 =	simm.s32 @p0 $0x1FC3;
	[bflag:$0x0] =	sbarrier.arrive $0xFFFF  }
0x87: {  	[hbm:s16], [sflag:s2] =	dma.local @p0 [spmem:s25], $0x1900  }
0x88: {  	s2 =	simm.s32 @p0 $0x3  }
0x89: {  	s4 =	stileid.u32;
	s0 =	sadd.s32 $0x1, s0;
	_ =	swait.ge @p0 [sflag:s2], $0x1900  }
0x8a: {  	s4 =	sshll.u32 @!p0 s4, $0x6;
	p1 =	sne.s32 s0, s17;
	[sflag:s2] =	ssyncset.done @p0 $0x0  }
0x8b: {  	[sflag:s2] =	ssyncadd.s32 @p0 $0xFFFFE700;
	s2 =	sor.u32 @!p0 $0x1C03, s4;
	s4 =	sshrl.u32 @!p0 s5, $0x3  }
0x8c: {  	[hbm:s15], [sflag:s2] =	dma.local @!p0 [spmem:s4], $0x2800  }
.Ltmp2:
0x8d: {  	_ = 	snop;
	(pc) =	sbr.rel @p1 .LBB2_1-.Ltmp2, $4  }
0x8e: {  	s2 =	simm.s32 @!p0 $0x3  }
0x8f: {  	_ =	swait.ge @!p0 [sflag:s2], $0x2800  }
0x90: {  	[sflag:s2] =	ssyncset.done @!p0 $0x0  }
0x91: {  	[sflag:s2] =	ssyncadd.s32 @!p0 $0xFFFFD800  }
0x92: {  	_ =	sfence.sel $0x180000  }
0x93: {  	[bflag:$0x0] =	sbarrier.arrive $0xFFFF  }
0x94: {  	_ =	strace $0x90000050  }
0x95: {  	s0 =	stileid.u32;
	[bflag:$0x2] =	sbarrier.arrive $0xFFFF  }
0x96: {  	p0 =	sne.s32 s0, $0x0;
	s0 =	rddreg [dreg:$0x2]  }
0x97: {  	s0 =	sadd.s32 @!p0 $0x100000, s0  }
0x98: {  	[sflag:s0] =	ssyncadd.tile.s32 @!p0 $0x1;
	_ =	shalt  }
.Lfunc_end2:
_tile_overlayer_lowered:
.L_overlay_start_2:
0x99: {  	(tag) =	ssettag $0x2  }
0x9a: {  	s0 =	rddreg [dreg:$0x0];
	s2 =	stileid.u32  }
0x9b: {  	s1 =	rddreg [dreg:$0x1];
	p0 =	sne.s32 s2, $0x0  }
0x9c: {  	s3 =	rddreg [dreg:$0x2];
	[bflag:$0x3] =	sbarrier.arrive $0xFFFF;
	s2 =	simm.s32 @!p0 $0x1C03  }
0x9d: {  	[timem:s3], [sflag:s2] =	dma.local @!p0 [hbm:s0], s1  }
0x9e: {  	s0 =	simm.s32 @!p0 $0x3  }
0x9f: {  	_ =	swait.ge @!p0 [sflag:s0], s1  }
0xa0: {  	s1 =	ssub.s32 @!p0 $0x0, s1;
	[sflag:s0] =	ssyncset.done @!p0 $0x0  }
0xa1: {  	[sflag:s0] =	ssyncadd.s32 @!p0 s1  }
0xa2: {  	[bflag:$0x3] =	sbarrier.arrive $0xFFFF  }
0xa3: {  	_ =	shalt  }

// kernel: kernel.28.cloned.1.call-start
scs
__scs_entry_jumppad:
0x0: {  	(pc) =	sbr.rel $0x88, $3  }
0x1: {  	(tag) =	ssettag $0x0;
	lr =	simm.s32 $0x1  }
0x2: {  	[smem:$0x3F66] =	sst lr;
	_ =	strace $0xD0000000  }
0x3: {  	_ = 	snop  }
0x4: {  	_ = 	snop  }
0x5: {  	_ = 	snop  }
0x6: {  	_ = 	snop  }
0x7: {  	_ = 	snop  }
__scs_overlays_trampoline_lowered:
0x8: {  	[smem:$0x3F75] =	sst s0  }
0x9: {  	[smem:$0x3F76] =	sst s1  }
0xa: {  	[smem:$0x3F77] =	sst s2  }
0xb: {  	[smem:$0x3F78] =	sst s3  }
0xc: {  	[smem:$0x3F79] =	sst s4  }
0xd: {  	[smem:$0x3F7A] =	sst s5  }
0xe: {  	[smem:$0x3F7B] =	sst s6  }
0xf: {  	[smem:$0x3F7C] =	sst s7  }
0x10: {  	[smem:$0x3F7D] =	sst s8  }
0x11: {  	[smem:$0x3F7E] =	sst s9;
	s0 =	simm.s32 @!p0 $0x0  }
0x12: {  	s1 =	sld [smem:$0x3F64];
	s0 =	simm.s32 @p0 $0x1  }
0x13: {  	[smem:$0x3F7F] =	sst s0;
	s0 =	simm.s32 @!p1 $0x0  }
0x14: {  	s2 =	sld [smem:$0x3F63];
	s0 =	simm.s32 @p1 $0x1  }
0x15: {  	[smem:$0x3F80] =	sst s0;
	s0 =	simm.s32 @!p2 $0x0  }
0x16: {  	s3 =	sld [smem:$0x3FDB];
	s0 =	simm.s32 @p2 $0x1  }
0x17: {  	s4 =	simm.s32 $0x1BF5;
	[smem:$0x3F82] =	sst s0  }
0x18: {  	s0 =	sld [smem:$0x3F65];
	_ =	swait.ge [sflag:s4], $0x0  }
0x19: {  	s7 =	sld [smem:$0x3F66]  }
0x1a: {  	s8 =	sadd.s32 $0xFFFFE003, lr  }
0x1b: {  	s9 =	sadd.s32 $0xFFFFFEF7, lr;
	s5 =	simm.s32 $0xFFFFFFFF;
	p2 =	slt.u32 s8, $0xFFFFF086  }
0x1c: {  	p1 =	slt.u32 s9, $0xF7A;
	s5 =	simm.s32 @!p2 $0x0  }
0x1d: {  	s5 =	simm.s32 @p1 $0x1;
	p0 =	seq.s32 s7, s2  }
0x1e: {  	s7 =	smul.u32 @!p0 $0xF7A, s2;
	p2 =	seq.s32 @!p0 s5, $0x0  }
0x1f: {  	s9 =	smul.u32 $0xF7A, s1;
	s8 =	simm.s32 @!p0 $0x1BF5;
	p2 =	por !p2, p0  }
0x20: {  	[sflag:s8] =	ssyncset.s32 @!p0 $0xFFFFF086;
	s6 =	sadd.s32 @!p0 s3, s7;
	s7 =	simm.s32 @!p0 $0x108  }
0x21: {  	s3 =	sadd.s32 s3, s9;
	s6 =	sadd.s32 @!p0 $0x88, s6;
	s7 =	simm.s32 @p2 $0x1082  }
0x22: {  	[simem:s7], [sflag:s8] =	dma.local @!p0 [hbm:s6], $0xF7A  }
0x23: {  	s9 =	sor.u32 $0xD0000000, s2;
	s6 =	simm.s32 $0x108;
	_ =	swait.ge @!p0 [sflag:s8], $0x0  }
0x24: {  	s3 =	sadd.s32 $0x88, s3;
	s6 =	simm.s32 @!p1 $0x1082;
	[sflag:s4] =	ssyncset.s32 $0xFFFFF086  }
0x25: {  	[simem:s6], [sflag:s4] =	dma.local [hbm:s3], $0xF7A  }
0x26: {  	[smem:$0x3F66] =	sst s1;
	(tag) =	ssettag s2;
	_ =	strace s9  }
0x27: {  	s1 =	sld [smem:$0x3F76]  }
0x28: {  	s2 =	sld [smem:$0x3F77]  }
0x29: {  	s4 =	sld [smem:$0x3F79]  }
0x2a: {  	p0 =	seq.s32 s5, $0x0;
	s5 =	sld [smem:$0x3F7A]  }
0x2b: {  	s6 =	sld [smem:$0x3F7B]  }
0x2c: {  	s7 =	sld [smem:$0x3F7C]  }
0x2d: {  	s3 =	simm.s32 $0x108;
	s8 =	sld [smem:$0x3F7D]  }
0x2e: {  	s3 =	simm.s32 @!p0 $0x1082;
	s9 =	sld [smem:$0x3F7E]  }
0x2f: {  	lr =	sadd.s32 s0, s3;
	s0 =	sld [smem:$0x3F75]  }
0x30: {  	s3 =	sld [smem:$0x3F78]  }
0x31: {  	[smem:$0x3F81] =	sst s10  }
0x32: {  	s10 =	sld [smem:$0x3F7F];
	_ =	sdelay $0x3  }
0x33: {  	p0 =	seq.s32 s10, $0x1;
	s10 =	sld [smem:$0x3F81];
	_ =	sdelay $0x3  }
0x34: {  	[smem:$0x3F81] =	sst s10  }
0x35: {  	s10 =	sld [smem:$0x3F80];
	_ =	sdelay $0x3  }
0x36: {  	p1 =	seq.s32 s10, $0x1;
	s10 =	sld [smem:$0x3F81];
	_ =	sdelay $0x3  }
0x37: {  	[smem:$0x3F81] =	sst s10  }
0x38: {  	s10 =	sld [smem:$0x3F82]  }
0x39: {  	_ = 	snop;
	(pc) =	sbr.ind lr, $3  }
0x3a: {  	_ = 	snop  }
0x3b: {  	_ = 	snop  }
0x3c: {  	p2 =	seq.s32 s10, $0x1;
	s10 =	sld [smem:$0x3F81]  }
0x3d: {  	_ =	shalt  }
0x3e: {  	_ =	shalt  }
0x3f: {  	_ =	shalt  }
0x40: {  	_ =	shalt  }
0x41: {  	_ =	shalt  }
0x42: {  	_ =	shalt  }
0x43: {  	_ =	shalt  }
0x44: {  	_ =	shalt  }
0x45: {  	_ =	shalt  }
0x46: {  	_ =	shalt  }
0x47: {  	_ =	shalt  }
0x48: {  	_ =	shalt  }
0x49: {  	_ =	shalt  }
0x4a: {  	_ =	shalt  }
0x4b: {  	_ =	shalt  }
0x4c: {  	_ =	shalt  }
0x4d: {  	_ =	shalt  }
0x4e: {  	_ =	shalt  }
0x4f: {  	_ =	shalt  }
0x50: {  	_ =	shalt  }
0x51: {  	_ =	shalt  }
0x52: {  	_ =	shalt  }
0x53: {  	_ =	shalt  }
0x54: {  	_ =	shalt  }
0x55: {  	_ =	shalt  }
0x56: {  	_ =	shalt  }
0x57: {  	_ =	shalt  }
0x58: {  	_ =	shalt  }
0x59: {  	_ =	shalt  }
0x5a: {  	_ =	shalt  }
0x5b: {  	_ =	shalt  }
0x5c: {  	_ =	shalt  }
0x5d: {  	_ =	shalt  }
0x5e: {  	_ =	shalt  }
0x5f: {  	_ =	shalt  }
0x60: {  	_ =	shalt  }
0x61: {  	_ =	shalt  }
0x62: {  	_ =	shalt  }
0x63: {  	_ =	shalt  }
0x64: {  	_ =	shalt  }
0x65: {  	_ =	shalt  }
0x66: {  	_ =	shalt  }
0x67: {  	_ =	shalt  }
0x68: {  	_ =	shalt  }
0x69: {  	_ =	shalt  }
0x6a: {  	_ =	shalt  }
0x6b: {  	_ =	shalt  }
0x6c: {  	_ =	shalt  }
0x6d: {  	_ =	shalt  }
0x6e: {  	_ =	shalt  }
0x6f: {  	_ =	shalt  }
0x70: {  	_ =	shalt  }
0x71: {  	_ =	shalt  }
0x72: {  	_ =	shalt  }
0x73: {  	_ =	shalt  }
0x74: {  	_ =	shalt  }
0x75: {  	_ =	shalt  }
0x76: {  	_ =	shalt  }
0x77: {  	_ =	shalt  }
0x78: {  	_ =	shalt  }
0x79: {  	_ =	shalt  }
0x7a: {  	_ =	shalt  }
0x7b: {  	_ =	shalt  }
0x7c: {  	_ =	shalt  }
0x7d: {  	_ =	shalt  }
0x7e: {  	_ =	shalt  }
0x7f: {  	_ =	shalt  }
0x80: {  	_ =	shalt  }
0x81: {  	_ =	shalt  }
0x82: {  	_ =	shalt  }
0x83: {  	_ =	shalt  }
0x84: {  	_ =	shalt  }
0x85: {  	_ =	shalt  }
0x86: {  	_ =	shalt  }
0x87: {  	_ =	shalt  }
.Lfunc_end0:
.L_simem_size_0:
called_computation.4_lowered:
.L_overlay_start_0:
0x88: {  	s2 =	sld [smem:$0x3FD9]  }
0x89: {  	s3 =	sld [smem:$0x3FFE];
	_ =	sdelay $0x1  }
0x8a: {  	s1 =	srdreg.scid  }
0x8b: {  	s0 =	sand.u32 $0x1, s1  }
0x8c: {  	s16 =	sshll.u32 s0, $0xA;
	s2 =	sadd.s32 s3, s2  }
0x8d: {  	s2 =	sadd.s32 s2, s16  }
0x8e: {  	[smem:$0x3F8D] =	sst s2  }
0x8f: {  	_ = 	snop  }
0x90: {  	(tm) =	ssettm $0x1  }
0x91: {  	s17 =	sld [smem:$0x3FFB];
	_ =	sdelay $0x3  }
0x92: {  	_ =	strace s17  }
0x93: {  	s2 =	sld [smem:$0x3FFC];
	_ =	sdelay $0x3  }
0x94: {  	_ =	strace s2  }
0x95: {  	s2 =	sld [smem:$0x3FFD];
	_ =	sdelay $0x3  }
0x96: {  	_ =	strace s2  }
0x97: {  	_ =	strace $0x8FFFFFFF  }
0x98: {  	s18 =	sld [smem:$0x3FDB];
	_ =	sdelay $0x1  }
0x99: {  	s19 =	simm.s32 $_scs_section_size  }
0x9a: {  	s4 =	simm.s32 $_size__tile_overlayer_lowered;
	s5 =	simm.s32 $_tile_overlayer_lowered  }
0x9b: {  	s22 =	simm.s32 $0x1BFF;
	s21 =	sshll.u32 s5, $0x1;
	s2 =	sadd.s32 s19, s18  }
0x9c: {  	s6 =	simm.s32 $0x0;
	s20 =	sshll.u32 s4, $0x1;
	s4 =	sadd.s32 s21, s2  }
0x9d: {  	[timem:s6], [sflag:s22] =	dma.local [hbm:s4], s20  }
0x9e: {  	_ =	swait.ge [sflag:s22], s20  }
0x9f: {  	s3 =	ssub.s32 $0x0, s20;
	[sflag:s22] =	ssyncset.done $0x0  }
0xa0: {  	[sflag:s22] =	ssyncadd.s32 s3;
	_ =	sdelay $0x1  }
0xa1: {  	s23 =	simm.s32 $0x1B8B  }
0xa2: {  	_ =	swait.ge [sflag:s23], $0x1  }
0xa3: {  	[sflag:s23] =	ssyncset.done $0x0  }
0xa4: {  	s25 =	simm.s32 $0x1B8E;
	s24 =	sld [smem:$0x3FFE];
	[sflag:s23] =	ssyncadd.s32 $0xFFFFFFFF  }
0xa5: {  	s26 =	simm.s32 $execute0_lowered;
	[smem:$0x3FD2] =	sst s25  }
0xa6: {  	s4 =	sshll.u32 s26, $0x1;
	_ =	strace $0x80000052;
	[dreg:$0x1] =	wrdreg $0xFFFFFFFF  }
0xa7: {  	s28 =	simm.s32 $_size_execute0_lowered;
	s2 =	sadd.s32 s2, s4;
	[dreg:$0x0] =	wrdreg $0x0  }
0xa8: {  	s4 =	sshll.u32 s28, $0x1;
	[dreg:$0x2] =	wrdreg s2  }
0xa9: {  	[dreg:$0x3] =	wrdreg s4  }
0xaa: {  	[dreg:$0x4] =	wrdreg $0xC0  }
0xab: {  	_ =	task [dreg:s6], $0x5FFFF  }
0xac: {  	[dreg:$0x1] =	wrdreg $0xFFFFFFFF  }
0xad: {  	[dreg:$0x0] =	wrdreg $0x60  }
0xae: {  	[dreg:$0x2] =	wrdreg s24  }
0xaf: {  	[dreg:$0x3] =	wrdreg $0x9F000  }
0xb0: {  	[dreg:$0x4] =	wrdreg $0x9  }
0xb1: {  	_ =	task.clear_ibuf [dreg:s6], $0x5FFFF;
	_ =	strace $0x90000052  }
0xb2: {  	s29 =	simm.s32 $0x9;
	_ =	strace $0x80000054  }
0xb3: {  	_ =	swait.ge [sflag:s29], $0x1  }
0xb4: {  	[sflag:s29] =	ssyncadd.s32 $0xFFFFFFFF  }
0xb5: {  	_ =	strace $0x90000054  }
0xb6: {  	_ =	sfence  }
0xb7: {  	s30 =	sld [smem:$0x0];
	_ =	sdelay $0x2  }
0xb8: {  	s31 =	sshll.u32 s1, $0xD;
	s1 =	sshrl.u32 s1, $0x2  }
0xb9: {  	s3 =	sand.u32 $0x4000, s31;
	s1 =	sadd.s32 s1, s30  }
0xba: {  	s0 =	sor.u32 s3, s0;
	s1 =	sshll.u32 s1, $0x11  }
0xbb: {  	s0 =	sor.u32 s1, s0  }
0xbc: {  	s0 =	sadd.s32 $0x8F2B, s0  }
0xbd: {  	[sflag:s0] =	ssyncadd.remote.s32 $0x1  }
0xbe: {  	_ =	sfence.sel $0xFFFF  }
0xbf: {  	[dreg:$0x0] =	wrdreg $0xFFFFFFFF;
	(pc) =	sbr.abs _section_cstart, $3  }
0xc0: {  	[dreg:$0x1] =	wrdreg $0xFFFFFFFF  }
0xc1: {  	_ =	task.clear_ibuf [dreg:s6], $0x2FFFF;
	_ =	strace $0x9FFFFFFF  }
0xc2: {  	(tm) =	ssettm $0x7FFFFFFF  }
0xc3: {  	_ =	shalt  }
tec
execute0_lowered:
.L_overlay_start_1:
0x0: {  	(tag) =	ssettag $0x1  }
0x1: {  	s0 =	srdreg.scid;
	s1 =	rddreg [dreg:$0x0]  }
0x2: {  	s11 =	stileid.u32;
	s2 =	rddreg [dreg:$0x1];
	s28 =	simm.s32 $0x8B00  }
0x3: {  	s29 =	simm.s32 $0x1;
	s30 =	simm.s32 $0x3;
	s31 =	simm.s32 $0x2  }
0x4: {  	s0 =	sand.u32 $0x1, s0;
	s6 =	sshll.u32 s11, $0x7;
	s7 =	smul.u32 $0x2800, s11  }
0x5: {  	s9 =	smul.u32 $0x50000, s11;
	s10 =	sadd.s32 $0xA91000, s1;
	s14 =	sadd.s32 $0x20800, s1  }
0x6: {  	s24 =	smul.u32 $0x27100, s11;
	p0 =	seq.s32 s11, $0xF;
	s3 =	sshll.u32 s0, $0x4  }
0x7: {  	s6 =	sand.u32 $0x380, s6;
	s16 =	ssub.s32 $0x2, s0;
	s0 =	smul.u32 $0x271000, s0  }
0x8: {  	s4 =	sor.u32 s11, s3;
	s3 =	simm.s32 $0x0;
	s15 =	sadd.s32 s7, s1  }
0x9: {  	s8 =	sshrl.u32 s16, $0x1;
	s17 =	sshrl.u32 s9, $0x2;
	s5 =	sshrl.u32 s4, $0x3  }
0xa: {  	[smem:$0x7FF] =	sst s3;
	s7 =	ssub.s32 s16, s8;
	s4 =	smul.u32 $0x27100, s4  }
0xb: {  	s8 =	sadd.s32 $0x12C000, s2;
	s26 =	sadd.s32 s0, s10;
	s0 =	sadd.s32 s0, s14  }
0xc: {  	s5 =	smul.u32 $0x13C00, s5;
	_ =	strace $0x80000053;
	s21 =	smax.u32 s7, $0x1  }
0xd: {  	s13 =	sadd.s32 s24, s26;
	s26 =	simm.s32 $0x7;
	s20 =	sadd.s32 $0x26C00, s4  }
0xe: {  	[dreg:$0x7] =	wrdreg s21;
	s23 =	sadd.s32 $0x26E80, s4;
	s21 =	simm.s32 $0x2780  }
0xf: {  	s4 =	simm.s32 $0x6;
	s5 =	sor.u32 s6, s5;
	s6 =	sadd.s32 $0xA42C00, s15  }
0x10: {  	s22 =	sadd.s32 s10, s20;
	s25 =	sadd.s32 s10, s23;
	s12 =	sadd.s32 s14, s23  }
0x11: {  	s15 =	sshrl.u32 @p0 s8, $0x3;
	s23 =	simm.s32 $0x4F00;
	[dreg:$0x3] =	wrdreg s6  }
0x12: {  	s5 =	sshrl.u32 s5, $0x3;
	s6 =	sadd.s32 s17, s2;
	[dreg:$0x8] =	wrdreg s22  }
0x13: {  	[dreg:$0xa] =	wrdreg s25;
	s22 =	simm.s32 $0x28;
	s25 =	simm.s32 $0x6300  }
0x14: {  	s5 =	sadd.s32 s5, s1;
	s1 =	sadd.s32 $0xA68400, s1;
	s17 =	sshrl.u32 @!p0 s6, $0x3  }
0x15: {  	s6 =	simm.s32 $0x0;
	[dreg:$0x4] =	wrdreg s1;
	s18 =	sadd.s32 $0xCC00, s5  }
0x16: {  	s19 =	sadd.s32 $0x16A00, s5;
	s1 =	sadd.s32 s14, s20;
	s14 =	sadd.s32 s24, s0  }
0x17: {  	s0 =	sshll.u32 @!p0 s11, $0x6;
	s20 =	simm.s32 $0x9;
	[dreg:$0x5] =	wrdreg s18  }
0x18: {  	s24 =	simm.s32 $0x7700;
	s5 =	simm.s32 $0x8;
	[dreg:$0x6] =	wrdreg s19  }
0x19: {  	[dreg:$0x9] =	wrdreg s1;
	s16 =	sor.u32 @!p0 $0x1C09, s0;
	s18 =	simm.s32 $0x80  }
0x1a: {  	s19 =	simm.s32 $0x400;
	s1 =	simm.s32 $0x4;
	s0 =	simm.s32 $0x5  }
.LBB2_1:
0x1b: {  	s7 =	simm.s32 @p0 $0x1FC9;
	s8 =	rddreg [dreg:$0x4]  }
0x1c: {  	[spmem:s15], [sflag:s7] =	dma.local @p0 [hbm:s8], $0x1900  }
0x1d: {  	s7 =	simm.s32 @p0 $0x9  }
0x1e: {  	_ =	swait.ge @p0 [sflag:s7], $0x1900  }
0x1f: {  	[sflag:s7] =	ssyncset.done @p0 $0x0  }
0x20: {  	[sflag:s7] =	ssyncadd.s32 @p0 $0xFFFFE700;
	s7 =	rddreg [dreg:$0x3]  }
0x21: {  	[spmem:s17], [sflag:s16] =	dma.local @!p0 [hbm:s7], $0x2800  }
0x22: {  	s7 =	simm.s32 @!p0 $0x9  }
0x23: {  	_ =	swait.ge @!p0 [sflag:s7], $0x2800  }
0x24: {  	[sflag:s7] =	ssyncset.done @!p0 $0x0  }
0x25: {  	s11 =	rddreg [dreg:$0x5];
	[sflag:s7] =	ssyncadd.s32 @!p0 $0xFFFFD800  }
0x26: {  	[tilespmem:s3], [sflag:$0x9] =	stream.strided.gather [hbm4b:s11+s18], $0x2780, s19, s18, $0x38;
	[tilespmem:$0x1DF00] =	vst v63  }
0x27: {  	_ =	swait.ge [sflag:s20], $0x2780  }
0x28: {  	[sflag:s20] =	ssyncset.done $0x0  }
0x29: {  	s8 =	rddreg [dreg:$0x6];
	[sflag:s20] =	ssyncadd.s32 $0xFFFFD880  }
0x2a: {  	[tilespmem:s21], [sflag:$0x9] =	stream.strided.gather [hbm4b:s8+s18], $0x2780, s19, s18, $0x38;
	[tilespmem:$0x1DF00] =	vst v63  }
0x2b: {  	_ =	swait.ge [sflag:s20], $0x2780  }
0x2c: {  	[sflag:s20] =	ssyncset.done $0x0  }
0x2d: {  	[sflag:s20] =	ssyncadd.s32 $0xFFFFD880  }
0x2e: {  	[bflag:$0x0] =	sbarrier.arrive $0xFFFF  }
0x2f: {  	[tilespmem:s23], [sflag:$0x1] =	stream.indirect.gather [spmem:s2], $0x80, s3, s22, $0xb8;
	[tilespmem:$0x1DF00] =	vst v63  }
0x30: {  	_ = 	snop  }
0x31: {  	[tilespmem:s24], [sflag:$0x3] =	stream.indirect.gather [spmem:s2], $0x80, s21, s22, $0xb8;
	[tilespmem:$0x1DF00] =	vst v63  }
0x32: {  	_ = 	snop  }
0x33: {  	[tilespmem:s25], [sflag:$0x2] =	stream.indirect.gather [spmem:s2], $0x80, s22, s22, $0xb8;
	[tilespmem:$0x1DF00] =	vst v63  }
0x34: {  	s9 =	simm.s32 $0x27A8  }
0x35: {  	[tilespmem:s28], [sflag:$0x4] =	stream.indirect.gather [spmem:s2], $0x80, s9, s22, $0xb8;
	[tilespmem:$0x1DF00] =	vst v63  }
0x36: {  	_ =	swait.ge [sflag:s29], $0x1400  }
0x37: {  	[sflag:s29] =	ssyncset.done $0x0  }
0x38: {  	[sflag:s29] =	ssyncadd.s32 $0xFFFFEC00  }
0x39: {  	_ =	swait.ge [sflag:s30], $0x1400  }
0x3a: {  	[sflag:s30] =	ssyncset.done $0x0  }
0x3b: {  	s10 =	sadd.s32 $0x0, s13;
	[sflag:s30] =	ssyncadd.s32 $0xFFFFEC00  }
0x3c: {  	[hbm4b:s10+s3] =	stream.linear.scatter [tilespmem:s23], [sflag:$0x5], $0x1400, $0x38;
	[tilespmem:$0x1DF00] =	vst v63  }
0x3d: {  	s11 =	sadd.s32 $0x0, s14  }
0x3e: {  	[hbm4b:s11+s3] =	stream.linear.scatter [tilespmem:s24], [sflag:$0x7], $0x1400, $0x38;
	[tilespmem:$0x1DF00] =	vst v63  }
0x3f: {  	_ =	swait.ge [sflag:s31], $0x1400  }
0x40: {  	[sflag:s31] =	ssyncset.done $0x0  }
0x41: {  	[sflag:s31] =	ssyncadd.s32 $0xFFFFEC00  }
0x42: {  	_ =	swait.ge [sflag:s1], $0x1400  }
0x43: {  	[sflag:s1] =	ssyncset.done $0x0  }
0x44: {  	s7 =	sadd.s32 $0x280, s10;
	[sflag:s1] =	ssyncadd.s32 $0xFFFFEC00  }
0x45: {  	[hbm4b:s7+s3] =	stream.linear.scatter [tilespmem:s25], [sflag:$0x6], $0x1400, $0x38;
	[tilespmem:$0x1DF00] =	vst v63  }
0x46: {  	s8 =	sadd.s32 $0x280, s11  }
0x47: {  	[hbm4b:s8+s3] =	stream.linear.scatter [tilespmem:s28], [sflag:$0x8], $0x1400, $0x38;
	[tilespmem:$0x1DF00] =	vst v63  }
0x48: {  	_ =	swait.ge [sflag:s0], $0x1400  }
0x49: {  	[sflag:s0] =	ssyncset.done $0x0  }
0x4a: {  	[sflag:s0] =	ssyncadd.s32 $0xFFFFEC00  }
0x4b: {  	_ =	swait.ge [sflag:s26], $0x1400  }
0x4c: {  	[sflag:s26] =	ssyncset.done $0x0  }
0x4d: {  	s9 =	simm.s32 $0x50;
	[sflag:s26] =	ssyncadd.s32 $0xFFFFEC00  }
0x4e: {  	[tilespmem:s23], [sflag:$0x1] =	stream.indirect.gather [spmem:s2], $0x80, s9, s22, $0xb8;
	[tilespmem:$0x1DF00] =	vst v63  }
0x4f: {  	s10 =	simm.s32 $0x27D0  }
0x50: {  	[tilespmem:s24], [sflag:$0x3] =	stream.indirect.gather [spmem:s2], $0x80, s10, s22, $0xb8;
	[tilespmem:$0x1DF00] =	vst v63  }
0x51: {  	_ =	swait.ge [sflag:s4], $0x1400  }
0x52: {  	[sflag:s4] =	ssyncset.done $0x0  }
0x53: {  	[sflag:s4] =	ssyncadd.s32 $0xFFFFEC00  }
0x54: {  	s11 =	simm.s32 $0x78;
	_ =	swait.ge [sflag:s5], $0x1400  }
0x55: {  	s7 =	simm.s32 $0x500;
	s8 =	simm.s32 $0xA0;
	[sflag:s5] =	ssyncset.done $0x0  }
0x56: {  	s9 =	simm.s32 $0x2820;
	s10 =	simm.s32 $0x27F8;
	[sflag:s5] =	ssyncadd.s32 $0xFFFFEC00  }
0x57: {  	[tilespmem:s25], [sflag:$0x2] =	stream.indirect.gather [spmem:s2], $0x80, s11, s22, $0xb8;
	[tilespmem:$0x1DF00] =	vst v63  }
.LBB2_2:
0x58: {  	[tilespmem:s28], [sflag:$0x4] =	stream.indirect.gather [spmem:s2], $0x80, s10, s22, $0xb8;
	[tilespmem:$0x1DF00] =	vst v63  }
0x59: {  	s10 =	smov.u32 s7  }
0x5a: {  	p1 =	sne.s32 s7, $0x26700;
	s7 =	sadd.s32 $0x500, s7;
	_ =	swait.ge [sflag:s29], $0x1400  }
0x5b: {  	[sflag:s29] =	ssyncset.done $0x0  }
0x5c: {  	[sflag:s29] =	ssyncadd.s32 $0xFFFFEC00  }
0x5d: {  	_ =	swait.ge [sflag:s30], $0x1400  }
0x5e: {  	[sflag:s30] =	ssyncset.done $0x0  }
0x5f: {  	s11 =	sadd.s32 s10, s13;
	[sflag:s30] =	ssyncadd.s32 $0xFFFFEC00  }
0x60: {  	[hbm4b:s11+s3] =	stream.linear.scatter [tilespmem:s23], [sflag:$0x5], $0x1400, $0x38;
	[tilespmem:$0x1DF00] =	vst v63  }
0x61: {  	s10 =	sadd.s32 s10, s14  }
0x62: {  	[hbm4b:s10+s3] =	stream.linear.scatter [tilespmem:s24], [sflag:$0x7], $0x1400, $0x38;
	[tilespmem:$0x1DF00] =	vst v63  }
0x63: {  	_ =	swait.ge [sflag:s31], $0x1400  }
0x64: {  	[sflag:s31] =	ssyncset.done $0x0  }
0x65: {  	[sflag:s31] =	ssyncadd.s32 $0xFFFFEC00  }
0x66: {  	_ =	swait.ge [sflag:s1], $0x1400  }
0x67: {  	[sflag:s1] =	ssyncset.done $0x0  }
0x68: {  	s11 =	sadd.s32 $0x280, s11;
	[sflag:s1] =	ssyncadd.s32 $0xFFFFEC00  }
0x69: {  	[hbm4b:s11+s3] =	stream.linear.scatter [tilespmem:s25], [sflag:$0x6], $0x1400, $0x38;
	[tilespmem:$0x1DF00] =	vst v63  }
0x6a: {  	s10 =	sadd.s32 $0x280, s10  }
0x6b: {  	[hbm4b:s10+s3] =	stream.linear.scatter [tilespmem:s28], [sflag:$0x8], $0x1400, $0x38;
	[tilespmem:$0x1DF00] =	vst v63  }
0x6c: {  	_ =	swait.ge [sflag:s0], $0x1400  }
0x6d: {  	[sflag:s0] =	ssyncset.done $0x0  }
0x6e: {  	[sflag:s0] =	ssyncadd.s32 $0xFFFFEC00  }
0x6f: {  	_ =	swait.ge [sflag:s26], $0x1400  }
0x70: {  	[sflag:s26] =	ssyncset.done $0x0  }
0x71: {  	[sflag:s26] =	ssyncadd.s32 $0xFFFFEC00  }
0x72: {  	[tilespmem:s23], [sflag:$0x1] =	stream.indirect.gather [spmem:s2], $0x80, s8, s22, $0xb8;
	[tilespmem:$0x1DF00] =	vst v63  }
0x73: {  	_ = 	snop  }
0x74: {  	[tilespmem:s24], [sflag:$0x3] =	stream.indirect.gather [spmem:s2], $0x80, s9, s22, $0xb8;
	[tilespmem:$0x1DF00] =	vst v63  }
0x75: {  	_ =	swait.ge [sflag:s4], $0x1400  }
0x76: {  	[sflag:s4] =	ssyncset.done $0x0  }
0x77: {  	[sflag:s4] =	ssyncadd.s32 $0xFFFFEC00  }
.Ltmp0:
0x78: {  	_ =	swait.ge [sflag:s5], $0x1400;
	(pc) =	sbr.rel @p1 .LBB2_2-.Ltmp0, $4  }
0x79: {  	[sflag:s5] =	ssyncset.done $0x0  }
0x7a: {  	s10 =	sadd.s32 $0x28, s8;
	[sflag:s5] =	ssyncadd.s32 $0xFFFFEC00  }
0x7b: {  	[tilespmem:s25], [sflag:$0x2] =	stream.indirect.gather [spmem:s2], $0x80, s10, s22, $0xb8;
	[tilespmem:$0x1DF00] =	vst v63  }
0x7c: {  	s8 =	sadd.s32 $0x50, s8;
	s10 =	sadd.s32 $0x28, s9;
	s9 =	sadd.s32 $0x50, s9  }
0x7d: {  	[tilespmem:s28], [sflag:$0x4] =	stream.indirect.gather [spmem:s2], $0x80, s10, s22, $0xb8;
	[tilespmem:$0x1DF00] =	vst v63  }
0x7e: {  	_ =	swait.ge [sflag:s29], $0x1400  }
0x7f: {  	[sflag:s29] =	ssyncset.done $0x0  }
0x80: {  	[sflag:s29] =	ssyncadd.s32 $0xFFFFEC00  }
0x81: {  	_ =	swait.ge [sflag:s30], $0x1400  }
0x82: {  	[sflag:s30] =	ssyncset.done $0x0  }
0x83: {  	s7 =	rddreg [dreg:$0x8];
	[sflag:s30] =	ssyncadd.s32 $0xFFFFEC00  }
0x84: {  	[hbm4b:s7+s3] =	stream.linear.scatter [tilespmem:s23], [sflag:$0x5], $0x1400, $0x38;
	[tilespmem:$0x1DF00] =	vst v63  }
0x85: {  	s9 =	rddreg [dreg:$0x9]  }
0x86: {  	[hbm4b:s9+s3] =	stream.linear.scatter [tilespmem:s24], [sflag:$0x7], $0x1400, $0x38;
	[tilespmem:$0x1DF00] =	vst v63  }
0x87: {  	_ =	swait.ge [sflag:s31], $0x1400  }
0x88: {  	[sflag:s31] =	ssyncset.done $0x0  }
0x89: {  	[sflag:s31] =	ssyncadd.s32 $0xFFFFEC00  }
0x8a: {  	_ =	swait.ge [sflag:s1], $0x1400  }
0x8b: {  	[sflag:s1] =	ssyncset.done $0x0  }
0x8c: {  	s10 =	rddreg [dreg:$0xa];
	[sflag:s1] =	ssyncadd.s32 $0xFFFFEC00  }
0x8d: {  	[hbm4b:s10+s3] =	stream.linear.scatter [tilespmem:s25], [sflag:$0x6], $0x1400, $0x38;
	[tilespmem:$0x1DF00] =	vst v63  }
0x8e: {  	_ = 	snop  }
0x8f: {  	[hbm4b:s12+s3] =	stream.linear.scatter [tilespmem:s28], [sflag:$0x8], $0x1400, $0x38;
	[tilespmem:$0x1DF00] =	vst v63  }
0x90: {  	_ =	swait.ge [sflag:s0], $0x1400  }
0x91: {  	[sflag:s0] =	ssyncset.done $0x0  }
0x92: {  	[sflag:s0] =	ssyncadd.s32 $0xFFFFEC00  }
0x93: {  	_ =	swait.ge [sflag:s26], $0x1400  }
0x94: {  	[sflag:s26] =	ssyncset.done $0x0  }
0x95: {  	[sflag:s26] =	ssyncadd.s32 $0xFFFFEC00  }
0x96: {  	_ =	swait.ge [sflag:s4], $0x1400  }
0x97: {  	[sflag:s4] =	ssyncset.done $0x0  }
0x98: {  	[sflag:s4] =	ssyncadd.s32 $0xFFFFEC00  }
0x99: {  	_ =	swait.ge [sflag:s5], $0x1400  }
0x9a: {  	s6 =	sadd.s32 $0x1, s6;
	s11 =	rddreg [dreg:$0x7]  }
0x9b: {  	p1 =	sne.s32 s6, s11  }
.Ltmp1:
0x9c: {  	_ = 	snop;
	(pc) =	sbr.rel @p1 .LBB2_1-.Ltmp1, $3  }
0x9d: {  	_ =	sdelay $0x1  }
0x9e: {  	[sflag:s5] =	ssyncset.done $0x0  }
0x9f: {  	[sflag:s5] =	ssyncadd.s32 $0xFFFFEC00  }
0xa0: {  	_ =	sfence.sel $0x180000  }
0xa1: {  	[bflag:$0x0] =	sbarrier.arrive $0xFFFF  }
0xa2: {  	_ =	strace $0x90000053  }
0xa3: {  	s0 =	stileid.u32;
	[bflag:$0x2] =	sbarrier.arrive $0xFFFF  }
0xa4: {  	p0 =	sne.s32 s0, $0x0;
	s0 =	rddreg [dreg:$0x2]  }
0xa5: {  	s0 =	sadd.s32 @!p0 $0x100000, s0  }
0xa6: {  	[sflag:s0] =	ssyncadd.tile.s32 @!p0 $0x1;
	_ =	shalt  }
.Lfunc_end2:
_tile_overlayer_lowered:
.L_overlay_start_2:
0xa7: {  	(tag) =	ssettag $0x2  }
0xa8: {  	s0 =	rddreg [dreg:$0x0];
	s2 =	stileid.u32  }
0xa9: {  	s1 =	rddreg [dreg:$0x1];
	p0 =	sne.s32 s2, $0x0  }
0xaa: {  	s3 =	rddreg [dreg:$0x2];
	[bflag:$0x3] =	sbarrier.arrive $0xFFFF;
	s2 =	simm.s32 @!p0 $0x1C09  }
0xab: {  	[timem:s3], [sflag:s2] =	dma.local @!p0 [hbm:s0], s1  }
0xac: {  	s0 =	simm.s32 @!p0 $0x9  }
0xad: {  	_ =	swait.ge @!p0 [sflag:s0], s1  }
0xae: {  	s1 =	ssub.s32 @!p0 $0x0, s1;
	[sflag:s0] =	ssyncset.done @!p0 $0x0  }
0xaf: {  	[sflag:s0] =	ssyncadd.s32 @!p0 s1  }
0xb0: {  	[bflag:$0x3] =	sbarrier.arrive $0xFFFF  }
0xb1: {  	_ =	shalt  }

// kernel: kernel.31.cloned.1.call-start
scs
__scs_entry_jumppad:
0x0: {  	(pc) =	sbr.rel $0x88, $3  }
0x1: {  	(tag) =	ssettag $0x0;
	lr =	simm.s32 $0x1  }
0x2: {  	[smem:$0x3F66] =	sst lr;
	_ =	strace $0xD0000000  }
0x3: {  	_ = 	snop  }
0x4: {  	_ = 	snop  }
0x5: {  	_ = 	snop  }
0x6: {  	_ = 	snop  }
0x7: {  	_ = 	snop  }
__scs_overlays_trampoline_lowered:
0x8: {  	[smem:$0x3F75] =	sst s0  }
0x9: {  	[smem:$0x3F76] =	sst s1  }
0xa: {  	[smem:$0x3F77] =	sst s2  }
0xb: {  	[smem:$0x3F78] =	sst s3  }
0xc: {  	[smem:$0x3F79] =	sst s4  }
0xd: {  	[smem:$0x3F7A] =	sst s5  }
0xe: {  	[smem:$0x3F7B] =	sst s6  }
0xf: {  	[smem:$0x3F7C] =	sst s7  }
0x10: {  	[smem:$0x3F7D] =	sst s8  }
0x11: {  	[smem:$0x3F7E] =	sst s9;
	s0 =	simm.s32 @!p0 $0x0  }
0x12: {  	s1 =	sld [smem:$0x3F64];
	s0 =	simm.s32 @p0 $0x1  }
0x13: {  	[smem:$0x3F7F] =	sst s0;
	s0 =	simm.s32 @!p1 $0x0  }
0x14: {  	s2 =	sld [smem:$0x3F63];
	s0 =	simm.s32 @p1 $0x1  }
0x15: {  	[smem:$0x3F80] =	sst s0;
	s0 =	simm.s32 @!p2 $0x0  }
0x16: {  	s3 =	sld [smem:$0x3FDB];
	s0 =	simm.s32 @p2 $0x1  }
0x17: {  	s4 =	simm.s32 $0x1BF5;
	[smem:$0x3F82] =	sst s0  }
0x18: {  	s0 =	sld [smem:$0x3F65];
	_ =	swait.ge [sflag:s4], $0x0  }
0x19: {  	s7 =	sld [smem:$0x3F66]  }
0x1a: {  	s8 =	sadd.s32 $0xFFFFE003, lr  }
0x1b: {  	s9 =	sadd.s32 $0xFFFFFEF7, lr;
	s5 =	simm.s32 $0xFFFFFFFF;
	p2 =	slt.u32 s8, $0xFFFFF086  }
0x1c: {  	p1 =	slt.u32 s9, $0xF7A;
	s5 =	simm.s32 @!p2 $0x0  }
0x1d: {  	s5 =	simm.s32 @p1 $0x1;
	p0 =	seq.s32 s7, s2  }
0x1e: {  	s7 =	smul.u32 @!p0 $0xF7A, s2;
	p2 =	seq.s32 @!p0 s5, $0x0  }
0x1f: {  	s9 =	smul.u32 $0xF7A, s1;
	s8 =	simm.s32 @!p0 $0x1BF5;
	p2 =	por !p2, p0  }
0x20: {  	[sflag:s8] =	ssyncset.s32 @!p0 $0xFFFFF086;
	s6 =	sadd.s32 @!p0 s3, s7;
	s7 =	simm.s32 @!p0 $0x108  }
0x21: {  	s3 =	sadd.s32 s3, s9;
	s6 =	sadd.s32 @!p0 $0x88, s6;
	s7 =	simm.s32 @p2 $0x1082  }
0x22: {  	[simem:s7], [sflag:s8] =	dma.local @!p0 [hbm:s6], $0xF7A  }
0x23: {  	s9 =	sor.u32 $0xD0000000, s2;
	s6 =	simm.s32 $0x108;
	_ =	swait.ge @!p0 [sflag:s8], $0x0  }
0x24: {  	s3 =	sadd.s32 $0x88, s3;
	s6 =	simm.s32 @!p1 $0x1082;
	[sflag:s4] =	ssyncset.s32 $0xFFFFF086  }
0x25: {  	[simem:s6], [sflag:s4] =	dma.local [hbm:s3], $0xF7A  }
0x26: {  	[smem:$0x3F66] =	sst s1;
	(tag) =	ssettag s2;
	_ =	strace s9  }
0x27: {  	s1 =	sld [smem:$0x3F76]  }
0x28: {  	s2 =	sld [smem:$0x3F77]  }
0x29: {  	s4 =	sld [smem:$0x3F79]  }
0x2a: {  	p0 =	seq.s32 s5, $0x0;
	s5 =	sld [smem:$0x3F7A]  }
0x2b: {  	s6 =	sld [smem:$0x3F7B]  }
0x2c: {  	s7 =	sld [smem:$0x3F7C]  }
0x2d: {  	s3 =	simm.s32 $0x108;
	s8 =	sld [smem:$0x3F7D]  }
0x2e: {  	s3 =	simm.s32 @!p0 $0x1082;
	s9 =	sld [smem:$0x3F7E]  }
0x2f: {  	lr =	sadd.s32 s0, s3;
	s0 =	sld [smem:$0x3F75]  }
0x30: {  	s3 =	sld [smem:$0x3F78]  }
0x31: {  	[smem:$0x3F81] =	sst s10  }
0x32: {  	s10 =	sld [smem:$0x3F7F];
	_ =	sdelay $0x3  }
0x33: {  	p0 =	seq.s32 s10, $0x1;
	s10 =	sld [smem:$0x3F81];
	_ =	sdelay $0x3  }
0x34: {  	[smem:$0x3F81] =	sst s10  }
0x35: {  	s10 =	sld [smem:$0x3F80];
	_ =	sdelay $0x3  }
0x36: {  	p1 =	seq.s32 s10, $0x1;
	s10 =	sld [smem:$0x3F81];
	_ =	sdelay $0x3  }
0x37: {  	[smem:$0x3F81] =	sst s10  }
0x38: {  	s10 =	sld [smem:$0x3F82]  }
0x39: {  	_ = 	snop;
	(pc) =	sbr.ind lr, $3  }
0x3a: {  	_ = 	snop  }
0x3b: {  	_ = 	snop  }
0x3c: {  	p2 =	seq.s32 s10, $0x1;
	s10 =	sld [smem:$0x3F81]  }
0x3d: {  	_ =	shalt  }
0x3e: {  	_ =	shalt  }
0x3f: {  	_ =	shalt  }
0x40: {  	_ =	shalt  }
0x41: {  	_ =	shalt  }
0x42: {  	_ =	shalt  }
0x43: {  	_ =	shalt  }
0x44: {  	_ =	shalt  }
0x45: {  	_ =	shalt  }
0x46: {  	_ =	shalt  }
0x47: {  	_ =	shalt  }
0x48: {  	_ =	shalt  }
0x49: {  	_ =	shalt  }
0x4a: {  	_ =	shalt  }
0x4b: {  	_ =	shalt  }
0x4c: {  	_ =	shalt  }
0x4d: {  	_ =	shalt  }
0x4e: {  	_ =	shalt  }
0x4f: {  	_ =	shalt  }
0x50: {  	_ =	shalt  }
0x51: {  	_ =	shalt  }
0x52: {  	_ =	shalt  }
0x53: {  	_ =	shalt  }
0x54: {  	_ =	shalt  }
0x55: {  	_ =	shalt  }
0x56: {  	_ =	shalt  }
0x57: {  	_ =	shalt  }
0x58: {  	_ =	shalt  }
0x59: {  	_ =	shalt  }
0x5a: {  	_ =	shalt  }
0x5b: {  	_ =	shalt  }
0x5c: {  	_ =	shalt  }
0x5d: {  	_ =	shalt  }
0x5e: {  	_ =	shalt  }
0x5f: {  	_ =	shalt  }
0x60: {  	_ =	shalt  }
0x61: {  	_ =	shalt  }
0x62: {  	_ =	shalt  }
0x63: {  	_ =	shalt  }
0x64: {  	_ =	shalt  }
0x65: {  	_ =	shalt  }
0x66: {  	_ =	shalt  }
0x67: {  	_ =	shalt  }
0x68: {  	_ =	shalt  }
0x69: {  	_ =	shalt  }
0x6a: {  	_ =	shalt  }
0x6b: {  	_ =	shalt  }
0x6c: {  	_ =	shalt  }
0x6d: {  	_ =	shalt  }
0x6e: {  	_ =	shalt  }
0x6f: {  	_ =	shalt  }
0x70: {  	_ =	shalt  }
0x71: {  	_ =	shalt  }
0x72: {  	_ =	shalt  }
0x73: {  	_ =	shalt  }
0x74: {  	_ =	shalt  }
0x75: {  	_ =	shalt  }
0x76: {  	_ =	shalt  }
0x77: {  	_ =	shalt  }
0x78: {  	_ =	shalt  }
0x79: {  	_ =	shalt  }
0x7a: {  	_ =	shalt  }
0x7b: {  	_ =	shalt  }
0x7c: {  	_ =	shalt  }
0x7d: {  	_ =	shalt  }
0x7e: {  	_ =	shalt  }
0x7f: {  	_ =	shalt  }
0x80: {  	_ =	shalt  }
0x81: {  	_ =	shalt  }
0x82: {  	_ =	shalt  }
0x83: {  	_ =	shalt  }
0x84: {  	_ =	shalt  }
0x85: {  	_ =	shalt  }
0x86: {  	_ =	shalt  }
0x87: {  	_ =	shalt  }
.Lfunc_end0:
.L_simem_size_0:
called_computation.5_lowered:
.L_overlay_start_0:
0x88: {  	s2 =	sld [smem:$0x3FD9]  }
0x89: {  	s3 =	sld [smem:$0x3FFE];
	_ =	sdelay $0x1  }
0x8a: {  	s1 =	srdreg.scid  }
0x8b: {  	s0 =	sand.u32 $0x1, s1  }
0x8c: {  	s16 =	sshll.u32 s0, $0xA;
	s2 =	sadd.s32 s3, s2  }
0x8d: {  	s2 =	sadd.s32 s2, s16  }
0x8e: {  	[smem:$0x3F8D] =	sst s2  }
0x8f: {  	_ = 	snop  }
0x90: {  	(tm) =	ssettm $0x1  }
0x91: {  	s17 =	sld [smem:$0x3FFB];
	_ =	sdelay $0x3  }
0x92: {  	_ =	strace s17  }
0x93: {  	s2 =	sld [smem:$0x3FFC];
	_ =	sdelay $0x3  }
0x94: {  	_ =	strace s2  }
0x95: {  	s2 =	sld [smem:$0x3FFD];
	_ =	sdelay $0x3  }
0x96: {  	_ =	strace s2  }
0x97: {  	_ =	strace $0x8FFFFFFF  }
0x98: {  	s18 =	sld [smem:$0x3FDB];
	_ =	sdelay $0x1  }
0x99: {  	s19 =	simm.s32 $_scs_section_size  }
0x9a: {  	s4 =	simm.s32 $_size__tile_overlayer_lowered;
	s5 =	simm.s32 $_tile_overlayer_lowered  }
0x9b: {  	s22 =	simm.s32 $0x1BFF;
	s21 =	sshll.u32 s5, $0x1;
	s2 =	sadd.s32 s19, s18  }
0x9c: {  	s6 =	simm.s32 $0x0;
	s20 =	sshll.u32 s4, $0x1;
	s4 =	sadd.s32 s21, s2  }
0x9d: {  	[timem:s6], [sflag:s22] =	dma.local [hbm:s4], s20  }
0x9e: {  	_ =	swait.ge [sflag:s22], s20  }
0x9f: {  	s3 =	ssub.s32 $0x0, s20;
	[sflag:s22] =	ssyncset.done $0x0  }
0xa0: {  	[sflag:s22] =	ssyncadd.s32 s3;
	_ =	sdelay $0x1  }
0xa1: {  	s23 =	simm.s32 $0x1B8B  }
0xa2: {  	_ =	swait.ge [sflag:s23], $0x1  }
0xa3: {  	[sflag:s23] =	ssyncset.done $0x0  }
0xa4: {  	s25 =	simm.s32 $0x1B8E;
	s24 =	sld [smem:$0x3FFE];
	[sflag:s23] =	ssyncadd.s32 $0xFFFFFFFF  }
0xa5: {  	s26 =	simm.s32 $execute0_lowered;
	[smem:$0x3FD2] =	sst s25  }
0xa6: {  	s4 =	sshll.u32 s26, $0x1;
	_ =	strace $0x80000055;
	[dreg:$0x1] =	wrdreg $0xFFFFFFFF  }
0xa7: {  	s28 =	simm.s32 $_size_execute0_lowered;
	s2 =	sadd.s32 s2, s4;
	[dreg:$0x0] =	wrdreg $0x0  }
0xa8: {  	s4 =	sshll.u32 s28, $0x1;
	[dreg:$0x2] =	wrdreg s2  }
0xa9: {  	[dreg:$0x3] =	wrdreg s4  }
0xaa: {  	[dreg:$0x4] =	wrdreg $0xC0  }
0xab: {  	_ =	task [dreg:s6], $0x5FFFF  }
0xac: {  	[dreg:$0x1] =	wrdreg $0xFFFFFFFF  }
0xad: {  	[dreg:$0x0] =	wrdreg $0x60  }
0xae: {  	[dreg:$0x2] =	wrdreg s24  }
0xaf: {  	[dreg:$0x3] =	wrdreg $0xB8000  }
0xb0: {  	[dreg:$0x4] =	wrdreg $0x9  }
0xb1: {  	_ =	task.clear_ibuf [dreg:s6], $0x5FFFF;
	_ =	strace $0x90000055  }
0xb2: {  	s29 =	simm.s32 $0x9;
	_ =	strace $0x80000057  }
0xb3: {  	_ =	swait.ge [sflag:s29], $0x1  }
0xb4: {  	[sflag:s29] =	ssyncadd.s32 $0xFFFFFFFF  }
0xb5: {  	_ =	strace $0x90000057  }
0xb6: {  	_ =	sfence  }
0xb7: {  	s30 =	sld [smem:$0x0];
	_ =	sdelay $0x2  }
0xb8: {  	s31 =	sshll.u32 s1, $0xD;
	s1 =	sshrl.u32 s1, $0x2  }
0xb9: {  	s3 =	sand.u32 $0x4000, s31;
	s1 =	sadd.s32 s1, s30  }
0xba: {  	s0 =	sor.u32 s3, s0;
	s1 =	sshll.u32 s1, $0x11  }
0xbb: {  	s0 =	sor.u32 s1, s0  }
0xbc: {  	s0 =	sadd.s32 $0x8F2B, s0  }
0xbd: {  	[sflag:s0] =	ssyncadd.remote.s32 $0x1  }
0xbe: {  	_ =	sfence.sel $0xFFFF  }
0xbf: {  	[dreg:$0x0] =	wrdreg $0xFFFFFFFF;
	(pc) =	sbr.abs _section_cstart, $3  }
0xc0: {  	[dreg:$0x1] =	wrdreg $0xFFFFFFFF  }
0xc1: {  	_ =	task.clear_ibuf [dreg:s6], $0x2FFFF;
	_ =	strace $0x9FFFFFFF  }
0xc2: {  	(tm) =	ssettm $0x7FFFFFFF  }
0xc3: {  	_ =	shalt  }
tec
execute0_lowered:
.L_overlay_start_1:
0x0: {  	(tag) =	ssettag $0x1  }
0x1: {  	s0 =	rddreg [dreg:$0x0]  }
0x2: {  	s1 =	rddreg [dreg:$0x1];
	s2 =	srdreg.scid;
	s3 =	simm.s32 $0x0  }
0x3: {  	s23 =	stileid.u32;
	s20 =	simm.s32 $0x3;
	s21 =	simm.s32 $0x4000  }
0x4: {  	s22 =	simm.s32 $0x6800;
	s24 =	simm.s32 $0x1;
	s5 =	smul.u32 $0x50000, s23  }
0x5: {  	s28 =	simm.s32 $0x2;
	s2 =	sand.u32 $0x1, s2;
	s15 =	smul.u32 $0x2800, s23  }
0x6: {  	[smem:$0x7FF] =	sst s3;
	s16 =	sadd.s32 $0x502800, s0;
	s29 =	smul.u32 $0x27100, s23  }
0x7: {  	p0 =	seq.s32 s23, $0xF;
	s4 =	sshll.u32 s2, $0x4;
	s19 =	smul.u32 $0x27100, s2  }
0x8: {  	_ =	strace $0x80000056;
	s6 =	ssub.s32 $0x2, s2;
	s26 =	smul.u32 $0x138800, s2  }
0x9: {  	s2 =	smul.u32 $0x271000, s2;
	s12 =	sor.u32 s23, s4;
	s7 =	sshrl.u32 s6, $0x1  }
0xa: {  	s5 =	sshrl.u32 s5, $0x2;
	s23 =	simm.s32 $0x9000;
	s4 =	sshll.u32 s12, $0xB  }
0xb: {  	s17 =	ssub.s32 s6, s7;
	s5 =	sadd.s32 s5, s1;
	s13 =	smul.u32 $0x138800, s12  }
0xc: {  	s14 =	smul.u32 $0x27100, s12;
	s15 =	sadd.s32 s15, s19;
	s2 =	sadd.s32 s2, s16  }
0xd: {  	s4 =	sadd.s32 s4, s0;
	s0 =	sadd.s32 $0x9E4800, s0;
	s6 =	sadd.s32 $0x2800, s5  }
0xe: {  	s7 =	sadd.s32 $0x5000, s5;
	s8 =	sadd.s32 $0x7800, s5;
	s9 =	sadd.s32 $0xA000, s5  }
0xf: {  	s10 =	sadd.s32 $0xC800, s5;
	s11 =	sadd.s32 $0xF000, s5;
	s12 =	sadd.s32 $0x11800, s5  }
0x10: {  	s17 =	smax.u32 s17, $0x1;
	s31 =	sadd.s32 s29, s2;
	s4 =	sadd.s32 $0xA32C00, s4  }
0x11: {  	s18 =	sshrl.u32 s13, $0x3;
	s13 =	sadd.s32 s16, s14;
	s15 =	sadd.s32 s0, s15  }
0x12: {  	s30 =	sadd.s32 $0xF00, s31;
	[dreg:$0x3] =	wrdreg s4;
	s25 =	sadd.s32 s16, s18  }
0x13: {  	s18 =	sshrl.u32 s26, $0x3;
	s26 =	simm.s32 $0x50;
	s14 =	sadd.s32 $0x500, s25  }
0x14: {  	s25 =	sadd.s32 $0x12C000, s1;
	s0 =	sadd.s32 s0, s18;
	s18 =	sadd.s32 $0x26C00, s13  }
0x15: {  	v0 =	vimm.f32 $0.0e+00;
	s16 =	sadd.s32 $0x25800, s0;
	s25 =	sshrl.u32 @p0 s25, $0x3;
	s0 =	simm.s32 $0x0  }
.LBB2_1:
0x16: {  	s2 =	rddreg [dreg:$0x3]  }
0x17: {  	[tilespmem:s3], [sflag:$0x3] =	stream.linear.gather [hbm4b:s2+s3], $0x3E80, $0x38;
	[tilespmem:$0x1F800] =	vst v63  }
0x18: {  	_ =	swait.ge [sflag:s20], $0x3E80  }
0x19: {  	[sflag:s20] =	ssyncset.done $0x0  }
0x1a: {  	s19 =	simm.s32 $0x200;
	s2 =	simm.s32 $0x0;
	[sflag:s20] =	ssyncadd.s32 $0xFFFFC180  }
.LBB2_2:
0x1b: {  	p1 =	sne.s32 s19, $0x9E00;
	[tilespmem:s2+$0x4070] =	vst v0  }
0x1c: {  	[tilespmem:s2+$0x4000] =	vst v0  }
0x1d: {  	[tilespmem:s2+$0x4010] =	vst v0  }
.Ltmp0:
0x1e: {  	[tilespmem:s2+$0x4020] =	vst v0;
	(pc) =	sbr.rel @p1 .LBB2_2-.Ltmp0, $4  }
0x1f: {  	[tilespmem:s2+$0x4030] =	vst v0  }
0x20: {  	[tilespmem:s2+$0x4040] =	vst v0  }
0x21: {  	[tilespmem:s2+$0x4050] =	vst v0  }
0x22: {  	[tilespmem:s2+$0x4060] =	vst v0;
	s2 =	sshra.s32 s19, $0x2;
	s19 =	sadd.s32 $0x200, s19  }
0x23: {  	[tilespmem:s2+$0x4070] =	vst v0  }
0x24: {  	[tilespmem:s2+$0x4000] =	vst v0  }
0x25: {  	[tilespmem:s2+$0x4010] =	vst v0  }
0x26: {  	[tilespmem:s2+$0x4020] =	vst v0  }
0x27: {  	[tilespmem:s2+$0x4030] =	vst v0  }
0x28: {  	[tilespmem:s2+$0x4040] =	vst v0  }
0x29: {  	[tilespmem:s2+$0x4050] =	vst v0  }
0x2a: {  	[tilespmem:s2+$0x4060] =	vst v0  }
0x2b: {  	[spmem:s5] =	stream.linear.scatter [tilespmem:s21], [sflag:$0x3], $0x2800, $0x38;
	[tilespmem:$0x1F800] =	vst v63  }
0x2c: {  	_ =	swait.ge [sflag:s20], $0x2800  }
0x2d: {  	[sflag:s20] =	ssyncset.done $0x0  }
0x2e: {  	[sflag:s20] =	ssyncadd.s32 $0xFFFFD800  }
0x2f: {  	[spmem:s6] =	stream.linear.scatter [tilespmem:s21], [sflag:$0x3], $0x2800, $0x38;
	[tilespmem:$0x1F800] =	vst v63  }
0x30: {  	_ =	swait.ge [sflag:s20], $0x2800  }
0x31: {  	[sflag:s20] =	ssyncset.done $0x0  }
0x32: {  	[sflag:s20] =	ssyncadd.s32 $0xFFFFD800  }
0x33: {  	[spmem:s7] =	stream.linear.scatter [tilespmem:s21], [sflag:$0x3], $0x2800, $0x38;
	[tilespmem:$0x1F800] =	vst v63  }
0x34: {  	_ =	swait.ge [sflag:s20], $0x2800  }
0x35: {  	[sflag:s20] =	ssyncset.done $0x0  }
0x36: {  	[sflag:s20] =	ssyncadd.s32 $0xFFFFD800  }
0x37: {  	[spmem:s8] =	stream.linear.scatter [tilespmem:s21], [sflag:$0x3], $0x2800, $0x38;
	[tilespmem:$0x1F800] =	vst v63  }
0x38: {  	_ =	swait.ge [sflag:s20], $0x2800  }
0x39: {  	[sflag:s20] =	ssyncset.done $0x0  }
0x3a: {  	[sflag:s20] =	ssyncadd.s32 $0xFFFFD800  }
0x3b: {  	[spmem:s9] =	stream.linear.scatter [tilespmem:s21], [sflag:$0x3], $0x2800, $0x38;
	[tilespmem:$0x1F800] =	vst v63  }
0x3c: {  	_ =	swait.ge [sflag:s20], $0x2800  }
0x3d: {  	[sflag:s20] =	ssyncset.done $0x0  }
0x3e: {  	[sflag:s20] =	ssyncadd.s32 $0xFFFFD800  }
0x3f: {  	[spmem:s10] =	stream.linear.scatter [tilespmem:s21], [sflag:$0x3], $0x2800, $0x38;
	[tilespmem:$0x1F800] =	vst v63  }
0x40: {  	_ =	swait.ge [sflag:s20], $0x2800  }
0x41: {  	[sflag:s20] =	ssyncset.done $0x0  }
0x42: {  	[sflag:s20] =	ssyncadd.s32 $0xFFFFD800  }
0x43: {  	[spmem:s11] =	stream.linear.scatter [tilespmem:s21], [sflag:$0x3], $0x2800, $0x38;
	[tilespmem:$0x1F800] =	vst v63  }
0x44: {  	_ =	swait.ge [sflag:s20], $0x2800  }
0x45: {  	[sflag:s20] =	ssyncset.done $0x0  }
0x46: {  	[sflag:s20] =	ssyncadd.s32 $0xFFFFD800  }
0x47: {  	[spmem:s12] =	stream.linear.scatter [tilespmem:s21], [sflag:$0x3], $0x2800, $0x38;
	[tilespmem:$0x1F800] =	vst v63  }
0x48: {  	_ =	swait.ge [sflag:s20], $0x2800  }
0x49: {  	[sflag:s20] =	ssyncset.done $0x0  }
0x4a: {  	[sflag:s20] =	ssyncadd.s32 $0xFFFFD800  }
0x4b: {  	s31 =	simm.s32 $0x0;
	[bflag:$0x0] =	sbarrier.arrive $0xFFFF  }
0x4c: {  	[tilespmem:s22], [sflag:$0x1] =	stream.linear.gather [hbm4b:s13+s31], $0x2800, $0x38;
	[tilespmem:$0x1F800] =	vst v63  }
0x4d: {  	_ = 	snop  }
0x4e: {  	[tilespmem:s23], [sflag:$0x2] =	stream.linear.gather [hbm4b:s14+s31], $0x2800, $0x38;
	[tilespmem:$0x1F800] =	vst v63  }
0x4f: {  	_ =	swait.ge [sflag:s24], $0x2800  }
0x50: {  	[sflag:s24] =	ssyncset.done $0x0  }
0x51: {  	s4 =	simm.s32 $0x0;
	[sflag:s24] =	ssyncadd.s32 $0xFFFFD800  }
0x52: {  	[spmem:s1] =	stream.indirect.scatter.add.f32 [tilespmem:s22], [sflag:$0x3], $0x80, s4, s26, $0xb8;
	[tilespmem:$0x1F800] =	vst v63  }
0x53: {  	_ =	swait.ge [sflag:s20], $0x2800  }
0x54: {  	[sflag:s20] =	ssyncset.done $0x0  }
0x55: {  	s19 =	sadd.s32 $0xFFFFFB00, s30;
	[sflag:s20] =	ssyncadd.s32 $0xFFFFD800  }
0x56: {  	[tilespmem:s22], [sflag:$0x1] =	stream.linear.gather [hbm4b:s19+s3], $0x2800, $0x38;
	[tilespmem:$0x1F800] =	vst v63  }
0x57: {  	_ =	swait.ge [sflag:s28], $0x2800  }
0x58: {  	[sflag:s28] =	ssyncset.done $0x0  }
0x59: {  	s31 =	simm.s32 $0x80;
	[sflag:s28] =	ssyncadd.s32 $0xFFFFD800  }
0x5a: {  	[spmem:s1] =	stream.indirect.scatter.add.f32 [tilespmem:s23], [sflag:$0x3], $0x80, s31, s26, $0xb8;
	[tilespmem:$0x1F800] =	vst v63  }
0x5b: {  	_ =	swait.ge [sflag:s20], $0x2800  }
0x5c: {  	s2 =	simm.s32 $0x400;
	[sflag:s20] =	ssyncset.done $0x0  }
0x5d: {  	s29 =	sadd.s32 $0xA00, s30;
	s19 =	smov.u32 s30;
	[sflag:s20] =	ssyncadd.s32 $0xFFFFD800  }
.LBB2_4:
0x5e: {  	[tilespmem:s23], [sflag:$0x2] =	stream.linear.gather [hbm4b:s19+s3], $0x2800, $0x38;
	[tilespmem:$0x1F800] =	vst v63  }
0x5f: {  	s31 =	smov.u32 s2;
	s19 =	smov.u32 s29  }
0x60: {  	p1 =	sne.s32 s2, $0xF000;
	s2 =	sadd.s32 $0x400, s2;
	_ =	swait.ge [sflag:s24], $0x2800  }
0x61: {  	[sflag:s24] =	ssyncset.done $0x0  }
0x62: {  	s31 =	sshra.s32 s31, $0x2;
	[sflag:s24] =	ssyncadd.s32 $0xFFFFD800  }
0x63: {  	[spmem:s1] =	stream.indirect.scatter.add.f32 [tilespmem:s22], [sflag:$0x3], $0x80, s31, s26, $0xb8;
	[tilespmem:$0x1F800] =	vst v63  }
0x64: {  	_ =	swait.ge [sflag:s20], $0x2800  }
0x65: {  	[sflag:s20] =	ssyncset.done $0x0  }
0x66: {  	s4 =	sadd.s32 $0xFFFFFB00, s29;
	[sflag:s20] =	ssyncadd.s32 $0xFFFFD800  }
0x67: {  	[tilespmem:s22], [sflag:$0x1] =	stream.linear.gather [hbm4b:s4+s3], $0x2800, $0x38;
	[tilespmem:$0x1F800] =	vst v63  }
0x68: {  	_ =	swait.ge [sflag:s28], $0x2800  }
0x69: {  	[sflag:s28] =	ssyncset.done $0x0  }
.Ltmp1:
0x6a: {  	s4 =	sadd.s32 $0x80, s31;
	[sflag:s28] =	ssyncadd.s32 $0xFFFFD800;
	(pc) =	sbr.rel @p1 .LBB2_4-.Ltmp1, $4  }
0x6b: {  	[spmem:s1] =	stream.indirect.scatter.add.f32 [tilespmem:s23], [sflag:$0x3], $0x80, s4, s26, $0xb8;
	[tilespmem:$0x1F800] =	vst v63  }
0x6c: {  	_ =	swait.ge [sflag:s20], $0x2800  }
0x6d: {  	[sflag:s20] =	ssyncset.done $0x0  }
0x6e: {  	s29 =	sadd.s32 $0xA00, s29;
	[sflag:s20] =	ssyncadd.s32 $0xFFFFD800  }
0x6f: {  	[tilespmem:s23], [sflag:$0x2] =	stream.linear.gather [hbm4b:s19+s3], $0x2800, $0x38;
	[tilespmem:$0x1F800] =	vst v63  }
0x70: {  	_ =	swait.ge [sflag:s24], $0x2800  }
0x71: {  	[sflag:s24] =	ssyncset.done $0x0  }
0x72: {  	s2 =	simm.s32 $0x3D00;
	[sflag:s24] =	ssyncadd.s32 $0xFFFFD800  }
0x73: {  	[spmem:s1] =	stream.indirect.scatter.add.f32 [tilespmem:s22], [sflag:$0x3], $0x80, s2, s26, $0xb8;
	[tilespmem:$0x1F800] =	vst v63  }
0x74: {  	_ =	swait.ge [sflag:s20], $0x2800  }
0x75: {  	[sflag:s20] =	ssyncset.done $0x0  }
0x76: {  	[sflag:s20] =	ssyncadd.s32 $0xFFFFD800  }
0x77: {  	[tilespmem:s22], [sflag:$0x1] =	stream.linear.gather [hbm4b:s18+s3], $0x2800, $0x38;
	[tilespmem:$0x1F800] =	vst v63  }
0x78: {  	_ =	swait.ge [sflag:s28], $0x2800  }
0x79: {  	[sflag:s28] =	ssyncset.done $0x0  }
0x7a: {  	s29 =	simm.s32 $0x3D80;
	[sflag:s28] =	ssyncadd.s32 $0xFFFFD800  }
0x7b: {  	[spmem:s1] =	stream.indirect.scatter.add.f32 [tilespmem:s23], [sflag:$0x3], $0x80, s29, s26, $0xb8;
	[tilespmem:$0x1F800] =	vst v63  }
0x7c: {  	_ =	swait.ge [sflag:s20], $0x2800  }
0x7d: {  	[sflag:s20] =	ssyncset.done $0x0  }
0x7e: {  	[sflag:s20] =	ssyncadd.s32 $0xFFFFD800  }
0x7f: {  	_ =	swait.ge [sflag:s24], $0x2800  }
0x80: {  	[sflag:s24] =	ssyncset.done $0x0  }
0x81: {  	s31 =	simm.s32 $0x3E00;
	[sflag:s24] =	ssyncadd.s32 $0xFFFFD800  }
0x82: {  	[spmem:s1] =	stream.indirect.scatter.add.f32 [tilespmem:s22], [sflag:$0x3], $0x80, s31, s26, $0xb8;
	[tilespmem:$0x1F800] =	vst v63  }
0x83: {  	_ =	swait.ge [sflag:s20], $0x2800  }
0x84: {  	[sflag:s20] =	ssyncset.done $0x0  }
0x85: {  	[sflag:s20] =	ssyncadd.s32 $0xFFFFD800  }
0x86: {  	s2 =	simm.s32 @p0 $0x1FC3;
	[bflag:$0x0] =	sbarrier.arrive $0xFFFF  }
0x87: {  	[hbm:s16], [sflag:s2] =	dma.local @p0 [spmem:s25], $0x1900  }
0x88: {  	s2 =	simm.s32 @p0 $0x3  }
0x89: {  	s4 =	stileid.u32;
	s0 =	sadd.s32 $0x1, s0;
	_ =	swait.ge @p0 [sflag:s2], $0x1900  }
0x8a: {  	s4 =	sshll.u32 @!p0 s4, $0x6;
	p1 =	sne.s32 s0, s17;
	[sflag:s2] =	ssyncset.done @p0 $0x0  }
0x8b: {  	[sflag:s2] =	ssyncadd.s32 @p0 $0xFFFFE700;
	s2 =	sor.u32 @!p0 $0x1C03, s4;
	s4 =	sshrl.u32 @!p0 s5, $0x3  }
0x8c: {  	[hbm:s15], [sflag:s2] =	dma.local @!p0 [spmem:s4], $0x2800  }
.Ltmp2:
0x8d: {  	_ = 	snop;
	(pc) =	sbr.rel @p1 .LBB2_1-.Ltmp2, $4  }
0x8e: {  	s2 =	simm.s32 @!p0 $0x3  }
0x8f: {  	_ =	swait.ge @!p0 [sflag:s2], $0x2800  }
0x90: {  	[sflag:s2] =	ssyncset.done @!p0 $0x0  }
0x91: {  	[sflag:s2] =	ssyncadd.s32 @!p0 $0xFFFFD800  }
0x92: {  	_ =	sfence.sel $0x180000  }
0x93: {  	[bflag:$0x0] =	sbarrier.arrive $0xFFFF  }
0x94: {  	_ =	strace $0x90000056  }
0x95: {  	s0 =	stileid.u32;
	[bflag:$0x2] =	sbarrier.arrive $0xFFFF  }
0x96: {  	p0 =	sne.s32 s0, $0x0;
	s0 =	rddreg [dreg:$0x2]  }
0x97: {  	s0 =	sadd.s32 @!p0 $0x100000, s0  }
0x98: {  	[sflag:s0] =	ssyncadd.tile.s32 @!p0 $0x1;
	_ =	shalt  }
.Lfunc_end2:
_tile_overlayer_lowered:
.L_overlay_start_2:
0x99: {  	(tag) =	ssettag $0x2  }
0x9a: {  	s0 =	rddreg [dreg:$0x0];
	s2 =	stileid.u32  }
0x9b: {  	s1 =	rddreg [dreg:$0x1];
	p0 =	sne.s32 s2, $0x0  }
0x9c: {  	s3 =	rddreg [dreg:$0x2];
	[bflag:$0x3] =	sbarrier.arrive $0xFFFF;
	s2 =	simm.s32 @!p0 $0x1C03  }
0x9d: {  	[timem:s3], [sflag:s2] =	dma.local @!p0 [hbm:s0], s1  }
0x9e: {  	s0 =	simm.s32 @!p0 $0x3  }
0x9f: {  	_ =	swait.ge @!p0 [sflag:s0], s1  }
0xa0: {  	s1 =	ssub.s32 @!p0 $0x0, s1;
	[sflag:s0] =	ssyncset.done @!p0 $0x0  }
0xa1: {  	[sflag:s0] =	ssyncadd.s32 @!p0 s1  }
0xa2: {  	[bflag:$0x3] =	sbarrier.arrive $0xFFFF  }
0xa3: {  	_ =	shalt  }

</sc_bundles>
